<compile_context>
chip_gen: v7x
topology: tpu7x:2x2x1
jax: 0.10.2.dev20260603
libtpu: 0.0.44.dev20260713+nightly
codegen_flags: <defaults>
</compile_context>

<pallas_src>
import jax
import jax.numpy as jnp
import numpy as np
from jax import lax
from jax.experimental import pallas as pl
from jax.experimental.pallas import tpu as pltpu
from jax.experimental.pallas import tpu_sc as plsc

N_NODES = 10000
N_EDGES = 320000
HIDDEN = 128
NUM_HEADS = 8
HEAD_DIM = HIDDEN // NUM_HEADS

NC = 2
NS = 16
LANES = 16

HALF = HIDDEN // NC
HPC = NUM_HEADS // NC
ROW_W = HALF + LANES
EPT = N_EDGES // NS
BATCH = 32
NBATCH = EPT // BATCH
N_PAD = 10240
ROWS_PER_TILE = N_PAD // NS
ZROWS = 64
IDX_CHUNK = 5
NSETS = 5
CHUNK_IDX = IDX_CHUNK * BATCH

_BLK = 1000
_GRID = N_NODES // _BLK

_PERM = np.array([(j // HPC) * NUM_HEADS + c * HPC + (j % HPC)
                  for c in range(NC) for j in range(HALF)], dtype=np.int32)

_IL64 = np.array([32 * (p // 32) + 16 * (p % 2) + (p % 32) // 2
                  for p in range(HALF)], dtype=np.int32)
_QP = np.concatenate([_PERM[c * HALF + _IL64] for c in range(NC)])


def _qkv_body(x_ref, wl_ref, bl_ref, wq_ref, bq_ref, wk_ref, bk_ref,
              wv_ref, bv_ref, q_ref, kv_ref):
    x = x_ref[...]
    h = jnp.dot(x, wl_ref[...], preferred_element_type=jnp.float32) + bl_ref[...]
    scaling = HEAD_DIM ** -0.5
    q = (jnp.dot(h, wq_ref[...], preferred_element_type=jnp.float32)
         + bq_ref[...]) * scaling
    k = jnp.dot(h, wk_ref[...], preferred_element_type=jnp.float32) + bk_ref[...]
    v = jnp.dot(h, wv_ref[...], preferred_element_type=jnp.float32) + bv_ref[...]
    q_ref[0, :, :] = q[:, :HALF].astype(jnp.bfloat16)
    q_ref[1, :, :] = q[:, HALF:].astype(jnp.bfloat16)
    kv_ref[0, :, :] = jnp.concatenate([k[:, :HALF], v[:, :HALF]],
                                      axis=1).astype(jnp.bfloat16)
    kv_ref[1, :, :] = jnp.concatenate([k[:, HALF:], v[:, HALF:]],
                                      axis=1).astype(jnp.bfloat16)


def _qkv(X, WlT, bl, WqT, bq, WkT, bk, WvT, bv):
    w_spec = pl.BlockSpec((HIDDEN, HIDDEN), lambda i: (0, 0))
    b_spec = pl.BlockSpec((1, HIDDEN), lambda i: (0, 0))
    row_spec = pl.BlockSpec((_BLK, HIDDEN), lambda i: (i, 0))
    return pl.pallas_call(
        _qkv_body,
        grid=(_GRID,),
        in_specs=[row_spec, w_spec, b_spec, w_spec, b_spec, w_spec, b_spec,
                  w_spec, b_spec],
        out_specs=[pl.BlockSpec((NC, _BLK, HALF), lambda i: (0, i, 0)),
                   pl.BlockSpec((NC, _BLK, HIDDEN), lambda i: (0, i, 0))],
        out_shape=[jax.ShapeDtypeStruct((NC, N_NODES, HALF), jnp.bfloat16),
                   jax.ShapeDtypeStruct((NC, N_NODES, HIDDEN), jnp.bfloat16)],
    )(X, WlT, bl, WqT, bq, WkT, bk, WvT, bv)


def _sc_body(a_hbm, q_hbm, kv_hbm, out_hbm,
             ridx, cidx,
             idx_q0, idx_c0, qb0, kvb0, sidx0,
             idx_q1, idx_c1, qb1, kvb1, sidx1,
             idx_q2, idx_c2, qb2, kvb2, sidx2,
             idx_q3, idx_c3, qb3, kvb3, sidx3,
             idx_q4, idx_c4, qb4, kvb4, sidx4,
             msgb0, msgb1, msgb2, msgb3, msgb4,
             ssidx0, ssidx1, ssidx2, ssidx3, ssidx4, zbuf, shared,
             gsem0, gsem1, gsem2, gsem3, gsem4,
             ssem0, ssem1, ssem2, ssem3, ssem4, isem):
    cid = lax.axis_index("c")
    sid = lax.axis_index("s")

    row_hbm = a_hbm.at[0]
    col_hbm = a_hbm.at[1]
    qh_hbm = q_hbm.at[cid]
    kvh_hbm = kv_hbm.at[cid]

    zero16 = jnp.zeros((LANES,), jnp.float32)
    sets = ((idx_q0, idx_c0, qb0, kvb0, sidx0, gsem0),
            (idx_q1, idx_c1, qb1, kvb1, sidx1, gsem1),
            (idx_q2, idx_c2, qb2, kvb2, sidx2, gsem2),
            (idx_q3, idx_c3, qb3, kvb3, sidx3, gsem3),
            (idx_q4, idx_c4, qb4, kvb4, sidx4, gsem4))
    scat = ((msgb0, ssidx0, ssem0), (msgb1, ssidx1, ssem1),
            (msgb2, ssidx2, ssem2), (msgb3, ssidx3, ssem3),
            (msgb4, ssidx4, ssem4))

    def _zrow(r, _):
        def _zcol(j, __):
            zbuf[r, pl.ds(j * LANES, LANES)] = zero16
            return 0
        lax.fori_loop(0, ROW_W // LANES, _zcol, 0)
        return 0
    lax.fori_loop(0, ZROWS, _zrow, 0)

    def _zcopy(t, _):
        pltpu.sync_copy(zbuf, shared.at[pl.ds(sid * ROWS_PER_TILE + t * ZROWS,
                                              ZROWS)])
        return 0
    lax.fori_loop(0, ROWS_PER_TILE // ZROWS, _zcopy, 0)
    plsc.subcore_barrier()

    perm8 = lax.iota(jnp.int32, LANES) ^ 8
    perm4 = lax.iota(jnp.int32, LANES) ^ 4
    dnums = lax.GatherDimensionNumbers(offset_dims=(),
                                       collapsed_slice_dims=(0,),
                                       start_index_map=(0,))

    def _rot(x, perm):
        return lax.gather(x, perm[:, None], dnums, slice_sizes=(1,),
                          mode=lax.GatherScatterMode.PROMISE_IN_BOUNDS)

    def _fire_chunk(c):
        coff = (c % 2) * CHUNK_IDX
        ebase = sid * EPT + c * CHUNK_IDX
        pltpu.async_copy(row_hbm.at[pl.ds(ebase, CHUNK_IDX)],
                         ridx.at[pl.ds(coff, CHUNK_IDX)], isem)
        pltpu.async_copy(col_hbm.at[pl.ds(ebase, CHUNK_IDX)],
                         cidx.at[pl.ds(coff, CHUNK_IDX)], isem)

    def _wait_chunk(c):
        coff = (c % 2) * CHUNK_IDX
        ebase = sid * EPT + c * CHUNK_IDX
        pltpu.make_async_copy(row_hbm.at[pl.ds(ebase, CHUNK_IDX)],
                              ridx.at[pl.ds(coff, CHUNK_IDX)], isem).wait()
        pltpu.make_async_copy(col_hbm.at[pl.ds(ebase, CHUNK_IDX)],
                              cidx.at[pl.ds(coff, CHUNK_IDX)], isem).wait()

    def _prefetch(t, buf):
        idx_q, idx_c, qb, kvb, sidx, gsem = sets[buf]

        @pl.when(t % IDX_CHUNK == 0)
        def _():
            c = t // IDX_CHUNK
            _wait_chunk(c)

            @pl.when(t + IDX_CHUNK < NBATCH)
            def _():
                _fire_chunk(c + 1)

        off = (t % (2 * IDX_CHUNK)) * BATCH
        for j in range(BATCH // LANES):
            sl = pl.ds(j * LANES, LANES)
            src = pl.ds(off + j * LANES, LANES)
            sidx[sl] = ridx[src]
            idx_q[sl] = ridx[src]
            idx_c[sl] = cidx[src]
        pltpu.async_copy(qh_hbm.at[idx_q], qb, gsem)
        pltpu.async_copy(kvh_hbm.at[idx_c], kvb, gsem)

    def _consume(t, buf):
        idx_q, idx_c, qb, kvb, sidx, gsem = sets[buf]
        msgb, ssidx, ssem = scat[buf]
        pltpu.make_async_copy(qh_hbm.at[idx_q], qb, gsem).wait()
        pltpu.make_async_copy(kvh_hbm.at[idx_c], kvb, gsem).wait()

        @pl.when(t >= NSETS)
        def _():
            pltpu.make_async_copy(msgb, shared.at[ssidx], ssem).wait()

        for j in range(BATCH // LANES):
            sl = pl.ds(j * LANES, LANES)
            ssidx[sl] = sidx[sl]

        @plsc.parallel_loop(0, BATCH, unroll=2)
        def _edge(e):
            psum = zero16
            for g in range(HALF // (2 * LANES)):
                qa, qx = plsc.unpack(qb[e, pl.ds(2 * LANES * g, 2 * LANES)],
                                     format=plsc.PackFormat.INTERLEAVED)
                ka, kx = plsc.unpack(kvb[e, pl.ds(2 * LANES * g, 2 * LANES)],
                                     format=plsc.PackFormat.INTERLEAVED)
                psum = psum + qa * ka + qx * kx
            t1 = psum + _rot(psum, perm8)
            t2 = t1 + _rot(t1, perm4)
            ex = jnp.exp(t2)
            for g in range(HALF // (2 * LANES)):
                va, vx = plsc.unpack(
                    kvb[e, pl.ds(HALF + 2 * LANES * g, 2 * LANES)],
                    format=plsc.PackFormat.INTERLEAVED)
                msgb[e, pl.ds(2 * g * LANES, LANES)] = va * ex
                msgb[e, pl.ds((2 * g + 1) * LANES, LANES)] = vx * ex
            msgb[e, pl.ds(HALF, LANES)] = ex

        pltpu.async_copy(msgb, shared.at[ssidx], ssem, add=True)

    _fire_chunk(0)
    for b in range(NSETS - 1):
        _prefetch(b, b)

    def _quint(s, _):
        base = s * NSETS
        for j in range(NSETS):
            t = base + j

            @pl.when(t + NSETS - 1 < NBATCH)
            def _():
                _prefetch(t + NSETS - 1, (j + NSETS - 1) % NSETS)
            _consume(t, j)
        return 0
    lax.fori_loop(0, NBATCH // NSETS, _quint, 0)

    for b in range(NSETS):
        pltpu.make_async_copy(scat[b][0], shared.at[scat[b][1]],
                              scat[b][2]).wait()

    plsc.subcore_barrier()
    pltpu.sync_copy(shared.at[pl.ds(sid * ROWS_PER_TILE, ROWS_PER_TILE)],
                    out_hbm.at[cid].at[pl.ds(sid * ROWS_PER_TILE,
                                             ROWS_PER_TILE)])


def _sc_edge(A, q, kv):
    mesh = plsc.VectorSubcoreMesh(core_axis_name="c", subcore_axis_name="s",
                                  num_cores=NC, num_subcores=NS)
    f = pl.kernel(
        _sc_body,
        out_type=jax.ShapeDtypeStruct((NC, N_PAD, ROW_W), jnp.float32),
        mesh=mesh,
        scratch_types=(
            [pltpu.VMEM((2 * CHUNK_IDX,), jnp.int32),
             pltpu.VMEM((2 * CHUNK_IDX,), jnp.int32)]
            + NSETS * [pltpu.VMEM((BATCH,), jnp.int32),
                       pltpu.VMEM((BATCH,), jnp.int32),
                       pltpu.VMEM((BATCH, HALF), jnp.bfloat16),
                       pltpu.VMEM((BATCH, HIDDEN), jnp.bfloat16),
                       pltpu.VMEM((BATCH,), jnp.int32)]
            + NSETS * [pltpu.VMEM((BATCH, ROW_W), jnp.float32)]
            + NSETS * [pltpu.VMEM((BATCH,), jnp.int32)]
            + [pltpu.VMEM((ZROWS, ROW_W), jnp.float32),
               pltpu.VMEM_SHARED((N_PAD, ROW_W), jnp.float32)]
            + (2 * NSETS + 1) * [pltpu.SemaphoreType.DMA]
        ),
        compiler_params=pltpu.CompilerParams(use_tc_tiling_on_sc=False,
                                             needs_layout_passes=False),
    )
    return f(A, q, kv)


def _final_body(p_ref, wo_ref, bo_ref, o_ref):
    p = p_ref[...]
    n0 = p[0, :, :HALF] / (jnp.tile(p[0, :, HALF:], (1, HPC)) + 1e-9)
    n1 = p[1, :, :HALF] / (jnp.tile(p[1, :, HALF:], (1, HPC)) + 1e-9)
    nrm = jnp.concatenate([n0, n1], axis=1)
    o_ref[...] = (jnp.dot(nrm, wo_ref[...],
                          preferred_element_type=jnp.float32) + bo_ref[...])


def _final(parts, WoTp, bo):
    return pl.pallas_call(
        _final_body,
        grid=(_GRID,),
        in_specs=[pl.BlockSpec((NC, _BLK, ROW_W), lambda i: (0, i, 0)),
                  pl.BlockSpec((HIDDEN, HIDDEN), lambda i: (0, 0)),
                  pl.BlockSpec((1, HIDDEN), lambda i: (0, 0))],
        out_specs=pl.BlockSpec((_BLK, HIDDEN), lambda i: (i, 0)),
        out_shape=jax.ShapeDtypeStruct((N_NODES, HIDDEN), jnp.float32),
    )(parts, WoTp, bo)


@jax.jit
def kernel(A, X, W_lin, b_lin, Wq, bq, Wk, bk, Wv, bv, Wo, bo):
    qp = jnp.asarray(_QP)
    q2, kv2 = _qkv(X, W_lin.T, b_lin.reshape(1, HIDDEN),
                   Wq.T[:, qp], bq[qp].reshape(1, HIDDEN),
                   Wk.T[:, qp], bk[qp].reshape(1, HIDDEN),
                   Wv.T[:, qp], bv[qp].reshape(1, HIDDEN))
    parts = _sc_edge(A, q2, kv2)
    return _final(parts, Wo.T[jnp.asarray(_PERM), :], bo.reshape(1, HIDDEN))

# --- scband reference (transcript-rebuilt; emitter-appended) ---
"""Pipeline reference for scband-gtlayer-1795296329925 (READ-ONLY COPY).

The authoritative reference and input builder live on the scoring server;
editing this copy changes nothing except your own understanding.
"""

import jax, jax.numpy as jnp
import numpy as np

N_NODES = 10000
N_EDGES = 320000
IN_SIZE = 128
HIDDEN = 128
NUM_HEADS = 8
HEAD_DIM = HIDDEN // NUM_HEADS


def setup_inputs(seed: int = 0):
    key = jax.random.key(seed)
    ks = jax.random.split(key, 12)
    # A is a sparse N x N adjacency; represented as COO edge_index [2, E] (row=dst, col=src)
    A = jax.random.randint(ks[0], (2, N_EDGES), 0, N_NODES, dtype=jnp.int32)
    X = jax.random.normal(ks[1], (N_NODES, IN_SIZE), dtype=jnp.float32)
    s = 0.05
    inp = {
        'A': A,
        'X': X,
        'W_lin': s * jax.random.normal(ks[2], (HIDDEN, IN_SIZE), dtype=jnp.float32),
        'b_lin': jnp.zeros((HIDDEN,), dtype=jnp.float32),
        'Wq': s * jax.random.normal(ks[3], (HIDDEN, HIDDEN), dtype=jnp.float32),
        'bq': jnp.zeros((HIDDEN,), dtype=jnp.float32),
        'Wk': s * jax.random.normal(ks[4], (HIDDEN, HIDDEN), dtype=jnp.float32),
        'bk': jnp.zeros((HIDDEN,), dtype=jnp.float32),
        'Wv': s * jax.random.normal(ks[5], (HIDDEN, HIDDEN), dtype=jnp.float32),
        'bv': jnp.zeros((HIDDEN,), dtype=jnp.float32),
        'Wo': s * jax.random.normal(ks[6], (HIDDEN, HIDDEN), dtype=jnp.float32),
        'bo': jnp.zeros((HIDDEN,), dtype=jnp.float32),
    }
    return inp


def reference(A, X, W_lin, b_lin, Wq, bq, Wk, bk, Wv, bv, Wo, bo):
    N = X.shape[0]
    # GTLayer: h = Linear(X)
    h = X @ W_lin.T + b_lin
    # SparseMHA
    scaling = HEAD_DIM ** -0.5
    q = (h @ Wq.T + bq).reshape(N, HEAD_DIM, NUM_HEADS) * scaling
    k = (h @ Wk.T + bk).reshape(N, HEAD_DIM, NUM_HEADS)
    v = (h @ Wv.T + bv).reshape(N, HEAD_DIM, NUM_HEADS)
    row = A[0]  # dst
    col = A[1]  # src
    # SDDMM: attn[e, h] = sum_d q[row_e, d, h] * k[col_e, d, h]
    scores = jnp.einsum('edh,edh->eh', jnp.take(q, row, axis=0), jnp.take(k, col, axis=0))
    # sparse softmax over each row of A (per head)
    smax = jax.ops.segment_max(scores, row, num_segments=N)
    smax = jnp.where(jnp.isfinite(smax), smax, 0.0)
    ex = jnp.exp(scores - jnp.take(smax, row, axis=0))
    ssum = jax.ops.segment_sum(ex, row, num_segments=N)
    attn = ex / (jnp.take(ssum, row, axis=0) + 1e-9)
    # SPMM: out[i, d, h] = sum_{e: row_e = i} attn[e, h] * v[col_e, d, h]
    msg = attn[:, None, :] * jnp.take(v, col, axis=0)
    out = jax.ops.segment_sum(msg, row, num_segments=N)
    out = out.reshape(N, HIDDEN)
    return out @ Wo.T + bo

if __name__ == "__main__":
    import jax
    _d = setup_inputs()
    print(jax.jit(kernel)(*tuple(_d.values())))

</pallas_src>

<mosaic_0001>
#map = affine_map<(d0, d1) -> (0, 0)>
#map1 = affine_map<(d0, d1) -> (0, 0, 0)>
module attributes {stable_mosaic.version = 14 : i64} {
  func.func @_sc_body(%arg0: i32, %arg1: i32, %arg2: memref<2x320000xi32, #tpu.memory_space<hbm>>, %arg3: memref<2x10000x64xbf16, #tpu.memory_space<hbm>>, %arg4: memref<2x10000x128xbf16, #tpu.memory_space<hbm>>, %arg5: memref<2x10240x80xf32, #tpu.memory_space<hbm>>, %arg6: memref<320xi32, #tpu.memory_space<vmem>>, %arg7: memref<320xi32, #tpu.memory_space<vmem>>, %arg8: memref<32xi32, #tpu.memory_space<vmem>>, %arg9: memref<32xi32, #tpu.memory_space<vmem>>, %arg10: memref<32x64xbf16, #tpu.memory_space<vmem>>, %arg11: memref<32x128xbf16, #tpu.memory_space<vmem>>, %arg12: memref<32xi32, #tpu.memory_space<vmem>>, %arg13: memref<32xi32, #tpu.memory_space<vmem>>, %arg14: memref<32xi32, #tpu.memory_space<vmem>>, %arg15: memref<32x64xbf16, #tpu.memory_space<vmem>>, %arg16: memref<32x128xbf16, #tpu.memory_space<vmem>>, %arg17: memref<32xi32, #tpu.memory_space<vmem>>, %arg18: memref<32xi32, #tpu.memory_space<vmem>>, %arg19: memref<32xi32, #tpu.memory_space<vmem>>, %arg20: memref<32x64xbf16, #tpu.memory_space<vmem>>, %arg21: memref<32x128xbf16, #tpu.memory_space<vmem>>, %arg22: memref<32xi32, #tpu.memory_space<vmem>>, %arg23: memref<32xi32, #tpu.memory_space<vmem>>, %arg24: memref<32xi32, #tpu.memory_space<vmem>>, %arg25: memref<32x64xbf16, #tpu.memory_space<vmem>>, %arg26: memref<32x128xbf16, #tpu.memory_space<vmem>>, %arg27: memref<32xi32, #tpu.memory_space<vmem>>, %arg28: memref<32xi32, #tpu.memory_space<vmem>>, %arg29: memref<32xi32, #tpu.memory_space<vmem>>, %arg30: memref<32x64xbf16, #tpu.memory_space<vmem>>, %arg31: memref<32x128xbf16, #tpu.memory_space<vmem>>, %arg32: memref<32xi32, #tpu.memory_space<vmem>>, %arg33: memref<32x80xf32, #tpu.memory_space<vmem>>, %arg34: memref<32x80xf32, #tpu.memory_space<vmem>>, %arg35: memref<32x80xf32, #tpu.memory_space<vmem>>, %arg36: memref<32x80xf32, #tpu.memory_space<vmem>>, %arg37: memref<32x80xf32, #tpu.memory_space<vmem>>, %arg38: memref<32xi32, #tpu.memory_space<vmem>>, %arg39: memref<32xi32, #tpu.memory_space<vmem>>, %arg40: memref<32xi32, #tpu.memory_space<vmem>>, %arg41: memref<32xi32, #tpu.memory_space<vmem>>, %arg42: memref<32xi32, #tpu.memory_space<vmem>>, %arg43: memref<64x80xf32, #tpu.memory_space<vmem>>, %arg44: memref<10240x80xf32, #tpu.memory_space<vmem_shared>>, %arg45: memref<!tpu.dma_semaphore, #tpu.memory_space<semaphore_mem>>, %arg46: memref<!tpu.dma_semaphore, #tpu.memory_space<semaphore_mem>>, %arg47: memref<!tpu.dma_semaphore, #tpu.memory_space<semaphore_mem>>, %arg48: memref<!tpu.dma_semaphore, #tpu.memory_space<semaphore_mem>>, %arg49: memref<!tpu.dma_semaphore, #tpu.memory_space<semaphore_mem>>, %arg50: memref<!tpu.dma_semaphore, #tpu.memory_space<semaphore_mem>>, %arg51: memref<!tpu.dma_semaphore, #tpu.memory_space<semaphore_mem>>, %arg52: memref<!tpu.dma_semaphore, #tpu.memory_space<semaphore_mem>>, %arg53: memref<!tpu.dma_semaphore, #tpu.memory_space<semaphore_mem>>, %arg54: memref<!tpu.dma_semaphore, #tpu.memory_space<semaphore_mem>>, %arg55: memref<!tpu.dma_semaphore, #tpu.memory_space<semaphore_mem>>) attributes {dimension_semantics = [#tpu.dimension_semantics<core_parallel>, #tpu.dimension_semantics<subcore_parallel>], iteration_bounds = array<i64: 2, 16>, scalar_prefetch = 0 : i64, scratch_operands = 50 : i64, tpu.core_type = #tpu.core_type<sc_vector_subcore>, window_params = [{transform_indices = #map}, {transform_indices = #map1}, {transform_indices = #map1}, {transform_indices = #map1}]} {
    %broadcast_in_dim3A = arith.constant 0.000000e+00 : f32
    %broadcast_in_dim3A_0 = vector.broadcast %broadcast_in_dim3A : f32 to vector<16xf32>
    %scan3A = arith.constant 0 : i32
    %scan3A_1 = arith.constant 0 : i32
    %scan3A_2 = arith.constant 64 : i32
    %scan3A_3 = arith.addi %scan3A_1, %scan3A_2 : i32
    %scan3A_4 = arith.constant 1 : i32
    %scan3A_5 = scf.for %scan3A_285 = %scan3A_1 to %scan3A_3 step %scan3A_4 iter_args(%scan3A_286 = %scan3A) -> (i32)  : i32 {
      %scan3A_287 = arith.constant 0 : i32
      %scan3A_288 = arith.constant 0 : i32
      %scan3A_289 = arith.constant 5 : i32
      %scan3A_290 = arith.addi %scan3A_288, %scan3A_289 : i32
      %scan3A_291 = arith.constant 1 : i32
      %scan3A_292 = scf.for %scan3A_295 = %scan3A_288 to %scan3A_290 step %scan3A_291 iter_args(%scan3A_296 = %scan3A_287) -> (i32)  : i32 {
        %mul3A_297 = arith.constant 16 : i32
        %mul3A_298 = arith.muli %scan3A_295, %mul3A_297 : i32
        %swap3A_299 = arith.index_cast %scan3A_285 : i32 to index
        %swap3A_300 = arith.index_cast %mul3A_298 : i32 to index
        %swap3A_301 = tpu.vector_load %arg43[%swap3A_299, %swap3A_300] {strides = array<i32>} : memref<64x80xf32, #tpu.memory_space<vmem>>, vector<16xf32>,
        tpu.vector_store %arg43[%swap3A_299, %swap3A_300], %broadcast_in_dim3A_0 {strides = array<i32>} : memref<64x80xf32, #tpu.memory_space<vmem>>, vector<16xf32>,
        %scan3A_302 = arith.constant 0 : i32
        scf.yield %scan3A_302 : i32
      }
      %scan3A_293 = arith.constant 5 : i32
      %scan3A_294 = arith.constant 0 : i32
      scf.yield %scan3A_294 : i32
    }
    %scan3A_6 = arith.constant 64 : i32
    %scan3A_7 = arith.constant 0 : i32
    %scan3A_8 = arith.constant 0 : i32
    %scan3A_9 = arith.constant 10 : i32
    %scan3A_10 = arith.addi %scan3A_8, %scan3A_9 : i32
    %scan3A_11 = arith.constant 1 : i32
    %scan3A_12 = scf.for %scan3A_285 = %scan3A_8 to %scan3A_10 step %scan3A_11 iter_args(%scan3A_286 = %scan3A_7) -> (i32)  : i32 {
      %mul3A_287 = arith.constant 640 : i32
      %mul3A_288 = arith.muli %arg1, %mul3A_287 : i32
      %mul3A_289 = arith.constant 64 : i32
      %mul3A_290 = arith.muli %scan3A_285, %mul3A_289 : i32
      %add3A_291 = arith.addi %mul3A_288, %mul3A_290 : i32
      "tpu.region"() ({
        %run_scoped3A = tpu.sem_alloc : memref<!tpu.dma_semaphore, #tpu.memory_space<semaphore_mem>>
        %dma_start3A_293 = arith.constant 0 : i32
        %dma_start3A_294 = tpu.memref_slice %arg44[%add3A_291, %dma_start3A_293] : memref<10240x80xf32, #tpu.memory_space<vmem_shared>> -> memref<64x80xf32, #tpu.memory_space<vmem_shared>>
        %dma_start3A_295 = arith.constant 0 : i32
        %dma_start3A_296 = tpu.memref_slice %arg44[%add3A_291, %dma_start3A_295] : memref<10240x80xf32, #tpu.memory_space<vmem_shared>> -> memref<64x80xf32, #tpu.memory_space<vmem_shared>>
        tpu.enqueue_dma source(%arg43 : memref<64x80xf32, #tpu.memory_space<vmem>>) target(%dma_start3A_296 : memref<64x80xf32, #tpu.memory_space<vmem_shared>>) target_semaphore(%run_scoped3A : memref<!tpu.dma_semaphore, #tpu.memory_space<semaphore_mem>>)
        %dma_wait3A_297 = arith.constant 0 : i32
        %dma_wait3A_298 = tpu.memref_slice %arg44[%add3A_291, %dma_wait3A_297] : memref<10240x80xf32, #tpu.memory_space<vmem_shared>> -> memref<64x80xf32, #tpu.memory_space<vmem_shared>>
        %dma_wait3A_299 = arith.constant 0 : i32
        %dma_wait3A_300 = tpu.memref_slice %arg44[%add3A_291, %dma_wait3A_299] : memref<10240x80xf32, #tpu.memory_space<vmem_shared>> -> memref<64x80xf32, #tpu.memory_space<vmem_shared>>
        tpu.wait_dma2 semaphore(%run_scoped3A : memref<!tpu.dma_semaphore, #tpu.memory_space<semaphore_mem>>) src(%arg43 : memref<64x80xf32, #tpu.memory_space<vmem>>) dst(%dma_wait3A_300 : memref<64x80xf32, #tpu.memory_space<vmem_shared>>)
        tpu.yield
      }) : () -> ()
      %scan3A_292 = arith.constant 0 : i32
      scf.yield %scan3A_292 : i32
    }
    %scan3A_13 = arith.constant 10 : i32
    %barrier3A = arith.constant 0 : index
    tpu.barrier barrier_id(%barrier3A)
    %iota3A = tpu.iota {dimensions = array<i32: 0>} : vector<16xi32>
    %xor3A = arith.constant 8 : i32
    %xor3A_14 = vector.broadcast %xor3A : i32 to vector<16xi32>
    %xor3A_15 = arith.xori %iota3A, %xor3A_14 : vector<16xi32>
    %iota3A_16 = tpu.iota {dimensions = array<i32: 0>} : vector<16xi32>
    %xor3A_17 = arith.constant 4 : i32
    %xor3A_18 = vector.broadcast %xor3A_17 : i32 to vector<16xi32>
    %xor3A_19 = arith.xori %iota3A_16, %xor3A_18 : vector<16xi32>
    %mul3A = arith.constant 20000 : i32
    %mul3A_20 = arith.muli %arg1, %mul3A : i32
    %add3A = arith.constant 0 : i32
    %add3A_21 = arith.addi %mul3A_20, %add3A : i32
    %dma_start3A = arith.constant 0 : i32
    %dma_start3A_22 = arith.constant 0 : i32
    %dma_start3A_23 = tpu.memref_slice %arg6[%dma_start3A_22] : memref<320xi32, #tpu.memory_space<vmem>> -> memref<160xi32, #tpu.memory_space<vmem>>
    %dma_start3A_24 = arith.constant 0 : i32
    %dma_start3A_25 = tpu.memref_slice %arg2[%dma_start3A, %dma_start3A_24] : memref<2x320000xi32, #tpu.memory_space<hbm>> -> memref<1x320000xi32, #tpu.memory_space<hbm>>
    %dma_start3A_26 = tpu.memref_squeeze %dma_start3A_25 : memref<1x320000xi32, #tpu.memory_space<hbm>> -> memref<320000xi32, #tpu.memory_space<hbm>>
    %dma_start3A_27 = tpu.memref_slice %dma_start3A_26[%add3A_21] : memref<320000xi32, #tpu.memory_space<hbm>> -> memref<160xi32, #tpu.memory_space<hbm>>
    %dma_start3A_28 = arith.constant 0 : i32
    %dma_start3A_29 = tpu.memref_slice %arg6[%dma_start3A_28] : memref<320xi32, #tpu.memory_space<vmem>> -> memref<160xi32, #tpu.memory_space<vmem>>
    %dma_start3A_30 = arith.constant 0 : i32
    %dma_start3A_31 = tpu.memref_slice %arg2[%dma_start3A, %dma_start3A_30] : memref<2x320000xi32, #tpu.memory_space<hbm>> -> memref<1x320000xi32, #tpu.memory_space<hbm>>
    %dma_start3A_32 = tpu.memref_squeeze %dma_start3A_31 : memref<1x320000xi32, #tpu.memory_space<hbm>> -> memref<320000xi32, #tpu.memory_space<hbm>>
    %dma_start3A_33 = tpu.memref_slice %dma_start3A_32[%add3A_21] : memref<320000xi32, #tpu.memory_space<hbm>> -> memref<160xi32, #tpu.memory_space<hbm>>
    tpu.enqueue_dma source(%dma_start3A_33 : memref<160xi32, #tpu.memory_space<hbm>>) target(%dma_start3A_29 : memref<160xi32, #tpu.memory_space<vmem>>) target_semaphore(%arg55 : memref<!tpu.dma_semaphore, #tpu.memory_space<semaphore_mem>>)
    %dma_start3A_34 = arith.constant 1 : i32
    %dma_start3A_35 = arith.constant 0 : i32
    %dma_start3A_36 = tpu.memref_slice %arg7[%dma_start3A_35] : memref<320xi32, #tpu.memory_space<vmem>> -> memref<160xi32, #tpu.memory_space<vmem>>
    %dma_start3A_37 = arith.constant 0 : i32
    %dma_start3A_38 = tpu.memref_slice %arg2[%dma_start3A_34, %dma_start3A_37] : memref<2x320000xi32, #tpu.memory_space<hbm>> -> memref<1x320000xi32, #tpu.memory_space<hbm>>
    %dma_start3A_39 = tpu.memref_squeeze %dma_start3A_38 : memref<1x320000xi32, #tpu.memory_space<hbm>> -> memref<320000xi32, #tpu.memory_space<hbm>>
    %dma_start3A_40 = tpu.memref_slice %dma_start3A_39[%add3A_21] : memref<320000xi32, #tpu.memory_space<hbm>> -> memref<160xi32, #tpu.memory_space<hbm>>
    %dma_start3A_41 = arith.constant 0 : i32
    %dma_start3A_42 = tpu.memref_slice %arg7[%dma_start3A_41] : memref<320xi32, #tpu.memory_space<vmem>> -> memref<160xi32, #tpu.memory_space<vmem>>
    %dma_start3A_43 = arith.constant 0 : i32
    %dma_start3A_44 = tpu.memref_slice %arg2[%dma_start3A_34, %dma_start3A_43] : memref<2x320000xi32, #tpu.memory_space<hbm>> -> memref<1x320000xi32, #tpu.memory_space<hbm>>
    %dma_start3A_45 = tpu.memref_squeeze %dma_start3A_44 : memref<1x320000xi32, #tpu.memory_space<hbm>> -> memref<320000xi32, #tpu.memory_space<hbm>>
    %dma_start3A_46 = tpu.memref_slice %dma_start3A_45[%add3A_21] : memref<320000xi32, #tpu.memory_space<hbm>> -> memref<160xi32, #tpu.memory_space<hbm>>
    tpu.enqueue_dma source(%dma_start3A_46 : memref<160xi32, #tpu.memory_space<hbm>>) target(%dma_start3A_42 : memref<160xi32, #tpu.memory_space<vmem>>) target_semaphore(%arg55 : memref<!tpu.dma_semaphore, #tpu.memory_space<semaphore_mem>>)
    %mul3A_47 = arith.constant 20000 : i32
    %mul3A_48 = arith.muli %arg1, %mul3A_47 : i32
    %add3A_49 = arith.constant 0 : i32
    %add3A_50 = arith.addi %mul3A_48, %add3A_49 : i32
    %dma_wait3A = arith.constant 0 : i32
    %dma_wait3A_51 = arith.constant 0 : i32
    %dma_wait3A_52 = tpu.memref_slice %arg6[%dma_wait3A_51] : memref<320xi32, #tpu.memory_space<vmem>> -> memref<160xi32, #tpu.memory_space<vmem>>
    %dma_wait3A_53 = arith.constant 0 : i32
    %dma_wait3A_54 = tpu.memref_slice %arg2[%dma_wait3A, %dma_wait3A_53] : memref<2x320000xi32, #tpu.memory_space<hbm>> -> memref<1x320000xi32, #tpu.memory_space<hbm>>
    %dma_wait3A_55 = tpu.memref_squeeze %dma_wait3A_54 : memref<1x320000xi32, #tpu.memory_space<hbm>> -> memref<320000xi32, #tpu.memory_space<hbm>>
    %dma_wait3A_56 = tpu.memref_slice %dma_wait3A_55[%add3A_50] : memref<320000xi32, #tpu.memory_space<hbm>> -> memref<160xi32, #tpu.memory_space<hbm>>
    %dma_wait3A_57 = arith.constant 0 : i32
    %dma_wait3A_58 = tpu.memref_slice %arg6[%dma_wait3A_57] : memref<320xi32, #tpu.memory_space<vmem>> -> memref<160xi32, #tpu.memory_space<vmem>>
    %dma_wait3A_59 = arith.constant 0 : i32
    %dma_wait3A_60 = tpu.memref_slice %arg2[%dma_wait3A, %dma_wait3A_59] : memref<2x320000xi32, #tpu.memory_space<hbm>> -> memref<1x320000xi32, #tpu.memory_space<hbm>>
    %dma_wait3A_61 = tpu.memref_squeeze %dma_wait3A_60 : memref<1x320000xi32, #tpu.memory_space<hbm>> -> memref<320000xi32, #tpu.memory_space<hbm>>
    %dma_wait3A_62 = tpu.memref_slice %dma_wait3A_61[%add3A_50] : memref<320000xi32, #tpu.memory_space<hbm>> -> memref<160xi32, #tpu.memory_space<hbm>>
    tpu.wait_dma2 semaphore(%arg55 : memref<!tpu.dma_semaphore, #tpu.memory_space<semaphore_mem>>) src(%dma_wait3A_62 : memref<160xi32, #tpu.memory_space<hbm>>) dst(%dma_wait3A_58 : memref<160xi32, #tpu.memory_space<vmem>>)
    %dma_wait3A_63 = arith.constant 1 : i32
    %dma_wait3A_64 = arith.constant 0 : i32
    %dma_wait3A_65 = tpu.memref_slice %arg7[%dma_wait3A_64] : memref<320xi32, #tpu.memory_space<vmem>> -> memref<160xi32, #tpu.memory_space<vmem>>
    %dma_wait3A_66 = arith.constant 0 : i32
    %dma_wait3A_67 = tpu.memref_slice %arg2[%dma_wait3A_63, %dma_wait3A_66] : memref<2x320000xi32, #tpu.memory_space<hbm>> -> memref<1x320000xi32, #tpu.memory_space<hbm>>
    %dma_wait3A_68 = tpu.memref_squeeze %dma_wait3A_67 : memref<1x320000xi32, #tpu.memory_space<hbm>> -> memref<320000xi32, #tpu.memory_space<hbm>>
    %dma_wait3A_69 = tpu.memref_slice %dma_wait3A_68[%add3A_50] : memref<320000xi32, #tpu.memory_space<hbm>> -> memref<160xi32, #tpu.memory_space<hbm>>
    %dma_wait3A_70 = arith.constant 0 : i32
    %dma_wait3A_71 = tpu.memref_slice %arg7[%dma_wait3A_70] : memref<320xi32, #tpu.memory_space<vmem>> -> memref<160xi32, #tpu.memory_space<vmem>>
    %dma_wait3A_72 = arith.constant 0 : i32
    %dma_wait3A_73 = tpu.memref_slice %arg2[%dma_wait3A_63, %dma_wait3A_72] : memref<2x320000xi32, #tpu.memory_space<hbm>> -> memref<1x320000xi32, #tpu.memory_space<hbm>>
    %dma_wait3A_74 = tpu.memref_squeeze %dma_wait3A_73 : memref<1x320000xi32, #tpu.memory_space<hbm>> -> memref<320000xi32, #tpu.memory_space<hbm>>
    %dma_wait3A_75 = tpu.memref_slice %dma_wait3A_74[%add3A_50] : memref<320000xi32, #tpu.memory_space<hbm>> -> memref<160xi32, #tpu.memory_space<hbm>>
    tpu.wait_dma2 semaphore(%arg55 : memref<!tpu.dma_semaphore, #tpu.memory_space<semaphore_mem>>) src(%dma_wait3A_75 : memref<160xi32, #tpu.memory_space<hbm>>) dst(%dma_wait3A_71 : memref<160xi32, #tpu.memory_space<vmem>>)
    %mul3A_76 = arith.constant 20000 : i32
    %mul3A_77 = arith.muli %arg1, %mul3A_76 : i32
    %add3A_78 = arith.constant 160 : i32
    %add3A_79 = arith.addi %mul3A_77, %add3A_78 : i32
    %dma_start3A_80 = arith.constant 0 : i32
    %dma_start3A_81 = arith.constant 160 : i32
    %dma_start3A_82 = tpu.memref_slice %arg6[%dma_start3A_81] : memref<320xi32, #tpu.memory_space<vmem>> -> memref<160xi32, #tpu.memory_space<vmem>>
    %dma_start3A_83 = arith.constant 0 : i32
    %dma_start3A_84 = tpu.memref_slice %arg2[%dma_start3A_80, %dma_start3A_83] : memref<2x320000xi32, #tpu.memory_space<hbm>> -> memref<1x320000xi32, #tpu.memory_space<hbm>>
    %dma_start3A_85 = tpu.memref_squeeze %dma_start3A_84 : memref<1x320000xi32, #tpu.memory_space<hbm>> -> memref<320000xi32, #tpu.memory_space<hbm>>
    %dma_start3A_86 = tpu.memref_slice %dma_start3A_85[%add3A_79] : memref<320000xi32, #tpu.memory_space<hbm>> -> memref<160xi32, #tpu.memory_space<hbm>>
    %dma_start3A_87 = arith.constant 160 : i32
    %dma_start3A_88 = tpu.memref_slice %arg6[%dma_start3A_87] : memref<320xi32, #tpu.memory_space<vmem>> -> memref<160xi32, #tpu.memory_space<vmem>>
    %dma_start3A_89 = arith.constant 0 : i32
    %dma_start3A_90 = tpu.memref_slice %arg2[%dma_start3A_80, %dma_start3A_89] : memref<2x320000xi32, #tpu.memory_space<hbm>> -> memref<1x320000xi32, #tpu.memory_space<hbm>>
    %dma_start3A_91 = tpu.memref_squeeze %dma_start3A_90 : memref<1x320000xi32, #tpu.memory_space<hbm>> -> memref<320000xi32, #tpu.memory_space<hbm>>
    %dma_start3A_92 = tpu.memref_slice %dma_start3A_91[%add3A_79] : memref<320000xi32, #tpu.memory_space<hbm>> -> memref<160xi32, #tpu.memory_space<hbm>>
    tpu.enqueue_dma source(%dma_start3A_92 : memref<160xi32, #tpu.memory_space<hbm>>) target(%dma_start3A_88 : memref<160xi32, #tpu.memory_space<vmem>>) target_semaphore(%arg55 : memref<!tpu.dma_semaphore, #tpu.memory_space<semaphore_mem>>)
    %dma_start3A_93 = arith.constant 1 : i32
    %dma_start3A_94 = arith.constant 160 : i32
    %dma_start3A_95 = tpu.memref_slice %arg7[%dma_start3A_94] : memref<320xi32, #tpu.memory_space<vmem>> -> memref<160xi32, #tpu.memory_space<vmem>>
    %dma_start3A_96 = arith.constant 0 : i32
    %dma_start3A_97 = tpu.memref_slice %arg2[%dma_start3A_93, %dma_start3A_96] : memref<2x320000xi32, #tpu.memory_space<hbm>> -> memref<1x320000xi32, #tpu.memory_space<hbm>>
    %dma_start3A_98 = tpu.memref_squeeze %dma_start3A_97 : memref<1x320000xi32, #tpu.memory_space<hbm>> -> memref<320000xi32, #tpu.memory_space<hbm>>
    %dma_start3A_99 = tpu.memref_slice %dma_start3A_98[%add3A_79] : memref<320000xi32, #tpu.memory_space<hbm>> -> memref<160xi32, #tpu.memory_space<hbm>>
    %dma_start3A_100 = arith.constant 160 : i32
    %dma_start3A_101 = tpu.memref_slice %arg7[%dma_start3A_100] : memref<320xi32, #tpu.memory_space<vmem>> -> memref<160xi32, #tpu.memory_space<vmem>>
    %dma_start3A_102 = arith.constant 0 : i32
    %dma_start3A_103 = tpu.memref_slice %arg2[%dma_start3A_93, %dma_start3A_102] : memref<2x320000xi32, #tpu.memory_space<hbm>> -> memref<1x320000xi32, #tpu.memory_space<hbm>>
    %dma_start3A_104 = tpu.memref_squeeze %dma_start3A_103 : memref<1x320000xi32, #tpu.memory_space<hbm>> -> memref<320000xi32, #tpu.memory_space<hbm>>
    %dma_start3A_105 = tpu.memref_slice %dma_start3A_104[%add3A_79] : memref<320000xi32, #tpu.memory_space<hbm>> -> memref<160xi32, #tpu.memory_space<hbm>>
    tpu.enqueue_dma source(%dma_start3A_105 : memref<160xi32, #tpu.memory_space<hbm>>) target(%dma_start3A_101 : memref<160xi32, #tpu.memory_space<vmem>>) target_semaphore(%arg55 : memref<!tpu.dma_semaphore, #tpu.memory_space<semaphore_mem>>)
    %get3A = arith.constant 0 : index
    %get3A_106 = tpu.vector_load %arg6[%get3A] {strides = array<i32>} : memref<320xi32, #tpu.memory_space<vmem>>, vector<16xi32>,
    %swap3A = arith.constant 0 : index
    %swap3A_107 = tpu.vector_load %arg12[%swap3A] {strides = array<i32>} : memref<32xi32, #tpu.memory_space<vmem>>, vector<16xi32>,
    tpu.vector_store %arg12[%swap3A], %get3A_106 {strides = array<i32>} : memref<32xi32, #tpu.memory_space<vmem>>, vector<16xi32>,
    %get3A_108 = arith.constant 0 : index
    %get3A_109 = tpu.vector_load %arg6[%get3A_108] {strides = array<i32>} : memref<320xi32, #tpu.memory_space<vmem>>, vector<16xi32>,
    %swap3A_110 = arith.constant 0 : index
    %swap3A_111 = tpu.vector_load %arg8[%swap3A_110] {strides = array<i32>} : memref<32xi32, #tpu.memory_space<vmem>>, vector<16xi32>,
    tpu.vector_store %arg8[%swap3A_110], %get3A_109 {strides = array<i32>} : memref<32xi32, #tpu.memory_space<vmem>>, vector<16xi32>,
    %get3A_112 = arith.constant 0 : index
    %get3A_113 = tpu.vector_load %arg7[%get3A_112] {strides = array<i32>} : memref<320xi32, #tpu.memory_space<vmem>>, vector<16xi32>,
    %swap3A_114 = arith.constant 0 : index
    %swap3A_115 = tpu.vector_load %arg9[%swap3A_114] {strides = array<i32>} : memref<32xi32, #tpu.memory_space<vmem>>, vector<16xi32>,
    tpu.vector_store %arg9[%swap3A_114], %get3A_113 {strides = array<i32>} : memref<32xi32, #tpu.memory_space<vmem>>, vector<16xi32>,
    %get3A_116 = arith.constant 16 : index
    %get3A_117 = tpu.vector_load %arg6[%get3A_116] {strides = array<i32>} : memref<320xi32, #tpu.memory_space<vmem>>, vector<16xi32>,
    %swap3A_118 = arith.constant 16 : index
    %swap3A_119 = tpu.vector_load %arg12[%swap3A_118] {strides = array<i32>} : memref<32xi32, #tpu.memory_space<vmem>>, vector<16xi32>,
    tpu.vector_store %arg12[%swap3A_118], %get3A_117 {strides = array<i32>} : memref<32xi32, #tpu.memory_space<vmem>>, vector<16xi32>,
    %get3A_120 = arith.constant 16 : index
    %get3A_121 = tpu.vector_load %arg6[%get3A_120] {strides = array<i32>} : memref<320xi32, #tpu.memory_space<vmem>>, vector<16xi32>,
    %swap3A_122 = arith.constant 16 : index
    %swap3A_123 = tpu.vector_load %arg8[%swap3A_122] {strides = array<i32>} : memref<32xi32, #tpu.memory_space<vmem>>, vector<16xi32>,
    tpu.vector_store %arg8[%swap3A_122], %get3A_121 {strides = array<i32>} : memref<32xi32, #tpu.memory_space<vmem>>, vector<16xi32>,
    %get3A_124 = arith.constant 16 : index
    %get3A_125 = tpu.vector_load %arg7[%get3A_124] {strides = array<i32>} : memref<320xi32, #tpu.memory_space<vmem>>, vector<16xi32>,
    %swap3A_126 = arith.constant 16 : index
    %swap3A_127 = tpu.vector_load %arg9[%swap3A_126] {strides = array<i32>} : memref<32xi32, #tpu.memory_space<vmem>>, vector<16xi32>,
    tpu.vector_store %arg9[%swap3A_126], %get3A_125 {strides = array<i32>} : memref<32xi32, #tpu.memory_space<vmem>>, vector<16xi32>,
    %dma_start3A_128 = arith.constant 0 : i32
    %dma_start3A_129 = arith.constant 0 : i32
    %dma_start3A_130 = tpu.memref_slice %arg3[%arg0, %dma_start3A_128, %dma_start3A_129] : memref<2x10000x64xbf16, #tpu.memory_space<hbm>> -> memref<1x10000x64xbf16, #tpu.memory_space<hbm>>
    %dma_start3A_131 = tpu.memref_squeeze %dma_start3A_130 : memref<1x10000x64xbf16, #tpu.memory_space<hbm>> -> memref<10000x64xbf16, #tpu.memory_space<hbm>>
    %dma_start3A_132 = arith.constant 0 : i32
    %dma_start3A_133 = arith.constant 0 : i32
    %dma_start3A_134 = tpu.memref_slice %dma_start3A_131[%dma_start3A_132, %dma_start3A_133] : memref<10000x64xbf16, #tpu.memory_space<hbm>> -> memref<10000x64xbf16, #tpu.memory_space<hbm>>
    tpu.enqueue_indirect_dma source(%dma_start3A_134 : memref<10000x64xbf16, #tpu.memory_space<hbm>>) target(%arg10 : memref<32x64xbf16, #tpu.memory_space<vmem>>) offsets(%arg8 : memref<32xi32, #tpu.memory_space<vmem>>) semaphore(%arg45 : memref<!tpu.dma_semaphore, #tpu.memory_space<semaphore_mem>>)
    %dma_start3A_135 = arith.constant 0 : i32
    %dma_start3A_136 = arith.constant 0 : i32
    %dma_start3A_137 = tpu.memref_slice %arg4[%arg0, %dma_start3A_135, %dma_start3A_136] : memref<2x10000x128xbf16, #tpu.memory_space<hbm>> -> memref<1x10000x128xbf16, #tpu.memory_space<hbm>>
    %dma_start3A_138 = tpu.memref_squeeze %dma_start3A_137 : memref<1x10000x128xbf16, #tpu.memory_space<hbm>> -> memref<10000x128xbf16, #tpu.memory_space<hbm>>
    %dma_start3A_139 = arith.constant 0 : i32
    %dma_start3A_140 = arith.constant 0 : i32
    %dma_start3A_141 = tpu.memref_slice %dma_start3A_138[%dma_start3A_139, %dma_start3A_140] : memref<10000x128xbf16, #tpu.memory_space<hbm>> -> memref<10000x128xbf16, #tpu.memory_space<hbm>>
    tpu.enqueue_indirect_dma source(%dma_start3A_141 : memref<10000x128xbf16, #tpu.memory_space<hbm>>) target(%arg11 : memref<32x128xbf16, #tpu.memory_space<vmem>>) offsets(%arg9 : memref<32xi32, #tpu.memory_space<vmem>>) semaphore(%arg45 : memref<!tpu.dma_semaphore, #tpu.memory_space<semaphore_mem>>)
    %get3A_142 = arith.constant 32 : index
    %get3A_143 = tpu.vector_load %arg6[%get3A_142] {strides = array<i32>} : memref<320xi32, #tpu.memory_space<vmem>>, vector<16xi32>,
    %swap3A_144 = arith.constant 0 : index
    %swap3A_145 = tpu.vector_load %arg17[%swap3A_144] {strides = array<i32>} : memref<32xi32, #tpu.memory_space<vmem>>, vector<16xi32>,
    tpu.vector_store %arg17[%swap3A_144], %get3A_143 {strides = array<i32>} : memref<32xi32, #tpu.memory_space<vmem>>, vector<16xi32>,
    %get3A_146 = arith.constant 32 : index
    %get3A_147 = tpu.vector_load %arg6[%get3A_146] {strides = array<i32>} : memref<320xi32, #tpu.memory_space<vmem>>, vector<16xi32>,
    %swap3A_148 = arith.constant 0 : index
    %swap3A_149 = tpu.vector_load %arg13[%swap3A_148] {strides = array<i32>} : memref<32xi32, #tpu.memory_space<vmem>>, vector<16xi32>,
    tpu.vector_store %arg13[%swap3A_148], %get3A_147 {strides = array<i32>} : memref<32xi32, #tpu.memory_space<vmem>>, vector<16xi32>,
    %get3A_150 = arith.constant 32 : index
    %get3A_151 = tpu.vector_load %arg7[%get3A_150] {strides = array<i32>} : memref<320xi32, #tpu.memory_space<vmem>>, vector<16xi32>,
    %swap3A_152 = arith.constant 0 : index
    %swap3A_153 = tpu.vector_load %arg14[%swap3A_152] {strides = array<i32>} : memref<32xi32, #tpu.memory_space<vmem>>, vector<16xi32>,
    tpu.vector_store %arg14[%swap3A_152], %get3A_151 {strides = array<i32>} : memref<32xi32, #tpu.memory_space<vmem>>, vector<16xi32>,
    %get3A_154 = arith.constant 48 : index
    %get3A_155 = tpu.vector_load %arg6[%get3A_154] {strides = array<i32>} : memref<320xi32, #tpu.memory_space<vmem>>, vector<16xi32>,
    %swap3A_156 = arith.constant 16 : index
    %swap3A_157 = tpu.vector_load %arg17[%swap3A_156] {strides = array<i32>} : memref<32xi32, #tpu.memory_space<vmem>>, vector<16xi32>,
    tpu.vector_store %arg17[%swap3A_156], %get3A_155 {strides = array<i32>} : memref<32xi32, #tpu.memory_space<vmem>>, vector<16xi32>,
    %get3A_158 = arith.constant 48 : index
    %get3A_159 = tpu.vector_load %arg6[%get3A_158] {strides = array<i32>} : memref<320xi32, #tpu.memory_space<vmem>>, vector<16xi32>,
    %swap3A_160 = arith.constant 16 : index
    %swap3A_161 = tpu.vector_load %arg13[%swap3A_160] {strides = array<i32>} : memref<32xi32, #tpu.memory_space<vmem>>, vector<16xi32>,
    tpu.vector_store %arg13[%swap3A_160], %get3A_159 {strides = array<i32>} : memref<32xi32, #tpu.memory_space<vmem>>, vector<16xi32>,
    %get3A_162 = arith.constant 48 : index
    %get3A_163 = tpu.vector_load %arg7[%get3A_162] {strides = array<i32>} : memref<320xi32, #tpu.memory_space<vmem>>, vector<16xi32>,
    %swap3A_164 = arith.constant 16 : index
    %swap3A_165 = tpu.vector_load %arg14[%swap3A_164] {strides = array<i32>} : memref<32xi32, #tpu.memory_space<vmem>>, vector<16xi32>,
    tpu.vector_store %arg14[%swap3A_164], %get3A_163 {strides = array<i32>} : memref<32xi32, #tpu.memory_space<vmem>>, vector<16xi32>,
    %dma_start3A_166 = arith.constant 0 : i32
    %dma_start3A_167 = arith.constant 0 : i32
    %dma_start3A_168 = tpu.memref_slice %arg3[%arg0, %dma_start3A_166, %dma_start3A_167] : memref<2x10000x64xbf16, #tpu.memory_space<hbm>> -> memref<1x10000x64xbf16, #tpu.memory_space<hbm>>
    %dma_start3A_169 = tpu.memref_squeeze %dma_start3A_168 : memref<1x10000x64xbf16, #tpu.memory_space<hbm>> -> memref<10000x64xbf16, #tpu.memory_space<hbm>>
    %dma_start3A_170 = arith.constant 0 : i32
    %dma_start3A_171 = arith.constant 0 : i32
    %dma_start3A_172 = tpu.memref_slice %dma_start3A_169[%dma_start3A_170, %dma_start3A_171] : memref<10000x64xbf16, #tpu.memory_space<hbm>> -> memref<10000x64xbf16, #tpu.memory_space<hbm>>
    tpu.enqueue_indirect_dma source(%dma_start3A_172 : memref<10000x64xbf16, #tpu.memory_space<hbm>>) target(%arg15 : memref<32x64xbf16, #tpu.memory_space<vmem>>) offsets(%arg13 : memref<32xi32, #tpu.memory_space<vmem>>) semaphore(%arg46 : memref<!tpu.dma_semaphore, #tpu.memory_space<semaphore_mem>>)
    %dma_start3A_173 = arith.constant 0 : i32
    %dma_start3A_174 = arith.constant 0 : i32
    %dma_start3A_175 = tpu.memref_slice %arg4[%arg0, %dma_start3A_173, %dma_start3A_174] : memref<2x10000x128xbf16, #tpu.memory_space<hbm>> -> memref<1x10000x128xbf16, #tpu.memory_space<hbm>>
    %dma_start3A_176 = tpu.memref_squeeze %dma_start3A_175 : memref<1x10000x128xbf16, #tpu.memory_space<hbm>> -> memref<10000x128xbf16, #tpu.memory_space<hbm>>
    %dma_start3A_177 = arith.constant 0 : i32
    %dma_start3A_178 = arith.constant 0 : i32
    %dma_start3A_179 = tpu.memref_slice %dma_start3A_176[%dma_start3A_177, %dma_start3A_178] : memref<10000x128xbf16, #tpu.memory_space<hbm>> -> memref<10000x128xbf16, #tpu.memory_space<hbm>>
    tpu.enqueue_indirect_dma source(%dma_start3A_179 : memref<10000x128xbf16, #tpu.memory_space<hbm>>) target(%arg16 : memref<32x128xbf16, #tpu.memory_space<vmem>>) offsets(%arg14 : memref<32xi32, #tpu.memory_space<vmem>>) semaphore(%arg46 : memref<!tpu.dma_semaphore, #tpu.memory_space<semaphore_mem>>)
    %get3A_180 = arith.constant 64 : index
    %get3A_181 = tpu.vector_load %arg6[%get3A_180] {strides = array<i32>} : memref<320xi32, #tpu.memory_space<vmem>>, vector<16xi32>,
    %swap3A_182 = arith.constant 0 : index
    %swap3A_183 = tpu.vector_load %arg22[%swap3A_182] {strides = array<i32>} : memref<32xi32, #tpu.memory_space<vmem>>, vector<16xi32>,
    tpu.vector_store %arg22[%swap3A_182], %get3A_181 {strides = array<i32>} : memref<32xi32, #tpu.memory_space<vmem>>, vector<16xi32>,
    %get3A_184 = arith.constant 64 : index
    %get3A_185 = tpu.vector_load %arg6[%get3A_184] {strides = array<i32>} : memref<320xi32, #tpu.memory_space<vmem>>, vector<16xi32>,
    %swap3A_186 = arith.constant 0 : index
    %swap3A_187 = tpu.vector_load %arg18[%swap3A_186] {strides = array<i32>} : memref<32xi32, #tpu.memory_space<vmem>>, vector<16xi32>,
    tpu.vector_store %arg18[%swap3A_186], %get3A_185 {strides = array<i32>} : memref<32xi32, #tpu.memory_space<vmem>>, vector<16xi32>,
    %get3A_188 = arith.constant 64 : index
    %get3A_189 = tpu.vector_load %arg7[%get3A_188] {strides = array<i32>} : memref<320xi32, #tpu.memory_space<vmem>>, vector<16xi32>,
    %swap3A_190 = arith.constant 0 : index
    %swap3A_191 = tpu.vector_load %arg19[%swap3A_190] {strides = array<i32>} : memref<32xi32, #tpu.memory_space<vmem>>, vector<16xi32>,
    tpu.vector_store %arg19[%swap3A_190], %get3A_189 {strides = array<i32>} : memref<32xi32, #tpu.memory_space<vmem>>, vector<16xi32>,
    %get3A_192 = arith.constant 80 : index
    %get3A_193 = tpu.vector_load %arg6[%get3A_192] {strides = array<i32>} : memref<320xi32, #tpu.memory_space<vmem>>, vector<16xi32>,
    %swap3A_194 = arith.constant 16 : index
    %swap3A_195 = tpu.vector_load %arg22[%swap3A_194] {strides = array<i32>} : memref<32xi32, #tpu.memory_space<vmem>>, vector<16xi32>,
    tpu.vector_store %arg22[%swap3A_194], %get3A_193 {strides = array<i32>} : memref<32xi32, #tpu.memory_space<vmem>>, vector<16xi32>,
    %get3A_196 = arith.constant 80 : index
    %get3A_197 = tpu.vector_load %arg6[%get3A_196] {strides = array<i32>} : memref<320xi32, #tpu.memory_space<vmem>>, vector<16xi32>,
    %swap3A_198 = arith.constant 16 : index
    %swap3A_199 = tpu.vector_load %arg18[%swap3A_198] {strides = array<i32>} : memref<32xi32, #tpu.memory_space<vmem>>, vector<16xi32>,
    tpu.vector_store %arg18[%swap3A_198], %get3A_197 {strides = array<i32>} : memref<32xi32, #tpu.memory_space<vmem>>, vector<16xi32>,
    %get3A_200 = arith.constant 80 : index
    %get3A_201 = tpu.vector_load %arg7[%get3A_200] {strides = array<i32>} : memref<320xi32, #tpu.memory_space<vmem>>, vector<16xi32>,
    %swap3A_202 = arith.constant 16 : index
    %swap3A_203 = tpu.vector_load %arg19[%swap3A_202] {strides = array<i32>} : memref<32xi32, #tpu.memory_space<vmem>>, vector<16xi32>,
    tpu.vector_store %arg19[%swap3A_202], %get3A_201 {strides = array<i32>} : memref<32xi32, #tpu.memory_space<vmem>>, vector<16xi32>,
    %dma_start3A_204 = arith.constant 0 : i32
    %dma_start3A_205 = arith.constant 0 : i32
    %dma_start3A_206 = tpu.memref_slice %arg3[%arg0, %dma_start3A_204, %dma_start3A_205] : memref<2x10000x64xbf16, #tpu.memory_space<hbm>> -> memref<1x10000x64xbf16, #tpu.memory_space<hbm>>
    %dma_start3A_207 = tpu.memref_squeeze %dma_start3A_206 : memref<1x10000x64xbf16, #tpu.memory_space<hbm>> -> memref<10000x64xbf16, #tpu.memory_space<hbm>>
    %dma_start3A_208 = arith.constant 0 : i32
    %dma_start3A_209 = arith.constant 0 : i32
    %dma_start3A_210 = tpu.memref_slice %dma_start3A_207[%dma_start3A_208, %dma_start3A_209] : memref<10000x64xbf16, #tpu.memory_space<hbm>> -> memref<10000x64xbf16, #tpu.memory_space<hbm>>
    tpu.enqueue_indirect_dma source(%dma_start3A_210 : memref<10000x64xbf16, #tpu.memory_space<hbm>>) target(%arg20 : memref<32x64xbf16, #tpu.memory_space<vmem>>) offsets(%arg18 : memref<32xi32, #tpu.memory_space<vmem>>) semaphore(%arg47 : memref<!tpu.dma_semaphore, #tpu.memory_space<semaphore_mem>>)
    %dma_start3A_211 = arith.constant 0 : i32
    %dma_start3A_212 = arith.constant 0 : i32
    %dma_start3A_213 = tpu.memref_slice %arg4[%arg0, %dma_start3A_211, %dma_start3A_212] : memref<2x10000x128xbf16, #tpu.memory_space<hbm>> -> memref<1x10000x128xbf16, #tpu.memory_space<hbm>>
    %dma_start3A_214 = tpu.memref_squeeze %dma_start3A_213 : memref<1x10000x128xbf16, #tpu.memory_space<hbm>> -> memref<10000x128xbf16, #tpu.memory_space<hbm>>
    %dma_start3A_215 = arith.constant 0 : i32
    %dma_start3A_216 = arith.constant 0 : i32
    %dma_start3A_217 = tpu.memref_slice %dma_start3A_214[%dma_start3A_215, %dma_start3A_216] : memref<10000x128xbf16, #tpu.memory_space<hbm>> -> memref<10000x128xbf16, #tpu.memory_space<hbm>>
    tpu.enqueue_indirect_dma source(%dma_start3A_217 : memref<10000x128xbf16, #tpu.memory_space<hbm>>) target(%arg21 : memref<32x128xbf16, #tpu.memory_space<vmem>>) offsets(%arg19 : memref<32xi32, #tpu.memory_space<vmem>>) semaphore(%arg47 : memref<!tpu.dma_semaphore, #tpu.memory_space<semaphore_mem>>)
    %get3A_218 = arith.constant 96 : index
    %get3A_219 = tpu.vector_load %arg6[%get3A_218] {strides = array<i32>} : memref<320xi32, #tpu.memory_space<vmem>>, vector<16xi32>,
    %swap3A_220 = arith.constant 0 : index
    %swap3A_221 = tpu.vector_load %arg27[%swap3A_220] {strides = array<i32>} : memref<32xi32, #tpu.memory_space<vmem>>, vector<16xi32>,
    tpu.vector_store %arg27[%swap3A_220], %get3A_219 {strides = array<i32>} : memref<32xi32, #tpu.memory_space<vmem>>, vector<16xi32>,
    %get3A_222 = arith.constant 96 : index
    %get3A_223 = tpu.vector_load %arg6[%get3A_222] {strides = array<i32>} : memref<320xi32, #tpu.memory_space<vmem>>, vector<16xi32>,
    %swap3A_224 = arith.constant 0 : index
    %swap3A_225 = tpu.vector_load %arg23[%swap3A_224] {strides = array<i32>} : memref<32xi32, #tpu.memory_space<vmem>>, vector<16xi32>,
    tpu.vector_store %arg23[%swap3A_224], %get3A_223 {strides = array<i32>} : memref<32xi32, #tpu.memory_space<vmem>>, vector<16xi32>,
    %get3A_226 = arith.constant 96 : index
    %get3A_227 = tpu.vector_load %arg7[%get3A_226] {strides = array<i32>} : memref<320xi32, #tpu.memory_space<vmem>>, vector<16xi32>,
    %swap3A_228 = arith.constant 0 : index
    %swap3A_229 = tpu.vector_load %arg24[%swap3A_228] {strides = array<i32>} : memref<32xi32, #tpu.memory_space<vmem>>, vector<16xi32>,
    tpu.vector_store %arg24[%swap3A_228], %get3A_227 {strides = array<i32>} : memref<32xi32, #tpu.memory_space<vmem>>, vector<16xi32>,
    %get3A_230 = arith.constant 112 : index
    %get3A_231 = tpu.vector_load %arg6[%get3A_230] {strides = array<i32>} : memref<320xi32, #tpu.memory_space<vmem>>, vector<16xi32>,
    %swap3A_232 = arith.constant 16 : index
    %swap3A_233 = tpu.vector_load %arg27[%swap3A_232] {strides = array<i32>} : memref<32xi32, #tpu.memory_space<vmem>>, vector<16xi32>,
    tpu.vector_store %arg27[%swap3A_232], %get3A_231 {strides = array<i32>} : memref<32xi32, #tpu.memory_space<vmem>>, vector<16xi32>,
    %get3A_234 = arith.constant 112 : index
    %get3A_235 = tpu.vector_load %arg6[%get3A_234] {strides = array<i32>} : memref<320xi32, #tpu.memory_space<vmem>>, vector<16xi32>,
    %swap3A_236 = arith.constant 16 : index
    %swap3A_237 = tpu.vector_load %arg23[%swap3A_236] {strides = array<i32>} : memref<32xi32, #tpu.memory_space<vmem>>, vector<16xi32>,
    tpu.vector_store %arg23[%swap3A_236], %get3A_235 {strides = array<i32>} : memref<32xi32, #tpu.memory_space<vmem>>, vector<16xi32>,
    %get3A_238 = arith.constant 112 : index
    %get3A_239 = tpu.vector_load %arg7[%get3A_238] {strides = array<i32>} : memref<320xi32, #tpu.memory_space<vmem>>, vector<16xi32>,
    %swap3A_240 = arith.constant 16 : index
    %swap3A_241 = tpu.vector_load %arg24[%swap3A_240] {strides = array<i32>} : memref<32xi32, #tpu.memory_space<vmem>>, vector<16xi32>,
    tpu.vector_store %arg24[%swap3A_240], %get3A_239 {strides = array<i32>} : memref<32xi32, #tpu.memory_space<vmem>>, vector<16xi32>,
    %dma_start3A_242 = arith.constant 0 : i32
    %dma_start3A_243 = arith.constant 0 : i32
    %dma_start3A_244 = tpu.memref_slice %arg3[%arg0, %dma_start3A_242, %dma_start3A_243] : memref<2x10000x64xbf16, #tpu.memory_space<hbm>> -> memref<1x10000x64xbf16, #tpu.memory_space<hbm>>
    %dma_start3A_245 = tpu.memref_squeeze %dma_start3A_244 : memref<1x10000x64xbf16, #tpu.memory_space<hbm>> -> memref<10000x64xbf16, #tpu.memory_space<hbm>>
    %dma_start3A_246 = arith.constant 0 : i32
    %dma_start3A_247 = arith.constant 0 : i32
    %dma_start3A_248 = tpu.memref_slice %dma_start3A_245[%dma_start3A_246, %dma_start3A_247] : memref<10000x64xbf16, #tpu.memory_space<hbm>> -> memref<10000x64xbf16, #tpu.memory_space<hbm>>
    tpu.enqueue_indirect_dma source(%dma_start3A_248 : memref<10000x64xbf16, #tpu.memory_space<hbm>>) target(%arg25 : memref<32x64xbf16, #tpu.memory_space<vmem>>) offsets(%arg23 : memref<32xi32, #tpu.memory_space<vmem>>) semaphore(%arg48 : memref<!tpu.dma_semaphore, #tpu.memory_space<semaphore_mem>>)
    %dma_start3A_249 = arith.constant 0 : i32
    %dma_start3A_250 = arith.constant 0 : i32
    %dma_start3A_251 = tpu.memref_slice %arg4[%arg0, %dma_start3A_249, %dma_start3A_250] : memref<2x10000x128xbf16, #tpu.memory_space<hbm>> -> memref<1x10000x128xbf16, #tpu.memory_space<hbm>>
    %dma_start3A_252 = tpu.memref_squeeze %dma_start3A_251 : memref<1x10000x128xbf16, #tpu.memory_space<hbm>> -> memref<10000x128xbf16, #tpu.memory_space<hbm>>
    %dma_start3A_253 = arith.constant 0 : i32
    %dma_start3A_254 = arith.constant 0 : i32
    %dma_start3A_255 = tpu.memref_slice %dma_start3A_252[%dma_start3A_253, %dma_start3A_254] : memref<10000x128xbf16, #tpu.memory_space<hbm>> -> memref<10000x128xbf16, #tpu.memory_space<hbm>>
    tpu.enqueue_indirect_dma source(%dma_start3A_255 : memref<10000x128xbf16, #tpu.memory_space<hbm>>) target(%arg26 : memref<32x128xbf16, #tpu.memory_space<vmem>>) offsets(%arg24 : memref<32xi32, #tpu.memory_space<vmem>>) semaphore(%arg48 : memref<!tpu.dma_semaphore, #tpu.memory_space<semaphore_mem>>)
    %scan3A_256 = arith.constant 0 : i32
    %scan3A_257 = arith.constant 1 : i32
    %scan3A_258 = arith.constant 0 : i32
    %scan3A_259 = arith.constant 0 : i32
    %scan3A_260 = arith.constant 125 : i32
    %scan3A_261 = arith.addi %scan3A_259, %scan3A_260 : i32
    %scan3A_262 = arith.constant 1 : i32
    %scan3A_263 = scf.for %scan3A_285 = %scan3A_259 to %scan3A_261 step %scan3A_262 iter_args(%scan3A_286 = %scan3A_258) -> (i32)  : i32 {
      %mul3A_287 = arith.constant 5 : i32
      %mul3A_288 = arith.muli %scan3A_285, %mul3A_287 : i32
      %add3A_289 = arith.constant 0 : i32
      %add3A_290 = arith.addi %mul3A_288, %add3A_289 : i32
      %add3A_291 = arith.constant 5 : i32
      %add3A_292 = arith.addi %add3A_290, %add3A_291 : i32
      %sub3A = arith.constant 1 : i32
      %sub3A_293 = arith.subi %add3A_292, %sub3A : i32
      %lt3A = arith.constant 625 : i32
      %lt3A_294 = arith.cmpi slt, %sub3A_293, %lt3A : i32
      %convert_element_type3A = arith.extui %lt3A_294 : i1 to i32
      %cond3A = arith.constant 0 : i32
      %cond3A_295 = arith.cmpi ne, %convert_element_type3A, %cond3A : i32
      scf.if %cond3A_295 {
        %add3A_504 = arith.constant 5 : i32
        %add3A_505 = arith.addi %add3A_290, %add3A_504 : i32
        %sub3A_506 = arith.constant 1 : i32
        %sub3A_507 = arith.subi %add3A_505, %sub3A_506 : i32
        %jit3A = arith.constant 5 : i32
        %eq3A = arith.constant 0 : i32
        %eq3A_508 = arith.cmpi eq, %jit3A, %eq3A : i32
        %jit3A_509 = arith.constant 1 : i32
        %select_n3A = arith.select %eq3A_508, %jit3A_509, %jit3A : i32
        %rem3A = arith.remsi %sub3A_507, %select_n3A : i32
        %ne3A = arith.constant 0 : i32
        %ne3A_510 = arith.cmpi ne, %rem3A, %ne3A : i32
        %lt3A_511 = arith.constant 0 : i32
        %lt3A_512 = arith.cmpi slt, %rem3A, %lt3A_511 : i32
        %lt3A_513 = arith.constant 0 : i32
        %lt3A_514 = arith.cmpi slt, %select_n3A, %lt3A_513 : i32
        %ne3A_515 = arith.xori %lt3A_512, %lt3A_514 : i1
        %and3A = arith.andi %ne3A_515, %ne3A_510 : i1
        %add3A_516 = arith.addi %rem3A, %select_n3A : i32
        %select_n3A_517 = arith.select %and3A, %add3A_516, %rem3A : i32
        %eq3A_518 = arith.constant 0 : i32
        %eq3A_519 = arith.cmpi eq, %select_n3A_517, %eq3A_518 : i32
        %convert_element_type3A_520 = arith.extui %eq3A_519 : i1 to i32
        %cond3A_521 = arith.constant 0 : i32
        %cond3A_522 = arith.cmpi ne, %convert_element_type3A_520, %cond3A_521 : i32
        scf.if %cond3A_522 {
          %jit3A_583 = arith.constant 5 : i32
          %div3A = arith.divsi %sub3A_507, %jit3A_583 : i32
          %sign3A = arith.constant 0 : i32
          %sign3A_584 = arith.cmpi sgt, %sub3A_507, %sign3A : i32
          %sign3A_585 = arith.extui %sign3A_584 : i1 to i32
          %sign3A_586 = arith.constant 0 : i32
          %sign3A_587 = arith.cmpi slt, %sub3A_507, %sign3A_586 : i32
          %sign3A_588 = arith.extui %sign3A_587 : i1 to i32
          %sign3A_589 = arith.subi %sign3A_585, %sign3A_588 : i32
          %sign3A_590 = arith.constant 0 : i32
          %sign3A_591 = arith.cmpi sgt, %jit3A_583, %sign3A_590 : i32
          %sign3A_592 = arith.extui %sign3A_591 : i1 to i32
          %sign3A_593 = arith.constant 0 : i32
          %sign3A_594 = arith.cmpi slt, %jit3A_583, %sign3A_593 : i32
          %sign3A_595 = arith.extui %sign3A_594 : i1 to i32
          %sign3A_596 = arith.subi %sign3A_592, %sign3A_595 : i32
          %ne3A_597 = arith.cmpi ne, %sign3A_589, %sign3A_596 : i32
          %rem3A_598 = arith.remsi %sub3A_507, %jit3A_583 : i32
          %ne3A_599 = arith.constant 0 : i32
          %ne3A_600 = arith.cmpi ne, %rem3A_598, %ne3A_599 : i32
          %and3A_601 = arith.andi %ne3A_597, %ne3A_600 : i1
          %sub3A_602 = arith.constant 1 : i32
          %sub3A_603 = arith.subi %div3A, %sub3A_602 : i32
          %select_n3A_604 = arith.select %and3A_601, %sub3A_603, %div3A : i32
          %jit3A_605 = arith.constant 2 : i32
          %eq3A_606 = arith.constant 0 : i32
          %eq3A_607 = arith.cmpi eq, %jit3A_605, %eq3A_606 : i32
          %jit3A_608 = arith.constant 1 : i32
          %select_n3A_609 = arith.select %eq3A_607, %jit3A_608, %jit3A_605 : i32
          %rem3A_610 = arith.remsi %select_n3A_604, %select_n3A_609 : i32
          %ne3A_611 = arith.constant 0 : i32
          %ne3A_612 = arith.cmpi ne, %rem3A_610, %ne3A_611 : i32
          %lt3A_613 = arith.constant 0 : i32
          %lt3A_614 = arith.cmpi slt, %rem3A_610, %lt3A_613 : i32
          %lt3A_615 = arith.constant 0 : i32
          %lt3A_616 = arith.cmpi slt, %select_n3A_609, %lt3A_615 : i32
          %ne3A_617 = arith.xori %lt3A_614, %lt3A_616 : i1
          %and3A_618 = arith.andi %ne3A_617, %ne3A_612 : i1
          %add3A_619 = arith.addi %rem3A_610, %select_n3A_609 : i32
          %select_n3A_620 = arith.select %and3A_618, %add3A_619, %rem3A_610 : i32
          %mul3A_621 = arith.constant 160 : i32
          %mul3A_622 = arith.muli %select_n3A_620, %mul3A_621 : i32
          %mul3A_623 = arith.constant 20000 : i32
          %mul3A_624 = arith.muli %arg1, %mul3A_623 : i32
          %mul3A_625 = arith.constant 160 : i32
          %mul3A_626 = arith.muli %select_n3A_604, %mul3A_625 : i32
          %add3A_627 = arith.addi %mul3A_624, %mul3A_626 : i32
          %dma_wait3A_628 = tpu.memref_slice %arg6[%mul3A_622] : memref<320xi32, #tpu.memory_space<vmem>> -> memref<160xi32, #tpu.memory_space<vmem>>
          %dma_wait3A_629 = arith.constant 0 : i32
          %dma_wait3A_630 = tpu.memref_slice %arg2[%scan3A_256, %dma_wait3A_629] : memref<2x320000xi32, #tpu.memory_space<hbm>> -> memref<1x320000xi32, #tpu.memory_space<hbm>>
          %dma_wait3A_631 = tpu.memref_squeeze %dma_wait3A_630 : memref<1x320000xi32, #tpu.memory_space<hbm>> -> memref<320000xi32, #tpu.memory_space<hbm>>
          %dma_wait3A_632 = tpu.memref_slice %dma_wait3A_631[%add3A_627] : memref<320000xi32, #tpu.memory_space<hbm>> -> memref<160xi32, #tpu.memory_space<hbm>>
          %dma_wait3A_633 = tpu.memref_slice %arg6[%mul3A_622] : memref<320xi32, #tpu.memory_space<vmem>> -> memref<160xi32, #tpu.memory_space<vmem>>
          %dma_wait3A_634 = arith.constant 0 : i32
          %dma_wait3A_635 = tpu.memref_slice %arg2[%scan3A_256, %dma_wait3A_634] : memref<2x320000xi32, #tpu.memory_space<hbm>> -> memref<1x320000xi32, #tpu.memory_space<hbm>>
          %dma_wait3A_636 = tpu.memref_squeeze %dma_wait3A_635 : memref<1x320000xi32, #tpu.memory_space<hbm>> -> memref<320000xi32, #tpu.memory_space<hbm>>
          %dma_wait3A_637 = tpu.memref_slice %dma_wait3A_636[%add3A_627] : memref<320000xi32, #tpu.memory_space<hbm>> -> memref<160xi32, #tpu.memory_space<hbm>>
          tpu.wait_dma2 semaphore(%arg55 : memref<!tpu.dma_semaphore, #tpu.memory_space<semaphore_mem>>) src(%dma_wait3A_637 : memref<160xi32, #tpu.memory_space<hbm>>) dst(%dma_wait3A_633 : memref<160xi32, #tpu.memory_space<vmem>>)
          %dma_wait3A_638 = tpu.memref_slice %arg7[%mul3A_622] : memref<320xi32, #tpu.memory_space<vmem>> -> memref<160xi32, #tpu.memory_space<vmem>>
          %dma_wait3A_639 = arith.constant 0 : i32
          %dma_wait3A_640 = tpu.memref_slice %arg2[%scan3A_257, %dma_wait3A_639] : memref<2x320000xi32, #tpu.memory_space<hbm>> -> memref<1x320000xi32, #tpu.memory_space<hbm>>
          %dma_wait3A_641 = tpu.memref_squeeze %dma_wait3A_640 : memref<1x320000xi32, #tpu.memory_space<hbm>> -> memref<320000xi32, #tpu.memory_space<hbm>>
          %dma_wait3A_642 = tpu.memref_slice %dma_wait3A_641[%add3A_627] : memref<320000xi32, #tpu.memory_space<hbm>> -> memref<160xi32, #tpu.memory_space<hbm>>
          %dma_wait3A_643 = tpu.memref_slice %arg7[%mul3A_622] : memref<320xi32, #tpu.memory_space<vmem>> -> memref<160xi32, #tpu.memory_space<vmem>>
          %dma_wait3A_644 = arith.constant 0 : i32
          %dma_wait3A_645 = tpu.memref_slice %arg2[%scan3A_257, %dma_wait3A_644] : memref<2x320000xi32, #tpu.memory_space<hbm>> -> memref<1x320000xi32, #tpu.memory_space<hbm>>
          %dma_wait3A_646 = tpu.memref_squeeze %dma_wait3A_645 : memref<1x320000xi32, #tpu.memory_space<hbm>> -> memref<320000xi32, #tpu.memory_space<hbm>>
          %dma_wait3A_647 = tpu.memref_slice %dma_wait3A_646[%add3A_627] : memref<320000xi32, #tpu.memory_space<hbm>> -> memref<160xi32, #tpu.memory_space<hbm>>
          tpu.wait_dma2 semaphore(%arg55 : memref<!tpu.dma_semaphore, #tpu.memory_space<semaphore_mem>>) src(%dma_wait3A_647 : memref<160xi32, #tpu.memory_space<hbm>>) dst(%dma_wait3A_643 : memref<160xi32, #tpu.memory_space<vmem>>)
          %add3A_648 = arith.constant 5 : i32
          %add3A_649 = arith.addi %sub3A_507, %add3A_648 : i32
          %lt3A_650 = arith.constant 625 : i32
          %lt3A_651 = arith.cmpi slt, %add3A_649, %lt3A_650 : i32
          %convert_element_type3A_652 = arith.extui %lt3A_651 : i1 to i32
          %cond3A_653 = arith.constant 0 : i32
          %cond3A_654 = arith.cmpi ne, %convert_element_type3A_652, %cond3A_653 : i32
          scf.if %cond3A_654 {
            %add3A_655 = arith.constant 1 : i32
            %add3A_656 = arith.addi %select_n3A_604, %add3A_655 : i32
            %jit3A_657 = arith.constant 2 : i32
            %eq3A_658 = arith.constant 0 : i32
            %eq3A_659 = arith.cmpi eq, %jit3A_657, %eq3A_658 : i32
            %jit3A_660 = arith.constant 1 : i32
            %select_n3A_661 = arith.select %eq3A_659, %jit3A_660, %jit3A_657 : i32
            %rem3A_662 = arith.remsi %add3A_656, %select_n3A_661 : i32
            %ne3A_663 = arith.constant 0 : i32
            %ne3A_664 = arith.cmpi ne, %rem3A_662, %ne3A_663 : i32
            %lt3A_665 = arith.constant 0 : i32
            %lt3A_666 = arith.cmpi slt, %rem3A_662, %lt3A_665 : i32
            %lt3A_667 = arith.constant 0 : i32
            %lt3A_668 = arith.cmpi slt, %select_n3A_661, %lt3A_667 : i32
            %ne3A_669 = arith.xori %lt3A_666, %lt3A_668 : i1
            %and3A_670 = arith.andi %ne3A_669, %ne3A_664 : i1
            %add3A_671 = arith.addi %rem3A_662, %select_n3A_661 : i32
            %select_n3A_672 = arith.select %and3A_670, %add3A_671, %rem3A_662 : i32
            %mul3A_673 = arith.constant 160 : i32
            %mul3A_674 = arith.muli %select_n3A_672, %mul3A_673 : i32
            %mul3A_675 = arith.constant 20000 : i32
            %mul3A_676 = arith.muli %arg1, %mul3A_675 : i32
            %mul3A_677 = arith.constant 160 : i32
            %mul3A_678 = arith.muli %add3A_656, %mul3A_677 : i32
            %add3A_679 = arith.addi %mul3A_676, %mul3A_678 : i32
            %dma_start3A_680 = tpu.memref_slice %arg6[%mul3A_674] : memref<320xi32, #tpu.memory_space<vmem>> -> memref<160xi32, #tpu.memory_space<vmem>>
            %dma_start3A_681 = arith.constant 0 : i32
            %dma_start3A_682 = tpu.memref_slice %arg2[%scan3A_256, %dma_start3A_681] : memref<2x320000xi32, #tpu.memory_space<hbm>> -> memref<1x320000xi32, #tpu.memory_space<hbm>>
            %dma_start3A_683 = tpu.memref_squeeze %dma_start3A_682 : memref<1x320000xi32, #tpu.memory_space<hbm>> -> memref<320000xi32, #tpu.memory_space<hbm>>
            %dma_start3A_684 = tpu.memref_slice %dma_start3A_683[%add3A_679] : memref<320000xi32, #tpu.memory_space<hbm>> -> memref<160xi32, #tpu.memory_space<hbm>>
            %dma_start3A_685 = tpu.memref_slice %arg6[%mul3A_674] : memref<320xi32, #tpu.memory_space<vmem>> -> memref<160xi32, #tpu.memory_space<vmem>>
            %dma_start3A_686 = arith.constant 0 : i32
            %dma_start3A_687 = tpu.memref_slice %arg2[%scan3A_256, %dma_start3A_686] : memref<2x320000xi32, #tpu.memory_space<hbm>> -> memref<1x320000xi32, #tpu.memory_space<hbm>>
            %dma_start3A_688 = tpu.memref_squeeze %dma_start3A_687 : memref<1x320000xi32, #tpu.memory_space<hbm>> -> memref<320000xi32, #tpu.memory_space<hbm>>
            %dma_start3A_689 = tpu.memref_slice %dma_start3A_688[%add3A_679] : memref<320000xi32, #tpu.memory_space<hbm>> -> memref<160xi32, #tpu.memory_space<hbm>>
            tpu.enqueue_dma source(%dma_start3A_689 : memref<160xi32, #tpu.memory_space<hbm>>) target(%dma_start3A_685 : memref<160xi32, #tpu.memory_space<vmem>>) target_semaphore(%arg55 : memref<!tpu.dma_semaphore, #tpu.memory_space<semaphore_mem>>)
            %dma_start3A_690 = tpu.memref_slice %arg7[%mul3A_674] : memref<320xi32, #tpu.memory_space<vmem>> -> memref<160xi32, #tpu.memory_space<vmem>>
            %dma_start3A_691 = arith.constant 0 : i32
            %dma_start3A_692 = tpu.memref_slice %arg2[%scan3A_257, %dma_start3A_691] : memref<2x320000xi32, #tpu.memory_space<hbm>> -> memref<1x320000xi32, #tpu.memory_space<hbm>>
            %dma_start3A_693 = tpu.memref_squeeze %dma_start3A_692 : memref<1x320000xi32, #tpu.memory_space<hbm>> -> memref<320000xi32, #tpu.memory_space<hbm>>
            %dma_start3A_694 = tpu.memref_slice %dma_start3A_693[%add3A_679] : memref<320000xi32, #tpu.memory_space<hbm>> -> memref<160xi32, #tpu.memory_space<hbm>>
            %dma_start3A_695 = tpu.memref_slice %arg7[%mul3A_674] : memref<320xi32, #tpu.memory_space<vmem>> -> memref<160xi32, #tpu.memory_space<vmem>>
            %dma_start3A_696 = arith.constant 0 : i32
            %dma_start3A_697 = tpu.memref_slice %arg2[%scan3A_257, %dma_start3A_696] : memref<2x320000xi32, #tpu.memory_space<hbm>> -> memref<1x320000xi32, #tpu.memory_space<hbm>>
            %dma_start3A_698 = tpu.memref_squeeze %dma_start3A_697 : memref<1x320000xi32, #tpu.memory_space<hbm>> -> memref<320000xi32, #tpu.memory_space<hbm>>
            %dma_start3A_699 = tpu.memref_slice %dma_start3A_698[%add3A_679] : memref<320000xi32, #tpu.memory_space<hbm>> -> memref<160xi32, #tpu.memory_space<hbm>>
            tpu.enqueue_dma source(%dma_start3A_699 : memref<160xi32, #tpu.memory_space<hbm>>) target(%dma_start3A_695 : memref<160xi32, #tpu.memory_space<vmem>>) target_semaphore(%arg55 : memref<!tpu.dma_semaphore, #tpu.memory_space<semaphore_mem>>)
          } else {
          }
        } else {
        }
        %jit3A_523 = arith.constant 10 : i32
        %eq3A_524 = arith.constant 0 : i32
        %eq3A_525 = arith.cmpi eq, %jit3A_523, %eq3A_524 : i32
        %jit3A_526 = arith.constant 1 : i32
        %select_n3A_527 = arith.select %eq3A_525, %jit3A_526, %jit3A_523 : i32
        %rem3A_528 = arith.remsi %sub3A_507, %select_n3A_527 : i32
        %ne3A_529 = arith.constant 0 : i32
        %ne3A_530 = arith.cmpi ne, %rem3A_528, %ne3A_529 : i32
        %lt3A_531 = arith.constant 0 : i32
        %lt3A_532 = arith.cmpi slt, %rem3A_528, %lt3A_531 : i32
        %lt3A_533 = arith.constant 0 : i32
        %lt3A_534 = arith.cmpi slt, %select_n3A_527, %lt3A_533 : i32
        %ne3A_535 = arith.xori %lt3A_532, %lt3A_534 : i1
        %and3A_536 = arith.andi %ne3A_535, %ne3A_530 : i1
        %add3A_537 = arith.addi %rem3A_528, %select_n3A_527 : i32
        %select_n3A_538 = arith.select %and3A_536, %add3A_537, %rem3A_528 : i32
        %mul3A_539 = arith.constant 32 : i32
        %mul3A_540 = arith.muli %select_n3A_538, %mul3A_539 : i32
        %add3A_541 = arith.constant 0 : i32
        %add3A_542 = arith.addi %mul3A_540, %add3A_541 : i32
        %get3A_543 = arith.index_cast %add3A_542 : i32 to index
        %get3A_544 = tpu.vector_load %arg6[%get3A_543] {strides = array<i32>} : memref<320xi32, #tpu.memory_space<vmem>>, vector<16xi32>,
        %swap3A_545 = arith.constant 0 : index
        %swap3A_546 = tpu.vector_load %arg32[%swap3A_545] {strides = array<i32>} : memref<32xi32, #tpu.memory_space<vmem>>, vector<16xi32>,
        tpu.vector_store %arg32[%swap3A_545], %get3A_544 {strides = array<i32>} : memref<32xi32, #tpu.memory_space<vmem>>, vector<16xi32>,
        %get3A_547 = arith.index_cast %add3A_542 : i32 to index
        %get3A_548 = tpu.vector_load %arg6[%get3A_547] {strides = array<i32>} : memref<320xi32, #tpu.memory_space<vmem>>, vector<16xi32>,
        %swap3A_549 = arith.constant 0 : index
        %swap3A_550 = tpu.vector_load %arg28[%swap3A_549] {strides = array<i32>} : memref<32xi32, #tpu.memory_space<vmem>>, vector<16xi32>,
        tpu.vector_store %arg28[%swap3A_549], %get3A_548 {strides = array<i32>} : memref<32xi32, #tpu.memory_space<vmem>>, vector<16xi32>,
        %get3A_551 = arith.index_cast %add3A_542 : i32 to index
        %get3A_552 = tpu.vector_load %arg7[%get3A_551] {strides = array<i32>} : memref<320xi32, #tpu.memory_space<vmem>>, vector<16xi32>,
        %swap3A_553 = arith.constant 0 : index
        %swap3A_554 = tpu.vector_load %arg29[%swap3A_553] {strides = array<i32>} : memref<32xi32, #tpu.memory_space<vmem>>, vector<16xi32>,
        tpu.vector_store %arg29[%swap3A_553], %get3A_552 {strides = array<i32>} : memref<32xi32, #tpu.memory_space<vmem>>, vector<16xi32>,
        %add3A_555 = arith.constant 16 : i32
        %add3A_556 = arith.addi %mul3A_540, %add3A_555 : i32
        %get3A_557 = arith.index_cast %add3A_556 : i32 to index
        %get3A_558 = tpu.vector_load %arg6[%get3A_557] {strides = array<i32>} : memref<320xi32, #tpu.memory_space<vmem>>, vector<16xi32>,
        %swap3A_559 = arith.constant 16 : index
        %swap3A_560 = tpu.vector_load %arg32[%swap3A_559] {strides = array<i32>} : memref<32xi32, #tpu.memory_space<vmem>>, vector<16xi32>,
        tpu.vector_store %arg32[%swap3A_559], %get3A_558 {strides = array<i32>} : memref<32xi32, #tpu.memory_space<vmem>>, vector<16xi32>,
        %get3A_561 = arith.index_cast %add3A_556 : i32 to index
        %get3A_562 = tpu.vector_load %arg6[%get3A_561] {strides = array<i32>} : memref<320xi32, #tpu.memory_space<vmem>>, vector<16xi32>,
        %swap3A_563 = arith.constant 16 : index
        %swap3A_564 = tpu.vector_load %arg28[%swap3A_563] {strides = array<i32>} : memref<32xi32, #tpu.memory_space<vmem>>, vector<16xi32>,
        tpu.vector_store %arg28[%swap3A_563], %get3A_562 {strides = array<i32>} : memref<32xi32, #tpu.memory_space<vmem>>, vector<16xi32>,
        %get3A_565 = arith.index_cast %add3A_556 : i32 to index
        %get3A_566 = tpu.vector_load %arg7[%get3A_565] {strides = array<i32>} : memref<320xi32, #tpu.memory_space<vmem>>, vector<16xi32>,
        %swap3A_567 = arith.constant 16 : index
        %swap3A_568 = tpu.vector_load %arg29[%swap3A_567] {strides = array<i32>} : memref<32xi32, #tpu.memory_space<vmem>>, vector<16xi32>,
        tpu.vector_store %arg29[%swap3A_567], %get3A_566 {strides = array<i32>} : memref<32xi32, #tpu.memory_space<vmem>>, vector<16xi32>,
        %dma_start3A_569 = arith.constant 0 : i32
        %dma_start3A_570 = arith.constant 0 : i32
        %dma_start3A_571 = tpu.memref_slice %arg3[%arg0, %dma_start3A_569, %dma_start3A_570] : memref<2x10000x64xbf16, #tpu.memory_space<hbm>> -> memref<1x10000x64xbf16, #tpu.memory_space<hbm>>
        %dma_start3A_572 = tpu.memref_squeeze %dma_start3A_571 : memref<1x10000x64xbf16, #tpu.memory_space<hbm>> -> memref<10000x64xbf16, #tpu.memory_space<hbm>>
        %dma_start3A_573 = arith.constant 0 : i32
        %dma_start3A_574 = arith.constant 0 : i32
        %dma_start3A_575 = tpu.memref_slice %dma_start3A_572[%dma_start3A_573, %dma_start3A_574] : memref<10000x64xbf16, #tpu.memory_space<hbm>> -> memref<10000x64xbf16, #tpu.memory_space<hbm>>
        tpu.enqueue_indirect_dma source(%dma_start3A_575 : memref<10000x64xbf16, #tpu.memory_space<hbm>>) target(%arg30 : memref<32x64xbf16, #tpu.memory_space<vmem>>) offsets(%arg28 : memref<32xi32, #tpu.memory_space<vmem>>) semaphore(%arg49 : memref<!tpu.dma_semaphore, #tpu.memory_space<semaphore_mem>>)
        %dma_start3A_576 = arith.constant 0 : i32
        %dma_start3A_577 = arith.constant 0 : i32
        %dma_start3A_578 = tpu.memref_slice %arg4[%arg0, %dma_start3A_576, %dma_start3A_577] : memref<2x10000x128xbf16, #tpu.memory_space<hbm>> -> memref<1x10000x128xbf16, #tpu.memory_space<hbm>>
        %dma_start3A_579 = tpu.memref_squeeze %dma_start3A_578 : memref<1x10000x128xbf16, #tpu.memory_space<hbm>> -> memref<10000x128xbf16, #tpu.memory_space<hbm>>
        %dma_start3A_580 = arith.constant 0 : i32
        %dma_start3A_581 = arith.constant 0 : i32
        %dma_start3A_582 = tpu.memref_slice %dma_start3A_579[%dma_start3A_580, %dma_start3A_581] : memref<10000x128xbf16, #tpu.memory_space<hbm>> -> memref<10000x128xbf16, #tpu.memory_space<hbm>>
        tpu.enqueue_indirect_dma source(%dma_start3A_582 : memref<10000x128xbf16, #tpu.memory_space<hbm>>) target(%arg31 : memref<32x128xbf16, #tpu.memory_space<vmem>>) offsets(%arg29 : memref<32xi32, #tpu.memory_space<vmem>>) semaphore(%arg49 : memref<!tpu.dma_semaphore, #tpu.memory_space<semaphore_mem>>)
      } else {
      }
      %dma_wait3A_296 = arith.constant 0 : i32
      %dma_wait3A_297 = arith.constant 0 : i32
      %dma_wait3A_298 = tpu.memref_slice %arg3[%arg0, %dma_wait3A_296, %dma_wait3A_297] : memref<2x10000x64xbf16, #tpu.memory_space<hbm>> -> memref<1x10000x64xbf16, #tpu.memory_space<hbm>>
      %dma_wait3A_299 = tpu.memref_squeeze %dma_wait3A_298 : memref<1x10000x64xbf16, #tpu.memory_space<hbm>> -> memref<10000x64xbf16, #tpu.memory_space<hbm>>
      %dma_wait3A_300 = arith.constant 0 : i32
      %dma_wait3A_301 = arith.constant 0 : i32
      %dma_wait3A_302 = tpu.memref_slice %dma_wait3A_299[%dma_wait3A_300, %dma_wait3A_301] : memref<10000x64xbf16, #tpu.memory_space<hbm>> -> memref<10000x64xbf16, #tpu.memory_space<hbm>>
      tpu.wait_indirect_dma semaphore(%arg45 : memref<!tpu.dma_semaphore, #tpu.memory_space<semaphore_mem>>) src(%dma_wait3A_302 : memref<10000x64xbf16, #tpu.memory_space<hbm>>) dst(%arg10 : memref<32x64xbf16, #tpu.memory_space<vmem>>)
      %dma_wait3A_303 = arith.constant 0 : i32
      %dma_wait3A_304 = arith.constant 0 : i32
      %dma_wait3A_305 = tpu.memref_slice %arg4[%arg0, %dma_wait3A_303, %dma_wait3A_304] : memref<2x10000x128xbf16, #tpu.memory_space<hbm>> -> memref<1x10000x128xbf16, #tpu.memory_space<hbm>>
      %dma_wait3A_306 = tpu.memref_squeeze %dma_wait3A_305 : memref<1x10000x128xbf16, #tpu.memory_space<hbm>> -> memref<10000x128xbf16, #tpu.memory_space<hbm>>
      %dma_wait3A_307 = arith.constant 0 : i32
      %dma_wait3A_308 = arith.constant 0 : i32
      %dma_wait3A_309 = tpu.memref_slice %dma_wait3A_306[%dma_wait3A_307, %dma_wait3A_308] : memref<10000x128xbf16, #tpu.memory_space<hbm>> -> memref<10000x128xbf16, #tpu.memory_space<hbm>>
      tpu.wait_indirect_dma semaphore(%arg45 : memref<!tpu.dma_semaphore, #tpu.memory_space<semaphore_mem>>) src(%dma_wait3A_309 : memref<10000x128xbf16, #tpu.memory_space<hbm>>) dst(%arg11 : memref<32x128xbf16, #tpu.memory_space<vmem>>)
      %ge3A = arith.constant 5 : i32
      %ge3A_310 = arith.cmpi sge, %add3A_290, %ge3A : i32
      %convert_element_type3A_311 = arith.extui %ge3A_310 : i1 to i32
      %cond3A_312 = arith.constant 0 : i32
      %cond3A_313 = arith.cmpi ne, %convert_element_type3A_311, %cond3A_312 : i32
      scf.if %cond3A_313 {
        %dma_wait3A_504 = arith.constant 0 : i32
        %dma_wait3A_505 = arith.constant 0 : i32
        %dma_wait3A_506 = tpu.memref_slice %arg44[%dma_wait3A_504, %dma_wait3A_505] : memref<10240x80xf32, #tpu.memory_space<vmem_shared>> -> memref<10240x80xf32, #tpu.memory_space<vmem_shared>>
        tpu.wait_indirect_dma semaphore(%arg50 : memref<!tpu.dma_semaphore, #tpu.memory_space<semaphore_mem>>) src(%arg33 : memref<32x80xf32, #tpu.memory_space<vmem>>) dst(%dma_wait3A_506 : memref<10240x80xf32, #tpu.memory_space<vmem_shared>>)
      } else {
      }
      %get3A_314 = arith.constant 0 : index
      %get3A_315 = tpu.vector_load %arg12[%get3A_314] {strides = array<i32>} : memref<32xi32, #tpu.memory_space<vmem>>, vector<16xi32>,
      %swap3A_316 = arith.constant 0 : index
      %swap3A_317 = tpu.vector_load %arg38[%swap3A_316] {strides = array<i32>} : memref<32xi32, #tpu.memory_space<vmem>>, vector<16xi32>,
      tpu.vector_store %arg38[%swap3A_316], %get3A_315 {strides = array<i32>} : memref<32xi32, #tpu.memory_space<vmem>>, vector<16xi32>,
      %get3A_318 = arith.constant 16 : index
      %get3A_319 = tpu.vector_load %arg12[%get3A_318] {strides = array<i32>} : memref<32xi32, #tpu.memory_space<vmem>>, vector<16xi32>,
      %swap3A_320 = arith.constant 16 : index
      %swap3A_321 = tpu.vector_load %arg38[%swap3A_320] {strides = array<i32>} : memref<32xi32, #tpu.memory_space<vmem>>, vector<16xi32>,
      tpu.vector_store %arg38[%swap3A_320], %get3A_319 {strides = array<i32>} : memref<32xi32, #tpu.memory_space<vmem>>, vector<16xi32>,
      %parallel_loop3A = arith.constant 0 : i32
      %parallel_loop3A_322 = arith.constant 32 : i32
      %parallel_loop3A_323 = arith.constant 1 : i32
      scf.for %parallel_loop3A_504 = %parallel_loop3A to %parallel_loop3A_322 step %parallel_loop3A_323  : i32 {
        %parallel_loop3A_505 = arith.index_cast %parallel_loop3A_504 : i32 to index
        %parallel_loop3A_506 = arith.constant 0 : index
        %parallel_loop3A_507 = tpu.vector_load %arg10[%parallel_loop3A_505, %parallel_loop3A_506] {strides = array<i32>} : memref<32x64xbf16, #tpu.memory_space<vmem>>, vector<32xbf16>,
        %parallel_loop3A_508 = tpu.unpack_subelements %parallel_loop3A_507, 0 {pack_format = #tpu.pack_format<interleaved>} : vector<32xbf16> -> vector<16xf32>
        %parallel_loop3A_509 = tpu.unpack_subelements %parallel_loop3A_507, 1 {pack_format = #tpu.pack_format<interleaved>} : vector<32xbf16> -> vector<16xf32>
        %parallel_loop3A_510 = arith.index_cast %parallel_loop3A_504 : i32 to index
        %parallel_loop3A_511 = arith.constant 0 : index
        %parallel_loop3A_512 = tpu.vector_load %arg11[%parallel_loop3A_510, %parallel_loop3A_511] {strides = array<i32>} : memref<32x128xbf16, #tpu.memory_space<vmem>>, vector<32xbf16>,
        %parallel_loop3A_513 = tpu.unpack_subelements %parallel_loop3A_512, 0 {pack_format = #tpu.pack_format<interleaved>} : vector<32xbf16> -> vector<16xf32>
        %parallel_loop3A_514 = tpu.unpack_subelements %parallel_loop3A_512, 1 {pack_format = #tpu.pack_format<interleaved>} : vector<32xbf16> -> vector<16xf32>
        %parallel_loop3A_515 = arith.mulf %parallel_loop3A_508, %parallel_loop3A_513 : vector<16xf32>
        %parallel_loop3A_516 = arith.addf %broadcast_in_dim3A_0, %parallel_loop3A_515 : vector<16xf32>
        %parallel_loop3A_517 = arith.mulf %parallel_loop3A_509, %parallel_loop3A_514 : vector<16xf32>
        %parallel_loop3A_518 = arith.addf %parallel_loop3A_516, %parallel_loop3A_517 : vector<16xf32>
        %parallel_loop3A_519 = arith.index_cast %parallel_loop3A_504 : i32 to index
        %parallel_loop3A_520 = arith.constant 32 : index
        %parallel_loop3A_521 = tpu.vector_load %arg10[%parallel_loop3A_519, %parallel_loop3A_520] {strides = array<i32>} : memref<32x64xbf16, #tpu.memory_space<vmem>>, vector<32xbf16>,
        %parallel_loop3A_522 = tpu.unpack_subelements %parallel_loop3A_521, 0 {pack_format = #tpu.pack_format<interleaved>} : vector<32xbf16> -> vector<16xf32>
        %parallel_loop3A_523 = tpu.unpack_subelements %parallel_loop3A_521, 1 {pack_format = #tpu.pack_format<interleaved>} : vector<32xbf16> -> vector<16xf32>
        %parallel_loop3A_524 = arith.index_cast %parallel_loop3A_504 : i32 to index
        %parallel_loop3A_525 = arith.constant 32 : index
        %parallel_loop3A_526 = tpu.vector_load %arg11[%parallel_loop3A_524, %parallel_loop3A_525] {strides = array<i32>} : memref<32x128xbf16, #tpu.memory_space<vmem>>, vector<32xbf16>,
        %parallel_loop3A_527 = tpu.unpack_subelements %parallel_loop3A_526, 0 {pack_format = #tpu.pack_format<interleaved>} : vector<32xbf16> -> vector<16xf32>
        %parallel_loop3A_528 = tpu.unpack_subelements %parallel_loop3A_526, 1 {pack_format = #tpu.pack_format<interleaved>} : vector<32xbf16> -> vector<16xf32>
        %parallel_loop3A_529 = arith.mulf %parallel_loop3A_522, %parallel_loop3A_527 : vector<16xf32>
        %parallel_loop3A_530 = arith.addf %parallel_loop3A_518, %parallel_loop3A_529 : vector<16xf32>
        %parallel_loop3A_531 = arith.mulf %parallel_loop3A_523, %parallel_loop3A_528 : vector<16xf32>
        %parallel_loop3A_532 = arith.addf %parallel_loop3A_530, %parallel_loop3A_531 : vector<16xf32>
        %parallel_loop3A_533 = vector.shape_cast %xor3A_15 : vector<16xi32> to vector<16x1xi32>
        %parallel_loop3A_534 = vector.shape_cast %parallel_loop3A_533 : vector<16x1xi32> to vector<16xi32>
        %parallel_loop3A_535 = tpu.dynamic_gather %parallel_loop3A_532[%parallel_loop3A_534] in [0] : vector<16xf32>, vector<16xi32> -> vector<16xf32>
        %parallel_loop3A_536 = arith.addf %parallel_loop3A_532, %parallel_loop3A_535 : vector<16xf32>
        %parallel_loop3A_537 = vector.shape_cast %xor3A_19 : vector<16xi32> to vector<16x1xi32>
        %parallel_loop3A_538 = vector.shape_cast %parallel_loop3A_537 : vector<16x1xi32> to vector<16xi32>
        %parallel_loop3A_539 = tpu.dynamic_gather %parallel_loop3A_536[%parallel_loop3A_538] in [0] : vector<16xf32>, vector<16xi32> -> vector<16xf32>
        %parallel_loop3A_540 = arith.addf %parallel_loop3A_536, %parallel_loop3A_539 : vector<16xf32>
        %parallel_loop3A_541 = math.exp %parallel_loop3A_540 : vector<16xf32>
        %parallel_loop3A_542 = arith.index_cast %parallel_loop3A_504 : i32 to index
        %parallel_loop3A_543 = arith.constant 64 : index
        %parallel_loop3A_544 = tpu.vector_load %arg11[%parallel_loop3A_542, %parallel_loop3A_543] {strides = array<i32>} : memref<32x128xbf16, #tpu.memory_space<vmem>>, vector<32xbf16>,
        %parallel_loop3A_545 = tpu.unpack_subelements %parallel_loop3A_544, 0 {pack_format = #tpu.pack_format<interleaved>} : vector<32xbf16> -> vector<16xf32>
        %parallel_loop3A_546 = tpu.unpack_subelements %parallel_loop3A_544, 1 {pack_format = #tpu.pack_format<interleaved>} : vector<32xbf16> -> vector<16xf32>
        %parallel_loop3A_547 = arith.mulf %parallel_loop3A_545, %parallel_loop3A_541 : vector<16xf32>
        %parallel_loop3A_548 = arith.index_cast %parallel_loop3A_504 : i32 to index
        %parallel_loop3A_549 = arith.constant 0 : index
        %parallel_loop3A_550 = tpu.vector_load %arg33[%parallel_loop3A_548, %parallel_loop3A_549] {strides = array<i32>} : memref<32x80xf32, #tpu.memory_space<vmem>>, vector<16xf32>,
        tpu.vector_store %arg33[%parallel_loop3A_548, %parallel_loop3A_549], %parallel_loop3A_547 {strides = array<i32>} : memref<32x80xf32, #tpu.memory_space<vmem>>, vector<16xf32>,
        %parallel_loop3A_551 = arith.mulf %parallel_loop3A_546, %parallel_loop3A_541 : vector<16xf32>
        %parallel_loop3A_552 = arith.index_cast %parallel_loop3A_504 : i32 to index
        %parallel_loop3A_553 = arith.constant 16 : index
        %parallel_loop3A_554 = tpu.vector_load %arg33[%parallel_loop3A_552, %parallel_loop3A_553] {strides = array<i32>} : memref<32x80xf32, #tpu.memory_space<vmem>>, vector<16xf32>,
        tpu.vector_store %arg33[%parallel_loop3A_552, %parallel_loop3A_553], %parallel_loop3A_551 {strides = array<i32>} : memref<32x80xf32, #tpu.memory_space<vmem>>, vector<16xf32>,
        %parallel_loop3A_555 = arith.index_cast %parallel_loop3A_504 : i32 to index
        %parallel_loop3A_556 = arith.constant 96 : index
        %parallel_loop3A_557 = tpu.vector_load %arg11[%parallel_loop3A_555, %parallel_loop3A_556] {strides = array<i32>} : memref<32x128xbf16, #tpu.memory_space<vmem>>, vector<32xbf16>,
        %parallel_loop3A_558 = tpu.unpack_subelements %parallel_loop3A_557, 0 {pack_format = #tpu.pack_format<interleaved>} : vector<32xbf16> -> vector<16xf32>
        %parallel_loop3A_559 = tpu.unpack_subelements %parallel_loop3A_557, 1 {pack_format = #tpu.pack_format<interleaved>} : vector<32xbf16> -> vector<16xf32>
        %parallel_loop3A_560 = arith.mulf %parallel_loop3A_558, %parallel_loop3A_541 : vector<16xf32>
        %parallel_loop3A_561 = arith.index_cast %parallel_loop3A_504 : i32 to index
        %parallel_loop3A_562 = arith.constant 32 : index
        %parallel_loop3A_563 = tpu.vector_load %arg33[%parallel_loop3A_561, %parallel_loop3A_562] {strides = array<i32>} : memref<32x80xf32, #tpu.memory_space<vmem>>, vector<16xf32>,
        tpu.vector_store %arg33[%parallel_loop3A_561, %parallel_loop3A_562], %parallel_loop3A_560 {strides = array<i32>} : memref<32x80xf32, #tpu.memory_space<vmem>>, vector<16xf32>,
        %parallel_loop3A_564 = arith.mulf %parallel_loop3A_559, %parallel_loop3A_541 : vector<16xf32>
        %parallel_loop3A_565 = arith.index_cast %parallel_loop3A_504 : i32 to index
        %parallel_loop3A_566 = arith.constant 48 : index
        %parallel_loop3A_567 = tpu.vector_load %arg33[%parallel_loop3A_565, %parallel_loop3A_566] {strides = array<i32>} : memref<32x80xf32, #tpu.memory_space<vmem>>, vector<16xf32>,
        tpu.vector_store %arg33[%parallel_loop3A_565, %parallel_loop3A_566], %parallel_loop3A_564 {strides = array<i32>} : memref<32x80xf32, #tpu.memory_space<vmem>>, vector<16xf32>,
        %parallel_loop3A_568 = arith.index_cast %parallel_loop3A_504 : i32 to index
        %parallel_loop3A_569 = arith.constant 64 : index
        %parallel_loop3A_570 = tpu.vector_load %arg33[%parallel_loop3A_568, %parallel_loop3A_569] {strides = array<i32>} : memref<32x80xf32, #tpu.memory_space<vmem>>, vector<16xf32>,
        tpu.vector_store %arg33[%parallel_loop3A_568, %parallel_loop3A_569], %parallel_loop3A_541 {strides = array<i32>} : memref<32x80xf32, #tpu.memory_space<vmem>>, vector<16xf32>,
      } {sc.loop_unroll_factor = 2 : i64, sc.parallel_access}
      %dma_start3A_324 = arith.constant 0 : i32
      %dma_start3A_325 = arith.constant 0 : i32
      %dma_start3A_326 = tpu.memref_slice %arg44[%dma_start3A_324, %dma_start3A_325] : memref<10240x80xf32, #tpu.memory_space<vmem_shared>> -> memref<10240x80xf32, #tpu.memory_space<vmem_shared>>
      tpu.enqueue_indirect_dma source(%arg33 : memref<32x80xf32, #tpu.memory_space<vmem>>) target(%dma_start3A_326 : memref<10240x80xf32, #tpu.memory_space<vmem_shared>>) offsets(%arg38 : memref<32xi32, #tpu.memory_space<vmem>>) semaphore(%arg50 : memref<!tpu.dma_semaphore, #tpu.memory_space<semaphore_mem>>) {add = true}
      %add3A_327 = arith.constant 1 : i32
      %add3A_328 = arith.addi %mul3A_288, %add3A_327 : i32
      %add3A_329 = arith.constant 5 : i32
      %add3A_330 = arith.addi %add3A_328, %add3A_329 : i32
      %sub3A_331 = arith.constant 1 : i32
      %sub3A_332 = arith.subi %add3A_330, %sub3A_331 : i32
      %lt3A_333 = arith.constant 625 : i32
      %lt3A_334 = arith.cmpi slt, %sub3A_332, %lt3A_333 : i32
      %convert_element_type3A_335 = arith.extui %lt3A_334 : i1 to i32
      %cond3A_336 = arith.constant 0 : i32
      %cond3A_337 = arith.cmpi ne, %convert_element_type3A_335, %cond3A_336 : i32
      scf.if %cond3A_337 {
        %add3A_504 = arith.constant 5 : i32
        %add3A_505 = arith.addi %add3A_328, %add3A_504 : i32
        %sub3A_506 = arith.constant 1 : i32
        %sub3A_507 = arith.subi %add3A_505, %sub3A_506 : i32
        %jit3A = arith.constant 5 : i32
        %eq3A = arith.constant 0 : i32
        %eq3A_508 = arith.cmpi eq, %jit3A, %eq3A : i32
        %jit3A_509 = arith.constant 1 : i32
        %select_n3A = arith.select %eq3A_508, %jit3A_509, %jit3A : i32
        %rem3A = arith.remsi %sub3A_507, %select_n3A : i32
        %ne3A = arith.constant 0 : i32
        %ne3A_510 = arith.cmpi ne, %rem3A, %ne3A : i32
        %lt3A_511 = arith.constant 0 : i32
        %lt3A_512 = arith.cmpi slt, %rem3A, %lt3A_511 : i32
        %lt3A_513 = arith.constant 0 : i32
        %lt3A_514 = arith.cmpi slt, %select_n3A, %lt3A_513 : i32
        %ne3A_515 = arith.xori %lt3A_512, %lt3A_514 : i1
        %and3A = arith.andi %ne3A_515, %ne3A_510 : i1
        %add3A_516 = arith.addi %rem3A, %select_n3A : i32
        %select_n3A_517 = arith.select %and3A, %add3A_516, %rem3A : i32
        %eq3A_518 = arith.constant 0 : i32
        %eq3A_519 = arith.cmpi eq, %select_n3A_517, %eq3A_518 : i32
        %convert_element_type3A_520 = arith.extui %eq3A_519 : i1 to i32
        %cond3A_521 = arith.constant 0 : i32
        %cond3A_522 = arith.cmpi ne, %convert_element_type3A_520, %cond3A_521 : i32
        scf.if %cond3A_522 {
          %jit3A_583 = arith.constant 5 : i32
          %div3A = arith.divsi %sub3A_507, %jit3A_583 : i32
          %sign3A = arith.constant 0 : i32
          %sign3A_584 = arith.cmpi sgt, %sub3A_507, %sign3A : i32
          %sign3A_585 = arith.extui %sign3A_584 : i1 to i32
          %sign3A_586 = arith.constant 0 : i32
          %sign3A_587 = arith.cmpi slt, %sub3A_507, %sign3A_586 : i32
          %sign3A_588 = arith.extui %sign3A_587 : i1 to i32
          %sign3A_589 = arith.subi %sign3A_585, %sign3A_588 : i32
          %sign3A_590 = arith.constant 0 : i32
          %sign3A_591 = arith.cmpi sgt, %jit3A_583, %sign3A_590 : i32
          %sign3A_592 = arith.extui %sign3A_591 : i1 to i32
          %sign3A_593 = arith.constant 0 : i32
          %sign3A_594 = arith.cmpi slt, %jit3A_583, %sign3A_593 : i32
          %sign3A_595 = arith.extui %sign3A_594 : i1 to i32
          %sign3A_596 = arith.subi %sign3A_592, %sign3A_595 : i32
          %ne3A_597 = arith.cmpi ne, %sign3A_589, %sign3A_596 : i32
          %rem3A_598 = arith.remsi %sub3A_507, %jit3A_583 : i32
          %ne3A_599 = arith.constant 0 : i32
          %ne3A_600 = arith.cmpi ne, %rem3A_598, %ne3A_599 : i32
          %and3A_601 = arith.andi %ne3A_597, %ne3A_600 : i1
          %sub3A_602 = arith.constant 1 : i32
          %sub3A_603 = arith.subi %div3A, %sub3A_602 : i32
          %select_n3A_604 = arith.select %and3A_601, %sub3A_603, %div3A : i32
          %jit3A_605 = arith.constant 2 : i32
          %eq3A_606 = arith.constant 0 : i32
          %eq3A_607 = arith.cmpi eq, %jit3A_605, %eq3A_606 : i32
          %jit3A_608 = arith.constant 1 : i32
          %select_n3A_609 = arith.select %eq3A_607, %jit3A_608, %jit3A_605 : i32
          %rem3A_610 = arith.remsi %select_n3A_604, %select_n3A_609 : i32
          %ne3A_611 = arith.constant 0 : i32
          %ne3A_612 = arith.cmpi ne, %rem3A_610, %ne3A_611 : i32
          %lt3A_613 = arith.constant 0 : i32
          %lt3A_614 = arith.cmpi slt, %rem3A_610, %lt3A_613 : i32
          %lt3A_615 = arith.constant 0 : i32
          %lt3A_616 = arith.cmpi slt, %select_n3A_609, %lt3A_615 : i32
          %ne3A_617 = arith.xori %lt3A_614, %lt3A_616 : i1
          %and3A_618 = arith.andi %ne3A_617, %ne3A_612 : i1
          %add3A_619 = arith.addi %rem3A_610, %select_n3A_609 : i32
          %select_n3A_620 = arith.select %and3A_618, %add3A_619, %rem3A_610 : i32
          %mul3A_621 = arith.constant 160 : i32
          %mul3A_622 = arith.muli %select_n3A_620, %mul3A_621 : i32
          %mul3A_623 = arith.constant 20000 : i32
          %mul3A_624 = arith.muli %arg1, %mul3A_623 : i32
          %mul3A_625 = arith.constant 160 : i32
          %mul3A_626 = arith.muli %select_n3A_604, %mul3A_625 : i32
          %add3A_627 = arith.addi %mul3A_624, %mul3A_626 : i32
          %dma_wait3A_628 = tpu.memref_slice %arg6[%mul3A_622] : memref<320xi32, #tpu.memory_space<vmem>> -> memref<160xi32, #tpu.memory_space<vmem>>
          %dma_wait3A_629 = arith.constant 0 : i32
          %dma_wait3A_630 = tpu.memref_slice %arg2[%scan3A_256, %dma_wait3A_629] : memref<2x320000xi32, #tpu.memory_space<hbm>> -> memref<1x320000xi32, #tpu.memory_space<hbm>>
          %dma_wait3A_631 = tpu.memref_squeeze %dma_wait3A_630 : memref<1x320000xi32, #tpu.memory_space<hbm>> -> memref<320000xi32, #tpu.memory_space<hbm>>
          %dma_wait3A_632 = tpu.memref_slice %dma_wait3A_631[%add3A_627] : memref<320000xi32, #tpu.memory_space<hbm>> -> memref<160xi32, #tpu.memory_space<hbm>>
          %dma_wait3A_633 = tpu.memref_slice %arg6[%mul3A_622] : memref<320xi32, #tpu.memory_space<vmem>> -> memref<160xi32, #tpu.memory_space<vmem>>
          %dma_wait3A_634 = arith.constant 0 : i32
          %dma_wait3A_635 = tpu.memref_slice %arg2[%scan3A_256, %dma_wait3A_634] : memref<2x320000xi32, #tpu.memory_space<hbm>> -> memref<1x320000xi32, #tpu.memory_space<hbm>>
          %dma_wait3A_636 = tpu.memref_squeeze %dma_wait3A_635 : memref<1x320000xi32, #tpu.memory_space<hbm>> -> memref<320000xi32, #tpu.memory_space<hbm>>
          %dma_wait3A_637 = tpu.memref_slice %dma_wait3A_636[%add3A_627] : memref<320000xi32, #tpu.memory_space<hbm>> -> memref<160xi32, #tpu.memory_space<hbm>>
          tpu.wait_dma2 semaphore(%arg55 : memref<!tpu.dma_semaphore, #tpu.memory_space<semaphore_mem>>) src(%dma_wait3A_637 : memref<160xi32, #tpu.memory_space<hbm>>) dst(%dma_wait3A_633 : memref<160xi32, #tpu.memory_space<vmem>>)
          %dma_wait3A_638 = tpu.memref_slice %arg7[%mul3A_622] : memref<320xi32, #tpu.memory_space<vmem>> -> memref<160xi32, #tpu.memory_space<vmem>>
          %dma_wait3A_639 = arith.constant 0 : i32
          %dma_wait3A_640 = tpu.memref_slice %arg2[%scan3A_257, %dma_wait3A_639] : memref<2x320000xi32, #tpu.memory_space<hbm>> -> memref<1x320000xi32, #tpu.memory_space<hbm>>
          %dma_wait3A_641 = tpu.memref_squeeze %dma_wait3A_640 : memref<1x320000xi32, #tpu.memory_space<hbm>> -> memref<320000xi32, #tpu.memory_space<hbm>>
          %dma_wait3A_642 = tpu.memref_slice %dma_wait3A_641[%add3A_627] : memref<320000xi32, #tpu.memory_space<hbm>> -> memref<160xi32, #tpu.memory_space<hbm>>
          %dma_wait3A_643 = tpu.memref_slice %arg7[%mul3A_622] : memref<320xi32, #tpu.memory_space<vmem>> -> memref<160xi32, #tpu.memory_space<vmem>>
          %dma_wait3A_644 = arith.constant 0 : i32
          %dma_wait3A_645 = tpu.memref_slice %arg2[%scan3A_257, %dma_wait3A_644] : memref<2x320000xi32, #tpu.memory_space<hbm>> -> memref<1x320000xi32, #tpu.memory_space<hbm>>
          %dma_wait3A_646 = tpu.memref_squeeze %dma_wait3A_645 : memref<1x320000xi32, #tpu.memory_space<hbm>> -> memref<320000xi32, #tpu.memory_space<hbm>>
          %dma_wait3A_647 = tpu.memref_slice %dma_wait3A_646[%add3A_627] : memref<320000xi32, #tpu.memory_space<hbm>> -> memref<160xi32, #tpu.memory_space<hbm>>
          tpu.wait_dma2 semaphore(%arg55 : memref<!tpu.dma_semaphore, #tpu.memory_space<semaphore_mem>>) src(%dma_wait3A_647 : memref<160xi32, #tpu.memory_space<hbm>>) dst(%dma_wait3A_643 : memref<160xi32, #tpu.memory_space<vmem>>)
          %add3A_648 = arith.constant 5 : i32
          %add3A_649 = arith.addi %sub3A_507, %add3A_648 : i32
          %lt3A_650 = arith.constant 625 : i32
          %lt3A_651 = arith.cmpi slt, %add3A_649, %lt3A_650 : i32
          %convert_element_type3A_652 = arith.extui %lt3A_651 : i1 to i32
          %cond3A_653 = arith.constant 0 : i32
          %cond3A_654 = arith.cmpi ne, %convert_element_type3A_652, %cond3A_653 : i32
          scf.if %cond3A_654 {
            %add3A_655 = arith.constant 1 : i32
            %add3A_656 = arith.addi %select_n3A_604, %add3A_655 : i32
            %jit3A_657 = arith.constant 2 : i32
            %eq3A_658 = arith.constant 0 : i32
            %eq3A_659 = arith.cmpi eq, %jit3A_657, %eq3A_658 : i32
            %jit3A_660 = arith.constant 1 : i32
            %select_n3A_661 = arith.select %eq3A_659, %jit3A_660, %jit3A_657 : i32
            %rem3A_662 = arith.remsi %add3A_656, %select_n3A_661 : i32
            %ne3A_663 = arith.constant 0 : i32
            %ne3A_664 = arith.cmpi ne, %rem3A_662, %ne3A_663 : i32
            %lt3A_665 = arith.constant 0 : i32
            %lt3A_666 = arith.cmpi slt, %rem3A_662, %lt3A_665 : i32
            %lt3A_667 = arith.constant 0 : i32
            %lt3A_668 = arith.cmpi slt, %select_n3A_661, %lt3A_667 : i32
            %ne3A_669 = arith.xori %lt3A_666, %lt3A_668 : i1
            %and3A_670 = arith.andi %ne3A_669, %ne3A_664 : i1
            %add3A_671 = arith.addi %rem3A_662, %select_n3A_661 : i32
            %select_n3A_672 = arith.select %and3A_670, %add3A_671, %rem3A_662 : i32
            %mul3A_673 = arith.constant 160 : i32
            %mul3A_674 = arith.muli %select_n3A_672, %mul3A_673 : i32
            %mul3A_675 = arith.constant 20000 : i32
            %mul3A_676 = arith.muli %arg1, %mul3A_675 : i32
            %mul3A_677 = arith.constant 160 : i32
            %mul3A_678 = arith.muli %add3A_656, %mul3A_677 : i32
            %add3A_679 = arith.addi %mul3A_676, %mul3A_678 : i32
            %dma_start3A_680 = tpu.memref_slice %arg6[%mul3A_674] : memref<320xi32, #tpu.memory_space<vmem>> -> memref<160xi32, #tpu.memory_space<vmem>>
            %dma_start3A_681 = arith.constant 0 : i32
            %dma_start3A_682 = tpu.memref_slice %arg2[%scan3A_256, %dma_start3A_681] : memref<2x320000xi32, #tpu.memory_space<hbm>> -> memref<1x320000xi32, #tpu.memory_space<hbm>>
            %dma_start3A_683 = tpu.memref_squeeze %dma_start3A_682 : memref<1x320000xi32, #tpu.memory_space<hbm>> -> memref<320000xi32, #tpu.memory_space<hbm>>
            %dma_start3A_684 = tpu.memref_slice %dma_start3A_683[%add3A_679] : memref<320000xi32, #tpu.memory_space<hbm>> -> memref<160xi32, #tpu.memory_space<hbm>>
            %dma_start3A_685 = tpu.memref_slice %arg6[%mul3A_674] : memref<320xi32, #tpu.memory_space<vmem>> -> memref<160xi32, #tpu.memory_space<vmem>>
            %dma_start3A_686 = arith.constant 0 : i32
            %dma_start3A_687 = tpu.memref_slice %arg2[%scan3A_256, %dma_start3A_686] : memref<2x320000xi32, #tpu.memory_space<hbm>> -> memref<1x320000xi32, #tpu.memory_space<hbm>>
            %dma_start3A_688 = tpu.memref_squeeze %dma_start3A_687 : memref<1x320000xi32, #tpu.memory_space<hbm>> -> memref<320000xi32, #tpu.memory_space<hbm>>
            %dma_start3A_689 = tpu.memref_slice %dma_start3A_688[%add3A_679] : memref<320000xi32, #tpu.memory_space<hbm>> -> memref<160xi32, #tpu.memory_space<hbm>>
            tpu.enqueue_dma source(%dma_start3A_689 : memref<160xi32, #tpu.memory_space<hbm>>) target(%dma_start3A_685 : memref<160xi32, #tpu.memory_space<vmem>>) target_semaphore(%arg55 : memref<!tpu.dma_semaphore, #tpu.memory_space<semaphore_mem>>)
            %dma_start3A_690 = tpu.memref_slice %arg7[%mul3A_674] : memref<320xi32, #tpu.memory_space<vmem>> -> memref<160xi32, #tpu.memory_space<vmem>>
            %dma_start3A_691 = arith.constant 0 : i32
            %dma_start3A_692 = tpu.memref_slice %arg2[%scan3A_257, %dma_start3A_691] : memref<2x320000xi32, #tpu.memory_space<hbm>> -> memref<1x320000xi32, #tpu.memory_space<hbm>>
            %dma_start3A_693 = tpu.memref_squeeze %dma_start3A_692 : memref<1x320000xi32, #tpu.memory_space<hbm>> -> memref<320000xi32, #tpu.memory_space<hbm>>
            %dma_start3A_694 = tpu.memref_slice %dma_start3A_693[%add3A_679] : memref<320000xi32, #tpu.memory_space<hbm>> -> memref<160xi32, #tpu.memory_space<hbm>>
            %dma_start3A_695 = tpu.memref_slice %arg7[%mul3A_674] : memref<320xi32, #tpu.memory_space<vmem>> -> memref<160xi32, #tpu.memory_space<vmem>>
            %dma_start3A_696 = arith.constant 0 : i32
            %dma_start3A_697 = tpu.memref_slice %arg2[%scan3A_257, %dma_start3A_696] : memref<2x320000xi32, #tpu.memory_space<hbm>> -> memref<1x320000xi32, #tpu.memory_space<hbm>>
            %dma_start3A_698 = tpu.memref_squeeze %dma_start3A_697 : memref<1x320000xi32, #tpu.memory_space<hbm>> -> memref<320000xi32, #tpu.memory_space<hbm>>
            %dma_start3A_699 = tpu.memref_slice %dma_start3A_698[%add3A_679] : memref<320000xi32, #tpu.memory_space<hbm>> -> memref<160xi32, #tpu.memory_space<hbm>>
            tpu.enqueue_dma source(%dma_start3A_699 : memref<160xi32, #tpu.memory_space<hbm>>) target(%dma_start3A_695 : memref<160xi32, #tpu.memory_space<vmem>>) target_semaphore(%arg55 : memref<!tpu.dma_semaphore, #tpu.memory_space<semaphore_mem>>)
          } else {
          }
        } else {
        }
        %jit3A_523 = arith.constant 10 : i32
        %eq3A_524 = arith.constant 0 : i32
        %eq3A_525 = arith.cmpi eq, %jit3A_523, %eq3A_524 : i32
        %jit3A_526 = arith.constant 1 : i32
        %select_n3A_527 = arith.select %eq3A_525, %jit3A_526, %jit3A_523 : i32
        %rem3A_528 = arith.remsi %sub3A_507, %select_n3A_527 : i32
        %ne3A_529 = arith.constant 0 : i32
        %ne3A_530 = arith.cmpi ne, %rem3A_528, %ne3A_529 : i32
        %lt3A_531 = arith.constant 0 : i32
        %lt3A_532 = arith.cmpi slt, %rem3A_528, %lt3A_531 : i32
        %lt3A_533 = arith.constant 0 : i32
        %lt3A_534 = arith.cmpi slt, %select_n3A_527, %lt3A_533 : i32
        %ne3A_535 = arith.xori %lt3A_532, %lt3A_534 : i1
        %and3A_536 = arith.andi %ne3A_535, %ne3A_530 : i1
        %add3A_537 = arith.addi %rem3A_528, %select_n3A_527 : i32
        %select_n3A_538 = arith.select %and3A_536, %add3A_537, %rem3A_528 : i32
        %mul3A_539 = arith.constant 32 : i32
        %mul3A_540 = arith.muli %select_n3A_538, %mul3A_539 : i32
        %add3A_541 = arith.constant 0 : i32
        %add3A_542 = arith.addi %mul3A_540, %add3A_541 : i32
        %get3A_543 = arith.index_cast %add3A_542 : i32 to index
        %get3A_544 = tpu.vector_load %arg6[%get3A_543] {strides = array<i32>} : memref<320xi32, #tpu.memory_space<vmem>>, vector<16xi32>,
        %swap3A_545 = arith.constant 0 : index
        %swap3A_546 = tpu.vector_load %arg12[%swap3A_545] {strides = array<i32>} : memref<32xi32, #tpu.memory_space<vmem>>, vector<16xi32>,
        tpu.vector_store %arg12[%swap3A_545], %get3A_544 {strides = array<i32>} : memref<32xi32, #tpu.memory_space<vmem>>, vector<16xi32>,
        %get3A_547 = arith.index_cast %add3A_542 : i32 to index
        %get3A_548 = tpu.vector_load %arg6[%get3A_547] {strides = array<i32>} : memref<320xi32, #tpu.memory_space<vmem>>, vector<16xi32>,
        %swap3A_549 = arith.constant 0 : index
        %swap3A_550 = tpu.vector_load %arg8[%swap3A_549] {strides = array<i32>} : memref<32xi32, #tpu.memory_space<vmem>>, vector<16xi32>,
        tpu.vector_store %arg8[%swap3A_549], %get3A_548 {strides = array<i32>} : memref<32xi32, #tpu.memory_space<vmem>>, vector<16xi32>,
        %get3A_551 = arith.index_cast %add3A_542 : i32 to index
        %get3A_552 = tpu.vector_load %arg7[%get3A_551] {strides = array<i32>} : memref<320xi32, #tpu.memory_space<vmem>>, vector<16xi32>,
        %swap3A_553 = arith.constant 0 : index
        %swap3A_554 = tpu.vector_load %arg9[%swap3A_553] {strides = array<i32>} : memref<32xi32, #tpu.memory_space<vmem>>, vector<16xi32>,
        tpu.vector_store %arg9[%swap3A_553], %get3A_552 {strides = array<i32>} : memref<32xi32, #tpu.memory_space<vmem>>, vector<16xi32>,
        %add3A_555 = arith.constant 16 : i32
        %add3A_556 = arith.addi %mul3A_540, %add3A_555 : i32
        %get3A_557 = arith.index_cast %add3A_556 : i32 to index
        %get3A_558 = tpu.vector_load %arg6[%get3A_557] {strides = array<i32>} : memref<320xi32, #tpu.memory_space<vmem>>, vector<16xi32>,
        %swap3A_559 = arith.constant 16 : index
        %swap3A_560 = tpu.vector_load %arg12[%swap3A_559] {strides = array<i32>} : memref<32xi32, #tpu.memory_space<vmem>>, vector<16xi32>,
        tpu.vector_store %arg12[%swap3A_559], %get3A_558 {strides = array<i32>} : memref<32xi32, #tpu.memory_space<vmem>>, vector<16xi32>,
        %get3A_561 = arith.index_cast %add3A_556 : i32 to index
        %get3A_562 = tpu.vector_load %arg6[%get3A_561] {strides = array<i32>} : memref<320xi32, #tpu.memory_space<vmem>>, vector<16xi32>,
        %swap3A_563 = arith.constant 16 : index
        %swap3A_564 = tpu.vector_load %arg8[%swap3A_563] {strides = array<i32>} : memref<32xi32, #tpu.memory_space<vmem>>, vector<16xi32>,
        tpu.vector_store %arg8[%swap3A_563], %get3A_562 {strides = array<i32>} : memref<32xi32, #tpu.memory_space<vmem>>, vector<16xi32>,
        %get3A_565 = arith.index_cast %add3A_556 : i32 to index
        %get3A_566 = tpu.vector_load %arg7[%get3A_565] {strides = array<i32>} : memref<320xi32, #tpu.memory_space<vmem>>, vector<16xi32>,
        %swap3A_567 = arith.constant 16 : index
        %swap3A_568 = tpu.vector_load %arg9[%swap3A_567] {strides = array<i32>} : memref<32xi32, #tpu.memory_space<vmem>>, vector<16xi32>,
        tpu.vector_store %arg9[%swap3A_567], %get3A_566 {strides = array<i32>} : memref<32xi32, #tpu.memory_space<vmem>>, vector<16xi32>,
        %dma_start3A_569 = arith.constant 0 : i32
        %dma_start3A_570 = arith.constant 0 : i32
        %dma_start3A_571 = tpu.memref_slice %arg3[%arg0, %dma_start3A_569, %dma_start3A_570] : memref<2x10000x64xbf16, #tpu.memory_space<hbm>> -> memref<1x10000x64xbf16, #tpu.memory_space<hbm>>
        %dma_start3A_572 = tpu.memref_squeeze %dma_start3A_571 : memref<1x10000x64xbf16, #tpu.memory_space<hbm>> -> memref<10000x64xbf16, #tpu.memory_space<hbm>>
        %dma_start3A_573 = arith.constant 0 : i32
        %dma_start3A_574 = arith.constant 0 : i32
        %dma_start3A_575 = tpu.memref_slice %dma_start3A_572[%dma_start3A_573, %dma_start3A_574] : memref<10000x64xbf16, #tpu.memory_space<hbm>> -> memref<10000x64xbf16, #tpu.memory_space<hbm>>
        tpu.enqueue_indirect_dma source(%dma_start3A_575 : memref<10000x64xbf16, #tpu.memory_space<hbm>>) target(%arg10 : memref<32x64xbf16, #tpu.memory_space<vmem>>) offsets(%arg8 : memref<32xi32, #tpu.memory_space<vmem>>) semaphore(%arg45 : memref<!tpu.dma_semaphore, #tpu.memory_space<semaphore_mem>>)
        %dma_start3A_576 = arith.constant 0 : i32
        %dma_start3A_577 = arith.constant 0 : i32
        %dma_start3A_578 = tpu.memref_slice %arg4[%arg0, %dma_start3A_576, %dma_start3A_577] : memref<2x10000x128xbf16, #tpu.memory_space<hbm>> -> memref<1x10000x128xbf16, #tpu.memory_space<hbm>>
        %dma_start3A_579 = tpu.memref_squeeze %dma_start3A_578 : memref<1x10000x128xbf16, #tpu.memory_space<hbm>> -> memref<10000x128xbf16, #tpu.memory_space<hbm>>
        %dma_start3A_580 = arith.constant 0 : i32
        %dma_start3A_581 = arith.constant 0 : i32
        %dma_start3A_582 = tpu.memref_slice %dma_start3A_579[%dma_start3A_580, %dma_start3A_581] : memref<10000x128xbf16, #tpu.memory_space<hbm>> -> memref<10000x128xbf16, #tpu.memory_space<hbm>>
        tpu.enqueue_indirect_dma source(%dma_start3A_582 : memref<10000x128xbf16, #tpu.memory_space<hbm>>) target(%arg11 : memref<32x128xbf16, #tpu.memory_space<vmem>>) offsets(%arg9 : memref<32xi32, #tpu.memory_space<vmem>>) semaphore(%arg45 : memref<!tpu.dma_semaphore, #tpu.memory_space<semaphore_mem>>)
      } else {
      }
      %dma_wait3A_338 = arith.constant 0 : i32
      %dma_wait3A_339 = arith.constant 0 : i32
      %dma_wait3A_340 = tpu.memref_slice %arg3[%arg0, %dma_wait3A_338, %dma_wait3A_339] : memref<2x10000x64xbf16, #tpu.memory_space<hbm>> -> memref<1x10000x64xbf16, #tpu.memory_space<hbm>>
      %dma_wait3A_341 = tpu.memref_squeeze %dma_wait3A_340 : memref<1x10000x64xbf16, #tpu.memory_space<hbm>> -> memref<10000x64xbf16, #tpu.memory_space<hbm>>
      %dma_wait3A_342 = arith.constant 0 : i32
      %dma_wait3A_343 = arith.constant 0 : i32
      %dma_wait3A_344 = tpu.memref_slice %dma_wait3A_341[%dma_wait3A_342, %dma_wait3A_343] : memref<10000x64xbf16, #tpu.memory_space<hbm>> -> memref<10000x64xbf16, #tpu.memory_space<hbm>>
      tpu.wait_indirect_dma semaphore(%arg46 : memref<!tpu.dma_semaphore, #tpu.memory_space<semaphore_mem>>) src(%dma_wait3A_344 : memref<10000x64xbf16, #tpu.memory_space<hbm>>) dst(%arg15 : memref<32x64xbf16, #tpu.memory_space<vmem>>)
      %dma_wait3A_345 = arith.constant 0 : i32
      %dma_wait3A_346 = arith.constant 0 : i32
      %dma_wait3A_347 = tpu.memref_slice %arg4[%arg0, %dma_wait3A_345, %dma_wait3A_346] : memref<2x10000x128xbf16, #tpu.memory_space<hbm>> -> memref<1x10000x128xbf16, #tpu.memory_space<hbm>>
      %dma_wait3A_348 = tpu.memref_squeeze %dma_wait3A_347 : memref<1x10000x128xbf16, #tpu.memory_space<hbm>> -> memref<10000x128xbf16, #tpu.memory_space<hbm>>
      %dma_wait3A_349 = arith.constant 0 : i32
      %dma_wait3A_350 = arith.constant 0 : i32
      %dma_wait3A_351 = tpu.memref_slice %dma_wait3A_348[%dma_wait3A_349, %dma_wait3A_350] : memref<10000x128xbf16, #tpu.memory_space<hbm>> -> memref<10000x128xbf16, #tpu.memory_space<hbm>>
      tpu.wait_indirect_dma semaphore(%arg46 : memref<!tpu.dma_semaphore, #tpu.memory_space<semaphore_mem>>) src(%dma_wait3A_351 : memref<10000x128xbf16, #tpu.memory_space<hbm>>) dst(%arg16 : memref<32x128xbf16, #tpu.memory_space<vmem>>)
      %ge3A_352 = arith.constant 5 : i32
      %ge3A_353 = arith.cmpi sge, %add3A_328, %ge3A_352 : i32
      %convert_element_type3A_354 = arith.extui %ge3A_353 : i1 to i32
      %cond3A_355 = arith.constant 0 : i32
      %cond3A_356 = arith.cmpi ne, %convert_element_type3A_354, %cond3A_355 : i32
      scf.if %cond3A_356 {
        %dma_wait3A_504 = arith.constant 0 : i32
        %dma_wait3A_505 = arith.constant 0 : i32
        %dma_wait3A_506 = tpu.memref_slice %arg44[%dma_wait3A_504, %dma_wait3A_505] : memref<10240x80xf32, #tpu.memory_space<vmem_shared>> -> memref<10240x80xf32, #tpu.memory_space<vmem_shared>>
        tpu.wait_indirect_dma semaphore(%arg51 : memref<!tpu.dma_semaphore, #tpu.memory_space<semaphore_mem>>) src(%arg34 : memref<32x80xf32, #tpu.memory_space<vmem>>) dst(%dma_wait3A_506 : memref<10240x80xf32, #tpu.memory_space<vmem_shared>>)
      } else {
      }
      %get3A_357 = arith.constant 0 : index
      %get3A_358 = tpu.vector_load %arg17[%get3A_357] {strides = array<i32>} : memref<32xi32, #tpu.memory_space<vmem>>, vector<16xi32>,
      %swap3A_359 = arith.constant 0 : index
      %swap3A_360 = tpu.vector_load %arg39[%swap3A_359] {strides = array<i32>} : memref<32xi32, #tpu.memory_space<vmem>>, vector<16xi32>,
      tpu.vector_store %arg39[%swap3A_359], %get3A_358 {strides = array<i32>} : memref<32xi32, #tpu.memory_space<vmem>>, vector<16xi32>,
      %get3A_361 = arith.constant 16 : index
      %get3A_362 = tpu.vector_load %arg17[%get3A_361] {strides = array<i32>} : memref<32xi32, #tpu.memory_space<vmem>>, vector<16xi32>,
      %swap3A_363 = arith.constant 16 : index
      %swap3A_364 = tpu.vector_load %arg39[%swap3A_363] {strides = array<i32>} : memref<32xi32, #tpu.memory_space<vmem>>, vector<16xi32>,
      tpu.vector_store %arg39[%swap3A_363], %get3A_362 {strides = array<i32>} : memref<32xi32, #tpu.memory_space<vmem>>, vector<16xi32>,
      %parallel_loop3A_365 = arith.constant 0 : i32
      %parallel_loop3A_366 = arith.constant 32 : i32
      %parallel_loop3A_367 = arith.constant 1 : i32
      scf.for %parallel_loop3A_504 = %parallel_loop3A_365 to %parallel_loop3A_366 step %parallel_loop3A_367  : i32 {
        %parallel_loop3A_505 = arith.index_cast %parallel_loop3A_504 : i32 to index
        %parallel_loop3A_506 = arith.constant 0 : index
        %parallel_loop3A_507 = tpu.vector_load %arg15[%parallel_loop3A_505, %parallel_loop3A_506] {strides = array<i32>} : memref<32x64xbf16, #tpu.memory_space<vmem>>, vector<32xbf16>,
        %parallel_loop3A_508 = tpu.unpack_subelements %parallel_loop3A_507, 0 {pack_format = #tpu.pack_format<interleaved>} : vector<32xbf16> -> vector<16xf32>
        %parallel_loop3A_509 = tpu.unpack_subelements %parallel_loop3A_507, 1 {pack_format = #tpu.pack_format<interleaved>} : vector<32xbf16> -> vector<16xf32>
        %parallel_loop3A_510 = arith.index_cast %parallel_loop3A_504 : i32 to index
        %parallel_loop3A_511 = arith.constant 0 : index
        %parallel_loop3A_512 = tpu.vector_load %arg16[%parallel_loop3A_510, %parallel_loop3A_511] {strides = array<i32>} : memref<32x128xbf16, #tpu.memory_space<vmem>>, vector<32xbf16>,
        %parallel_loop3A_513 = tpu.unpack_subelements %parallel_loop3A_512, 0 {pack_format = #tpu.pack_format<interleaved>} : vector<32xbf16> -> vector<16xf32>
        %parallel_loop3A_514 = tpu.unpack_subelements %parallel_loop3A_512, 1 {pack_format = #tpu.pack_format<interleaved>} : vector<32xbf16> -> vector<16xf32>
        %parallel_loop3A_515 = arith.mulf %parallel_loop3A_508, %parallel_loop3A_513 : vector<16xf32>
        %parallel_loop3A_516 = arith.addf %broadcast_in_dim3A_0, %parallel_loop3A_515 : vector<16xf32>
        %parallel_loop3A_517 = arith.mulf %parallel_loop3A_509, %parallel_loop3A_514 : vector<16xf32>
        %parallel_loop3A_518 = arith.addf %parallel_loop3A_516, %parallel_loop3A_517 : vector<16xf32>
        %parallel_loop3A_519 = arith.index_cast %parallel_loop3A_504 : i32 to index
        %parallel_loop3A_520 = arith.constant 32 : index
        %parallel_loop3A_521 = tpu.vector_load %arg15[%parallel_loop3A_519, %parallel_loop3A_520] {strides = array<i32>} : memref<32x64xbf16, #tpu.memory_space<vmem>>, vector<32xbf16>,
        %parallel_loop3A_522 = tpu.unpack_subelements %parallel_loop3A_521, 0 {pack_format = #tpu.pack_format<interleaved>} : vector<32xbf16> -> vector<16xf32>
        %parallel_loop3A_523 = tpu.unpack_subelements %parallel_loop3A_521, 1 {pack_format = #tpu.pack_format<interleaved>} : vector<32xbf16> -> vector<16xf32>
        %parallel_loop3A_524 = arith.index_cast %parallel_loop3A_504 : i32 to index
        %parallel_loop3A_525 = arith.constant 32 : index
        %parallel_loop3A_526 = tpu.vector_load %arg16[%parallel_loop3A_524, %parallel_loop3A_525] {strides = array<i32>} : memref<32x128xbf16, #tpu.memory_space<vmem>>, vector<32xbf16>,
        %parallel_loop3A_527 = tpu.unpack_subelements %parallel_loop3A_526, 0 {pack_format = #tpu.pack_format<interleaved>} : vector<32xbf16> -> vector<16xf32>
        %parallel_loop3A_528 = tpu.unpack_subelements %parallel_loop3A_526, 1 {pack_format = #tpu.pack_format<interleaved>} : vector<32xbf16> -> vector<16xf32>
        %parallel_loop3A_529 = arith.mulf %parallel_loop3A_522, %parallel_loop3A_527 : vector<16xf32>
        %parallel_loop3A_530 = arith.addf %parallel_loop3A_518, %parallel_loop3A_529 : vector<16xf32>
        %parallel_loop3A_531 = arith.mulf %parallel_loop3A_523, %parallel_loop3A_528 : vector<16xf32>
        %parallel_loop3A_532 = arith.addf %parallel_loop3A_530, %parallel_loop3A_531 : vector<16xf32>
        %parallel_loop3A_533 = vector.shape_cast %xor3A_15 : vector<16xi32> to vector<16x1xi32>
        %parallel_loop3A_534 = vector.shape_cast %parallel_loop3A_533 : vector<16x1xi32> to vector<16xi32>
        %parallel_loop3A_535 = tpu.dynamic_gather %parallel_loop3A_532[%parallel_loop3A_534] in [0] : vector<16xf32>, vector<16xi32> -> vector<16xf32>
        %parallel_loop3A_536 = arith.addf %parallel_loop3A_532, %parallel_loop3A_535 : vector<16xf32>
        %parallel_loop3A_537 = vector.shape_cast %xor3A_19 : vector<16xi32> to vector<16x1xi32>
        %parallel_loop3A_538 = vector.shape_cast %parallel_loop3A_537 : vector<16x1xi32> to vector<16xi32>
        %parallel_loop3A_539 = tpu.dynamic_gather %parallel_loop3A_536[%parallel_loop3A_538] in [0] : vector<16xf32>, vector<16xi32> -> vector<16xf32>
        %parallel_loop3A_540 = arith.addf %parallel_loop3A_536, %parallel_loop3A_539 : vector<16xf32>
        %parallel_loop3A_541 = math.exp %parallel_loop3A_540 : vector<16xf32>
        %parallel_loop3A_542 = arith.index_cast %parallel_loop3A_504 : i32 to index
        %parallel_loop3A_543 = arith.constant 64 : index
        %parallel_loop3A_544 = tpu.vector_load %arg16[%parallel_loop3A_542, %parallel_loop3A_543] {strides = array<i32>} : memref<32x128xbf16, #tpu.memory_space<vmem>>, vector<32xbf16>,
        %parallel_loop3A_545 = tpu.unpack_subelements %parallel_loop3A_544, 0 {pack_format = #tpu.pack_format<interleaved>} : vector<32xbf16> -> vector<16xf32>
        %parallel_loop3A_546 = tpu.unpack_subelements %parallel_loop3A_544, 1 {pack_format = #tpu.pack_format<interleaved>} : vector<32xbf16> -> vector<16xf32>
        %parallel_loop3A_547 = arith.mulf %parallel_loop3A_545, %parallel_loop3A_541 : vector<16xf32>
        %parallel_loop3A_548 = arith.index_cast %parallel_loop3A_504 : i32 to index
        %parallel_loop3A_549 = arith.constant 0 : index
        %parallel_loop3A_550 = tpu.vector_load %arg34[%parallel_loop3A_548, %parallel_loop3A_549] {strides = array<i32>} : memref<32x80xf32, #tpu.memory_space<vmem>>, vector<16xf32>,
        tpu.vector_store %arg34[%parallel_loop3A_548, %parallel_loop3A_549], %parallel_loop3A_547 {strides = array<i32>} : memref<32x80xf32, #tpu.memory_space<vmem>>, vector<16xf32>,
        %parallel_loop3A_551 = arith.mulf %parallel_loop3A_546, %parallel_loop3A_541 : vector<16xf32>
        %parallel_loop3A_552 = arith.index_cast %parallel_loop3A_504 : i32 to index
        %parallel_loop3A_553 = arith.constant 16 : index
        %parallel_loop3A_554 = tpu.vector_load %arg34[%parallel_loop3A_552, %parallel_loop3A_553] {strides = array<i32>} : memref<32x80xf32, #tpu.memory_space<vmem>>, vector<16xf32>,
        tpu.vector_store %arg34[%parallel_loop3A_552, %parallel_loop3A_553], %parallel_loop3A_551 {strides = array<i32>} : memref<32x80xf32, #tpu.memory_space<vmem>>, vector<16xf32>,
        %parallel_loop3A_555 = arith.index_cast %parallel_loop3A_504 : i32 to index
        %parallel_loop3A_556 = arith.constant 96 : index
        %parallel_loop3A_557 = tpu.vector_load %arg16[%parallel_loop3A_555, %parallel_loop3A_556] {strides = array<i32>} : memref<32x128xbf16, #tpu.memory_space<vmem>>, vector<32xbf16>,
        %parallel_loop3A_558 = tpu.unpack_subelements %parallel_loop3A_557, 0 {pack_format = #tpu.pack_format<interleaved>} : vector<32xbf16> -> vector<16xf32>
        %parallel_loop3A_559 = tpu.unpack_subelements %parallel_loop3A_557, 1 {pack_format = #tpu.pack_format<interleaved>} : vector<32xbf16> -> vector<16xf32>
        %parallel_loop3A_560 = arith.mulf %parallel_loop3A_558, %parallel_loop3A_541 : vector<16xf32>
        %parallel_loop3A_561 = arith.index_cast %parallel_loop3A_504 : i32 to index
        %parallel_loop3A_562 = arith.constant 32 : index
        %parallel_loop3A_563 = tpu.vector_load %arg34[%parallel_loop3A_561, %parallel_loop3A_562] {strides = array<i32>} : memref<32x80xf32, #tpu.memory_space<vmem>>, vector<16xf32>,
        tpu.vector_store %arg34[%parallel_loop3A_561, %parallel_loop3A_562], %parallel_loop3A_560 {strides = array<i32>} : memref<32x80xf32, #tpu.memory_space<vmem>>, vector<16xf32>,
        %parallel_loop3A_564 = arith.mulf %parallel_loop3A_559, %parallel_loop3A_541 : vector<16xf32>
        %parallel_loop3A_565 = arith.index_cast %parallel_loop3A_504 : i32 to index
        %parallel_loop3A_566 = arith.constant 48 : index
        %parallel_loop3A_567 = tpu.vector_load %arg34[%parallel_loop3A_565, %parallel_loop3A_566] {strides = array<i32>} : memref<32x80xf32, #tpu.memory_space<vmem>>, vector<16xf32>,
        tpu.vector_store %arg34[%parallel_loop3A_565, %parallel_loop3A_566], %parallel_loop3A_564 {strides = array<i32>} : memref<32x80xf32, #tpu.memory_space<vmem>>, vector<16xf32>,
        %parallel_loop3A_568 = arith.index_cast %parallel_loop3A_504 : i32 to index
        %parallel_loop3A_569 = arith.constant 64 : index
        %parallel_loop3A_570 = tpu.vector_load %arg34[%parallel_loop3A_568, %parallel_loop3A_569] {strides = array<i32>} : memref<32x80xf32, #tpu.memory_space<vmem>>, vector<16xf32>,
        tpu.vector_store %arg34[%parallel_loop3A_568, %parallel_loop3A_569], %parallel_loop3A_541 {strides = array<i32>} : memref<32x80xf32, #tpu.memory_space<vmem>>, vector<16xf32>,
      } {sc.loop_unroll_factor = 2 : i64, sc.parallel_access}
      %dma_start3A_368 = arith.constant 0 : i32
      %dma_start3A_369 = arith.constant 0 : i32
      %dma_start3A_370 = tpu.memref_slice %arg44[%dma_start3A_368, %dma_start3A_369] : memref<10240x80xf32, #tpu.memory_space<vmem_shared>> -> memref<10240x80xf32, #tpu.memory_space<vmem_shared>>
      tpu.enqueue_indirect_dma source(%arg34 : memref<32x80xf32, #tpu.memory_space<vmem>>) target(%dma_start3A_370 : memref<10240x80xf32, #tpu.memory_space<vmem_shared>>) offsets(%arg39 : memref<32xi32, #tpu.memory_space<vmem>>) semaphore(%arg51 : memref<!tpu.dma_semaphore, #tpu.memory_space<semaphore_mem>>) {add = true}
      %add3A_371 = arith.constant 2 : i32
      %add3A_372 = arith.addi %mul3A_288, %add3A_371 : i32
      %add3A_373 = arith.constant 5 : i32
      %add3A_374 = arith.addi %add3A_372, %add3A_373 : i32
      %sub3A_375 = arith.constant 1 : i32
      %sub3A_376 = arith.subi %add3A_374, %sub3A_375 : i32
      %lt3A_377 = arith.constant 625 : i32
      %lt3A_378 = arith.cmpi slt, %sub3A_376, %lt3A_377 : i32
      %convert_element_type3A_379 = arith.extui %lt3A_378 : i1 to i32
      %cond3A_380 = arith.constant 0 : i32
      %cond3A_381 = arith.cmpi ne, %convert_element_type3A_379, %cond3A_380 : i32
      scf.if %cond3A_381 {
        %add3A_504 = arith.constant 5 : i32
        %add3A_505 = arith.addi %add3A_372, %add3A_504 : i32
        %sub3A_506 = arith.constant 1 : i32
        %sub3A_507 = arith.subi %add3A_505, %sub3A_506 : i32
        %jit3A = arith.constant 5 : i32
        %eq3A = arith.constant 0 : i32
        %eq3A_508 = arith.cmpi eq, %jit3A, %eq3A : i32
        %jit3A_509 = arith.constant 1 : i32
        %select_n3A = arith.select %eq3A_508, %jit3A_509, %jit3A : i32
        %rem3A = arith.remsi %sub3A_507, %select_n3A : i32
        %ne3A = arith.constant 0 : i32
        %ne3A_510 = arith.cmpi ne, %rem3A, %ne3A : i32
        %lt3A_511 = arith.constant 0 : i32
        %lt3A_512 = arith.cmpi slt, %rem3A, %lt3A_511 : i32
        %lt3A_513 = arith.constant 0 : i32
        %lt3A_514 = arith.cmpi slt, %select_n3A, %lt3A_513 : i32
        %ne3A_515 = arith.xori %lt3A_512, %lt3A_514 : i1
        %and3A = arith.andi %ne3A_515, %ne3A_510 : i1
        %add3A_516 = arith.addi %rem3A, %select_n3A : i32
        %select_n3A_517 = arith.select %and3A, %add3A_516, %rem3A : i32
        %eq3A_518 = arith.constant 0 : i32
        %eq3A_519 = arith.cmpi eq, %select_n3A_517, %eq3A_518 : i32
        %convert_element_type3A_520 = arith.extui %eq3A_519 : i1 to i32
        %cond3A_521 = arith.constant 0 : i32
        %cond3A_522 = arith.cmpi ne, %convert_element_type3A_520, %cond3A_521 : i32
        scf.if %cond3A_522 {
          %jit3A_583 = arith.constant 5 : i32
          %div3A = arith.divsi %sub3A_507, %jit3A_583 : i32
          %sign3A = arith.constant 0 : i32
          %sign3A_584 = arith.cmpi sgt, %sub3A_507, %sign3A : i32
          %sign3A_585 = arith.extui %sign3A_584 : i1 to i32
          %sign3A_586 = arith.constant 0 : i32
          %sign3A_587 = arith.cmpi slt, %sub3A_507, %sign3A_586 : i32
          %sign3A_588 = arith.extui %sign3A_587 : i1 to i32
          %sign3A_589 = arith.subi %sign3A_585, %sign3A_588 : i32
          %sign3A_590 = arith.constant 0 : i32
          %sign3A_591 = arith.cmpi sgt, %jit3A_583, %sign3A_590 : i32
          %sign3A_592 = arith.extui %sign3A_591 : i1 to i32
          %sign3A_593 = arith.constant 0 : i32
          %sign3A_594 = arith.cmpi slt, %jit3A_583, %sign3A_593 : i32
          %sign3A_595 = arith.extui %sign3A_594 : i1 to i32
          %sign3A_596 = arith.subi %sign3A_592, %sign3A_595 : i32
          %ne3A_597 = arith.cmpi ne, %sign3A_589, %sign3A_596 : i32
          %rem3A_598 = arith.remsi %sub3A_507, %jit3A_583 : i32
          %ne3A_599 = arith.constant 0 : i32
          %ne3A_600 = arith.cmpi ne, %rem3A_598, %ne3A_599 : i32
          %and3A_601 = arith.andi %ne3A_597, %ne3A_600 : i1
          %sub3A_602 = arith.constant 1 : i32
          %sub3A_603 = arith.subi %div3A, %sub3A_602 : i32
          %select_n3A_604 = arith.select %and3A_601, %sub3A_603, %div3A : i32
          %jit3A_605 = arith.constant 2 : i32
          %eq3A_606 = arith.constant 0 : i32
          %eq3A_607 = arith.cmpi eq, %jit3A_605, %eq3A_606 : i32
          %jit3A_608 = arith.constant 1 : i32
          %select_n3A_609 = arith.select %eq3A_607, %jit3A_608, %jit3A_605 : i32
          %rem3A_610 = arith.remsi %select_n3A_604, %select_n3A_609 : i32
          %ne3A_611 = arith.constant 0 : i32
          %ne3A_612 = arith.cmpi ne, %rem3A_610, %ne3A_611 : i32
          %lt3A_613 = arith.constant 0 : i32
          %lt3A_614 = arith.cmpi slt, %rem3A_610, %lt3A_613 : i32
          %lt3A_615 = arith.constant 0 : i32
          %lt3A_616 = arith.cmpi slt, %select_n3A_609, %lt3A_615 : i32
          %ne3A_617 = arith.xori %lt3A_614, %lt3A_616 : i1
          %and3A_618 = arith.andi %ne3A_617, %ne3A_612 : i1
          %add3A_619 = arith.addi %rem3A_610, %select_n3A_609 : i32
          %select_n3A_620 = arith.select %and3A_618, %add3A_619, %rem3A_610 : i32
          %mul3A_621 = arith.constant 160 : i32
          %mul3A_622 = arith.muli %select_n3A_620, %mul3A_621 : i32
          %mul3A_623 = arith.constant 20000 : i32
          %mul3A_624 = arith.muli %arg1, %mul3A_623 : i32
          %mul3A_625 = arith.constant 160 : i32
          %mul3A_626 = arith.muli %select_n3A_604, %mul3A_625 : i32
          %add3A_627 = arith.addi %mul3A_624, %mul3A_626 : i32
          %dma_wait3A_628 = tpu.memref_slice %arg6[%mul3A_622] : memref<320xi32, #tpu.memory_space<vmem>> -> memref<160xi32, #tpu.memory_space<vmem>>
          %dma_wait3A_629 = arith.constant 0 : i32
          %dma_wait3A_630 = tpu.memref_slice %arg2[%scan3A_256, %dma_wait3A_629] : memref<2x320000xi32, #tpu.memory_space<hbm>> -> memref<1x320000xi32, #tpu.memory_space<hbm>>
          %dma_wait3A_631 = tpu.memref_squeeze %dma_wait3A_630 : memref<1x320000xi32, #tpu.memory_space<hbm>> -> memref<320000xi32, #tpu.memory_space<hbm>>
          %dma_wait3A_632 = tpu.memref_slice %dma_wait3A_631[%add3A_627] : memref<320000xi32, #tpu.memory_space<hbm>> -> memref<160xi32, #tpu.memory_space<hbm>>
          %dma_wait3A_633 = tpu.memref_slice %arg6[%mul3A_622] : memref<320xi32, #tpu.memory_space<vmem>> -> memref<160xi32, #tpu.memory_space<vmem>>
          %dma_wait3A_634 = arith.constant 0 : i32
          %dma_wait3A_635 = tpu.memref_slice %arg2[%scan3A_256, %dma_wait3A_634] : memref<2x320000xi32, #tpu.memory_space<hbm>> -> memref<1x320000xi32, #tpu.memory_space<hbm>>
          %dma_wait3A_636 = tpu.memref_squeeze %dma_wait3A_635 : memref<1x320000xi32, #tpu.memory_space<hbm>> -> memref<320000xi32, #tpu.memory_space<hbm>>
          %dma_wait3A_637 = tpu.memref_slice %dma_wait3A_636[%add3A_627] : memref<320000xi32, #tpu.memory_space<hbm>> -> memref<160xi32, #tpu.memory_space<hbm>>
          tpu.wait_dma2 semaphore(%arg55 : memref<!tpu.dma_semaphore, #tpu.memory_space<semaphore_mem>>) src(%dma_wait3A_637 : memref<160xi32, #tpu.memory_space<hbm>>) dst(%dma_wait3A_633 : memref<160xi32, #tpu.memory_space<vmem>>)
          %dma_wait3A_638 = tpu.memref_slice %arg7[%mul3A_622] : memref<320xi32, #tpu.memory_space<vmem>> -> memref<160xi32, #tpu.memory_space<vmem>>
          %dma_wait3A_639 = arith.constant 0 : i32
          %dma_wait3A_640 = tpu.memref_slice %arg2[%scan3A_257, %dma_wait3A_639] : memref<2x320000xi32, #tpu.memory_space<hbm>> -> memref<1x320000xi32, #tpu.memory_space<hbm>>
          %dma_wait3A_641 = tpu.memref_squeeze %dma_wait3A_640 : memref<1x320000xi32, #tpu.memory_space<hbm>> -> memref<320000xi32, #tpu.memory_space<hbm>>
          %dma_wait3A_642 = tpu.memref_slice %dma_wait3A_641[%add3A_627] : memref<320000xi32, #tpu.memory_space<hbm>> -> memref<160xi32, #tpu.memory_space<hbm>>
          %dma_wait3A_643 = tpu.memref_slice %arg7[%mul3A_622] : memref<320xi32, #tpu.memory_space<vmem>> -> memref<160xi32, #tpu.memory_space<vmem>>
          %dma_wait3A_644 = arith.constant 0 : i32
          %dma_wait3A_645 = tpu.memref_slice %arg2[%scan3A_257, %dma_wait3A_644] : memref<2x320000xi32, #tpu.memory_space<hbm>> -> memref<1x320000xi32, #tpu.memory_space<hbm>>
          %dma_wait3A_646 = tpu.memref_squeeze %dma_wait3A_645 : memref<1x320000xi32, #tpu.memory_space<hbm>> -> memref<320000xi32, #tpu.memory_space<hbm>>
          %dma_wait3A_647 = tpu.memref_slice %dma_wait3A_646[%add3A_627] : memref<320000xi32, #tpu.memory_space<hbm>> -> memref<160xi32, #tpu.memory_space<hbm>>
          tpu.wait_dma2 semaphore(%arg55 : memref<!tpu.dma_semaphore, #tpu.memory_space<semaphore_mem>>) src(%dma_wait3A_647 : memref<160xi32, #tpu.memory_space<hbm>>) dst(%dma_wait3A_643 : memref<160xi32, #tpu.memory_space<vmem>>)
          %add3A_648 = arith.constant 5 : i32
          %add3A_649 = arith.addi %sub3A_507, %add3A_648 : i32
          %lt3A_650 = arith.constant 625 : i32
          %lt3A_651 = arith.cmpi slt, %add3A_649, %lt3A_650 : i32
          %convert_element_type3A_652 = arith.extui %lt3A_651 : i1 to i32
          %cond3A_653 = arith.constant 0 : i32
          %cond3A_654 = arith.cmpi ne, %convert_element_type3A_652, %cond3A_653 : i32
          scf.if %cond3A_654 {
            %add3A_655 = arith.constant 1 : i32
            %add3A_656 = arith.addi %select_n3A_604, %add3A_655 : i32
            %jit3A_657 = arith.constant 2 : i32
            %eq3A_658 = arith.constant 0 : i32
            %eq3A_659 = arith.cmpi eq, %jit3A_657, %eq3A_658 : i32
            %jit3A_660 = arith.constant 1 : i32
            %select_n3A_661 = arith.select %eq3A_659, %jit3A_660, %jit3A_657 : i32
            %rem3A_662 = arith.remsi %add3A_656, %select_n3A_661 : i32
            %ne3A_663 = arith.constant 0 : i32
            %ne3A_664 = arith.cmpi ne, %rem3A_662, %ne3A_663 : i32
            %lt3A_665 = arith.constant 0 : i32
            %lt3A_666 = arith.cmpi slt, %rem3A_662, %lt3A_665 : i32
            %lt3A_667 = arith.constant 0 : i32
            %lt3A_668 = arith.cmpi slt, %select_n3A_661, %lt3A_667 : i32
            %ne3A_669 = arith.xori %lt3A_666, %lt3A_668 : i1
            %and3A_670 = arith.andi %ne3A_669, %ne3A_664 : i1
            %add3A_671 = arith.addi %rem3A_662, %select_n3A_661 : i32
            %select_n3A_672 = arith.select %and3A_670, %add3A_671, %rem3A_662 : i32
            %mul3A_673 = arith.constant 160 : i32
            %mul3A_674 = arith.muli %select_n3A_672, %mul3A_673 : i32
            %mul3A_675 = arith.constant 20000 : i32
            %mul3A_676 = arith.muli %arg1, %mul3A_675 : i32
            %mul3A_677 = arith.constant 160 : i32
            %mul3A_678 = arith.muli %add3A_656, %mul3A_677 : i32
            %add3A_679 = arith.addi %mul3A_676, %mul3A_678 : i32
            %dma_start3A_680 = tpu.memref_slice %arg6[%mul3A_674] : memref<320xi32, #tpu.memory_space<vmem>> -> memref<160xi32, #tpu.memory_space<vmem>>
            %dma_start3A_681 = arith.constant 0 : i32
            %dma_start3A_682 = tpu.memref_slice %arg2[%scan3A_256, %dma_start3A_681] : memref<2x320000xi32, #tpu.memory_space<hbm>> -> memref<1x320000xi32, #tpu.memory_space<hbm>>
            %dma_start3A_683 = tpu.memref_squeeze %dma_start3A_682 : memref<1x320000xi32, #tpu.memory_space<hbm>> -> memref<320000xi32, #tpu.memory_space<hbm>>
            %dma_start3A_684 = tpu.memref_slice %dma_start3A_683[%add3A_679] : memref<320000xi32, #tpu.memory_space<hbm>> -> memref<160xi32, #tpu.memory_space<hbm>>
            %dma_start3A_685 = tpu.memref_slice %arg6[%mul3A_674] : memref<320xi32, #tpu.memory_space<vmem>> -> memref<160xi32, #tpu.memory_space<vmem>>
            %dma_start3A_686 = arith.constant 0 : i32
            %dma_start3A_687 = tpu.memref_slice %arg2[%scan3A_256, %dma_start3A_686] : memref<2x320000xi32, #tpu.memory_space<hbm>> -> memref<1x320000xi32, #tpu.memory_space<hbm>>
            %dma_start3A_688 = tpu.memref_squeeze %dma_start3A_687 : memref<1x320000xi32, #tpu.memory_space<hbm>> -> memref<320000xi32, #tpu.memory_space<hbm>>
            %dma_start3A_689 = tpu.memref_slice %dma_start3A_688[%add3A_679] : memref<320000xi32, #tpu.memory_space<hbm>> -> memref<160xi32, #tpu.memory_space<hbm>>
            tpu.enqueue_dma source(%dma_start3A_689 : memref<160xi32, #tpu.memory_space<hbm>>) target(%dma_start3A_685 : memref<160xi32, #tpu.memory_space<vmem>>) target_semaphore(%arg55 : memref<!tpu.dma_semaphore, #tpu.memory_space<semaphore_mem>>)
            %dma_start3A_690 = tpu.memref_slice %arg7[%mul3A_674] : memref<320xi32, #tpu.memory_space<vmem>> -> memref<160xi32, #tpu.memory_space<vmem>>
            %dma_start3A_691 = arith.constant 0 : i32
            %dma_start3A_692 = tpu.memref_slice %arg2[%scan3A_257, %dma_start3A_691] : memref<2x320000xi32, #tpu.memory_space<hbm>> -> memref<1x320000xi32, #tpu.memory_space<hbm>>
            %dma_start3A_693 = tpu.memref_squeeze %dma_start3A_692 : memref<1x320000xi32, #tpu.memory_space<hbm>> -> memref<320000xi32, #tpu.memory_space<hbm>>
            %dma_start3A_694 = tpu.memref_slice %dma_start3A_693[%add3A_679] : memref<320000xi32, #tpu.memory_space<hbm>> -> memref<160xi32, #tpu.memory_space<hbm>>
            %dma_start3A_695 = tpu.memref_slice %arg7[%mul3A_674] : memref<320xi32, #tpu.memory_space<vmem>> -> memref<160xi32, #tpu.memory_space<vmem>>
            %dma_start3A_696 = arith.constant 0 : i32
            %dma_start3A_697 = tpu.memref_slice %arg2[%scan3A_257, %dma_start3A_696] : memref<2x320000xi32, #tpu.memory_space<hbm>> -> memref<1x320000xi32, #tpu.memory_space<hbm>>
            %dma_start3A_698 = tpu.memref_squeeze %dma_start3A_697 : memref<1x320000xi32, #tpu.memory_space<hbm>> -> memref<320000xi32, #tpu.memory_space<hbm>>
            %dma_start3A_699 = tpu.memref_slice %dma_start3A_698[%add3A_679] : memref<320000xi32, #tpu.memory_space<hbm>> -> memref<160xi32, #tpu.memory_space<hbm>>
            tpu.enqueue_dma source(%dma_start3A_699 : memref<160xi32, #tpu.memory_space<hbm>>) target(%dma_start3A_695 : memref<160xi32, #tpu.memory_space<vmem>>) target_semaphore(%arg55 : memref<!tpu.dma_semaphore, #tpu.memory_space<semaphore_mem>>)
          } else {
          }
        } else {
        }
        %jit3A_523 = arith.constant 10 : i32
        %eq3A_524 = arith.constant 0 : i32
        %eq3A_525 = arith.cmpi eq, %jit3A_523, %eq3A_524 : i32
        %jit3A_526 = arith.constant 1 : i32
        %select_n3A_527 = arith.select %eq3A_525, %jit3A_526, %jit3A_523 : i32
        %rem3A_528 = arith.remsi %sub3A_507, %select_n3A_527 : i32
        %ne3A_529 = arith.constant 0 : i32
        %ne3A_530 = arith.cmpi ne, %rem3A_528, %ne3A_529 : i32
        %lt3A_531 = arith.constant 0 : i32
        %lt3A_532 = arith.cmpi slt, %rem3A_528, %lt3A_531 : i32
        %lt3A_533 = arith.constant 0 : i32
        %lt3A_534 = arith.cmpi slt, %select_n3A_527, %lt3A_533 : i32
        %ne3A_535 = arith.xori %lt3A_532, %lt3A_534 : i1
        %and3A_536 = arith.andi %ne3A_535, %ne3A_530 : i1
        %add3A_537 = arith.addi %rem3A_528, %select_n3A_527 : i32
        %select_n3A_538 = arith.select %and3A_536, %add3A_537, %rem3A_528 : i32
        %mul3A_539 = arith.constant 32 : i32
        %mul3A_540 = arith.muli %select_n3A_538, %mul3A_539 : i32
        %add3A_541 = arith.constant 0 : i32
        %add3A_542 = arith.addi %mul3A_540, %add3A_541 : i32
        %get3A_543 = arith.index_cast %add3A_542 : i32 to index
        %get3A_544 = tpu.vector_load %arg6[%get3A_543] {strides = array<i32>} : memref<320xi32, #tpu.memory_space<vmem>>, vector<16xi32>,
        %swap3A_545 = arith.constant 0 : index
        %swap3A_546 = tpu.vector_load %arg17[%swap3A_545] {strides = array<i32>} : memref<32xi32, #tpu.memory_space<vmem>>, vector<16xi32>,
        tpu.vector_store %arg17[%swap3A_545], %get3A_544 {strides = array<i32>} : memref<32xi32, #tpu.memory_space<vmem>>, vector<16xi32>,
        %get3A_547 = arith.index_cast %add3A_542 : i32 to index
        %get3A_548 = tpu.vector_load %arg6[%get3A_547] {strides = array<i32>} : memref<320xi32, #tpu.memory_space<vmem>>, vector<16xi32>,
        %swap3A_549 = arith.constant 0 : index
        %swap3A_550 = tpu.vector_load %arg13[%swap3A_549] {strides = array<i32>} : memref<32xi32, #tpu.memory_space<vmem>>, vector<16xi32>,
        tpu.vector_store %arg13[%swap3A_549], %get3A_548 {strides = array<i32>} : memref<32xi32, #tpu.memory_space<vmem>>, vector<16xi32>,
        %get3A_551 = arith.index_cast %add3A_542 : i32 to index
        %get3A_552 = tpu.vector_load %arg7[%get3A_551] {strides = array<i32>} : memref<320xi32, #tpu.memory_space<vmem>>, vector<16xi32>,
        %swap3A_553 = arith.constant 0 : index
        %swap3A_554 = tpu.vector_load %arg14[%swap3A_553] {strides = array<i32>} : memref<32xi32, #tpu.memory_space<vmem>>, vector<16xi32>,
        tpu.vector_store %arg14[%swap3A_553], %get3A_552 {strides = array<i32>} : memref<32xi32, #tpu.memory_space<vmem>>, vector<16xi32>,
        %add3A_555 = arith.constant 16 : i32
        %add3A_556 = arith.addi %mul3A_540, %add3A_555 : i32
        %get3A_557 = arith.index_cast %add3A_556 : i32 to index
        %get3A_558 = tpu.vector_load %arg6[%get3A_557] {strides = array<i32>} : memref<320xi32, #tpu.memory_space<vmem>>, vector<16xi32>,
        %swap3A_559 = arith.constant 16 : index
        %swap3A_560 = tpu.vector_load %arg17[%swap3A_559] {strides = array<i32>} : memref<32xi32, #tpu.memory_space<vmem>>, vector<16xi32>,
        tpu.vector_store %arg17[%swap3A_559], %get3A_558 {strides = array<i32>} : memref<32xi32, #tpu.memory_space<vmem>>, vector<16xi32>,
        %get3A_561 = arith.index_cast %add3A_556 : i32 to index
        %get3A_562 = tpu.vector_load %arg6[%get3A_561] {strides = array<i32>} : memref<320xi32, #tpu.memory_space<vmem>>, vector<16xi32>,
        %swap3A_563 = arith.constant 16 : index
        %swap3A_564 = tpu.vector_load %arg13[%swap3A_563] {strides = array<i32>} : memref<32xi32, #tpu.memory_space<vmem>>, vector<16xi32>,
        tpu.vector_store %arg13[%swap3A_563], %get3A_562 {strides = array<i32>} : memref<32xi32, #tpu.memory_space<vmem>>, vector<16xi32>,
        %get3A_565 = arith.index_cast %add3A_556 : i32 to index
        %get3A_566 = tpu.vector_load %arg7[%get3A_565] {strides = array<i32>} : memref<320xi32, #tpu.memory_space<vmem>>, vector<16xi32>,
        %swap3A_567 = arith.constant 16 : index
        %swap3A_568 = tpu.vector_load %arg14[%swap3A_567] {strides = array<i32>} : memref<32xi32, #tpu.memory_space<vmem>>, vector<16xi32>,
        tpu.vector_store %arg14[%swap3A_567], %get3A_566 {strides = array<i32>} : memref<32xi32, #tpu.memory_space<vmem>>, vector<16xi32>,
        %dma_start3A_569 = arith.constant 0 : i32
        %dma_start3A_570 = arith.constant 0 : i32
        %dma_start3A_571 = tpu.memref_slice %arg3[%arg0, %dma_start3A_569, %dma_start3A_570] : memref<2x10000x64xbf16, #tpu.memory_space<hbm>> -> memref<1x10000x64xbf16, #tpu.memory_space<hbm>>
        %dma_start3A_572 = tpu.memref_squeeze %dma_start3A_571 : memref<1x10000x64xbf16, #tpu.memory_space<hbm>> -> memref<10000x64xbf16, #tpu.memory_space<hbm>>
        %dma_start3A_573 = arith.constant 0 : i32
        %dma_start3A_574 = arith.constant 0 : i32
        %dma_start3A_575 = tpu.memref_slice %dma_start3A_572[%dma_start3A_573, %dma_start3A_574] : memref<10000x64xbf16, #tpu.memory_space<hbm>> -> memref<10000x64xbf16, #tpu.memory_space<hbm>>
        tpu.enqueue_indirect_dma source(%dma_start3A_575 : memref<10000x64xbf16, #tpu.memory_space<hbm>>) target(%arg15 : memref<32x64xbf16, #tpu.memory_space<vmem>>) offsets(%arg13 : memref<32xi32, #tpu.memory_space<vmem>>) semaphore(%arg46 : memref<!tpu.dma_semaphore, #tpu.memory_space<semaphore_mem>>)
        %dma_start3A_576 = arith.constant 0 : i32
        %dma_start3A_577 = arith.constant 0 : i32
        %dma_start3A_578 = tpu.memref_slice %arg4[%arg0, %dma_start3A_576, %dma_start3A_577] : memref<2x10000x128xbf16, #tpu.memory_space<hbm>> -> memref<1x10000x128xbf16, #tpu.memory_space<hbm>>
        %dma_start3A_579 = tpu.memref_squeeze %dma_start3A_578 : memref<1x10000x128xbf16, #tpu.memory_space<hbm>> -> memref<10000x128xbf16, #tpu.memory_space<hbm>>
        %dma_start3A_580 = arith.constant 0 : i32
        %dma_start3A_581 = arith.constant 0 : i32
        %dma_start3A_582 = tpu.memref_slice %dma_start3A_579[%dma_start3A_580, %dma_start3A_581] : memref<10000x128xbf16, #tpu.memory_space<hbm>> -> memref<10000x128xbf16, #tpu.memory_space<hbm>>
        tpu.enqueue_indirect_dma source(%dma_start3A_582 : memref<10000x128xbf16, #tpu.memory_space<hbm>>) target(%arg16 : memref<32x128xbf16, #tpu.memory_space<vmem>>) offsets(%arg14 : memref<32xi32, #tpu.memory_space<vmem>>) semaphore(%arg46 : memref<!tpu.dma_semaphore, #tpu.memory_space<semaphore_mem>>)
      } else {
      }
      %dma_wait3A_382 = arith.constant 0 : i32
      %dma_wait3A_383 = arith.constant 0 : i32
      %dma_wait3A_384 = tpu.memref_slice %arg3[%arg0, %dma_wait3A_382, %dma_wait3A_383] : memref<2x10000x64xbf16, #tpu.memory_space<hbm>> -> memref<1x10000x64xbf16, #tpu.memory_space<hbm>>
      %dma_wait3A_385 = tpu.memref_squeeze %dma_wait3A_384 : memref<1x10000x64xbf16, #tpu.memory_space<hbm>> -> memref<10000x64xbf16, #tpu.memory_space<hbm>>
      %dma_wait3A_386 = arith.constant 0 : i32
      %dma_wait3A_387 = arith.constant 0 : i32
      %dma_wait3A_388 = tpu.memref_slice %dma_wait3A_385[%dma_wait3A_386, %dma_wait3A_387] : memref<10000x64xbf16, #tpu.memory_space<hbm>> -> memref<10000x64xbf16, #tpu.memory_space<hbm>>
      tpu.wait_indirect_dma semaphore(%arg47 : memref<!tpu.dma_semaphore, #tpu.memory_space<semaphore_mem>>) src(%dma_wait3A_388 : memref<10000x64xbf16, #tpu.memory_space<hbm>>) dst(%arg20 : memref<32x64xbf16, #tpu.memory_space<vmem>>)
      %dma_wait3A_389 = arith.constant 0 : i32
      %dma_wait3A_390 = arith.constant 0 : i32
      %dma_wait3A_391 = tpu.memref_slice %arg4[%arg0, %dma_wait3A_389, %dma_wait3A_390] : memref<2x10000x128xbf16, #tpu.memory_space<hbm>> -> memref<1x10000x128xbf16, #tpu.memory_space<hbm>>
      %dma_wait3A_392 = tpu.memref_squeeze %dma_wait3A_391 : memref<1x10000x128xbf16, #tpu.memory_space<hbm>> -> memref<10000x128xbf16, #tpu.memory_space<hbm>>
      %dma_wait3A_393 = arith.constant 0 : i32
      %dma_wait3A_394 = arith.constant 0 : i32
      %dma_wait3A_395 = tpu.memref_slice %dma_wait3A_392[%dma_wait3A_393, %dma_wait3A_394] : memref<10000x128xbf16, #tpu.memory_space<hbm>> -> memref<10000x128xbf16, #tpu.memory_space<hbm>>
      tpu.wait_indirect_dma semaphore(%arg47 : memref<!tpu.dma_semaphore, #tpu.memory_space<semaphore_mem>>) src(%dma_wait3A_395 : memref<10000x128xbf16, #tpu.memory_space<hbm>>) dst(%arg21 : memref<32x128xbf16, #tpu.memory_space<vmem>>)
      %ge3A_396 = arith.constant 5 : i32
      %ge3A_397 = arith.cmpi sge, %add3A_372, %ge3A_396 : i32
      %convert_element_type3A_398 = arith.extui %ge3A_397 : i1 to i32
      %cond3A_399 = arith.constant 0 : i32
      %cond3A_400 = arith.cmpi ne, %convert_element_type3A_398, %cond3A_399 : i32
      scf.if %cond3A_400 {
        %dma_wait3A_504 = arith.constant 0 : i32
        %dma_wait3A_505 = arith.constant 0 : i32
        %dma_wait3A_506 = tpu.memref_slice %arg44[%dma_wait3A_504, %dma_wait3A_505] : memref<10240x80xf32, #tpu.memory_space<vmem_shared>> -> memref<10240x80xf32, #tpu.memory_space<vmem_shared>>
        tpu.wait_indirect_dma semaphore(%arg52 : memref<!tpu.dma_semaphore, #tpu.memory_space<semaphore_mem>>) src(%arg35 : memref<32x80xf32, #tpu.memory_space<vmem>>) dst(%dma_wait3A_506 : memref<10240x80xf32, #tpu.memory_space<vmem_shared>>)
      } else {
      }
      %get3A_401 = arith.constant 0 : index
      %get3A_402 = tpu.vector_load %arg22[%get3A_401] {strides = array<i32>} : memref<32xi32, #tpu.memory_space<vmem>>, vector<16xi32>,
      %swap3A_403 = arith.constant 0 : index
      %swap3A_404 = tpu.vector_load %arg40[%swap3A_403] {strides = array<i32>} : memref<32xi32, #tpu.memory_space<vmem>>, vector<16xi32>,
      tpu.vector_store %arg40[%swap3A_403], %get3A_402 {strides = array<i32>} : memref<32xi32, #tpu.memory_space<vmem>>, vector<16xi32>,
      %get3A_405 = arith.constant 16 : index
      %get3A_406 = tpu.vector_load %arg22[%get3A_405] {strides = array<i32>} : memref<32xi32, #tpu.memory_space<vmem>>, vector<16xi32>,
      %swap3A_407 = arith.constant 16 : index
      %swap3A_408 = tpu.vector_load %arg40[%swap3A_407] {strides = array<i32>} : memref<32xi32, #tpu.memory_space<vmem>>, vector<16xi32>,
      tpu.vector_store %arg40[%swap3A_407], %get3A_406 {strides = array<i32>} : memref<32xi32, #tpu.memory_space<vmem>>, vector<16xi32>,
      %parallel_loop3A_409 = arith.constant 0 : i32
      %parallel_loop3A_410 = arith.constant 32 : i32
      %parallel_loop3A_411 = arith.constant 1 : i32
      scf.for %parallel_loop3A_504 = %parallel_loop3A_409 to %parallel_loop3A_410 step %parallel_loop3A_411  : i32 {
        %parallel_loop3A_505 = arith.index_cast %parallel_loop3A_504 : i32 to index
        %parallel_loop3A_506 = arith.constant 0 : index
        %parallel_loop3A_507 = tpu.vector_load %arg20[%parallel_loop3A_505, %parallel_loop3A_506] {strides = array<i32>} : memref<32x64xbf16, #tpu.memory_space<vmem>>, vector<32xbf16>,
        %parallel_loop3A_508 = tpu.unpack_subelements %parallel_loop3A_507, 0 {pack_format = #tpu.pack_format<interleaved>} : vector<32xbf16> -> vector<16xf32>
        %parallel_loop3A_509 = tpu.unpack_subelements %parallel_loop3A_507, 1 {pack_format = #tpu.pack_format<interleaved>} : vector<32xbf16> -> vector<16xf32>
        %parallel_loop3A_510 = arith.index_cast %parallel_loop3A_504 : i32 to index
        %parallel_loop3A_511 = arith.constant 0 : index
        %parallel_loop3A_512 = tpu.vector_load %arg21[%parallel_loop3A_510, %parallel_loop3A_511] {strides = array<i32>} : memref<32x128xbf16, #tpu.memory_space<vmem>>, vector<32xbf16>,
        %parallel_loop3A_513 = tpu.unpack_subelements %parallel_loop3A_512, 0 {pack_format = #tpu.pack_format<interleaved>} : vector<32xbf16> -> vector<16xf32>
        %parallel_loop3A_514 = tpu.unpack_subelements %parallel_loop3A_512, 1 {pack_format = #tpu.pack_format<interleaved>} : vector<32xbf16> -> vector<16xf32>
        %parallel_loop3A_515 = arith.mulf %parallel_loop3A_508, %parallel_loop3A_513 : vector<16xf32>
        %parallel_loop3A_516 = arith.addf %broadcast_in_dim3A_0, %parallel_loop3A_515 : vector<16xf32>
        %parallel_loop3A_517 = arith.mulf %parallel_loop3A_509, %parallel_loop3A_514 : vector<16xf32>
        %parallel_loop3A_518 = arith.addf %parallel_loop3A_516, %parallel_loop3A_517 : vector<16xf32>
        %parallel_loop3A_519 = arith.index_cast %parallel_loop3A_504 : i32 to index
        %parallel_loop3A_520 = arith.constant 32 : index
        %parallel_loop3A_521 = tpu.vector_load %arg20[%parallel_loop3A_519, %parallel_loop3A_520] {strides = array<i32>} : memref<32x64xbf16, #tpu.memory_space<vmem>>, vector<32xbf16>,
        %parallel_loop3A_522 = tpu.unpack_subelements %parallel_loop3A_521, 0 {pack_format = #tpu.pack_format<interleaved>} : vector<32xbf16> -> vector<16xf32>
        %parallel_loop3A_523 = tpu.unpack_subelements %parallel_loop3A_521, 1 {pack_format = #tpu.pack_format<interleaved>} : vector<32xbf16> -> vector<16xf32>
        %parallel_loop3A_524 = arith.index_cast %parallel_loop3A_504 : i32 to index
        %parallel_loop3A_525 = arith.constant 32 : index
        %parallel_loop3A_526 = tpu.vector_load %arg21[%parallel_loop3A_524, %parallel_loop3A_525] {strides = array<i32>} : memref<32x128xbf16, #tpu.memory_space<vmem>>, vector<32xbf16>,
        %parallel_loop3A_527 = tpu.unpack_subelements %parallel_loop3A_526, 0 {pack_format = #tpu.pack_format<interleaved>} : vector<32xbf16> -> vector<16xf32>
        %parallel_loop3A_528 = tpu.unpack_subelements %parallel_loop3A_526, 1 {pack_format = #tpu.pack_format<interleaved>} : vector<32xbf16> -> vector<16xf32>
        %parallel_loop3A_529 = arith.mulf %parallel_loop3A_522, %parallel_loop3A_527 : vector<16xf32>
        %parallel_loop3A_530 = arith.addf %parallel_loop3A_518, %parallel_loop3A_529 : vector<16xf32>
        %parallel_loop3A_531 = arith.mulf %parallel_loop3A_523, %parallel_loop3A_528 : vector<16xf32>
        %parallel_loop3A_532 = arith.addf %parallel_loop3A_530, %parallel_loop3A_531 : vector<16xf32>
        %parallel_loop3A_533 = vector.shape_cast %xor3A_15 : vector<16xi32> to vector<16x1xi32>
        %parallel_loop3A_534 = vector.shape_cast %parallel_loop3A_533 : vector<16x1xi32> to vector<16xi32>
        %parallel_loop3A_535 = tpu.dynamic_gather %parallel_loop3A_532[%parallel_loop3A_534] in [0] : vector<16xf32>, vector<16xi32> -> vector<16xf32>
        %parallel_loop3A_536 = arith.addf %parallel_loop3A_532, %parallel_loop3A_535 : vector<16xf32>
        %parallel_loop3A_537 = vector.shape_cast %xor3A_19 : vector<16xi32> to vector<16x1xi32>
        %parallel_loop3A_538 = vector.shape_cast %parallel_loop3A_537 : vector<16x1xi32> to vector<16xi32>
        %parallel_loop3A_539 = tpu.dynamic_gather %parallel_loop3A_536[%parallel_loop3A_538] in [0] : vector<16xf32>, vector<16xi32> -> vector<16xf32>
        %parallel_loop3A_540 = arith.addf %parallel_loop3A_536, %parallel_loop3A_539 : vector<16xf32>
        %parallel_loop3A_541 = math.exp %parallel_loop3A_540 : vector<16xf32>
        %parallel_loop3A_542 = arith.index_cast %parallel_loop3A_504 : i32 to index
        %parallel_loop3A_543 = arith.constant 64 : index
        %parallel_loop3A_544 = tpu.vector_load %arg21[%parallel_loop3A_542, %parallel_loop3A_543] {strides = array<i32>} : memref<32x128xbf16, #tpu.memory_space<vmem>>, vector<32xbf16>,
        %parallel_loop3A_545 = tpu.unpack_subelements %parallel_loop3A_544, 0 {pack_format = #tpu.pack_format<interleaved>} : vector<32xbf16> -> vector<16xf32>
        %parallel_loop3A_546 = tpu.unpack_subelements %parallel_loop3A_544, 1 {pack_format = #tpu.pack_format<interleaved>} : vector<32xbf16> -> vector<16xf32>
        %parallel_loop3A_547 = arith.mulf %parallel_loop3A_545, %parallel_loop3A_541 : vector<16xf32>
        %parallel_loop3A_548 = arith.index_cast %parallel_loop3A_504 : i32 to index
        %parallel_loop3A_549 = arith.constant 0 : index
        %parallel_loop3A_550 = tpu.vector_load %arg35[%parallel_loop3A_548, %parallel_loop3A_549] {strides = array<i32>} : memref<32x80xf32, #tpu.memory_space<vmem>>, vector<16xf32>,
        tpu.vector_store %arg35[%parallel_loop3A_548, %parallel_loop3A_549], %parallel_loop3A_547 {strides = array<i32>} : memref<32x80xf32, #tpu.memory_space<vmem>>, vector<16xf32>,
        %parallel_loop3A_551 = arith.mulf %parallel_loop3A_546, %parallel_loop3A_541 : vector<16xf32>
        %parallel_loop3A_552 = arith.index_cast %parallel_loop3A_504 : i32 to index
        %parallel_loop3A_553 = arith.constant 16 : index
        %parallel_loop3A_554 = tpu.vector_load %arg35[%parallel_loop3A_552, %parallel_loop3A_553] {strides = array<i32>} : memref<32x80xf32, #tpu.memory_space<vmem>>, vector<16xf32>,
        tpu.vector_store %arg35[%parallel_loop3A_552, %parallel_loop3A_553], %parallel_loop3A_551 {strides = array<i32>} : memref<32x80xf32, #tpu.memory_space<vmem>>, vector<16xf32>,
        %parallel_loop3A_555 = arith.index_cast %parallel_loop3A_504 : i32 to index
        %parallel_loop3A_556 = arith.constant 96 : index
        %parallel_loop3A_557 = tpu.vector_load %arg21[%parallel_loop3A_555, %parallel_loop3A_556] {strides = array<i32>} : memref<32x128xbf16, #tpu.memory_space<vmem>>, vector<32xbf16>,
        %parallel_loop3A_558 = tpu.unpack_subelements %parallel_loop3A_557, 0 {pack_format = #tpu.pack_format<interleaved>} : vector<32xbf16> -> vector<16xf32>
        %parallel_loop3A_559 = tpu.unpack_subelements %parallel_loop3A_557, 1 {pack_format = #tpu.pack_format<interleaved>} : vector<32xbf16> -> vector<16xf32>
        %parallel_loop3A_560 = arith.mulf %parallel_loop3A_558, %parallel_loop3A_541 : vector<16xf32>
        %parallel_loop3A_561 = arith.index_cast %parallel_loop3A_504 : i32 to index
        %parallel_loop3A_562 = arith.constant 32 : index
        %parallel_loop3A_563 = tpu.vector_load %arg35[%parallel_loop3A_561, %parallel_loop3A_562] {strides = array<i32>} : memref<32x80xf32, #tpu.memory_space<vmem>>, vector<16xf32>,
        tpu.vector_store %arg35[%parallel_loop3A_561, %parallel_loop3A_562], %parallel_loop3A_560 {strides = array<i32>} : memref<32x80xf32, #tpu.memory_space<vmem>>, vector<16xf32>,
        %parallel_loop3A_564 = arith.mulf %parallel_loop3A_559, %parallel_loop3A_541 : vector<16xf32>
        %parallel_loop3A_565 = arith.index_cast %parallel_loop3A_504 : i32 to index
        %parallel_loop3A_566 = arith.constant 48 : index
        %parallel_loop3A_567 = tpu.vector_load %arg35[%parallel_loop3A_565, %parallel_loop3A_566] {strides = array<i32>} : memref<32x80xf32, #tpu.memory_space<vmem>>, vector<16xf32>,
        tpu.vector_store %arg35[%parallel_loop3A_565, %parallel_loop3A_566], %parallel_loop3A_564 {strides = array<i32>} : memref<32x80xf32, #tpu.memory_space<vmem>>, vector<16xf32>,
        %parallel_loop3A_568 = arith.index_cast %parallel_loop3A_504 : i32 to index
        %parallel_loop3A_569 = arith.constant 64 : index
        %parallel_loop3A_570 = tpu.vector_load %arg35[%parallel_loop3A_568, %parallel_loop3A_569] {strides = array<i32>} : memref<32x80xf32, #tpu.memory_space<vmem>>, vector<16xf32>,
        tpu.vector_store %arg35[%parallel_loop3A_568, %parallel_loop3A_569], %parallel_loop3A_541 {strides = array<i32>} : memref<32x80xf32, #tpu.memory_space<vmem>>, vector<16xf32>,
      } {sc.loop_unroll_factor = 2 : i64, sc.parallel_access}
      %dma_start3A_412 = arith.constant 0 : i32
      %dma_start3A_413 = arith.constant 0 : i32
      %dma_start3A_414 = tpu.memref_slice %arg44[%dma_start3A_412, %dma_start3A_413] : memref<10240x80xf32, #tpu.memory_space<vmem_shared>> -> memref<10240x80xf32, #tpu.memory_space<vmem_shared>>
      tpu.enqueue_indirect_dma source(%arg35 : memref<32x80xf32, #tpu.memory_space<vmem>>) target(%dma_start3A_414 : memref<10240x80xf32, #tpu.memory_space<vmem_shared>>) offsets(%arg40 : memref<32xi32, #tpu.memory_space<vmem>>) semaphore(%arg52 : memref<!tpu.dma_semaphore, #tpu.memory_space<semaphore_mem>>) {add = true}
      %add3A_415 = arith.constant 3 : i32
      %add3A_416 = arith.addi %mul3A_288, %add3A_415 : i32
      %add3A_417 = arith.constant 5 : i32
      %add3A_418 = arith.addi %add3A_416, %add3A_417 : i32
      %sub3A_419 = arith.constant 1 : i32
      %sub3A_420 = arith.subi %add3A_418, %sub3A_419 : i32
      %lt3A_421 = arith.constant 625 : i32
      %lt3A_422 = arith.cmpi slt, %sub3A_420, %lt3A_421 : i32
      %convert_element_type3A_423 = arith.extui %lt3A_422 : i1 to i32
      %cond3A_424 = arith.constant 0 : i32
      %cond3A_425 = arith.cmpi ne, %convert_element_type3A_423, %cond3A_424 : i32
      scf.if %cond3A_425 {
        %add3A_504 = arith.constant 5 : i32
        %add3A_505 = arith.addi %add3A_416, %add3A_504 : i32
        %sub3A_506 = arith.constant 1 : i32
        %sub3A_507 = arith.subi %add3A_505, %sub3A_506 : i32
        %jit3A = arith.constant 5 : i32
        %eq3A = arith.constant 0 : i32
        %eq3A_508 = arith.cmpi eq, %jit3A, %eq3A : i32
        %jit3A_509 = arith.constant 1 : i32
        %select_n3A = arith.select %eq3A_508, %jit3A_509, %jit3A : i32
        %rem3A = arith.remsi %sub3A_507, %select_n3A : i32
        %ne3A = arith.constant 0 : i32
        %ne3A_510 = arith.cmpi ne, %rem3A, %ne3A : i32
        %lt3A_511 = arith.constant 0 : i32
        %lt3A_512 = arith.cmpi slt, %rem3A, %lt3A_511 : i32
        %lt3A_513 = arith.constant 0 : i32
        %lt3A_514 = arith.cmpi slt, %select_n3A, %lt3A_513 : i32
        %ne3A_515 = arith.xori %lt3A_512, %lt3A_514 : i1
        %and3A = arith.andi %ne3A_515, %ne3A_510 : i1
        %add3A_516 = arith.addi %rem3A, %select_n3A : i32
        %select_n3A_517 = arith.select %and3A, %add3A_516, %rem3A : i32
        %eq3A_518 = arith.constant 0 : i32
        %eq3A_519 = arith.cmpi eq, %select_n3A_517, %eq3A_518 : i32
        %convert_element_type3A_520 = arith.extui %eq3A_519 : i1 to i32
        %cond3A_521 = arith.constant 0 : i32
        %cond3A_522 = arith.cmpi ne, %convert_element_type3A_520, %cond3A_521 : i32
        scf.if %cond3A_522 {
          %jit3A_583 = arith.constant 5 : i32
          %div3A = arith.divsi %sub3A_507, %jit3A_583 : i32
          %sign3A = arith.constant 0 : i32
          %sign3A_584 = arith.cmpi sgt, %sub3A_507, %sign3A : i32
          %sign3A_585 = arith.extui %sign3A_584 : i1 to i32
          %sign3A_586 = arith.constant 0 : i32
          %sign3A_587 = arith.cmpi slt, %sub3A_507, %sign3A_586 : i32
          %sign3A_588 = arith.extui %sign3A_587 : i1 to i32
          %sign3A_589 = arith.subi %sign3A_585, %sign3A_588 : i32
          %sign3A_590 = arith.constant 0 : i32
          %sign3A_591 = arith.cmpi sgt, %jit3A_583, %sign3A_590 : i32
          %sign3A_592 = arith.extui %sign3A_591 : i1 to i32
          %sign3A_593 = arith.constant 0 : i32
          %sign3A_594 = arith.cmpi slt, %jit3A_583, %sign3A_593 : i32
          %sign3A_595 = arith.extui %sign3A_594 : i1 to i32
          %sign3A_596 = arith.subi %sign3A_592, %sign3A_595 : i32
          %ne3A_597 = arith.cmpi ne, %sign3A_589, %sign3A_596 : i32
          %rem3A_598 = arith.remsi %sub3A_507, %jit3A_583 : i32
          %ne3A_599 = arith.constant 0 : i32
          %ne3A_600 = arith.cmpi ne, %rem3A_598, %ne3A_599 : i32
          %and3A_601 = arith.andi %ne3A_597, %ne3A_600 : i1
          %sub3A_602 = arith.constant 1 : i32
          %sub3A_603 = arith.subi %div3A, %sub3A_602 : i32
          %select_n3A_604 = arith.select %and3A_601, %sub3A_603, %div3A : i32
          %jit3A_605 = arith.constant 2 : i32
          %eq3A_606 = arith.constant 0 : i32
          %eq3A_607 = arith.cmpi eq, %jit3A_605, %eq3A_606 : i32
          %jit3A_608 = arith.constant 1 : i32
          %select_n3A_609 = arith.select %eq3A_607, %jit3A_608, %jit3A_605 : i32
          %rem3A_610 = arith.remsi %select_n3A_604, %select_n3A_609 : i32
          %ne3A_611 = arith.constant 0 : i32
          %ne3A_612 = arith.cmpi ne, %rem3A_610, %ne3A_611 : i32
          %lt3A_613 = arith.constant 0 : i32
          %lt3A_614 = arith.cmpi slt, %rem3A_610, %lt3A_613 : i32
          %lt3A_615 = arith.constant 0 : i32
          %lt3A_616 = arith.cmpi slt, %select_n3A_609, %lt3A_615 : i32
          %ne3A_617 = arith.xori %lt3A_614, %lt3A_616 : i1
          %and3A_618 = arith.andi %ne3A_617, %ne3A_612 : i1
          %add3A_619 = arith.addi %rem3A_610, %select_n3A_609 : i32
          %select_n3A_620 = arith.select %and3A_618, %add3A_619, %rem3A_610 : i32
          %mul3A_621 = arith.constant 160 : i32
          %mul3A_622 = arith.muli %select_n3A_620, %mul3A_621 : i32
          %mul3A_623 = arith.constant 20000 : i32
          %mul3A_624 = arith.muli %arg1, %mul3A_623 : i32
          %mul3A_625 = arith.constant 160 : i32
          %mul3A_626 = arith.muli %select_n3A_604, %mul3A_625 : i32
          %add3A_627 = arith.addi %mul3A_624, %mul3A_626 : i32
          %dma_wait3A_628 = tpu.memref_slice %arg6[%mul3A_622] : memref<320xi32, #tpu.memory_space<vmem>> -> memref<160xi32, #tpu.memory_space<vmem>>
          %dma_wait3A_629 = arith.constant 0 : i32
          %dma_wait3A_630 = tpu.memref_slice %arg2[%scan3A_256, %dma_wait3A_629] : memref<2x320000xi32, #tpu.memory_space<hbm>> -> memref<1x320000xi32, #tpu.memory_space<hbm>>
          %dma_wait3A_631 = tpu.memref_squeeze %dma_wait3A_630 : memref<1x320000xi32, #tpu.memory_space<hbm>> -> memref<320000xi32, #tpu.memory_space<hbm>>
          %dma_wait3A_632 = tpu.memref_slice %dma_wait3A_631[%add3A_627] : memref<320000xi32, #tpu.memory_space<hbm>> -> memref<160xi32, #tpu.memory_space<hbm>>
          %dma_wait3A_633 = tpu.memref_slice %arg6[%mul3A_622] : memref<320xi32, #tpu.memory_space<vmem>> -> memref<160xi32, #tpu.memory_space<vmem>>
          %dma_wait3A_634 = arith.constant 0 : i32
          %dma_wait3A_635 = tpu.memref_slice %arg2[%scan3A_256, %dma_wait3A_634] : memref<2x320000xi32, #tpu.memory_space<hbm>> -> memref<1x320000xi32, #tpu.memory_space<hbm>>
          %dma_wait3A_636 = tpu.memref_squeeze %dma_wait3A_635 : memref<1x320000xi32, #tpu.memory_space<hbm>> -> memref<320000xi32, #tpu.memory_space<hbm>>
          %dma_wait3A_637 = tpu.memref_slice %dma_wait3A_636[%add3A_627] : memref<320000xi32, #tpu.memory_space<hbm>> -> memref<160xi32, #tpu.memory_space<hbm>>
          tpu.wait_dma2 semaphore(%arg55 : memref<!tpu.dma_semaphore, #tpu.memory_space<semaphore_mem>>) src(%dma_wait3A_637 : memref<160xi32, #tpu.memory_space<hbm>>) dst(%dma_wait3A_633 : memref<160xi32, #tpu.memory_space<vmem>>)
          %dma_wait3A_638 = tpu.memref_slice %arg7[%mul3A_622] : memref<320xi32, #tpu.memory_space<vmem>> -> memref<160xi32, #tpu.memory_space<vmem>>
          %dma_wait3A_639 = arith.constant 0 : i32
          %dma_wait3A_640 = tpu.memref_slice %arg2[%scan3A_257, %dma_wait3A_639] : memref<2x320000xi32, #tpu.memory_space<hbm>> -> memref<1x320000xi32, #tpu.memory_space<hbm>>
          %dma_wait3A_641 = tpu.memref_squeeze %dma_wait3A_640 : memref<1x320000xi32, #tpu.memory_space<hbm>> -> memref<320000xi32, #tpu.memory_space<hbm>>
          %dma_wait3A_642 = tpu.memref_slice %dma_wait3A_641[%add3A_627] : memref<320000xi32, #tpu.memory_space<hbm>> -> memref<160xi32, #tpu.memory_space<hbm>>
          %dma_wait3A_643 = tpu.memref_slice %arg7[%mul3A_622] : memref<320xi32, #tpu.memory_space<vmem>> -> memref<160xi32, #tpu.memory_space<vmem>>
          %dma_wait3A_644 = arith.constant 0 : i32
          %dma_wait3A_645 = tpu.memref_slice %arg2[%scan3A_257, %dma_wait3A_644] : memref<2x320000xi32, #tpu.memory_space<hbm>> -> memref<1x320000xi32, #tpu.memory_space<hbm>>
          %dma_wait3A_646 = tpu.memref_squeeze %dma_wait3A_645 : memref<1x320000xi32, #tpu.memory_space<hbm>> -> memref<320000xi32, #tpu.memory_space<hbm>>
          %dma_wait3A_647 = tpu.memref_slice %dma_wait3A_646[%add3A_627] : memref<320000xi32, #tpu.memory_space<hbm>> -> memref<160xi32, #tpu.memory_space<hbm>>
          tpu.wait_dma2 semaphore(%arg55 : memref<!tpu.dma_semaphore, #tpu.memory_space<semaphore_mem>>) src(%dma_wait3A_647 : memref<160xi32, #tpu.memory_space<hbm>>) dst(%dma_wait3A_643 : memref<160xi32, #tpu.memory_space<vmem>>)
          %add3A_648 = arith.constant 5 : i32
          %add3A_649 = arith.addi %sub3A_507, %add3A_648 : i32
          %lt3A_650 = arith.constant 625 : i32
          %lt3A_651 = arith.cmpi slt, %add3A_649, %lt3A_650 : i32
          %convert_element_type3A_652 = arith.extui %lt3A_651 : i1 to i32
          %cond3A_653 = arith.constant 0 : i32
          %cond3A_654 = arith.cmpi ne, %convert_element_type3A_652, %cond3A_653 : i32
          scf.if %cond3A_654 {
            %add3A_655 = arith.constant 1 : i32
            %add3A_656 = arith.addi %select_n3A_604, %add3A_655 : i32
            %jit3A_657 = arith.constant 2 : i32
            %eq3A_658 = arith.constant 0 : i32
            %eq3A_659 = arith.cmpi eq, %jit3A_657, %eq3A_658 : i32
            %jit3A_660 = arith.constant 1 : i32
            %select_n3A_661 = arith.select %eq3A_659, %jit3A_660, %jit3A_657 : i32
            %rem3A_662 = arith.remsi %add3A_656, %select_n3A_661 : i32
            %ne3A_663 = arith.constant 0 : i32
            %ne3A_664 = arith.cmpi ne, %rem3A_662, %ne3A_663 : i32
            %lt3A_665 = arith.constant 0 : i32
            %lt3A_666 = arith.cmpi slt, %rem3A_662, %lt3A_665 : i32
            %lt3A_667 = arith.constant 0 : i32
            %lt3A_668 = arith.cmpi slt, %select_n3A_661, %lt3A_667 : i32
            %ne3A_669 = arith.xori %lt3A_666, %lt3A_668 : i1
            %and3A_670 = arith.andi %ne3A_669, %ne3A_664 : i1
            %add3A_671 = arith.addi %rem3A_662, %select_n3A_661 : i32
            %select_n3A_672 = arith.select %and3A_670, %add3A_671, %rem3A_662 : i32
            %mul3A_673 = arith.constant 160 : i32
            %mul3A_674 = arith.muli %select_n3A_672, %mul3A_673 : i32
            %mul3A_675 = arith.constant 20000 : i32
            %mul3A_676 = arith.muli %arg1, %mul3A_675 : i32
            %mul3A_677 = arith.constant 160 : i32
            %mul3A_678 = arith.muli %add3A_656, %mul3A_677 : i32
            %add3A_679 = arith.addi %mul3A_676, %mul3A_678 : i32
            %dma_start3A_680 = tpu.memref_slice %arg6[%mul3A_674] : memref<320xi32, #tpu.memory_space<vmem>> -> memref<160xi32, #tpu.memory_space<vmem>>
            %dma_start3A_681 = arith.constant 0 : i32
            %dma_start3A_682 = tpu.memref_slice %arg2[%scan3A_256, %dma_start3A_681] : memref<2x320000xi32, #tpu.memory_space<hbm>> -> memref<1x320000xi32, #tpu.memory_space<hbm>>
            %dma_start3A_683 = tpu.memref_squeeze %dma_start3A_682 : memref<1x320000xi32, #tpu.memory_space<hbm>> -> memref<320000xi32, #tpu.memory_space<hbm>>
            %dma_start3A_684 = tpu.memref_slice %dma_start3A_683[%add3A_679] : memref<320000xi32, #tpu.memory_space<hbm>> -> memref<160xi32, #tpu.memory_space<hbm>>
            %dma_start3A_685 = tpu.memref_slice %arg6[%mul3A_674] : memref<320xi32, #tpu.memory_space<vmem>> -> memref<160xi32, #tpu.memory_space<vmem>>
            %dma_start3A_686 = arith.constant 0 : i32
            %dma_start3A_687 = tpu.memref_slice %arg2[%scan3A_256, %dma_start3A_686] : memref<2x320000xi32, #tpu.memory_space<hbm>> -> memref<1x320000xi32, #tpu.memory_space<hbm>>
            %dma_start3A_688 = tpu.memref_squeeze %dma_start3A_687 : memref<1x320000xi32, #tpu.memory_space<hbm>> -> memref<320000xi32, #tpu.memory_space<hbm>>
            %dma_start3A_689 = tpu.memref_slice %dma_start3A_688[%add3A_679] : memref<320000xi32, #tpu.memory_space<hbm>> -> memref<160xi32, #tpu.memory_space<hbm>>
            tpu.enqueue_dma source(%dma_start3A_689 : memref<160xi32, #tpu.memory_space<hbm>>) target(%dma_start3A_685 : memref<160xi32, #tpu.memory_space<vmem>>) target_semaphore(%arg55 : memref<!tpu.dma_semaphore, #tpu.memory_space<semaphore_mem>>)
            %dma_start3A_690 = tpu.memref_slice %arg7[%mul3A_674] : memref<320xi32, #tpu.memory_space<vmem>> -> memref<160xi32, #tpu.memory_space<vmem>>
            %dma_start3A_691 = arith.constant 0 : i32
            %dma_start3A_692 = tpu.memref_slice %arg2[%scan3A_257, %dma_start3A_691] : memref<2x320000xi32, #tpu.memory_space<hbm>> -> memref<1x320000xi32, #tpu.memory_space<hbm>>
            %dma_start3A_693 = tpu.memref_squeeze %dma_start3A_692 : memref<1x320000xi32, #tpu.memory_space<hbm>> -> memref<320000xi32, #tpu.memory_space<hbm>>
            %dma_start3A_694 = tpu.memref_slice %dma_start3A_693[%add3A_679] : memref<320000xi32, #tpu.memory_space<hbm>> -> memref<160xi32, #tpu.memory_space<hbm>>
            %dma_start3A_695 = tpu.memref_slice %arg7[%mul3A_674] : memref<320xi32, #tpu.memory_space<vmem>> -> memref<160xi32, #tpu.memory_space<vmem>>
            %dma_start3A_696 = arith.constant 0 : i32
            %dma_start3A_697 = tpu.memref_slice %arg2[%scan3A_257, %dma_start3A_696] : memref<2x320000xi32, #tpu.memory_space<hbm>> -> memref<1x320000xi32, #tpu.memory_space<hbm>>
            %dma_start3A_698 = tpu.memref_squeeze %dma_start3A_697 : memref<1x320000xi32, #tpu.memory_space<hbm>> -> memref<320000xi32, #tpu.memory_space<hbm>>
            %dma_start3A_699 = tpu.memref_slice %dma_start3A_698[%add3A_679] : memref<320000xi32, #tpu.memory_space<hbm>> -> memref<160xi32, #tpu.memory_space<hbm>>
            tpu.enqueue_dma source(%dma_start3A_699 : memref<160xi32, #tpu.memory_space<hbm>>) target(%dma_start3A_695 : memref<160xi32, #tpu.memory_space<vmem>>) target_semaphore(%arg55 : memref<!tpu.dma_semaphore, #tpu.memory_space<semaphore_mem>>)
          } else {
          }
        } else {
        }
        %jit3A_523 = arith.constant 10 : i32
        %eq3A_524 = arith.constant 0 : i32
        %eq3A_525 = arith.cmpi eq, %jit3A_523, %eq3A_524 : i32
        %jit3A_526 = arith.constant 1 : i32
        %select_n3A_527 = arith.select %eq3A_525, %jit3A_526, %jit3A_523 : i32
        %rem3A_528 = arith.remsi %sub3A_507, %select_n3A_527 : i32
        %ne3A_529 = arith.constant 0 : i32
        %ne3A_530 = arith.cmpi ne, %rem3A_528, %ne3A_529 : i32
        %lt3A_531 = arith.constant 0 : i32
        %lt3A_532 = arith.cmpi slt, %rem3A_528, %lt3A_531 : i32
        %lt3A_533 = arith.constant 0 : i32
        %lt3A_534 = arith.cmpi slt, %select_n3A_527, %lt3A_533 : i32
        %ne3A_535 = arith.xori %lt3A_532, %lt3A_534 : i1
        %and3A_536 = arith.andi %ne3A_535, %ne3A_530 : i1
        %add3A_537 = arith.addi %rem3A_528, %select_n3A_527 : i32
        %select_n3A_538 = arith.select %and3A_536, %add3A_537, %rem3A_528 : i32
        %mul3A_539 = arith.constant 32 : i32
        %mul3A_540 = arith.muli %select_n3A_538, %mul3A_539 : i32
        %add3A_541 = arith.constant 0 : i32
        %add3A_542 = arith.addi %mul3A_540, %add3A_541 : i32
        %get3A_543 = arith.index_cast %add3A_542 : i32 to index
        %get3A_544 = tpu.vector_load %arg6[%get3A_543] {strides = array<i32>} : memref<320xi32, #tpu.memory_space<vmem>>, vector<16xi32>,
        %swap3A_545 = arith.constant 0 : index
        %swap3A_546 = tpu.vector_load %arg22[%swap3A_545] {strides = array<i32>} : memref<32xi32, #tpu.memory_space<vmem>>, vector<16xi32>,
        tpu.vector_store %arg22[%swap3A_545], %get3A_544 {strides = array<i32>} : memref<32xi32, #tpu.memory_space<vmem>>, vector<16xi32>,
        %get3A_547 = arith.index_cast %add3A_542 : i32 to index
        %get3A_548 = tpu.vector_load %arg6[%get3A_547] {strides = array<i32>} : memref<320xi32, #tpu.memory_space<vmem>>, vector<16xi32>,
        %swap3A_549 = arith.constant 0 : index
        %swap3A_550 = tpu.vector_load %arg18[%swap3A_549] {strides = array<i32>} : memref<32xi32, #tpu.memory_space<vmem>>, vector<16xi32>,
        tpu.vector_store %arg18[%swap3A_549], %get3A_548 {strides = array<i32>} : memref<32xi32, #tpu.memory_space<vmem>>, vector<16xi32>,
        %get3A_551 = arith.index_cast %add3A_542 : i32 to index
        %get3A_552 = tpu.vector_load %arg7[%get3A_551] {strides = array<i32>} : memref<320xi32, #tpu.memory_space<vmem>>, vector<16xi32>,
        %swap3A_553 = arith.constant 0 : index
        %swap3A_554 = tpu.vector_load %arg19[%swap3A_553] {strides = array<i32>} : memref<32xi32, #tpu.memory_space<vmem>>, vector<16xi32>,
        tpu.vector_store %arg19[%swap3A_553], %get3A_552 {strides = array<i32>} : memref<32xi32, #tpu.memory_space<vmem>>, vector<16xi32>,
        %add3A_555 = arith.constant 16 : i32
        %add3A_556 = arith.addi %mul3A_540, %add3A_555 : i32
        %get3A_557 = arith.index_cast %add3A_556 : i32 to index
        %get3A_558 = tpu.vector_load %arg6[%get3A_557] {strides = array<i32>} : memref<320xi32, #tpu.memory_space<vmem>>, vector<16xi32>,
        %swap3A_559 = arith.constant 16 : index
        %swap3A_560 = tpu.vector_load %arg22[%swap3A_559] {strides = array<i32>} : memref<32xi32, #tpu.memory_space<vmem>>, vector<16xi32>,
        tpu.vector_store %arg22[%swap3A_559], %get3A_558 {strides = array<i32>} : memref<32xi32, #tpu.memory_space<vmem>>, vector<16xi32>,
        %get3A_561 = arith.index_cast %add3A_556 : i32 to index
        %get3A_562 = tpu.vector_load %arg6[%get3A_561] {strides = array<i32>} : memref<320xi32, #tpu.memory_space<vmem>>, vector<16xi32>,
        %swap3A_563 = arith.constant 16 : index
        %swap3A_564 = tpu.vector_load %arg18[%swap3A_563] {strides = array<i32>} : memref<32xi32, #tpu.memory_space<vmem>>, vector<16xi32>,
        tpu.vector_store %arg18[%swap3A_563], %get3A_562 {strides = array<i32>} : memref<32xi32, #tpu.memory_space<vmem>>, vector<16xi32>,
        %get3A_565 = arith.index_cast %add3A_556 : i32 to index
        %get3A_566 = tpu.vector_load %arg7[%get3A_565] {strides = array<i32>} : memref<320xi32, #tpu.memory_space<vmem>>, vector<16xi32>,
        %swap3A_567 = arith.constant 16 : index
        %swap3A_568 = tpu.vector_load %arg19[%swap3A_567] {strides = array<i32>} : memref<32xi32, #tpu.memory_space<vmem>>, vector<16xi32>,
        tpu.vector_store %arg19[%swap3A_567], %get3A_566 {strides = array<i32>} : memref<32xi32, #tpu.memory_space<vmem>>, vector<16xi32>,
        %dma_start3A_569 = arith.constant 0 : i32
        %dma_start3A_570 = arith.constant 0 : i32
        %dma_start3A_571 = tpu.memref_slice %arg3[%arg0, %dma_start3A_569, %dma_start3A_570] : memref<2x10000x64xbf16, #tpu.memory_space<hbm>> -> memref<1x10000x64xbf16, #tpu.memory_space<hbm>>
        %dma_start3A_572 = tpu.memref_squeeze %dma_start3A_571 : memref<1x10000x64xbf16, #tpu.memory_space<hbm>> -> memref<10000x64xbf16, #tpu.memory_space<hbm>>
        %dma_start3A_573 = arith.constant 0 : i32
        %dma_start3A_574 = arith.constant 0 : i32
        %dma_start3A_575 = tpu.memref_slice %dma_start3A_572[%dma_start3A_573, %dma_start3A_574] : memref<10000x64xbf16, #tpu.memory_space<hbm>> -> memref<10000x64xbf16, #tpu.memory_space<hbm>>
        tpu.enqueue_indirect_dma source(%dma_start3A_575 : memref<10000x64xbf16, #tpu.memory_space<hbm>>) target(%arg20 : memref<32x64xbf16, #tpu.memory_space<vmem>>) offsets(%arg18 : memref<32xi32, #tpu.memory_space<vmem>>) semaphore(%arg47 : memref<!tpu.dma_semaphore, #tpu.memory_space<semaphore_mem>>)
        %dma_start3A_576 = arith.constant 0 : i32
        %dma_start3A_577 = arith.constant 0 : i32
        %dma_start3A_578 = tpu.memref_slice %arg4[%arg0, %dma_start3A_576, %dma_start3A_577] : memref<2x10000x128xbf16, #tpu.memory_space<hbm>> -> memref<1x10000x128xbf16, #tpu.memory_space<hbm>>
        %dma_start3A_579 = tpu.memref_squeeze %dma_start3A_578 : memref<1x10000x128xbf16, #tpu.memory_space<hbm>> -> memref<10000x128xbf16, #tpu.memory_space<hbm>>
        %dma_start3A_580 = arith.constant 0 : i32
        %dma_start3A_581 = arith.constant 0 : i32
        %dma_start3A_582 = tpu.memref_slice %dma_start3A_579[%dma_start3A_580, %dma_start3A_581] : memref<10000x128xbf16, #tpu.memory_space<hbm>> -> memref<10000x128xbf16, #tpu.memory_space<hbm>>
        tpu.enqueue_indirect_dma source(%dma_start3A_582 : memref<10000x128xbf16, #tpu.memory_space<hbm>>) target(%arg21 : memref<32x128xbf16, #tpu.memory_space<vmem>>) offsets(%arg19 : memref<32xi32, #tpu.memory_space<vmem>>) semaphore(%arg47 : memref<!tpu.dma_semaphore, #tpu.memory_space<semaphore_mem>>)
      } else {
      }
      %dma_wait3A_426 = arith.constant 0 : i32
      %dma_wait3A_427 = arith.constant 0 : i32
      %dma_wait3A_428 = tpu.memref_slice %arg3[%arg0, %dma_wait3A_426, %dma_wait3A_427] : memref<2x10000x64xbf16, #tpu.memory_space<hbm>> -> memref<1x10000x64xbf16, #tpu.memory_space<hbm>>
      %dma_wait3A_429 = tpu.memref_squeeze %dma_wait3A_428 : memref<1x10000x64xbf16, #tpu.memory_space<hbm>> -> memref<10000x64xbf16, #tpu.memory_space<hbm>>
      %dma_wait3A_430 = arith.constant 0 : i32
      %dma_wait3A_431 = arith.constant 0 : i32
      %dma_wait3A_432 = tpu.memref_slice %dma_wait3A_429[%dma_wait3A_430, %dma_wait3A_431] : memref<10000x64xbf16, #tpu.memory_space<hbm>> -> memref<10000x64xbf16, #tpu.memory_space<hbm>>
      tpu.wait_indirect_dma semaphore(%arg48 : memref<!tpu.dma_semaphore, #tpu.memory_space<semaphore_mem>>) src(%dma_wait3A_432 : memref<10000x64xbf16, #tpu.memory_space<hbm>>) dst(%arg25 : memref<32x64xbf16, #tpu.memory_space<vmem>>)
      %dma_wait3A_433 = arith.constant 0 : i32
      %dma_wait3A_434 = arith.constant 0 : i32
      %dma_wait3A_435 = tpu.memref_slice %arg4[%arg0, %dma_wait3A_433, %dma_wait3A_434] : memref<2x10000x128xbf16, #tpu.memory_space<hbm>> -> memref<1x10000x128xbf16, #tpu.memory_space<hbm>>
      %dma_wait3A_436 = tpu.memref_squeeze %dma_wait3A_435 : memref<1x10000x128xbf16, #tpu.memory_space<hbm>> -> memref<10000x128xbf16, #tpu.memory_space<hbm>>
      %dma_wait3A_437 = arith.constant 0 : i32
      %dma_wait3A_438 = arith.constant 0 : i32
      %dma_wait3A_439 = tpu.memref_slice %dma_wait3A_436[%dma_wait3A_437, %dma_wait3A_438] : memref<10000x128xbf16, #tpu.memory_space<hbm>> -> memref<10000x128xbf16, #tpu.memory_space<hbm>>
      tpu.wait_indirect_dma semaphore(%arg48 : memref<!tpu.dma_semaphore, #tpu.memory_space<semaphore_mem>>) src(%dma_wait3A_439 : memref<10000x128xbf16, #tpu.memory_space<hbm>>) dst(%arg26 : memref<32x128xbf16, #tpu.memory_space<vmem>>)
      %ge3A_440 = arith.constant 5 : i32
      %ge3A_441 = arith.cmpi sge, %add3A_416, %ge3A_440 : i32
      %convert_element_type3A_442 = arith.extui %ge3A_441 : i1 to i32
      %cond3A_443 = arith.constant 0 : i32
      %cond3A_444 = arith.cmpi ne, %convert_element_type3A_442, %cond3A_443 : i32
      scf.if %cond3A_444 {
        %dma_wait3A_504 = arith.constant 0 : i32
        %dma_wait3A_505 = arith.constant 0 : i32
        %dma_wait3A_506 = tpu.memref_slice %arg44[%dma_wait3A_504, %dma_wait3A_505] : memref<10240x80xf32, #tpu.memory_space<vmem_shared>> -> memref<10240x80xf32, #tpu.memory_space<vmem_shared>>
        tpu.wait_indirect_dma semaphore(%arg53 : memref<!tpu.dma_semaphore, #tpu.memory_space<semaphore_mem>>) src(%arg36 : memref<32x80xf32, #tpu.memory_space<vmem>>) dst(%dma_wait3A_506 : memref<10240x80xf32, #tpu.memory_space<vmem_shared>>)
      } else {
      }
      %get3A_445 = arith.constant 0 : index
      %get3A_446 = tpu.vector_load %arg27[%get3A_445] {strides = array<i32>} : memref<32xi32, #tpu.memory_space<vmem>>, vector<16xi32>,
      %swap3A_447 = arith.constant 0 : index
      %swap3A_448 = tpu.vector_load %arg41[%swap3A_447] {strides = array<i32>} : memref<32xi32, #tpu.memory_space<vmem>>, vector<16xi32>,
      tpu.vector_store %arg41[%swap3A_447], %get3A_446 {strides = array<i32>} : memref<32xi32, #tpu.memory_space<vmem>>, vector<16xi32>,
      %get3A_449 = arith.constant 16 : index
      %get3A_450 = tpu.vector_load %arg27[%get3A_449] {strides = array<i32>} : memref<32xi32, #tpu.memory_space<vmem>>, vector<16xi32>,
      %swap3A_451 = arith.constant 16 : index
      %swap3A_452 = tpu.vector_load %arg41[%swap3A_451] {strides = array<i32>} : memref<32xi32, #tpu.memory_space<vmem>>, vector<16xi32>,
      tpu.vector_store %arg41[%swap3A_451], %get3A_450 {strides = array<i32>} : memref<32xi32, #tpu.memory_space<vmem>>, vector<16xi32>,
      %parallel_loop3A_453 = arith.constant 0 : i32
      %parallel_loop3A_454 = arith.constant 32 : i32
      %parallel_loop3A_455 = arith.constant 1 : i32
      scf.for %parallel_loop3A_504 = %parallel_loop3A_453 to %parallel_loop3A_454 step %parallel_loop3A_455  : i32 {
        %parallel_loop3A_505 = arith.index_cast %parallel_loop3A_504 : i32 to index
        %parallel_loop3A_506 = arith.constant 0 : index
        %parallel_loop3A_507 = tpu.vector_load %arg25[%parallel_loop3A_505, %parallel_loop3A_506] {strides = array<i32>} : memref<32x64xbf16, #tpu.memory_space<vmem>>, vector<32xbf16>,
        %parallel_loop3A_508 = tpu.unpack_subelements %parallel_loop3A_507, 0 {pack_format = #tpu.pack_format<interleaved>} : vector<32xbf16> -> vector<16xf32>
        %parallel_loop3A_509 = tpu.unpack_subelements %parallel_loop3A_507, 1 {pack_format = #tpu.pack_format<interleaved>} : vector<32xbf16> -> vector<16xf32>
        %parallel_loop3A_510 = arith.index_cast %parallel_loop3A_504 : i32 to index
        %parallel_loop3A_511 = arith.constant 0 : index
        %parallel_loop3A_512 = tpu.vector_load %arg26[%parallel_loop3A_510, %parallel_loop3A_511] {strides = array<i32>} : memref<32x128xbf16, #tpu.memory_space<vmem>>, vector<32xbf16>,
        %parallel_loop3A_513 = tpu.unpack_subelements %parallel_loop3A_512, 0 {pack_format = #tpu.pack_format<interleaved>} : vector<32xbf16> -> vector<16xf32>
        %parallel_loop3A_514 = tpu.unpack_subelements %parallel_loop3A_512, 1 {pack_format = #tpu.pack_format<interleaved>} : vector<32xbf16> -> vector<16xf32>
        %parallel_loop3A_515 = arith.mulf %parallel_loop3A_508, %parallel_loop3A_513 : vector<16xf32>
        %parallel_loop3A_516 = arith.addf %broadcast_in_dim3A_0, %parallel_loop3A_515 : vector<16xf32>
        %parallel_loop3A_517 = arith.mulf %parallel_loop3A_509, %parallel_loop3A_514 : vector<16xf32>
        %parallel_loop3A_518 = arith.addf %parallel_loop3A_516, %parallel_loop3A_517 : vector<16xf32>
        %parallel_loop3A_519 = arith.index_cast %parallel_loop3A_504 : i32 to index
        %parallel_loop3A_520 = arith.constant 32 : index
        %parallel_loop3A_521 = tpu.vector_load %arg25[%parallel_loop3A_519, %parallel_loop3A_520] {strides = array<i32>} : memref<32x64xbf16, #tpu.memory_space<vmem>>, vector<32xbf16>,
        %parallel_loop3A_522 = tpu.unpack_subelements %parallel_loop3A_521, 0 {pack_format = #tpu.pack_format<interleaved>} : vector<32xbf16> -> vector<16xf32>
        %parallel_loop3A_523 = tpu.unpack_subelements %parallel_loop3A_521, 1 {pack_format = #tpu.pack_format<interleaved>} : vector<32xbf16> -> vector<16xf32>
        %parallel_loop3A_524 = arith.index_cast %parallel_loop3A_504 : i32 to index
        %parallel_loop3A_525 = arith.constant 32 : index
        %parallel_loop3A_526 = tpu.vector_load %arg26[%parallel_loop3A_524, %parallel_loop3A_525] {strides = array<i32>} : memref<32x128xbf16, #tpu.memory_space<vmem>>, vector<32xbf16>,
        %parallel_loop3A_527 = tpu.unpack_subelements %parallel_loop3A_526, 0 {pack_format = #tpu.pack_format<interleaved>} : vector<32xbf16> -> vector<16xf32>
        %parallel_loop3A_528 = tpu.unpack_subelements %parallel_loop3A_526, 1 {pack_format = #tpu.pack_format<interleaved>} : vector<32xbf16> -> vector<16xf32>
        %parallel_loop3A_529 = arith.mulf %parallel_loop3A_522, %parallel_loop3A_527 : vector<16xf32>
        %parallel_loop3A_530 = arith.addf %parallel_loop3A_518, %parallel_loop3A_529 : vector<16xf32>
        %parallel_loop3A_531 = arith.mulf %parallel_loop3A_523, %parallel_loop3A_528 : vector<16xf32>
        %parallel_loop3A_532 = arith.addf %parallel_loop3A_530, %parallel_loop3A_531 : vector<16xf32>
        %parallel_loop3A_533 = vector.shape_cast %xor3A_15 : vector<16xi32> to vector<16x1xi32>
        %parallel_loop3A_534 = vector.shape_cast %parallel_loop3A_533 : vector<16x1xi32> to vector<16xi32>
        %parallel_loop3A_535 = tpu.dynamic_gather %parallel_loop3A_532[%parallel_loop3A_534] in [0] : vector<16xf32>, vector<16xi32> -> vector<16xf32>
        %parallel_loop3A_536 = arith.addf %parallel_loop3A_532, %parallel_loop3A_535 : vector<16xf32>
        %parallel_loop3A_537 = vector.shape_cast %xor3A_19 : vector<16xi32> to vector<16x1xi32>
        %parallel_loop3A_538 = vector.shape_cast %parallel_loop3A_537 : vector<16x1xi32> to vector<16xi32>
        %parallel_loop3A_539 = tpu.dynamic_gather %parallel_loop3A_536[%parallel_loop3A_538] in [0] : vector<16xf32>, vector<16xi32> -> vector<16xf32>
        %parallel_loop3A_540 = arith.addf %parallel_loop3A_536, %parallel_loop3A_539 : vector<16xf32>
        %parallel_loop3A_541 = math.exp %parallel_loop3A_540 : vector<16xf32>
        %parallel_loop3A_542 = arith.index_cast %parallel_loop3A_504 : i32 to index
        %parallel_loop3A_543 = arith.constant 64 : index
        %parallel_loop3A_544 = tpu.vector_load %arg26[%parallel_loop3A_542, %parallel_loop3A_543] {strides = array<i32>} : memref<32x128xbf16, #tpu.memory_space<vmem>>, vector<32xbf16>,
        %parallel_loop3A_545 = tpu.unpack_subelements %parallel_loop3A_544, 0 {pack_format = #tpu.pack_format<interleaved>} : vector<32xbf16> -> vector<16xf32>
        %parallel_loop3A_546 = tpu.unpack_subelements %parallel_loop3A_544, 1 {pack_format = #tpu.pack_format<interleaved>} : vector<32xbf16> -> vector<16xf32>
        %parallel_loop3A_547 = arith.mulf %parallel_loop3A_545, %parallel_loop3A_541 : vector<16xf32>
        %parallel_loop3A_548 = arith.index_cast %parallel_loop3A_504 : i32 to index
        %parallel_loop3A_549 = arith.constant 0 : index
        %parallel_loop3A_550 = tpu.vector_load %arg36[%parallel_loop3A_548, %parallel_loop3A_549] {strides = array<i32>} : memref<32x80xf32, #tpu.memory_space<vmem>>, vector<16xf32>,
        tpu.vector_store %arg36[%parallel_loop3A_548, %parallel_loop3A_549], %parallel_loop3A_547 {strides = array<i32>} : memref<32x80xf32, #tpu.memory_space<vmem>>, vector<16xf32>,
        %parallel_loop3A_551 = arith.mulf %parallel_loop3A_546, %parallel_loop3A_541 : vector<16xf32>
        %parallel_loop3A_552 = arith.index_cast %parallel_loop3A_504 : i32 to index
        %parallel_loop3A_553 = arith.constant 16 : index
        %parallel_loop3A_554 = tpu.vector_load %arg36[%parallel_loop3A_552, %parallel_loop3A_553] {strides = array<i32>} : memref<32x80xf32, #tpu.memory_space<vmem>>, vector<16xf32>,
        tpu.vector_store %arg36[%parallel_loop3A_552, %parallel_loop3A_553], %parallel_loop3A_551 {strides = array<i32>} : memref<32x80xf32, #tpu.memory_space<vmem>>, vector<16xf32>,
        %parallel_loop3A_555 = arith.index_cast %parallel_loop3A_504 : i32 to index
        %parallel_loop3A_556 = arith.constant 96 : index
        %parallel_loop3A_557 = tpu.vector_load %arg26[%parallel_loop3A_555, %parallel_loop3A_556] {strides = array<i32>} : memref<32x128xbf16, #tpu.memory_space<vmem>>, vector<32xbf16>,
        %parallel_loop3A_558 = tpu.unpack_subelements %parallel_loop3A_557, 0 {pack_format = #tpu.pack_format<interleaved>} : vector<32xbf16> -> vector<16xf32>
        %parallel_loop3A_559 = tpu.unpack_subelements %parallel_loop3A_557, 1 {pack_format = #tpu.pack_format<interleaved>} : vector<32xbf16> -> vector<16xf32>
        %parallel_loop3A_560 = arith.mulf %parallel_loop3A_558, %parallel_loop3A_541 : vector<16xf32>
        %parallel_loop3A_561 = arith.index_cast %parallel_loop3A_504 : i32 to index
        %parallel_loop3A_562 = arith.constant 32 : index
        %parallel_loop3A_563 = tpu.vector_load %arg36[%parallel_loop3A_561, %parallel_loop3A_562] {strides = array<i32>} : memref<32x80xf32, #tpu.memory_space<vmem>>, vector<16xf32>,
        tpu.vector_store %arg36[%parallel_loop3A_561, %parallel_loop3A_562], %parallel_loop3A_560 {strides = array<i32>} : memref<32x80xf32, #tpu.memory_space<vmem>>, vector<16xf32>,
        %parallel_loop3A_564 = arith.mulf %parallel_loop3A_559, %parallel_loop3A_541 : vector<16xf32>
        %parallel_loop3A_565 = arith.index_cast %parallel_loop3A_504 : i32 to index
        %parallel_loop3A_566 = arith.constant 48 : index
        %parallel_loop3A_567 = tpu.vector_load %arg36[%parallel_loop3A_565, %parallel_loop3A_566] {strides = array<i32>} : memref<32x80xf32, #tpu.memory_space<vmem>>, vector<16xf32>,
        tpu.vector_store %arg36[%parallel_loop3A_565, %parallel_loop3A_566], %parallel_loop3A_564 {strides = array<i32>} : memref<32x80xf32, #tpu.memory_space<vmem>>, vector<16xf32>,
        %parallel_loop3A_568 = arith.index_cast %parallel_loop3A_504 : i32 to index
        %parallel_loop3A_569 = arith.constant 64 : index
        %parallel_loop3A_570 = tpu.vector_load %arg36[%parallel_loop3A_568, %parallel_loop3A_569] {strides = array<i32>} : memref<32x80xf32, #tpu.memory_space<vmem>>, vector<16xf32>,
        tpu.vector_store %arg36[%parallel_loop3A_568, %parallel_loop3A_569], %parallel_loop3A_541 {strides = array<i32>} : memref<32x80xf32, #tpu.memory_space<vmem>>, vector<16xf32>,
      } {sc.loop_unroll_factor = 2 : i64, sc.parallel_access}
      %dma_start3A_456 = arith.constant 0 : i32
      %dma_start3A_457 = arith.constant 0 : i32
      %dma_start3A_458 = tpu.memref_slice %arg44[%dma_start3A_456, %dma_start3A_457] : memref<10240x80xf32, #tpu.memory_space<vmem_shared>> -> memref<10240x80xf32, #tpu.memory_space<vmem_shared>>
      tpu.enqueue_indirect_dma source(%arg36 : memref<32x80xf32, #tpu.memory_space<vmem>>) target(%dma_start3A_458 : memref<10240x80xf32, #tpu.memory_space<vmem_shared>>) offsets(%arg41 : memref<32xi32, #tpu.memory_space<vmem>>) semaphore(%arg53 : memref<!tpu.dma_semaphore, #tpu.memory_space<semaphore_mem>>) {add = true}
      %add3A_459 = arith.constant 4 : i32
      %add3A_460 = arith.addi %mul3A_288, %add3A_459 : i32
      %add3A_461 = arith.constant 5 : i32
      %add3A_462 = arith.addi %add3A_460, %add3A_461 : i32
      %sub3A_463 = arith.constant 1 : i32
      %sub3A_464 = arith.subi %add3A_462, %sub3A_463 : i32
      %lt3A_465 = arith.constant 625 : i32
      %lt3A_466 = arith.cmpi slt, %sub3A_464, %lt3A_465 : i32
      %convert_element_type3A_467 = arith.extui %lt3A_466 : i1 to i32
      %cond3A_468 = arith.constant 0 : i32
      %cond3A_469 = arith.cmpi ne, %convert_element_type3A_467, %cond3A_468 : i32
      scf.if %cond3A_469 {
        %add3A_504 = arith.constant 5 : i32
        %add3A_505 = arith.addi %add3A_460, %add3A_504 : i32
        %sub3A_506 = arith.constant 1 : i32
        %sub3A_507 = arith.subi %add3A_505, %sub3A_506 : i32
        %jit3A = arith.constant 5 : i32
        %eq3A = arith.constant 0 : i32
        %eq3A_508 = arith.cmpi eq, %jit3A, %eq3A : i32
        %jit3A_509 = arith.constant 1 : i32
        %select_n3A = arith.select %eq3A_508, %jit3A_509, %jit3A : i32
        %rem3A = arith.remsi %sub3A_507, %select_n3A : i32
        %ne3A = arith.constant 0 : i32
        %ne3A_510 = arith.cmpi ne, %rem3A, %ne3A : i32
        %lt3A_511 = arith.constant 0 : i32
        %lt3A_512 = arith.cmpi slt, %rem3A, %lt3A_511 : i32
        %lt3A_513 = arith.constant 0 : i32
        %lt3A_514 = arith.cmpi slt, %select_n3A, %lt3A_513 : i32
        %ne3A_515 = arith.xori %lt3A_512, %lt3A_514 : i1
        %and3A = arith.andi %ne3A_515, %ne3A_510 : i1
        %add3A_516 = arith.addi %rem3A, %select_n3A : i32
        %select_n3A_517 = arith.select %and3A, %add3A_516, %rem3A : i32
        %eq3A_518 = arith.constant 0 : i32
        %eq3A_519 = arith.cmpi eq, %select_n3A_517, %eq3A_518 : i32
        %convert_element_type3A_520 = arith.extui %eq3A_519 : i1 to i32
        %cond3A_521 = arith.constant 0 : i32
        %cond3A_522 = arith.cmpi ne, %convert_element_type3A_520, %cond3A_521 : i32
        scf.if %cond3A_522 {
          %jit3A_583 = arith.constant 5 : i32
          %div3A = arith.divsi %sub3A_507, %jit3A_583 : i32
          %sign3A = arith.constant 0 : i32
          %sign3A_584 = arith.cmpi sgt, %sub3A_507, %sign3A : i32
          %sign3A_585 = arith.extui %sign3A_584 : i1 to i32
          %sign3A_586 = arith.constant 0 : i32
          %sign3A_587 = arith.cmpi slt, %sub3A_507, %sign3A_586 : i32
          %sign3A_588 = arith.extui %sign3A_587 : i1 to i32
          %sign3A_589 = arith.subi %sign3A_585, %sign3A_588 : i32
          %sign3A_590 = arith.constant 0 : i32
          %sign3A_591 = arith.cmpi sgt, %jit3A_583, %sign3A_590 : i32
          %sign3A_592 = arith.extui %sign3A_591 : i1 to i32
          %sign3A_593 = arith.constant 0 : i32
          %sign3A_594 = arith.cmpi slt, %jit3A_583, %sign3A_593 : i32
          %sign3A_595 = arith.extui %sign3A_594 : i1 to i32
          %sign3A_596 = arith.subi %sign3A_592, %sign3A_595 : i32
          %ne3A_597 = arith.cmpi ne, %sign3A_589, %sign3A_596 : i32
          %rem3A_598 = arith.remsi %sub3A_507, %jit3A_583 : i32
          %ne3A_599 = arith.constant 0 : i32
          %ne3A_600 = arith.cmpi ne, %rem3A_598, %ne3A_599 : i32
          %and3A_601 = arith.andi %ne3A_597, %ne3A_600 : i1
          %sub3A_602 = arith.constant 1 : i32
          %sub3A_603 = arith.subi %div3A, %sub3A_602 : i32
          %select_n3A_604 = arith.select %and3A_601, %sub3A_603, %div3A : i32
          %jit3A_605 = arith.constant 2 : i32
          %eq3A_606 = arith.constant 0 : i32
          %eq3A_607 = arith.cmpi eq, %jit3A_605, %eq3A_606 : i32
          %jit3A_608 = arith.constant 1 : i32
          %select_n3A_609 = arith.select %eq3A_607, %jit3A_608, %jit3A_605 : i32
          %rem3A_610 = arith.remsi %select_n3A_604, %select_n3A_609 : i32
          %ne3A_611 = arith.constant 0 : i32
          %ne3A_612 = arith.cmpi ne, %rem3A_610, %ne3A_611 : i32
          %lt3A_613 = arith.constant 0 : i32
          %lt3A_614 = arith.cmpi slt, %rem3A_610, %lt3A_613 : i32
          %lt3A_615 = arith.constant 0 : i32
          %lt3A_616 = arith.cmpi slt, %select_n3A_609, %lt3A_615 : i32
          %ne3A_617 = arith.xori %lt3A_614, %lt3A_616 : i1
          %and3A_618 = arith.andi %ne3A_617, %ne3A_612 : i1
          %add3A_619 = arith.addi %rem3A_610, %select_n3A_609 : i32
          %select_n3A_620 = arith.select %and3A_618, %add3A_619, %rem3A_610 : i32
          %mul3A_621 = arith.constant 160 : i32
          %mul3A_622 = arith.muli %select_n3A_620, %mul3A_621 : i32
          %mul3A_623 = arith.constant 20000 : i32
          %mul3A_624 = arith.muli %arg1, %mul3A_623 : i32
          %mul3A_625 = arith.constant 160 : i32
          %mul3A_626 = arith.muli %select_n3A_604, %mul3A_625 : i32
          %add3A_627 = arith.addi %mul3A_624, %mul3A_626 : i32
          %dma_wait3A_628 = tpu.memref_slice %arg6[%mul3A_622] : memref<320xi32, #tpu.memory_space<vmem>> -> memref<160xi32, #tpu.memory_space<vmem>>
          %dma_wait3A_629 = arith.constant 0 : i32
          %dma_wait3A_630 = tpu.memref_slice %arg2[%scan3A_256, %dma_wait3A_629] : memref<2x320000xi32, #tpu.memory_space<hbm>> -> memref<1x320000xi32, #tpu.memory_space<hbm>>
          %dma_wait3A_631 = tpu.memref_squeeze %dma_wait3A_630 : memref<1x320000xi32, #tpu.memory_space<hbm>> -> memref<320000xi32, #tpu.memory_space<hbm>>
          %dma_wait3A_632 = tpu.memref_slice %dma_wait3A_631[%add3A_627] : memref<320000xi32, #tpu.memory_space<hbm>> -> memref<160xi32, #tpu.memory_space<hbm>>
          %dma_wait3A_633 = tpu.memref_slice %arg6[%mul3A_622] : memref<320xi32, #tpu.memory_space<vmem>> -> memref<160xi32, #tpu.memory_space<vmem>>
          %dma_wait3A_634 = arith.constant 0 : i32
          %dma_wait3A_635 = tpu.memref_slice %arg2[%scan3A_256, %dma_wait3A_634] : memref<2x320000xi32, #tpu.memory_space<hbm>> -> memref<1x320000xi32, #tpu.memory_space<hbm>>
          %dma_wait3A_636 = tpu.memref_squeeze %dma_wait3A_635 : memref<1x320000xi32, #tpu.memory_space<hbm>> -> memref<320000xi32, #tpu.memory_space<hbm>>
          %dma_wait3A_637 = tpu.memref_slice %dma_wait3A_636[%add3A_627] : memref<320000xi32, #tpu.memory_space<hbm>> -> memref<160xi32, #tpu.memory_space<hbm>>
          tpu.wait_dma2 semaphore(%arg55 : memref<!tpu.dma_semaphore, #tpu.memory_space<semaphore_mem>>) src(%dma_wait3A_637 : memref<160xi32, #tpu.memory_space<hbm>>) dst(%dma_wait3A_633 : memref<160xi32, #tpu.memory_space<vmem>>)
          %dma_wait3A_638 = tpu.memref_slice %arg7[%mul3A_622] : memref<320xi32, #tpu.memory_space<vmem>> -> memref<160xi32, #tpu.memory_space<vmem>>
          %dma_wait3A_639 = arith.constant 0 : i32
          %dma_wait3A_640 = tpu.memref_slice %arg2[%scan3A_257, %dma_wait3A_639] : memref<2x320000xi32, #tpu.memory_space<hbm>> -> memref<1x320000xi32, #tpu.memory_space<hbm>>
          %dma_wait3A_641 = tpu.memref_squeeze %dma_wait3A_640 : memref<1x320000xi32, #tpu.memory_space<hbm>> -> memref<320000xi32, #tpu.memory_space<hbm>>
          %dma_wait3A_642 = tpu.memref_slice %dma_wait3A_641[%add3A_627] : memref<320000xi32, #tpu.memory_space<hbm>> -> memref<160xi32, #tpu.memory_space<hbm>>
          %dma_wait3A_643 = tpu.memref_slice %arg7[%mul3A_622] : memref<320xi32, #tpu.memory_space<vmem>> -> memref<160xi32, #tpu.memory_space<vmem>>
          %dma_wait3A_644 = arith.constant 0 : i32
          %dma_wait3A_645 = tpu.memref_slice %arg2[%scan3A_257, %dma_wait3A_644] : memref<2x320000xi32, #tpu.memory_space<hbm>> -> memref<1x320000xi32, #tpu.memory_space<hbm>>
          %dma_wait3A_646 = tpu.memref_squeeze %dma_wait3A_645 : memref<1x320000xi32, #tpu.memory_space<hbm>> -> memref<320000xi32, #tpu.memory_space<hbm>>
          %dma_wait3A_647 = tpu.memref_slice %dma_wait3A_646[%add3A_627] : memref<320000xi32, #tpu.memory_space<hbm>> -> memref<160xi32, #tpu.memory_space<hbm>>
          tpu.wait_dma2 semaphore(%arg55 : memref<!tpu.dma_semaphore, #tpu.memory_space<semaphore_mem>>) src(%dma_wait3A_647 : memref<160xi32, #tpu.memory_space<hbm>>) dst(%dma_wait3A_643 : memref<160xi32, #tpu.memory_space<vmem>>)
          %add3A_648 = arith.constant 5 : i32
          %add3A_649 = arith.addi %sub3A_507, %add3A_648 : i32
          %lt3A_650 = arith.constant 625 : i32
          %lt3A_651 = arith.cmpi slt, %add3A_649, %lt3A_650 : i32
          %convert_element_type3A_652 = arith.extui %lt3A_651 : i1 to i32
          %cond3A_653 = arith.constant 0 : i32
          %cond3A_654 = arith.cmpi ne, %convert_element_type3A_652, %cond3A_653 : i32
          scf.if %cond3A_654 {
            %add3A_655 = arith.constant 1 : i32
            %add3A_656 = arith.addi %select_n3A_604, %add3A_655 : i32
            %jit3A_657 = arith.constant 2 : i32
            %eq3A_658 = arith.constant 0 : i32
            %eq3A_659 = arith.cmpi eq, %jit3A_657, %eq3A_658 : i32
            %jit3A_660 = arith.constant 1 : i32
            %select_n3A_661 = arith.select %eq3A_659, %jit3A_660, %jit3A_657 : i32
            %rem3A_662 = arith.remsi %add3A_656, %select_n3A_661 : i32
            %ne3A_663 = arith.constant 0 : i32
            %ne3A_664 = arith.cmpi ne, %rem3A_662, %ne3A_663 : i32
            %lt3A_665 = arith.constant 0 : i32
            %lt3A_666 = arith.cmpi slt, %rem3A_662, %lt3A_665 : i32
            %lt3A_667 = arith.constant 0 : i32
            %lt3A_668 = arith.cmpi slt, %select_n3A_661, %lt3A_667 : i32
            %ne3A_669 = arith.xori %lt3A_666, %lt3A_668 : i1
            %and3A_670 = arith.andi %ne3A_669, %ne3A_664 : i1
            %add3A_671 = arith.addi %rem3A_662, %select_n3A_661 : i32
            %select_n3A_672 = arith.select %and3A_670, %add3A_671, %rem3A_662 : i32
            %mul3A_673 = arith.constant 160 : i32
            %mul3A_674 = arith.muli %select_n3A_672, %mul3A_673 : i32
            %mul3A_675 = arith.constant 20000 : i32
            %mul3A_676 = arith.muli %arg1, %mul3A_675 : i32
            %mul3A_677 = arith.constant 160 : i32
            %mul3A_678 = arith.muli %add3A_656, %mul3A_677 : i32
            %add3A_679 = arith.addi %mul3A_676, %mul3A_678 : i32
            %dma_start3A_680 = tpu.memref_slice %arg6[%mul3A_674] : memref<320xi32, #tpu.memory_space<vmem>> -> memref<160xi32, #tpu.memory_space<vmem>>
            %dma_start3A_681 = arith.constant 0 : i32
            %dma_start3A_682 = tpu.memref_slice %arg2[%scan3A_256, %dma_start3A_681] : memref<2x320000xi32, #tpu.memory_space<hbm>> -> memref<1x320000xi32, #tpu.memory_space<hbm>>
            %dma_start3A_683 = tpu.memref_squeeze %dma_start3A_682 : memref<1x320000xi32, #tpu.memory_space<hbm>> -> memref<320000xi32, #tpu.memory_space<hbm>>
            %dma_start3A_684 = tpu.memref_slice %dma_start3A_683[%add3A_679] : memref<320000xi32, #tpu.memory_space<hbm>> -> memref<160xi32, #tpu.memory_space<hbm>>
            %dma_start3A_685 = tpu.memref_slice %arg6[%mul3A_674] : memref<320xi32, #tpu.memory_space<vmem>> -> memref<160xi32, #tpu.memory_space<vmem>>
            %dma_start3A_686 = arith.constant 0 : i32
            %dma_start3A_687 = tpu.memref_slice %arg2[%scan3A_256, %dma_start3A_686] : memref<2x320000xi32, #tpu.memory_space<hbm>> -> memref<1x320000xi32, #tpu.memory_space<hbm>>
            %dma_start3A_688 = tpu.memref_squeeze %dma_start3A_687 : memref<1x320000xi32, #tpu.memory_space<hbm>> -> memref<320000xi32, #tpu.memory_space<hbm>>
            %dma_start3A_689 = tpu.memref_slice %dma_start3A_688[%add3A_679] : memref<320000xi32, #tpu.memory_space<hbm>> -> memref<160xi32, #tpu.memory_space<hbm>>
            tpu.enqueue_dma source(%dma_start3A_689 : memref<160xi32, #tpu.memory_space<hbm>>) target(%dma_start3A_685 : memref<160xi32, #tpu.memory_space<vmem>>) target_semaphore(%arg55 : memref<!tpu.dma_semaphore, #tpu.memory_space<semaphore_mem>>)
            %dma_start3A_690 = tpu.memref_slice %arg7[%mul3A_674] : memref<320xi32, #tpu.memory_space<vmem>> -> memref<160xi32, #tpu.memory_space<vmem>>
            %dma_start3A_691 = arith.constant 0 : i32
            %dma_start3A_692 = tpu.memref_slice %arg2[%scan3A_257, %dma_start3A_691] : memref<2x320000xi32, #tpu.memory_space<hbm>> -> memref<1x320000xi32, #tpu.memory_space<hbm>>
            %dma_start3A_693 = tpu.memref_squeeze %dma_start3A_692 : memref<1x320000xi32, #tpu.memory_space<hbm>> -> memref<320000xi32, #tpu.memory_space<hbm>>
            %dma_start3A_694 = tpu.memref_slice %dma_start3A_693[%add3A_679] : memref<320000xi32, #tpu.memory_space<hbm>> -> memref<160xi32, #tpu.memory_space<hbm>>
            %dma_start3A_695 = tpu.memref_slice %arg7[%mul3A_674] : memref<320xi32, #tpu.memory_space<vmem>> -> memref<160xi32, #tpu.memory_space<vmem>>
            %dma_start3A_696 = arith.constant 0 : i32
            %dma_start3A_697 = tpu.memref_slice %arg2[%scan3A_257, %dma_start3A_696] : memref<2x320000xi32, #tpu.memory_space<hbm>> -> memref<1x320000xi32, #tpu.memory_space<hbm>>
            %dma_start3A_698 = tpu.memref_squeeze %dma_start3A_697 : memref<1x320000xi32, #tpu.memory_space<hbm>> -> memref<320000xi32, #tpu.memory_space<hbm>>
            %dma_start3A_699 = tpu.memref_slice %dma_start3A_698[%add3A_679] : memref<320000xi32, #tpu.memory_space<hbm>> -> memref<160xi32, #tpu.memory_space<hbm>>
            tpu.enqueue_dma source(%dma_start3A_699 : memref<160xi32, #tpu.memory_space<hbm>>) target(%dma_start3A_695 : memref<160xi32, #tpu.memory_space<vmem>>) target_semaphore(%arg55 : memref<!tpu.dma_semaphore, #tpu.memory_space<semaphore_mem>>)
          } else {
          }
        } else {
        }
        %jit3A_523 = arith.constant 10 : i32
        %eq3A_524 = arith.constant 0 : i32
        %eq3A_525 = arith.cmpi eq, %jit3A_523, %eq3A_524 : i32
        %jit3A_526 = arith.constant 1 : i32
        %select_n3A_527 = arith.select %eq3A_525, %jit3A_526, %jit3A_523 : i32
        %rem3A_528 = arith.remsi %sub3A_507, %select_n3A_527 : i32
        %ne3A_529 = arith.constant 0 : i32
        %ne3A_530 = arith.cmpi ne, %rem3A_528, %ne3A_529 : i32
        %lt3A_531 = arith.constant 0 : i32
        %lt3A_532 = arith.cmpi slt, %rem3A_528, %lt3A_531 : i32
        %lt3A_533 = arith.constant 0 : i32
        %lt3A_534 = arith.cmpi slt, %select_n3A_527, %lt3A_533 : i32
        %ne3A_535 = arith.xori %lt3A_532, %lt3A_534 : i1
        %and3A_536 = arith.andi %ne3A_535, %ne3A_530 : i1
        %add3A_537 = arith.addi %rem3A_528, %select_n3A_527 : i32
        %select_n3A_538 = arith.select %and3A_536, %add3A_537, %rem3A_528 : i32
        %mul3A_539 = arith.constant 32 : i32
        %mul3A_540 = arith.muli %select_n3A_538, %mul3A_539 : i32
        %add3A_541 = arith.constant 0 : i32
        %add3A_542 = arith.addi %mul3A_540, %add3A_541 : i32
        %get3A_543 = arith.index_cast %add3A_542 : i32 to index
        %get3A_544 = tpu.vector_load %arg6[%get3A_543] {strides = array<i32>} : memref<320xi32, #tpu.memory_space<vmem>>, vector<16xi32>,
        %swap3A_545 = arith.constant 0 : index
        %swap3A_546 = tpu.vector_load %arg27[%swap3A_545] {strides = array<i32>} : memref<32xi32, #tpu.memory_space<vmem>>, vector<16xi32>,
        tpu.vector_store %arg27[%swap3A_545], %get3A_544 {strides = array<i32>} : memref<32xi32, #tpu.memory_space<vmem>>, vector<16xi32>,
        %get3A_547 = arith.index_cast %add3A_542 : i32 to index
        %get3A_548 = tpu.vector_load %arg6[%get3A_547] {strides = array<i32>} : memref<320xi32, #tpu.memory_space<vmem>>, vector<16xi32>,
        %swap3A_549 = arith.constant 0 : index
        %swap3A_550 = tpu.vector_load %arg23[%swap3A_549] {strides = array<i32>} : memref<32xi32, #tpu.memory_space<vmem>>, vector<16xi32>,
        tpu.vector_store %arg23[%swap3A_549], %get3A_548 {strides = array<i32>} : memref<32xi32, #tpu.memory_space<vmem>>, vector<16xi32>,
        %get3A_551 = arith.index_cast %add3A_542 : i32 to index
        %get3A_552 = tpu.vector_load %arg7[%get3A_551] {strides = array<i32>} : memref<320xi32, #tpu.memory_space<vmem>>, vector<16xi32>,
        %swap3A_553 = arith.constant 0 : index
        %swap3A_554 = tpu.vector_load %arg24[%swap3A_553] {strides = array<i32>} : memref<32xi32, #tpu.memory_space<vmem>>, vector<16xi32>,
        tpu.vector_store %arg24[%swap3A_553], %get3A_552 {strides = array<i32>} : memref<32xi32, #tpu.memory_space<vmem>>, vector<16xi32>,
        %add3A_555 = arith.constant 16 : i32
        %add3A_556 = arith.addi %mul3A_540, %add3A_555 : i32
        %get3A_557 = arith.index_cast %add3A_556 : i32 to index
        %get3A_558 = tpu.vector_load %arg6[%get3A_557] {strides = array<i32>} : memref<320xi32, #tpu.memory_space<vmem>>, vector<16xi32>,
        %swap3A_559 = arith.constant 16 : index
        %swap3A_560 = tpu.vector_load %arg27[%swap3A_559] {strides = array<i32>} : memref<32xi32, #tpu.memory_space<vmem>>, vector<16xi32>,
        tpu.vector_store %arg27[%swap3A_559], %get3A_558 {strides = array<i32>} : memref<32xi32, #tpu.memory_space<vmem>>, vector<16xi32>,
        %get3A_561 = arith.index_cast %add3A_556 : i32 to index
        %get3A_562 = tpu.vector_load %arg6[%get3A_561] {strides = array<i32>} : memref<320xi32, #tpu.memory_space<vmem>>, vector<16xi32>,
        %swap3A_563 = arith.constant 16 : index
        %swap3A_564 = tpu.vector_load %arg23[%swap3A_563] {strides = array<i32>} : memref<32xi32, #tpu.memory_space<vmem>>, vector<16xi32>,
        tpu.vector_store %arg23[%swap3A_563], %get3A_562 {strides = array<i32>} : memref<32xi32, #tpu.memory_space<vmem>>, vector<16xi32>,
        %get3A_565 = arith.index_cast %add3A_556 : i32 to index
        %get3A_566 = tpu.vector_load %arg7[%get3A_565] {strides = array<i32>} : memref<320xi32, #tpu.memory_space<vmem>>, vector<16xi32>,
        %swap3A_567 = arith.constant 16 : index
        %swap3A_568 = tpu.vector_load %arg24[%swap3A_567] {strides = array<i32>} : memref<32xi32, #tpu.memory_space<vmem>>, vector<16xi32>,
        tpu.vector_store %arg24[%swap3A_567], %get3A_566 {strides = array<i32>} : memref<32xi32, #tpu.memory_space<vmem>>, vector<16xi32>,
        %dma_start3A_569 = arith.constant 0 : i32
        %dma_start3A_570 = arith.constant 0 : i32
        %dma_start3A_571 = tpu.memref_slice %arg3[%arg0, %dma_start3A_569, %dma_start3A_570] : memref<2x10000x64xbf16, #tpu.memory_space<hbm>> -> memref<1x10000x64xbf16, #tpu.memory_space<hbm>>
        %dma_start3A_572 = tpu.memref_squeeze %dma_start3A_571 : memref<1x10000x64xbf16, #tpu.memory_space<hbm>> -> memref<10000x64xbf16, #tpu.memory_space<hbm>>
        %dma_start3A_573 = arith.constant 0 : i32
        %dma_start3A_574 = arith.constant 0 : i32
        %dma_start3A_575 = tpu.memref_slice %dma_start3A_572[%dma_start3A_573, %dma_start3A_574] : memref<10000x64xbf16, #tpu.memory_space<hbm>> -> memref<10000x64xbf16, #tpu.memory_space<hbm>>
        tpu.enqueue_indirect_dma source(%dma_start3A_575 : memref<10000x64xbf16, #tpu.memory_space<hbm>>) target(%arg25 : memref<32x64xbf16, #tpu.memory_space<vmem>>) offsets(%arg23 : memref<32xi32, #tpu.memory_space<vmem>>) semaphore(%arg48 : memref<!tpu.dma_semaphore, #tpu.memory_space<semaphore_mem>>)
        %dma_start3A_576 = arith.constant 0 : i32
        %dma_start3A_577 = arith.constant 0 : i32
        %dma_start3A_578 = tpu.memref_slice %arg4[%arg0, %dma_start3A_576, %dma_start3A_577] : memref<2x10000x128xbf16, #tpu.memory_space<hbm>> -> memref<1x10000x128xbf16, #tpu.memory_space<hbm>>
        %dma_start3A_579 = tpu.memref_squeeze %dma_start3A_578 : memref<1x10000x128xbf16, #tpu.memory_space<hbm>> -> memref<10000x128xbf16, #tpu.memory_space<hbm>>
        %dma_start3A_580 = arith.constant 0 : i32
        %dma_start3A_581 = arith.constant 0 : i32
        %dma_start3A_582 = tpu.memref_slice %dma_start3A_579[%dma_start3A_580, %dma_start3A_581] : memref<10000x128xbf16, #tpu.memory_space<hbm>> -> memref<10000x128xbf16, #tpu.memory_space<hbm>>
        tpu.enqueue_indirect_dma source(%dma_start3A_582 : memref<10000x128xbf16, #tpu.memory_space<hbm>>) target(%arg26 : memref<32x128xbf16, #tpu.memory_space<vmem>>) offsets(%arg24 : memref<32xi32, #tpu.memory_space<vmem>>) semaphore(%arg48 : memref<!tpu.dma_semaphore, #tpu.memory_space<semaphore_mem>>)
      } else {
      }
      %dma_wait3A_470 = arith.constant 0 : i32
      %dma_wait3A_471 = arith.constant 0 : i32
      %dma_wait3A_472 = tpu.memref_slice %arg3[%arg0, %dma_wait3A_470, %dma_wait3A_471] : memref<2x10000x64xbf16, #tpu.memory_space<hbm>> -> memref<1x10000x64xbf16, #tpu.memory_space<hbm>>
      %dma_wait3A_473 = tpu.memref_squeeze %dma_wait3A_472 : memref<1x10000x64xbf16, #tpu.memory_space<hbm>> -> memref<10000x64xbf16, #tpu.memory_space<hbm>>
      %dma_wait3A_474 = arith.constant 0 : i32
      %dma_wait3A_475 = arith.constant 0 : i32
      %dma_wait3A_476 = tpu.memref_slice %dma_wait3A_473[%dma_wait3A_474, %dma_wait3A_475] : memref<10000x64xbf16, #tpu.memory_space<hbm>> -> memref<10000x64xbf16, #tpu.memory_space<hbm>>
      tpu.wait_indirect_dma semaphore(%arg49 : memref<!tpu.dma_semaphore, #tpu.memory_space<semaphore_mem>>) src(%dma_wait3A_476 : memref<10000x64xbf16, #tpu.memory_space<hbm>>) dst(%arg30 : memref<32x64xbf16, #tpu.memory_space<vmem>>)
      %dma_wait3A_477 = arith.constant 0 : i32
      %dma_wait3A_478 = arith.constant 0 : i32
      %dma_wait3A_479 = tpu.memref_slice %arg4[%arg0, %dma_wait3A_477, %dma_wait3A_478] : memref<2x10000x128xbf16, #tpu.memory_space<hbm>> -> memref<1x10000x128xbf16, #tpu.memory_space<hbm>>
      %dma_wait3A_480 = tpu.memref_squeeze %dma_wait3A_479 : memref<1x10000x128xbf16, #tpu.memory_space<hbm>> -> memref<10000x128xbf16, #tpu.memory_space<hbm>>
      %dma_wait3A_481 = arith.constant 0 : i32
      %dma_wait3A_482 = arith.constant 0 : i32
      %dma_wait3A_483 = tpu.memref_slice %dma_wait3A_480[%dma_wait3A_481, %dma_wait3A_482] : memref<10000x128xbf16, #tpu.memory_space<hbm>> -> memref<10000x128xbf16, #tpu.memory_space<hbm>>
      tpu.wait_indirect_dma semaphore(%arg49 : memref<!tpu.dma_semaphore, #tpu.memory_space<semaphore_mem>>) src(%dma_wait3A_483 : memref<10000x128xbf16, #tpu.memory_space<hbm>>) dst(%arg31 : memref<32x128xbf16, #tpu.memory_space<vmem>>)
      %ge3A_484 = arith.constant 5 : i32
      %ge3A_485 = arith.cmpi sge, %add3A_460, %ge3A_484 : i32
      %convert_element_type3A_486 = arith.extui %ge3A_485 : i1 to i32
      %cond3A_487 = arith.constant 0 : i32
      %cond3A_488 = arith.cmpi ne, %convert_element_type3A_486, %cond3A_487 : i32
      scf.if %cond3A_488 {
        %dma_wait3A_504 = arith.constant 0 : i32
        %dma_wait3A_505 = arith.constant 0 : i32
        %dma_wait3A_506 = tpu.memref_slice %arg44[%dma_wait3A_504, %dma_wait3A_505] : memref<10240x80xf32, #tpu.memory_space<vmem_shared>> -> memref<10240x80xf32, #tpu.memory_space<vmem_shared>>
        tpu.wait_indirect_dma semaphore(%arg54 : memref<!tpu.dma_semaphore, #tpu.memory_space<semaphore_mem>>) src(%arg37 : memref<32x80xf32, #tpu.memory_space<vmem>>) dst(%dma_wait3A_506 : memref<10240x80xf32, #tpu.memory_space<vmem_shared>>)
      } else {
      }
      %get3A_489 = arith.constant 0 : index
      %get3A_490 = tpu.vector_load %arg32[%get3A_489] {strides = array<i32>} : memref<32xi32, #tpu.memory_space<vmem>>, vector<16xi32>,
      %swap3A_491 = arith.constant 0 : index
      %swap3A_492 = tpu.vector_load %arg42[%swap3A_491] {strides = array<i32>} : memref<32xi32, #tpu.memory_space<vmem>>, vector<16xi32>,
      tpu.vector_store %arg42[%swap3A_491], %get3A_490 {strides = array<i32>} : memref<32xi32, #tpu.memory_space<vmem>>, vector<16xi32>,
      %get3A_493 = arith.constant 16 : index
      %get3A_494 = tpu.vector_load %arg32[%get3A_493] {strides = array<i32>} : memref<32xi32, #tpu.memory_space<vmem>>, vector<16xi32>,
      %swap3A_495 = arith.constant 16 : index
      %swap3A_496 = tpu.vector_load %arg42[%swap3A_495] {strides = array<i32>} : memref<32xi32, #tpu.memory_space<vmem>>, vector<16xi32>,
      tpu.vector_store %arg42[%swap3A_495], %get3A_494 {strides = array<i32>} : memref<32xi32, #tpu.memory_space<vmem>>, vector<16xi32>,
      %parallel_loop3A_497 = arith.constant 0 : i32
      %parallel_loop3A_498 = arith.constant 32 : i32
      %parallel_loop3A_499 = arith.constant 1 : i32
      scf.for %parallel_loop3A_504 = %parallel_loop3A_497 to %parallel_loop3A_498 step %parallel_loop3A_499  : i32 {
        %parallel_loop3A_505 = arith.index_cast %parallel_loop3A_504 : i32 to index
        %parallel_loop3A_506 = arith.constant 0 : index
        %parallel_loop3A_507 = tpu.vector_load %arg30[%parallel_loop3A_505, %parallel_loop3A_506] {strides = array<i32>} : memref<32x64xbf16, #tpu.memory_space<vmem>>, vector<32xbf16>,
        %parallel_loop3A_508 = tpu.unpack_subelements %parallel_loop3A_507, 0 {pack_format = #tpu.pack_format<interleaved>} : vector<32xbf16> -> vector<16xf32>
        %parallel_loop3A_509 = tpu.unpack_subelements %parallel_loop3A_507, 1 {pack_format = #tpu.pack_format<interleaved>} : vector<32xbf16> -> vector<16xf32>
        %parallel_loop3A_510 = arith.index_cast %parallel_loop3A_504 : i32 to index
        %parallel_loop3A_511 = arith.constant 0 : index
        %parallel_loop3A_512 = tpu.vector_load %arg31[%parallel_loop3A_510, %parallel_loop3A_511] {strides = array<i32>} : memref<32x128xbf16, #tpu.memory_space<vmem>>, vector<32xbf16>,
        %parallel_loop3A_513 = tpu.unpack_subelements %parallel_loop3A_512, 0 {pack_format = #tpu.pack_format<interleaved>} : vector<32xbf16> -> vector<16xf32>
        %parallel_loop3A_514 = tpu.unpack_subelements %parallel_loop3A_512, 1 {pack_format = #tpu.pack_format<interleaved>} : vector<32xbf16> -> vector<16xf32>
        %parallel_loop3A_515 = arith.mulf %parallel_loop3A_508, %parallel_loop3A_513 : vector<16xf32>
        %parallel_loop3A_516 = arith.addf %broadcast_in_dim3A_0, %parallel_loop3A_515 : vector<16xf32>
        %parallel_loop3A_517 = arith.mulf %parallel_loop3A_509, %parallel_loop3A_514 : vector<16xf32>
        %parallel_loop3A_518 = arith.addf %parallel_loop3A_516, %parallel_loop3A_517 : vector<16xf32>
        %parallel_loop3A_519 = arith.index_cast %parallel_loop3A_504 : i32 to index
        %parallel_loop3A_520 = arith.constant 32 : index
        %parallel_loop3A_521 = tpu.vector_load %arg30[%parallel_loop3A_519, %parallel_loop3A_520] {strides = array<i32>} : memref<32x64xbf16, #tpu.memory_space<vmem>>, vector<32xbf16>,
        %parallel_loop3A_522 = tpu.unpack_subelements %parallel_loop3A_521, 0 {pack_format = #tpu.pack_format<interleaved>} : vector<32xbf16> -> vector<16xf32>
        %parallel_loop3A_523 = tpu.unpack_subelements %parallel_loop3A_521, 1 {pack_format = #tpu.pack_format<interleaved>} : vector<32xbf16> -> vector<16xf32>
        %parallel_loop3A_524 = arith.index_cast %parallel_loop3A_504 : i32 to index
        %parallel_loop3A_525 = arith.constant 32 : index
        %parallel_loop3A_526 = tpu.vector_load %arg31[%parallel_loop3A_524, %parallel_loop3A_525] {strides = array<i32>} : memref<32x128xbf16, #tpu.memory_space<vmem>>, vector<32xbf16>,
        %parallel_loop3A_527 = tpu.unpack_subelements %parallel_loop3A_526, 0 {pack_format = #tpu.pack_format<interleaved>} : vector<32xbf16> -> vector<16xf32>
        %parallel_loop3A_528 = tpu.unpack_subelements %parallel_loop3A_526, 1 {pack_format = #tpu.pack_format<interleaved>} : vector<32xbf16> -> vector<16xf32>
        %parallel_loop3A_529 = arith.mulf %parallel_loop3A_522, %parallel_loop3A_527 : vector<16xf32>
        %parallel_loop3A_530 = arith.addf %parallel_loop3A_518, %parallel_loop3A_529 : vector<16xf32>
        %parallel_loop3A_531 = arith.mulf %parallel_loop3A_523, %parallel_loop3A_528 : vector<16xf32>
        %parallel_loop3A_532 = arith.addf %parallel_loop3A_530, %parallel_loop3A_531 : vector<16xf32>
        %parallel_loop3A_533 = vector.shape_cast %xor3A_15 : vector<16xi32> to vector<16x1xi32>
        %parallel_loop3A_534 = vector.shape_cast %parallel_loop3A_533 : vector<16x1xi32> to vector<16xi32>
        %parallel_loop3A_535 = tpu.dynamic_gather %parallel_loop3A_532[%parallel_loop3A_534] in [0] : vector<16xf32>, vector<16xi32> -> vector<16xf32>
        %parallel_loop3A_536 = arith.addf %parallel_loop3A_532, %parallel_loop3A_535 : vector<16xf32>
        %parallel_loop3A_537 = vector.shape_cast %xor3A_19 : vector<16xi32> to vector<16x1xi32>
        %parallel_loop3A_538 = vector.shape_cast %parallel_loop3A_537 : vector<16x1xi32> to vector<16xi32>
        %parallel_loop3A_539 = tpu.dynamic_gather %parallel_loop3A_536[%parallel_loop3A_538] in [0] : vector<16xf32>, vector<16xi32> -> vector<16xf32>
        %parallel_loop3A_540 = arith.addf %parallel_loop3A_536, %parallel_loop3A_539 : vector<16xf32>
        %parallel_loop3A_541 = math.exp %parallel_loop3A_540 : vector<16xf32>
        %parallel_loop3A_542 = arith.index_cast %parallel_loop3A_504 : i32 to index
        %parallel_loop3A_543 = arith.constant 64 : index
        %parallel_loop3A_544 = tpu.vector_load %arg31[%parallel_loop3A_542, %parallel_loop3A_543] {strides = array<i32>} : memref<32x128xbf16, #tpu.memory_space<vmem>>, vector<32xbf16>,
        %parallel_loop3A_545 = tpu.unpack_subelements %parallel_loop3A_544, 0 {pack_format = #tpu.pack_format<interleaved>} : vector<32xbf16> -> vector<16xf32>
        %parallel_loop3A_546 = tpu.unpack_subelements %parallel_loop3A_544, 1 {pack_format = #tpu.pack_format<interleaved>} : vector<32xbf16> -> vector<16xf32>
        %parallel_loop3A_547 = arith.mulf %parallel_loop3A_545, %parallel_loop3A_541 : vector<16xf32>
        %parallel_loop3A_548 = arith.index_cast %parallel_loop3A_504 : i32 to index
        %parallel_loop3A_549 = arith.constant 0 : index
        %parallel_loop3A_550 = tpu.vector_load %arg37[%parallel_loop3A_548, %parallel_loop3A_549] {strides = array<i32>} : memref<32x80xf32, #tpu.memory_space<vmem>>, vector<16xf32>,
        tpu.vector_store %arg37[%parallel_loop3A_548, %parallel_loop3A_549], %parallel_loop3A_547 {strides = array<i32>} : memref<32x80xf32, #tpu.memory_space<vmem>>, vector<16xf32>,
        %parallel_loop3A_551 = arith.mulf %parallel_loop3A_546, %parallel_loop3A_541 : vector<16xf32>
        %parallel_loop3A_552 = arith.index_cast %parallel_loop3A_504 : i32 to index
        %parallel_loop3A_553 = arith.constant 16 : index
        %parallel_loop3A_554 = tpu.vector_load %arg37[%parallel_loop3A_552, %parallel_loop3A_553] {strides = array<i32>} : memref<32x80xf32, #tpu.memory_space<vmem>>, vector<16xf32>,
        tpu.vector_store %arg37[%parallel_loop3A_552, %parallel_loop3A_553], %parallel_loop3A_551 {strides = array<i32>} : memref<32x80xf32, #tpu.memory_space<vmem>>, vector<16xf32>,
        %parallel_loop3A_555 = arith.index_cast %parallel_loop3A_504 : i32 to index
        %parallel_loop3A_556 = arith.constant 96 : index
        %parallel_loop3A_557 = tpu.vector_load %arg31[%parallel_loop3A_555, %parallel_loop3A_556] {strides = array<i32>} : memref<32x128xbf16, #tpu.memory_space<vmem>>, vector<32xbf16>,
        %parallel_loop3A_558 = tpu.unpack_subelements %parallel_loop3A_557, 0 {pack_format = #tpu.pack_format<interleaved>} : vector<32xbf16> -> vector<16xf32>
        %parallel_loop3A_559 = tpu.unpack_subelements %parallel_loop3A_557, 1 {pack_format = #tpu.pack_format<interleaved>} : vector<32xbf16> -> vector<16xf32>
        %parallel_loop3A_560 = arith.mulf %parallel_loop3A_558, %parallel_loop3A_541 : vector<16xf32>
        %parallel_loop3A_561 = arith.index_cast %parallel_loop3A_504 : i32 to index
        %parallel_loop3A_562 = arith.constant 32 : index
        %parallel_loop3A_563 = tpu.vector_load %arg37[%parallel_loop3A_561, %parallel_loop3A_562] {strides = array<i32>} : memref<32x80xf32, #tpu.memory_space<vmem>>, vector<16xf32>,
        tpu.vector_store %arg37[%parallel_loop3A_561, %parallel_loop3A_562], %parallel_loop3A_560 {strides = array<i32>} : memref<32x80xf32, #tpu.memory_space<vmem>>, vector<16xf32>,
        %parallel_loop3A_564 = arith.mulf %parallel_loop3A_559, %parallel_loop3A_541 : vector<16xf32>
        %parallel_loop3A_565 = arith.index_cast %parallel_loop3A_504 : i32 to index
        %parallel_loop3A_566 = arith.constant 48 : index
        %parallel_loop3A_567 = tpu.vector_load %arg37[%parallel_loop3A_565, %parallel_loop3A_566] {strides = array<i32>} : memref<32x80xf32, #tpu.memory_space<vmem>>, vector<16xf32>,
        tpu.vector_store %arg37[%parallel_loop3A_565, %parallel_loop3A_566], %parallel_loop3A_564 {strides = array<i32>} : memref<32x80xf32, #tpu.memory_space<vmem>>, vector<16xf32>,
        %parallel_loop3A_568 = arith.index_cast %parallel_loop3A_504 : i32 to index
        %parallel_loop3A_569 = arith.constant 64 : index
        %parallel_loop3A_570 = tpu.vector_load %arg37[%parallel_loop3A_568, %parallel_loop3A_569] {strides = array<i32>} : memref<32x80xf32, #tpu.memory_space<vmem>>, vector<16xf32>,
        tpu.vector_store %arg37[%parallel_loop3A_568, %parallel_loop3A_569], %parallel_loop3A_541 {strides = array<i32>} : memref<32x80xf32, #tpu.memory_space<vmem>>, vector<16xf32>,
      } {sc.loop_unroll_factor = 2 : i64, sc.parallel_access}
      %dma_start3A_500 = arith.constant 0 : i32
      %dma_start3A_501 = arith.constant 0 : i32
      %dma_start3A_502 = tpu.memref_slice %arg44[%dma_start3A_500, %dma_start3A_501] : memref<10240x80xf32, #tpu.memory_space<vmem_shared>> -> memref<10240x80xf32, #tpu.memory_space<vmem_shared>>
      tpu.enqueue_indirect_dma source(%arg37 : memref<32x80xf32, #tpu.memory_space<vmem>>) target(%dma_start3A_502 : memref<10240x80xf32, #tpu.memory_space<vmem_shared>>) offsets(%arg42 : memref<32xi32, #tpu.memory_space<vmem>>) semaphore(%arg54 : memref<!tpu.dma_semaphore, #tpu.memory_space<semaphore_mem>>) {add = true}
      %scan3A_503 = arith.constant 0 : i32
      scf.yield %scan3A_503 : i32
    }
    %scan3A_264 = arith.constant 125 : i32
    %dma_wait3A_265 = arith.constant 0 : i32
    %dma_wait3A_266 = arith.constant 0 : i32
    %dma_wait3A_267 = tpu.memref_slice %arg44[%dma_wait3A_265, %dma_wait3A_266] : memref<10240x80xf32, #tpu.memory_space<vmem_shared>> -> memref<10240x80xf32, #tpu.memory_space<vmem_shared>>
    tpu.wait_indirect_dma semaphore(%arg50 : memref<!tpu.dma_semaphore, #tpu.memory_space<semaphore_mem>>) src(%arg33 : memref<32x80xf32, #tpu.memory_space<vmem>>) dst(%dma_wait3A_267 : memref<10240x80xf32, #tpu.memory_space<vmem_shared>>)
    %dma_wait3A_268 = arith.constant 0 : i32
    %dma_wait3A_269 = arith.constant 0 : i32
    %dma_wait3A_270 = tpu.memref_slice %arg44[%dma_wait3A_268, %dma_wait3A_269] : memref<10240x80xf32, #tpu.memory_space<vmem_shared>> -> memref<10240x80xf32, #tpu.memory_space<vmem_shared>>
    tpu.wait_indirect_dma semaphore(%arg51 : memref<!tpu.dma_semaphore, #tpu.memory_space<semaphore_mem>>) src(%arg34 : memref<32x80xf32, #tpu.memory_space<vmem>>) dst(%dma_wait3A_270 : memref<10240x80xf32, #tpu.memory_space<vmem_shared>>)
    %dma_wait3A_271 = arith.constant 0 : i32
    %dma_wait3A_272 = arith.constant 0 : i32
    %dma_wait3A_273 = tpu.memref_slice %arg44[%dma_wait3A_271, %dma_wait3A_272] : memref<10240x80xf32, #tpu.memory_space<vmem_shared>> -> memref<10240x80xf32, #tpu.memory_space<vmem_shared>>
    tpu.wait_indirect_dma semaphore(%arg52 : memref<!tpu.dma_semaphore, #tpu.memory_space<semaphore_mem>>) src(%arg35 : memref<32x80xf32, #tpu.memory_space<vmem>>) dst(%dma_wait3A_273 : memref<10240x80xf32, #tpu.memory_space<vmem_shared>>)
    %dma_wait3A_274 = arith.constant 0 : i32
    %dma_wait3A_275 = arith.constant 0 : i32
    %dma_wait3A_276 = tpu.memref_slice %arg44[%dma_wait3A_274, %dma_wait3A_275] : memref<10240x80xf32, #tpu.memory_space<vmem_shared>> -> memref<10240x80xf32, #tpu.memory_space<vmem_shared>>
    tpu.wait_indirect_dma semaphore(%arg53 : memref<!tpu.dma_semaphore, #tpu.memory_space<semaphore_mem>>) src(%arg36 : memref<32x80xf32, #tpu.memory_space<vmem>>) dst(%dma_wait3A_276 : memref<10240x80xf32, #tpu.memory_space<vmem_shared>>)
    %dma_wait3A_277 = arith.constant 0 : i32
    %dma_wait3A_278 = arith.constant 0 : i32
    %dma_wait3A_279 = tpu.memref_slice %arg44[%dma_wait3A_277, %dma_wait3A_278] : memref<10240x80xf32, #tpu.memory_space<vmem_shared>> -> memref<10240x80xf32, #tpu.memory_space<vmem_shared>>
    tpu.wait_indirect_dma semaphore(%arg54 : memref<!tpu.dma_semaphore, #tpu.memory_space<semaphore_mem>>) src(%arg37 : memref<32x80xf32, #tpu.memory_space<vmem>>) dst(%dma_wait3A_279 : memref<10240x80xf32, #tpu.memory_space<vmem_shared>>)
    %barrier3A_280 = arith.constant 0 : index
    tpu.barrier barrier_id(%barrier3A_280)
    %mul3A_281 = arith.constant 640 : i32
    %mul3A_282 = arith.muli %arg1, %mul3A_281 : i32
    %mul3A_283 = arith.constant 640 : i32
    %mul3A_284 = arith.muli %arg1, %mul3A_283 : i32
    "tpu.region"() ({
      %run_scoped3A = tpu.sem_alloc : memref<!tpu.dma_semaphore, #tpu.memory_space<semaphore_mem>>
      %dma_start3A_285 = arith.constant 0 : i32
      %dma_start3A_286 = arith.constant 0 : i32
      %dma_start3A_287 = tpu.memref_slice %arg5[%arg0, %dma_start3A_285, %dma_start3A_286] : memref<2x10240x80xf32, #tpu.memory_space<hbm>> -> memref<1x10240x80xf32, #tpu.memory_space<hbm>>
      %dma_start3A_288 = tpu.memref_squeeze %dma_start3A_287 : memref<1x10240x80xf32, #tpu.memory_space<hbm>> -> memref<10240x80xf32, #tpu.memory_space<hbm>>
      %dma_start3A_289 = arith.constant 0 : i32
      %dma_start3A_290 = tpu.memref_slice %dma_start3A_288[%mul3A_284, %dma_start3A_289] : memref<10240x80xf32, #tpu.memory_space<hbm>> -> memref<640x80xf32, #tpu.memory_space<hbm>>
      %dma_start3A_291 = arith.constant 0 : i32
      %dma_start3A_292 = tpu.memref_slice %arg44[%mul3A_282, %dma_start3A_291] : memref<10240x80xf32, #tpu.memory_space<vmem_shared>> -> memref<640x80xf32, #tpu.memory_space<vmem_shared>>
      tpu.enqueue_dma source(%dma_start3A_292 : memref<640x80xf32, #tpu.memory_space<vmem_shared>>) target(%dma_start3A_290 : memref<640x80xf32, #tpu.memory_space<hbm>>) target_semaphore(%run_scoped3A : memref<!tpu.dma_semaphore, #tpu.memory_space<semaphore_mem>>)
      %dma_wait3A_293 = arith.constant 0 : i32
      %dma_wait3A_294 = arith.constant 0 : i32
      %dma_wait3A_295 = tpu.memref_slice %arg5[%arg0, %dma_wait3A_293, %dma_wait3A_294] : memref<2x10240x80xf32, #tpu.memory_space<hbm>> -> memref<1x10240x80xf32, #tpu.memory_space<hbm>>
      %dma_wait3A_296 = tpu.memref_squeeze %dma_wait3A_295 : memref<1x10240x80xf32, #tpu.memory_space<hbm>> -> memref<10240x80xf32, #tpu.memory_space<hbm>>
      %dma_wait3A_297 = arith.constant 0 : i32
      %dma_wait3A_298 = tpu.memref_slice %dma_wait3A_296[%mul3A_284, %dma_wait3A_297] : memref<10240x80xf32, #tpu.memory_space<hbm>> -> memref<640x80xf32, #tpu.memory_space<hbm>>
      %dma_wait3A_299 = arith.constant 0 : i32
      %dma_wait3A_300 = tpu.memref_slice %arg44[%mul3A_282, %dma_wait3A_299] : memref<10240x80xf32, #tpu.memory_space<vmem_shared>> -> memref<640x80xf32, #tpu.memory_space<vmem_shared>>
      tpu.wait_dma2 semaphore(%run_scoped3A : memref<!tpu.dma_semaphore, #tpu.memory_space<semaphore_mem>>) src(%dma_wait3A_300 : memref<640x80xf32, #tpu.memory_space<vmem_shared>>) dst(%dma_wait3A_298 : memref<640x80xf32, #tpu.memory_space<hbm>>)
      tpu.yield
    }) : () -> ()
    return
  }
}

module attributes {stable_mosaic.version = 14 : i64} {
  func.func @_qkv_body(%arg0: i32, %arg1: memref<1000x128xf32, #tpu.memory_space<vmem>>, %arg2: memref<128x128xf32, #tpu.memory_space<vmem>>, %arg3: memref<1x128xf32, #tpu.memory_space<vmem>>, %arg4: memref<128x128xf32, #tpu.memory_space<vmem>>, %arg5: memref<1x128xf32, #tpu.memory_space<vmem>>, %arg6: memref<128x128xf32, #tpu.memory_space<vmem>>, %arg7: memref<1x128xf32, #tpu.memory_space<vmem>>, %arg8: memref<128x128xf32, #tpu.memory_space<vmem>>, %arg9: memref<1x128xf32, #tpu.memory_space<vmem>>, %arg10: memref<2x1000x64xbf16, #tpu.memory_space<vmem>>, %arg11: memref<2x1000x128xbf16, #tpu.memory_space<vmem>>) attributes {dimension_semantics = [#tpu.dimension_semantics<arbitrary>], iteration_bounds = array<i64: 10>, scalar_prefetch = 0 : i64, scratch_operands = 0 : i64, tpu.core_type = #tpu.core_type<tc>, window_params = [{transform_indices = @transform_0, window_bounds = array<i64: 1000, 128>}, {pipeline_mode = #tpu.pipeline_mode<synchronous>, transform_indices = @transform_1, window_bounds = array<i64: 128, 128>}, {pipeline_mode = #tpu.pipeline_mode<synchronous>, transform_indices = @transform_2, window_bounds = array<i64: 1, 128>}, {pipeline_mode = #tpu.pipeline_mode<synchronous>, transform_indices = @transform_3, window_bounds = array<i64: 128, 128>}, {pipeline_mode = #tpu.pipeline_mode<synchronous>, transform_indices = @transform_4, window_bounds = array<i64: 1, 128>}, {pipeline_mode = #tpu.pipeline_mode<synchronous>, transform_indices = @transform_5, window_bounds = array<i64: 128, 128>}, {pipeline_mode = #tpu.pipeline_mode<synchronous>, transform_indices = @transform_6, window_bounds = array<i64: 1, 128>}, {pipeline_mode = #tpu.pipeline_mode<synchronous>, transform_indices = @transform_7, window_bounds = array<i64: 128, 128>}, {pipeline_mode = #tpu.pipeline_mode<synchronous>, transform_indices = @transform_8, window_bounds = array<i64: 1, 128>}, {transform_indices = @transform_9, window_bounds = array<i64: 2, 1000, 64>}, {transform_indices = @transform_10, window_bounds = array<i64: 2, 1000, 128>}]} {
    %get3A = arith.constant 0 : index
    %get3A_0 = arith.constant 0 : index
    %get3A_1 = vector.load %arg1[%get3A, %get3A_0] : memref<1000x128xf32, #tpu.memory_space<vmem>>, vector<1000x128xf32>
    %get3A_2 = arith.constant 0 : index
    %get3A_3 = arith.constant 0 : index
    %get3A_4 = vector.load %arg2[%get3A_2, %get3A_3] : memref<128x128xf32, #tpu.memory_space<vmem>>, vector<128x128xf32>
    %dot_general3A = arith.constant dense<0.000000e+00> : vector<1000x128xf32>
    %dot_general3A_5 = tpu.matmul %get3A_1, %get3A_4, %dot_general3A {dimension_numbers = #tpu.dot_dimension_numbers<[1], [0], [0], [1], [0, 0, 1, 1], [], []>, transpose_lhs_hint = false} : vector<1000x128xf32>, vector<128x128xf32>, vector<1000x128xf32> -> vector<1000x128xf32>
    %get3A_6 = arith.constant 0 : index
    %get3A_7 = arith.constant 0 : index
    %get3A_8 = vector.load %arg3[%get3A_6, %get3A_7] : memref<1x128xf32, #tpu.memory_space<vmem>>, vector<1x128xf32>
    %add3A = vector.broadcast %get3A_8 : vector<1x128xf32> to vector<1000x128xf32>
    %add3A_9 = arith.addf %dot_general3A_5, %add3A : vector<1000x128xf32>
    %get3A_10 = arith.constant 0 : index
    %get3A_11 = arith.constant 0 : index
    %get3A_12 = vector.load %arg4[%get3A_10, %get3A_11] : memref<128x128xf32, #tpu.memory_space<vmem>>, vector<128x128xf32>
    %dot_general3A_13 = arith.constant dense<0.000000e+00> : vector<1000x128xf32>
    %dot_general3A_14 = tpu.matmul %add3A_9, %get3A_12, %dot_general3A_13 {dimension_numbers = #tpu.dot_dimension_numbers<[1], [0], [0], [1], [0, 0, 1, 1], [], []>, transpose_lhs_hint = false} : vector<1000x128xf32>, vector<128x128xf32>, vector<1000x128xf32> -> vector<1000x128xf32>
    %get3A_15 = arith.constant 0 : index
    %get3A_16 = arith.constant 0 : index
    %get3A_17 = vector.load %arg5[%get3A_15, %get3A_16] : memref<1x128xf32, #tpu.memory_space<vmem>>, vector<1x128xf32>
    %add3A_18 = vector.broadcast %get3A_17 : vector<1x128xf32> to vector<1000x128xf32>
    %add3A_19 = arith.addf %dot_general3A_14, %add3A_18 : vector<1000x128xf32>
    %mul3A = arith.constant 2.500000e-01 : f32
    %mul3A_20 = vector.broadcast %mul3A : f32 to vector<1000x128xf32>
    %mul3A_21 = arith.mulf %add3A_19, %mul3A_20 : vector<1000x128xf32>
    %get3A_22 = arith.constant 0 : index
    %get3A_23 = arith.constant 0 : index
    %get3A_24 = vector.load %arg6[%get3A_22, %get3A_23] : memref<128x128xf32, #tpu.memory_space<vmem>>, vector<128x128xf32>
    %dot_general3A_25 = arith.constant dense<0.000000e+00> : vector<1000x128xf32>
    %dot_general3A_26 = tpu.matmul %add3A_9, %get3A_24, %dot_general3A_25 {dimension_numbers = #tpu.dot_dimension_numbers<[1], [0], [0], [1], [0, 0, 1, 1], [], []>, transpose_lhs_hint = false} : vector<1000x128xf32>, vector<128x128xf32>, vector<1000x128xf32> -> vector<1000x128xf32>
    %get3A_27 = arith.constant 0 : index
    %get3A_28 = arith.constant 0 : index
    %get3A_29 = vector.load %arg7[%get3A_27, %get3A_28] : memref<1x128xf32, #tpu.memory_space<vmem>>, vector<1x128xf32>
    %add3A_30 = vector.broadcast %get3A_29 : vector<1x128xf32> to vector<1000x128xf32>
    %add3A_31 = arith.addf %dot_general3A_26, %add3A_30 : vector<1000x128xf32>
    %get3A_32 = arith.constant 0 : index
    %get3A_33 = arith.constant 0 : index
    %get3A_34 = vector.load %arg8[%get3A_32, %get3A_33] : memref<128x128xf32, #tpu.memory_space<vmem>>, vector<128x128xf32>
    %dot_general3A_35 = arith.constant dense<0.000000e+00> : vector<1000x128xf32>
    %dot_general3A_36 = tpu.matmul %add3A_9, %get3A_34, %dot_general3A_35 {dimension_numbers = #tpu.dot_dimension_numbers<[1], [0], [0], [1], [0, 0, 1, 1], [], []>, transpose_lhs_hint = false} : vector<1000x128xf32>, vector<128x128xf32>, vector<1000x128xf32> -> vector<1000x128xf32>
    %get3A_37 = arith.constant 0 : index
    %get3A_38 = arith.constant 0 : index
    %get3A_39 = vector.load %arg9[%get3A_37, %get3A_38] : memref<1x128xf32, #tpu.memory_space<vmem>>, vector<1x128xf32>
    %add3A_40 = vector.broadcast %get3A_39 : vector<1x128xf32> to vector<1000x128xf32>
    %add3A_41 = arith.addf %dot_general3A_36, %add3A_40 : vector<1000x128xf32>
    %slice3A = vector.extract_strided_slice %mul3A_21 {offsets = [0, 0], sizes = [1000, 64], strides = [1, 1]} : vector<1000x128xf32> to vector<1000x64xf32>
    %convert_element_type3A = arith.truncf %slice3A : vector<1000x64xf32> to vector<1000x64xbf16>
    %swap3A = arith.constant 0 : index
    %swap3A_42 = arith.constant 0 : index
    %swap3A_43 = arith.constant 0 : index
    %swap3A_44 = vector.load %arg10[%swap3A, %swap3A_42, %swap3A_43] : memref<2x1000x64xbf16, #tpu.memory_space<vmem>>, vector<1x1000x64xbf16>
    %swap3A_45 = vector.shape_cast %swap3A_44 : vector<1x1000x64xbf16> to vector<1000x64xbf16>
    %swap3A_46 = vector.shape_cast %convert_element_type3A : vector<1000x64xbf16> to vector<1x1000x64xbf16>
    tpu.vector_store %arg10[%swap3A, %swap3A_42, %swap3A_43], %swap3A_46 {strides = array<i32>} : memref<2x1000x64xbf16, #tpu.memory_space<vmem>>, vector<1x1000x64xbf16>,
    %slice3A_47 = vector.extract_strided_slice %mul3A_21 {offsets = [0, 64], sizes = [1000, 64], strides = [1, 1]} : vector<1000x128xf32> to vector<1000x64xf32>
    %convert_element_type3A_48 = arith.truncf %slice3A_47 : vector<1000x64xf32> to vector<1000x64xbf16>
    %swap3A_49 = arith.constant 1 : index
    %swap3A_50 = arith.constant 0 : index
    %swap3A_51 = arith.constant 0 : index
    %swap3A_52 = vector.load %arg10[%swap3A_49, %swap3A_50, %swap3A_51] : memref<2x1000x64xbf16, #tpu.memory_space<vmem>>, vector<1x1000x64xbf16>
    %swap3A_53 = vector.shape_cast %swap3A_52 : vector<1x1000x64xbf16> to vector<1000x64xbf16>
    %swap3A_54 = vector.shape_cast %convert_element_type3A_48 : vector<1000x64xbf16> to vector<1x1000x64xbf16>
    tpu.vector_store %arg10[%swap3A_49, %swap3A_50, %swap3A_51], %swap3A_54 {strides = array<i32>} : memref<2x1000x64xbf16, #tpu.memory_space<vmem>>, vector<1x1000x64xbf16>,
    %slice3A_55 = vector.extract_strided_slice %add3A_31 {offsets = [0, 0], sizes = [1000, 64], strides = [1, 1]} : vector<1000x128xf32> to vector<1000x64xf32>
    %slice3A_56 = vector.extract_strided_slice %add3A_41 {offsets = [0, 0], sizes = [1000, 64], strides = [1, 1]} : vector<1000x128xf32> to vector<1000x64xf32>
    %concatenate3A = tpu.concatenate %slice3A_55, %slice3A_56 in 1 : vector<1000x64xf32>, vector<1000x64xf32> -> vector<1000x128xf32>
    %convert_element_type3A_57 = arith.truncf %concatenate3A : vector<1000x128xf32> to vector<1000x128xbf16>
    %swap3A_58 = arith.constant 0 : index
    %swap3A_59 = arith.constant 0 : index
    %swap3A_60 = arith.constant 0 : index
    %swap3A_61 = vector.load %arg11[%swap3A_58, %swap3A_59, %swap3A_60] : memref<2x1000x128xbf16, #tpu.memory_space<vmem>>, vector<1x1000x128xbf16>
    %swap3A_62 = vector.shape_cast %swap3A_61 : vector<1x1000x128xbf16> to vector<1000x128xbf16>
    %swap3A_63 = vector.shape_cast %convert_element_type3A_57 : vector<1000x128xbf16> to vector<1x1000x128xbf16>
    tpu.vector_store %arg11[%swap3A_58, %swap3A_59, %swap3A_60], %swap3A_63 {strides = array<i32>} : memref<2x1000x128xbf16, #tpu.memory_space<vmem>>, vector<1x1000x128xbf16>,
    %slice3A_64 = vector.extract_strided_slice %add3A_31 {offsets = [0, 64], sizes = [1000, 64], strides = [1, 1]} : vector<1000x128xf32> to vector<1000x64xf32>
    %slice3A_65 = vector.extract_strided_slice %add3A_41 {offsets = [0, 64], sizes = [1000, 64], strides = [1, 1]} : vector<1000x128xf32> to vector<1000x64xf32>
    %concatenate3A_66 = tpu.concatenate %slice3A_64, %slice3A_65 in 1 : vector<1000x64xf32>, vector<1000x64xf32> -> vector<1000x128xf32>
    %convert_element_type3A_67 = arith.truncf %concatenate3A_66 : vector<1000x128xf32> to vector<1000x128xbf16>
    %swap3A_68 = arith.constant 1 : index
    %swap3A_69 = arith.constant 0 : index
    %swap3A_70 = arith.constant 0 : index
    %swap3A_71 = vector.load %arg11[%swap3A_68, %swap3A_69, %swap3A_70] : memref<2x1000x128xbf16, #tpu.memory_space<vmem>>, vector<1x1000x128xbf16>
    %swap3A_72 = vector.shape_cast %swap3A_71 : vector<1x1000x128xbf16> to vector<1000x128xbf16>
    %swap3A_73 = vector.shape_cast %convert_element_type3A_67 : vector<1000x128xbf16> to vector<1x1000x128xbf16>
    tpu.vector_store %arg11[%swap3A_68, %swap3A_69, %swap3A_70], %swap3A_73 {strides = array<i32>} : memref<2x1000x128xbf16, #tpu.memory_space<vmem>>, vector<1x1000x128xbf16>,
    return
  }
  func.func @transform_0(%arg0: i32) -> (i32, i32) {
    %c0_i32 = arith.constant 0 : i32
    %c0_i32_0 = arith.constant 0 : i32
    return %arg0, %c0_i32 : i32, i32
  }
  func.func @transform_1(%arg0: i32) -> (i32, i32) {
    %c0_i32 = arith.constant 0 : i32
    %c0_i32_0 = arith.constant 0 : i32
    %c0_i32_1 = arith.constant 0 : i32
    return %c0_i32, %c0_i32_0 : i32, i32
  }
  func.func @transform_2(%arg0: i32) -> (i32, i32) {
    %c0_i32 = arith.constant 0 : i32
    %c0_i32_0 = arith.constant 0 : i32
    %c0_i32_1 = arith.constant 0 : i32
    return %c0_i32, %c0_i32_0 : i32, i32
  }
  func.func @transform_3(%arg0: i32) -> (i32, i32) {
    %c0_i32 = arith.constant 0 : i32
    %c0_i32_0 = arith.constant 0 : i32
    %c0_i32_1 = arith.constant 0 : i32
    return %c0_i32, %c0_i32_0 : i32, i32
  }
  func.func @transform_4(%arg0: i32) -> (i32, i32) {
    %c0_i32 = arith.constant 0 : i32
    %c0_i32_0 = arith.constant 0 : i32
    %c0_i32_1 = arith.constant 0 : i32
    return %c0_i32, %c0_i32_0 : i32, i32
  }
  func.func @transform_5(%arg0: i32) -> (i32, i32) {
    %c0_i32 = arith.constant 0 : i32
    %c0_i32_0 = arith.constant 0 : i32
    %c0_i32_1 = arith.constant 0 : i32
    return %c0_i32, %c0_i32_0 : i32, i32
  }
  func.func @transform_6(%arg0: i32) -> (i32, i32) {
    %c0_i32 = arith.constant 0 : i32
    %c0_i32_0 = arith.constant 0 : i32
    %c0_i32_1 = arith.constant 0 : i32
    return %c0_i32, %c0_i32_0 : i32, i32
  }
  func.func @transform_7(%arg0: i32) -> (i32, i32) {
    %c0_i32 = arith.constant 0 : i32
    %c0_i32_0 = arith.constant 0 : i32
    %c0_i32_1 = arith.constant 0 : i32
    return %c0_i32, %c0_i32_0 : i32, i32
  }
  func.func @transform_8(%arg0: i32) -> (i32, i32) {
    %c0_i32 = arith.constant 0 : i32
    %c0_i32_0 = arith.constant 0 : i32
    %c0_i32_1 = arith.constant 0 : i32
    return %c0_i32, %c0_i32_0 : i32, i32
  }
  func.func @transform_9(%arg0: i32) -> (i32, i32, i32) {
    %c0_i32 = arith.constant 0 : i32
    %c0_i32_0 = arith.constant 0 : i32
    %c0_i32_1 = arith.constant 0 : i32
    return %c0_i32, %arg0, %c0_i32_0 : i32, i32, i32
  }
  func.func @transform_10(%arg0: i32) -> (i32, i32, i32) {
    %c0_i32 = arith.constant 0 : i32
    %c0_i32_0 = arith.constant 0 : i32
    %c0_i32_1 = arith.constant 0 : i32
    return %c0_i32, %arg0, %c0_i32_0 : i32, i32, i32
  }
}

module attributes {stable_mosaic.version = 14 : i64} {
  func.func @_final_body(%arg0: i32, %arg1: memref<2x1000x80xf32, #tpu.memory_space<vmem>>, %arg2: memref<128x128xf32, #tpu.memory_space<vmem>>, %arg3: memref<1x128xf32, #tpu.memory_space<vmem>>, %arg4: memref<1000x128xf32, #tpu.memory_space<vmem>>) attributes {dimension_semantics = [#tpu.dimension_semantics<arbitrary>], iteration_bounds = array<i64: 10>, scalar_prefetch = 0 : i64, scratch_operands = 0 : i64, tpu.core_type = #tpu.core_type<tc>, window_params = [{transform_indices = @transform_0, window_bounds = array<i64: 2, 1000, 80>}, {pipeline_mode = #tpu.pipeline_mode<synchronous>, transform_indices = @transform_1, window_bounds = array<i64: 128, 128>}, {pipeline_mode = #tpu.pipeline_mode<synchronous>, transform_indices = @transform_2, window_bounds = array<i64: 1, 128>}, {transform_indices = @transform_3, window_bounds = array<i64: 1000, 128>}]} {
    %get3A = arith.constant 0 : index
    %get3A_0 = arith.constant 0 : index
    %get3A_1 = arith.constant 0 : index
    %get3A_2 = vector.load %arg1[%get3A, %get3A_0, %get3A_1] : memref<2x1000x80xf32, #tpu.memory_space<vmem>>, vector<2x1000x80xf32>
    %slice3A = vector.extract_strided_slice %get3A_2 {offsets = [0, 0, 0], sizes = [1, 1000, 64], strides = [1, 1, 1]} : vector<2x1000x80xf32> to vector<1x1000x64xf32>
    %squeeze3A = vector.shape_cast %slice3A : vector<1x1000x64xf32> to vector<1000x64xf32>
    %slice3A_3 = vector.extract_strided_slice %get3A_2 {offsets = [0, 0, 64], sizes = [1, 1000, 16], strides = [1, 1, 1]} : vector<2x1000x80xf32> to vector<1x1000x16xf32>
    %squeeze3A_4 = vector.shape_cast %slice3A_3 : vector<1x1000x16xf32> to vector<1000x16xf32>
    %tile3A = tpu.concatenate %squeeze3A_4, %squeeze3A_4, %squeeze3A_4, %squeeze3A_4 in 1 : vector<1000x16xf32>, vector<1000x16xf32>, vector<1000x16xf32>, vector<1000x16xf32> -> vector<1000x64xf32>
    %add3A = arith.constant 9.99999971E-10 : f32
    %add3A_5 = vector.broadcast %add3A : f32 to vector<1000x64xf32>
    %add3A_6 = arith.addf %tile3A, %add3A_5 : vector<1000x64xf32>
    %div3A = arith.divf %squeeze3A, %add3A_6 : vector<1000x64xf32>
    %slice3A_7 = vector.extract_strided_slice %get3A_2 {offsets = [1, 0, 0], sizes = [1, 1000, 64], strides = [1, 1, 1]} : vector<2x1000x80xf32> to vector<1x1000x64xf32>
    %squeeze3A_8 = vector.shape_cast %slice3A_7 : vector<1x1000x64xf32> to vector<1000x64xf32>
    %slice3A_9 = vector.extract_strided_slice %get3A_2 {offsets = [1, 0, 64], sizes = [1, 1000, 16], strides = [1, 1, 1]} : vector<2x1000x80xf32> to vector<1x1000x16xf32>
    %squeeze3A_10 = vector.shape_cast %slice3A_9 : vector<1x1000x16xf32> to vector<1000x16xf32>
    %tile3A_11 = tpu.concatenate %squeeze3A_10, %squeeze3A_10, %squeeze3A_10, %squeeze3A_10 in 1 : vector<1000x16xf32>, vector<1000x16xf32>, vector<1000x16xf32>, vector<1000x16xf32> -> vector<1000x64xf32>
    %add3A_12 = arith.constant 9.99999971E-10 : f32
    %add3A_13 = vector.broadcast %add3A_12 : f32 to vector<1000x64xf32>
    %add3A_14 = arith.addf %tile3A_11, %add3A_13 : vector<1000x64xf32>
    %div3A_15 = arith.divf %squeeze3A_8, %add3A_14 : vector<1000x64xf32>
    %concatenate3A = tpu.concatenate %div3A, %div3A_15 in 1 : vector<1000x64xf32>, vector<1000x64xf32> -> vector<1000x128xf32>
    %get3A_16 = arith.constant 0 : index
    %get3A_17 = arith.constant 0 : index
    %get3A_18 = vector.load %arg2[%get3A_16, %get3A_17] : memref<128x128xf32, #tpu.memory_space<vmem>>, vector<128x128xf32>
    %dot_general3A = arith.constant dense<0.000000e+00> : vector<1000x128xf32>
    %dot_general3A_19 = tpu.matmul %concatenate3A, %get3A_18, %dot_general3A {dimension_numbers = #tpu.dot_dimension_numbers<[1], [0], [0], [1], [0, 0, 1, 1], [], []>, transpose_lhs_hint = false} : vector<1000x128xf32>, vector<128x128xf32>, vector<1000x128xf32> -> vector<1000x128xf32>
    %get3A_20 = arith.constant 0 : index
    %get3A_21 = arith.constant 0 : index
    %get3A_22 = vector.load %arg3[%get3A_20, %get3A_21] : memref<1x128xf32, #tpu.memory_space<vmem>>, vector<1x128xf32>
    %add3A_23 = vector.broadcast %get3A_22 : vector<1x128xf32> to vector<1000x128xf32>
    %add3A_24 = arith.addf %dot_general3A_19, %add3A_23 : vector<1000x128xf32>
    %swap3A = arith.constant 0 : index
    %swap3A_25 = arith.constant 0 : index
    %swap3A_26 = vector.load %arg4[%swap3A, %swap3A_25] : memref<1000x128xf32, #tpu.memory_space<vmem>>, vector<1000x128xf32>
    tpu.vector_store %arg4[%swap3A, %swap3A_25], %add3A_24 {strides = array<i32>} : memref<1000x128xf32, #tpu.memory_space<vmem>>, vector<1000x128xf32>,
    return
  }
  func.func @transform_0(%arg0: i32) -> (i32, i32, i32) {
    %c0_i32 = arith.constant 0 : i32
    %c0_i32_0 = arith.constant 0 : i32
    %c0_i32_1 = arith.constant 0 : i32
    return %c0_i32, %arg0, %c0_i32_0 : i32, i32, i32
  }
  func.func @transform_1(%arg0: i32) -> (i32, i32) {
    %c0_i32 = arith.constant 0 : i32
    %c0_i32_0 = arith.constant 0 : i32
    %c0_i32_1 = arith.constant 0 : i32
    return %c0_i32, %c0_i32_0 : i32, i32
  }
  func.func @transform_2(%arg0: i32) -> (i32, i32) {
    %c0_i32 = arith.constant 0 : i32
    %c0_i32_0 = arith.constant 0 : i32
    %c0_i32_1 = arith.constant 0 : i32
    return %c0_i32, %c0_i32_0 : i32, i32
  }
  func.func @transform_3(%arg0: i32) -> (i32, i32) {
    %c0_i32 = arith.constant 0 : i32
    %c0_i32_0 = arith.constant 0 : i32
    return %arg0, %c0_i32 : i32, i32
  }
}

</mosaic_0001>

<sc_bundles>
// kernel: kernel.5.cloned.1.call-start
scs
__scs_entry_jumppad:
0x0: {  	(pc) =	sbr.rel $0x88, $3  }
0x1: {  	(tag) =	ssettag $0x0;
	lr =	simm.s32 $0x1  }
0x2: {  	[smem:$0x3F95] =	sst lr;
	_ =	strace $0xD0000000  }
0x3: {  	_ = 	snop  }
0x4: {  	_ = 	snop  }
0x5: {  	_ = 	snop  }
0x6: {  	_ = 	snop  }
0x7: {  	_ = 	snop  }
__scs_overlays_trampoline_lowered:
0x8: {  	[smem:$0x3FA4] =	sst s0  }
0x9: {  	[smem:$0x3FA5] =	sst s1  }
0xa: {  	[smem:$0x3FA6] =	sst s2  }
0xb: {  	[smem:$0x3FA7] =	sst s3  }
0xc: {  	[smem:$0x3FA8] =	sst s4  }
0xd: {  	[smem:$0x3FA9] =	sst s5  }
0xe: {  	[smem:$0x3FAA] =	sst s6  }
0xf: {  	[smem:$0x3FAB] =	sst s7  }
0x10: {  	[smem:$0x3FAC] =	sst s8  }
0x11: {  	[smem:$0x3FAD] =	sst s9;
	s0 =	simm.s32 @!p0 $0x0  }
0x12: {  	s1 =	sld [smem:$0x3F93];
	s0 =	simm.s32 @p0 $0x1  }
0x13: {  	[smem:$0x3FAE] =	sst s0;
	s0 =	simm.s32 @!p1 $0x0  }
0x14: {  	s2 =	sld [smem:$0x3F92];
	s0 =	simm.s32 @p1 $0x1  }
0x15: {  	[smem:$0x3FAF] =	sst s0;
	s0 =	simm.s32 @!p2 $0x0  }
0x16: {  	s3 =	sld [smem:$0x3FDB];
	s0 =	simm.s32 @p2 $0x1  }
0x17: {  	s4 =	simm.s32 $0x1BF5;
	[smem:$0x3FB1] =	sst s0  }
0x18: {  	s0 =	sld [smem:$0x3F94];
	_ =	swait.ge [sflag:s4], $0x0  }
0x19: {  	s7 =	sld [smem:$0x3F95]  }
0x1a: {  	s8 =	sadd.s32 $0xFFFFE003, lr  }
0x1b: {  	s9 =	sadd.s32 $0xFFFFFEF7, lr;
	s5 =	simm.s32 $0xFFFFFFFF;
	p2 =	slt.u32 s8, $0xFFFFF086  }
0x1c: {  	p1 =	slt.u32 s9, $0xF7A;
	s5 =	simm.s32 @!p2 $0x0  }
0x1d: {  	s5 =	simm.s32 @p1 $0x1;
	p0 =	seq.s32 s7, s2  }
0x1e: {  	s7 =	smul.u32 @!p0 $0xF7A, s2;
	p2 =	seq.s32 @!p0 s5, $0x0  }
0x1f: {  	s9 =	smul.u32 $0xF7A, s1;
	s8 =	simm.s32 @!p0 $0x1BF5;
	p2 =	por !p2, p0  }
0x20: {  	[sflag:s8] =	ssyncset.s32 @!p0 $0xFFFFF086;
	s6 =	sadd.s32 @!p0 s3, s7;
	s7 =	simm.s32 @!p0 $0x108  }
0x21: {  	s3 =	sadd.s32 s3, s9;
	s6 =	sadd.s32 @!p0 $0x88, s6;
	s7 =	simm.s32 @p2 $0x1082  }
0x22: {  	[simem:s7], [sflag:s8] =	dma.local @!p0 [hbm:s6], $0xF7A  }
0x23: {  	s9 =	sor.u32 $0xD0000000, s2;
	s6 =	simm.s32 $0x108;
	_ =	swait.ge @!p0 [sflag:s8], $0x0  }
0x24: {  	s3 =	sadd.s32 $0x88, s3;
	s6 =	simm.s32 @!p1 $0x1082;
	[sflag:s4] =	ssyncset.s32 $0xFFFFF086  }
0x25: {  	[simem:s6], [sflag:s4] =	dma.local [hbm:s3], $0xF7A  }
0x26: {  	[smem:$0x3F95] =	sst s1;
	(tag) =	ssettag s2;
	_ =	strace s9  }
0x27: {  	s1 =	sld [smem:$0x3FA5]  }
0x28: {  	s2 =	sld [smem:$0x3FA6]  }
0x29: {  	s4 =	sld [smem:$0x3FA8]  }
0x2a: {  	p0 =	seq.s32 s5, $0x0;
	s5 =	sld [smem:$0x3FA9]  }
0x2b: {  	s6 =	sld [smem:$0x3FAA]  }
0x2c: {  	s7 =	sld [smem:$0x3FAB]  }
0x2d: {  	s3 =	simm.s32 $0x108;
	s8 =	sld [smem:$0x3FAC]  }
0x2e: {  	s3 =	simm.s32 @!p0 $0x1082;
	s9 =	sld [smem:$0x3FAD]  }
0x2f: {  	lr =	sadd.s32 s0, s3;
	s0 =	sld [smem:$0x3FA4]  }
0x30: {  	s3 =	sld [smem:$0x3FA7]  }
0x31: {  	[smem:$0x3FB0] =	sst s10  }
0x32: {  	s10 =	sld [smem:$0x3FAE];
	_ =	sdelay $0x3  }
0x33: {  	p0 =	seq.s32 s10, $0x1;
	s10 =	sld [smem:$0x3FB0];
	_ =	sdelay $0x3  }
0x34: {  	[smem:$0x3FB0] =	sst s10  }
0x35: {  	s10 =	sld [smem:$0x3FAF];
	_ =	sdelay $0x3  }
0x36: {  	p1 =	seq.s32 s10, $0x1;
	s10 =	sld [smem:$0x3FB0];
	_ =	sdelay $0x3  }
0x37: {  	[smem:$0x3FB0] =	sst s10  }
0x38: {  	s10 =	sld [smem:$0x3FB1]  }
0x39: {  	_ = 	snop;
	(pc) =	sbr.ind lr, $3  }
0x3a: {  	_ = 	snop  }
0x3b: {  	_ = 	snop  }
0x3c: {  	p2 =	seq.s32 s10, $0x1;
	s10 =	sld [smem:$0x3FB0]  }
0x3d: {  	_ =	shalt  }
0x3e: {  	_ =	shalt  }
0x3f: {  	_ =	shalt  }
0x40: {  	_ =	shalt  }
0x41: {  	_ =	shalt  }
0x42: {  	_ =	shalt  }
0x43: {  	_ =	shalt  }
0x44: {  	_ =	shalt  }
0x45: {  	_ =	shalt  }
0x46: {  	_ =	shalt  }
0x47: {  	_ =	shalt  }
0x48: {  	_ =	shalt  }
0x49: {  	_ =	shalt  }
0x4a: {  	_ =	shalt  }
0x4b: {  	_ =	shalt  }
0x4c: {  	_ =	shalt  }
0x4d: {  	_ =	shalt  }
0x4e: {  	_ =	shalt  }
0x4f: {  	_ =	shalt  }
0x50: {  	_ =	shalt  }
0x51: {  	_ =	shalt  }
0x52: {  	_ =	shalt  }
0x53: {  	_ =	shalt  }
0x54: {  	_ =	shalt  }
0x55: {  	_ =	shalt  }
0x56: {  	_ =	shalt  }
0x57: {  	_ =	shalt  }
0x58: {  	_ =	shalt  }
0x59: {  	_ =	shalt  }
0x5a: {  	_ =	shalt  }
0x5b: {  	_ =	shalt  }
0x5c: {  	_ =	shalt  }
0x5d: {  	_ =	shalt  }
0x5e: {  	_ =	shalt  }
0x5f: {  	_ =	shalt  }
0x60: {  	_ =	shalt  }
0x61: {  	_ =	shalt  }
0x62: {  	_ =	shalt  }
0x63: {  	_ =	shalt  }
0x64: {  	_ =	shalt  }
0x65: {  	_ =	shalt  }
0x66: {  	_ =	shalt  }
0x67: {  	_ =	shalt  }
0x68: {  	_ =	shalt  }
0x69: {  	_ =	shalt  }
0x6a: {  	_ =	shalt  }
0x6b: {  	_ =	shalt  }
0x6c: {  	_ =	shalt  }
0x6d: {  	_ =	shalt  }
0x6e: {  	_ =	shalt  }
0x6f: {  	_ =	shalt  }
0x70: {  	_ =	shalt  }
0x71: {  	_ =	shalt  }
0x72: {  	_ =	shalt  }
0x73: {  	_ =	shalt  }
0x74: {  	_ =	shalt  }
0x75: {  	_ =	shalt  }
0x76: {  	_ =	shalt  }
0x77: {  	_ =	shalt  }
0x78: {  	_ =	shalt  }
0x79: {  	_ =	shalt  }
0x7a: {  	_ =	shalt  }
0x7b: {  	_ =	shalt  }
0x7c: {  	_ =	shalt  }
0x7d: {  	_ =	shalt  }
0x7e: {  	_ =	shalt  }
0x7f: {  	_ =	shalt  }
0x80: {  	_ =	shalt  }
0x81: {  	_ =	shalt  }
0x82: {  	_ =	shalt  }
0x83: {  	_ =	shalt  }
0x84: {  	_ =	shalt  }
0x85: {  	_ =	shalt  }
0x86: {  	_ =	shalt  }
0x87: {  	_ =	shalt  }
.Lfunc_end0:
.L_simem_size_0:
called_computation_lowered:
.L_overlay_start_0:
0x88: {  	s2 =	sld [smem:$0x3FD9]  }
0x89: {  	s3 =	sld [smem:$0x3FFE];
	_ =	sdelay $0x1  }
0x8a: {  	s1 =	srdreg.scid  }
0x8b: {  	s0 =	sand.u32 $0x1, s1  }
0x8c: {  	s17 =	sshll.u32 s0, $0xA;
	s2 =	sadd.s32 s3, s2  }
0x8d: {  	s2 =	sadd.s32 s2, s17  }
0x8e: {  	[smem:$0x3FBC] =	sst s2  }
0x8f: {  	_ = 	snop  }
0x90: {  	s2 =	sld [smem:$0x3FD0];
	(tm) =	ssettm $0x1  }
0x91: {  	s18 =	sld [smem:$0x3FFB];
	_ =	sdelay $0x3  }
0x92: {  	_ =	strace s18  }
0x93: {  	s3 =	sld [smem:$0x3FFC];
	_ =	sdelay $0x3  }
0x94: {  	_ =	strace s3  }
0x95: {  	s3 =	sld [smem:$0x3FFD];
	_ =	sdelay $0x3  }
0x96: {  	_ =	strace s3  }
0x97: {  	_ =	strace $0x8FFFFFFF  }
0x98: {  	s19 =	sld [smem:$0x3FDB];
	_ =	sdelay $0x1  }
0x99: {  	s4 =	simm.s32 $_scs_section_size  }
0x9a: {  	s5 =	simm.s32 $_size__tile_overlayer_lowered;
	s6 =	simm.s32 $_tile_overlayer_lowered  }
0x9b: {  	s22 =	simm.s32 $0x1BFF;
	s21 =	sshll.u32 s6, $0x1;
	s3 =	sadd.s32 s4, s19  }
0x9c: {  	s7 =	simm.s32 $0x0;
	s20 =	sshll.u32 s5, $0x1;
	s5 =	sadd.s32 s21, s3  }
0x9d: {  	[timem:s7], [sflag:s22] =	dma.local [hbm:s5], s20  }
0x9e: {  	_ =	swait.ge [sflag:s22], s20  }
0x9f: {  	s4 =	ssub.s32 $0x0, s20;
	[sflag:s22] =	ssyncset.done $0x0  }
0xa0: {  	[sflag:s22] =	ssyncadd.s32 s4;
	_ =	sdelay $0x1  }
0xa1: {  	s23 =	simm.s32 $0x1B8B  }
0xa2: {  	_ =	swait.ge [sflag:s23], $0x1  }
0xa3: {  	[sflag:s23] =	ssyncset.done $0x0  }
0xa4: {  	s25 =	simm.s32 $0x1B8E;
	s24 =	sld [smem:$0x3FFE];
	[sflag:s23] =	ssyncadd.s32 $0xFFFFFFFF  }
0xa5: {  	s26 =	simm.s32 $execute0_lowered;
	[smem:$0x3FD2] =	sst s25  }
0xa6: {  	s5 =	sshll.u32 s26, $0x1;
	_ =	strace $0x80000046;
	[dreg:$0x1] =	wrdreg $0xFFFFFFFF  }
0xa7: {  	s28 =	simm.s32 $_size_execute0_lowered;
	s3 =	sadd.s32 s3, s5;
	[dreg:$0x0] =	wrdreg $0x0  }
0xa8: {  	s5 =	sshll.u32 s28, $0x1;
	[dreg:$0x2] =	wrdreg s3  }
0xa9: {  	[dreg:$0x3] =	wrdreg s5  }
0xaa: {  	[dreg:$0x4] =	wrdreg $0xC0  }
0xab: {  	_ =	task [dreg:s7], $0x5FFFF  }
0xac: {  	[dreg:$0x1] =	wrdreg $0xFFFFFFFF  }
0xad: {  	[dreg:$0x0] =	wrdreg $0x60  }
0xae: {  	[dreg:$0x2] =	wrdreg s24  }
0xaf: {  	[dreg:$0x3] =	wrdreg s2  }
0xb0: {  	[dreg:$0x4] =	wrdreg $0x87000  }
0xb1: {  	[dreg:$0x5] =	wrdreg $0x9  }
0xb2: {  	_ =	task.clear_ibuf [dreg:s7], $0x6FFFF;
	_ =	strace $0x90000046  }
0xb3: {  	s29 =	simm.s32 $0x9;
	_ =	strace $0x80000048  }
0xb4: {  	_ =	swait.ge [sflag:s29], $0x1  }
0xb5: {  	[sflag:s29] =	ssyncadd.s32 $0xFFFFFFFF  }
0xb6: {  	_ =	strace $0x90000048  }
0xb7: {  	_ =	sfence  }
0xb8: {  	s30 =	sld [smem:$0x0];
	_ =	sdelay $0x2  }
0xb9: {  	s31 =	sshll.u32 s1, $0xD;
	s1 =	sshrl.u32 s1, $0x2  }
0xba: {  	s3 =	sand.u32 $0x4000, s31;
	s1 =	sadd.s32 s1, s30  }
0xbb: {  	s0 =	sor.u32 s3, s0;
	s1 =	sshll.u32 s1, $0x11  }
0xbc: {  	s0 =	sor.u32 s1, s0  }
0xbd: {  	s0 =	sadd.s32 $0x8F2B, s0  }
0xbe: {  	[sflag:s0] =	ssyncadd.remote.s32 $0x1  }
0xbf: {  	_ =	sfence.sel $0xFFFF  }
0xc0: {  	[dreg:$0x0] =	wrdreg $0xFFFFFFFF;
	(pc) =	sbr.abs _section_cstart, $3  }
0xc1: {  	[dreg:$0x1] =	wrdreg $0xFFFFFFFF  }
0xc2: {  	_ =	task.clear_ibuf [dreg:s7], $0x2FFFF;
	_ =	strace $0x9FFFFFFF  }
0xc3: {  	(tm) =	ssettm $0x7FFFFFFF  }
tec
execute0_lowered:
.L_overlay_start_1:
0x0: {  	(tag) =	ssettag $0x1  }
0x1: {  	s0 =	rddreg [dreg:$0x0]  }
0x2: {  	s2 =	rddreg [dreg:$0x1];
	s11 =	stileid.u32  }
0x3: {  	s1 =	rddreg [dreg:$0x2];
	s8 =	smul.u32 $0x4E20, s11  }
0x4: {  	s3 =	srdreg.scid;
	s13 =	simm.s32 $0x0;
	s31 =	smul.u32 $0x32000, s11  }
0x5: {  	s28 =	simm.s32 $0xC;
	s3 =	sand.u32 $0x1, s3;
	s14 =	smul.u32 $0xC800, s11  }
0x6: {  	[smem:$0x7FF] =	sst s13;
	s4 =	sadd.s32 $0x14E00, s0;
	s5 =	smul.u32 $0x9C40, s3  }
0x7: {  	s6 =	smul.u32 $0x19000, s3;
	_ =	strace $0x80000047;
	s7 =	ssub.s32 $0x2, s3  }
0x8: {  	s9 =	sshrl.u32 s7, $0x1;
	s10 =	sshrl.u32 s8, $0x3;
	s5 =	sadd.s32 s5, s0  }
0x9: {  	s6 =	sadd.s32 s6, s0;
	s30 =	sadd.s32 s4, s10;
	[dreg:$0x5] =	wrdreg s10  }
0xa: {  	s9 =	ssub.s32 s7, s9;
	s10 =	sadd.s32 $0x14, s10;
	[dreg:$0x6] =	wrdreg s30  }
0xb: {  	s7 =	sadd.s32 $0x1EA40, s0;
	[dreg:$0x7] =	wrdreg s10;
	s10 =	sadd.s32 s4, s10  }
0xc: {  	s0 =	sshrl.u32 s31, $0x2;
	s19 =	smax.u32 s9, $0x1;
	[dreg:$0x8] =	wrdreg s10  }
0xd: {  	s18 =	sadd.s32 s14, s1;
	s17 =	sadd.s32 s0, s1;
	[dreg:$0xa] =	wrdreg s19  }
0xe: {  	s29 =	simm.s32 $0x20;
	s0 =	sshrl.u32 s18, $0x3;
	[dreg:$0x9] =	wrdreg s17  }
0xf: {  	s3 =	smul.u32 $0x13880, s3;
	s20 =	sadd.s32 $0x1400, s17;
	[dreg:$0x15] =	wrdreg s0  }
0x10: {  	s12 =	sadd.s32 $0x140, s8;
	s21 =	sadd.s32 $0x2800, s17;
	[dreg:$0xb] =	wrdreg s20  }
0x11: {  	s16 =	sshrl.u32 s14, $0x3;
	s22 =	sadd.s32 $0x3C00, s17;
	[dreg:$0xc] =	wrdreg s21  }
0x12: {  	s8 =	simm.s32 $0x72E0;
	s23 =	sadd.s32 $0x5000, s17;
	[dreg:$0xd] =	wrdreg s22  }
0x13: {  	s11 =	sadd.s32 s2, s3;
	s24 =	sadd.s32 $0x6400, s17;
	[dreg:$0xe] =	wrdreg s23  }
0x14: {  	v0 =	vimm.s32 $0xBA98FEDC;
	v1 =	vimm.s32 $0x32107654;
	s15 =	sadd.s32 $0x28800, s6;
	s25 =	sadd.s32 $0x7800, s17;
	[dreg:$0xf] =	wrdreg s24  }
0x15: {  	v2 =	vimm.s32 $0xFEDCBA98;
	v0 =	vunpack.c.l.s4.s8 v0;
	v1 =	vunpack.c.l.s4.s8 v1;
	s9 =	simm.s32 $0x1;
	s26 =	sadd.s32 $0x8C00, s17;
	[dreg:$0x10] =	wrdreg s25  }
0x16: {  	v3 =	vimm.s32 $0x76543210;
	v2 =	vunpack.c.l.s4.s8 v2;
	s18 =	simm.s32 $0x4A60;
	s30 =	sadd.s32 $0xA000, s17;
	[dreg:$0x11] =	wrdreg s26  }
0x17: {  	v3 =	vunpack.c.l.s4.s8 v3;
	v0 =	vunpack.c.0.s8.s32 v0;
	v1 =	vunpack.c.0.s8.s32 v1;
	s10 =	sadd.s32 $0x1400, s5;
	s2 =	sadd.s32 s16, s15;
	[dreg:$0x12] =	wrdreg s30  }
0x18: {  	v2 =	vunpack.c.0.s8.s32 v2;
	s31 =	sadd.s32 $0xB400, s17;
	s16 =	simm.s32 $0x2;
	[dreg:$0x13] =	wrdreg s2  }
0x19: {  	v3 =	vunpack.c.0.s8.s32 v3;
	v4 =	vcombine.low v1, v0;
	s19 =	simm.s32 $0x3;
	s5 =	simm.s32 $0x6860;
	[dreg:$0x14] =	wrdreg s31  }
0x1a: {  	v1 =	vand.u32 $0xF, v2;
	s20 =	simm.s32 $0x72A0;
	s21 =	simm.s32 $0x5460;
	s22 =	simm.s32 $0x4  }
0x1b: {  	v0 =	vimm.f32 $0.0e+00;
	v1 =	vcombine.low v1, v3;
	s23 =	simm.s32 $0x72C0;
	s24 =	simm.s32 $0x5E60;
	s25 =	simm.s32 $0x5;
	v2 =	vand.u32 $0xF, v4  }
.LBB2_1:
0x1c: {  	[dreg:$0x4] =	wrdreg s13;
	s2 =	simm.s32 $0x240;
	s0 =	simm.s32 $0x40  }
.LBB2_2:
0x1d: {  	p0 =	sne.s32 s2, $0x4FC0;
	[tilespmem:s0+$0x7300] =	vst v0;
	s3 =	smov.u32 s2;
	s2 =	sadd.s32 $0x140, s2  }
.Ltmp0:
0x1e: {  	[tilespmem:s0+$0x72F0] =	vst v0;
	(pc) =	sbr.rel @p0 .LBB2_2-.Ltmp0, $4  }
0x1f: {  	[tilespmem:s0+$0x72E0] =	vst v0  }
0x20: {  	[tilespmem:s0+$0x72C0] =	vst v0  }
0x21: {  	[tilespmem:s0+$0x72D0] =	vst v0  }
0x22: {  	s0 =	sshra.s32 s3, $0x2  }
0x23: {  	[tilespmem:s0+$0x7300] =	vst v0  }
0x24: {  	[tilespmem:s0+$0x72F0] =	vst v0  }
0x25: {  	[tilespmem:s0+$0x72E0] =	vst v0  }
0x26: {  	[tilespmem:s0+$0x72C0] =	vst v0  }
0x27: {  	[tilespmem:s0+$0x72D0] =	vst v0;
	s31 =	rddreg [dreg:$0x9];
	s2 =	simm.s32 $0x7300  }
0x28: {  	[spmem:s31] =	stream.linear.scatter [tilespmem:s2], [sflag:$0xC], $0x1400, $0x38;
	[tilespmem:$0x14F00] =	vst v63  }
0x29: {  	_ =	swait.ge [sflag:s28], $0x1400  }
0x2a: {  	[sflag:s28] =	ssyncset.done $0x0  }
0x2b: {  	s3 =	rddreg [dreg:$0xb];
	[sflag:s28] =	ssyncadd.s32 $0xFFFFEC00  }
0x2c: {  	[spmem:s3] =	stream.linear.scatter [tilespmem:s2], [sflag:$0xC], $0x1400, $0x38;
	[tilespmem:$0x14F00] =	vst v63  }
0x2d: {  	_ =	swait.ge [sflag:s28], $0x1400  }
0x2e: {  	[sflag:s28] =	ssyncset.done $0x0  }
0x2f: {  	s6 =	rddreg [dreg:$0xc];
	[sflag:s28] =	ssyncadd.s32 $0xFFFFEC00  }
0x30: {  	[spmem:s6] =	stream.linear.scatter [tilespmem:s2], [sflag:$0xC], $0x1400, $0x38;
	[tilespmem:$0x14F00] =	vst v63  }
0x31: {  	_ =	swait.ge [sflag:s28], $0x1400  }
0x32: {  	[sflag:s28] =	ssyncset.done $0x0  }
0x33: {  	s13 =	rddreg [dreg:$0xd];
	[sflag:s28] =	ssyncadd.s32 $0xFFFFEC00  }
0x34: {  	[spmem:s13] =	stream.linear.scatter [tilespmem:s2], [sflag:$0xC], $0x1400, $0x38;
	[tilespmem:$0x14F00] =	vst v63  }
0x35: {  	_ =	swait.ge [sflag:s28], $0x1400  }
0x36: {  	[sflag:s28] =	ssyncset.done $0x0  }
0x37: {  	s14 =	rddreg [dreg:$0xe];
	[sflag:s28] =	ssyncadd.s32 $0xFFFFEC00  }
0x38: {  	[spmem:s14] =	stream.linear.scatter [tilespmem:s2], [sflag:$0xC], $0x1400, $0x38;
	[tilespmem:$0x14F00] =	vst v63  }
0x39: {  	_ =	swait.ge [sflag:s28], $0x1400  }
0x3a: {  	[sflag:s28] =	ssyncset.done $0x0  }
0x3b: {  	s15 =	rddreg [dreg:$0xf];
	[sflag:s28] =	ssyncadd.s32 $0xFFFFEC00  }
0x3c: {  	[spmem:s15] =	stream.linear.scatter [tilespmem:s2], [sflag:$0xC], $0x1400, $0x38;
	[tilespmem:$0x14F00] =	vst v63  }
0x3d: {  	_ =	swait.ge [sflag:s28], $0x1400  }
0x3e: {  	[sflag:s28] =	ssyncset.done $0x0  }
0x3f: {  	s17 =	rddreg [dreg:$0x10];
	[sflag:s28] =	ssyncadd.s32 $0xFFFFEC00  }
0x40: {  	[spmem:s17] =	stream.linear.scatter [tilespmem:s2], [sflag:$0xC], $0x1400, $0x38;
	[tilespmem:$0x14F00] =	vst v63  }
0x41: {  	_ =	swait.ge [sflag:s28], $0x1400  }
0x42: {  	[sflag:s28] =	ssyncset.done $0x0  }
0x43: {  	s26 =	rddreg [dreg:$0x11];
	[sflag:s28] =	ssyncadd.s32 $0xFFFFEC00  }
0x44: {  	[spmem:s26] =	stream.linear.scatter [tilespmem:s2], [sflag:$0xC], $0x1400, $0x38;
	[tilespmem:$0x14F00] =	vst v63  }
0x45: {  	_ =	swait.ge [sflag:s28], $0x1400  }
0x46: {  	[sflag:s28] =	ssyncset.done $0x0  }
0x47: {  	s30 =	rddreg [dreg:$0x12];
	[sflag:s28] =	ssyncadd.s32 $0xFFFFEC00  }
0x48: {  	[spmem:s30] =	stream.linear.scatter [tilespmem:s2], [sflag:$0xC], $0x1400, $0x38;
	[tilespmem:$0x14F00] =	vst v63  }
0x49: {  	_ =	swait.ge [sflag:s28], $0x1400  }
0x4a: {  	[sflag:s28] =	ssyncset.done $0x0  }
0x4b: {  	s31 =	rddreg [dreg:$0x14];
	[sflag:s28] =	ssyncadd.s32 $0xFFFFEC00  }
0x4c: {  	[spmem:s31] =	stream.linear.scatter [tilespmem:s2], [sflag:$0xC], $0x1400, $0x38;
	[tilespmem:$0x14F00] =	vst v63  }
0x4d: {  	_ =	swait.ge [sflag:s28], $0x1400  }
0x4e: {  	[sflag:s28] =	ssyncset.done $0x0  }
0x4f: {  	[sflag:s28] =	ssyncadd.s32 $0xFFFFEC00  }
0x50: {  	[bflag:$0x0] =	sbarrier.arrive $0xFFFF  }
0x51: {  	s3 =	rddreg [dreg:$0x6]  }
0x52: {  	s13 =	simm.s32 $0x0;
	s6 =	rddreg [dreg:$0x5]  }
0x53: {  	[tilespmem:s13], [sflag:$0xB] =	stream.linear.gather [hbm4b:s3+s13], $0xA0, $0x38;
	[tilespmem:$0x14F00] =	vst v63  }
0x54: {  	s14 =	simm.s32 $0x140;
	s15 =	simm.s32 $0xB;
	s0 =	sadd.s32 s6, s7  }
0x55: {  	[tilespmem:s14], [sflag:$0xB] =	stream.linear.gather [hbm4b:s0+s13], $0xA0, $0x38;
	[tilespmem:$0x14F00] =	vst v63  }
0x56: {  	_ =	swait.ge [sflag:s15], $0xA0  }
0x57: {  	[sflag:s15] =	ssyncset.done $0x0  }
0x58: {  	[sflag:s15] =	ssyncadd.s32 $0xFFFFFF60  }
0x59: {  	_ =	swait.ge [sflag:s15], $0xA0  }
0x5a: {  	[sflag:s15] =	ssyncset.done $0x0;
	s17 =	rddreg [dreg:$0x8]  }
0x5b: {  	s26 =	simm.s32 $0xA0;
	s30 =	rddreg [dreg:$0x7];
	[sflag:s15] =	ssyncadd.s32 $0xFFFFFF60  }
0x5c: {  	[tilespmem:s26], [sflag:$0xB] =	stream.linear.gather [hbm4b:s17+s13], $0xA0, $0x38;
	[tilespmem:$0x14F00] =	vst v63  }
0x5d: {  	s31 =	simm.s32 $0x1E0;
	s0 =	sadd.s32 s30, s7  }
0x5e: {  	[tilespmem:s31], [sflag:$0xB] =	stream.linear.gather [hbm4b:s0+s13], $0xA0, $0x38;
	[tilespmem:$0x14F00] =	vst v63  }
0x5f: {  	v3 =	vld [tilespmem:$0x0];
	_ =	sdelay $0x1  }
0x60: {  	v4 =	vld [tilespmem:$0x140]  }
0x61: {  	v5 =	vld [tilespmem:$0x10];
	_ =	sdelay $0x1  }
0x62: {  	v6 =	vld [tilespmem:$0x150];
	[tilespmem:$0xEC0] =	vst v3  }
0x63: {  	[tilespmem:$0x280] =	vst v3  }
0x64: {  	[tilespmem:$0x2A0] =	vst v4  }
0x65: {  	[tilespmem:$0xED0] =	vst v5  }
0x66: {  	[tilespmem:$0x290] =	vst v5  }
0x67: {  	s3 =	simm.s32 $0x280;
	s6 =	simm.s32 $0x2C0;
	[tilespmem:$0x2B0] =	vst v6  }
0x68: {  	[tilespmem:s6], [sflag:$0x1] =	stream.indirect.gather [hbm4b:s10+s29], $0x20, s3, s29, $0xb8;
	[tilespmem:$0x14F00] =	vst v63  }
0x69: {  	s14 =	simm.s32 $0x2A0;
	s15 =	simm.s32 $0x6C0  }
0x6a: {  	[tilespmem:s15], [sflag:$0x1] =	stream.indirect.gather [hbm4b:s11+s29], $0x40, s14, s29, $0xb8;
	[tilespmem:$0x14F00] =	vst v63  }
0x6b: {  	v3 =	vld [tilespmem:$0x20];
	_ =	sdelay $0x1  }
0x6c: {  	v55 =	vld [tilespmem:$0x160]  }
0x6d: {  	v56 =	vld [tilespmem:$0x30];
	_ =	sdelay $0x1  }
0x6e: {  	v57 =	vld [tilespmem:$0x170];
	[tilespmem:$0x1B20] =	vst v3  }
0x6f: {  	[tilespmem:$0xEE0] =	vst v3  }
0x70: {  	[tilespmem:$0xF00] =	vst v55  }
0x71: {  	[tilespmem:$0x1B30] =	vst v56  }
0x72: {  	[tilespmem:$0xEF0] =	vst v56  }
0x73: {  	s17 =	simm.s32 $0xEE0;
	s26 =	simm.s32 $0xF20;
	[tilespmem:$0xF10] =	vst v57  }
0x74: {  	[tilespmem:s26], [sflag:$0x2] =	stream.indirect.gather [hbm4b:s10+s29], $0x20, s17, s29, $0xb8;
	[tilespmem:$0x14F00] =	vst v63  }
0x75: {  	s30 =	simm.s32 $0xF00;
	s31 =	simm.s32 $0x1320  }
0x76: {  	[tilespmem:s31], [sflag:$0x2] =	stream.indirect.gather [hbm4b:s11+s29], $0x40, s30, s29, $0xb8;
	[tilespmem:$0x14F00] =	vst v63  }
0x77: {  	v3 =	vld [tilespmem:$0x40];
	_ =	sdelay $0x1  }
0x78: {  	v58 =	vld [tilespmem:$0x180]  }
0x79: {  	v59 =	vld [tilespmem:$0x50];
	_ =	sdelay $0x1  }
0x7a: {  	v60 =	vld [tilespmem:$0x190];
	[tilespmem:$0x2780] =	vst v3  }
0x7b: {  	[tilespmem:$0x1B40] =	vst v3  }
0x7c: {  	[tilespmem:$0x1B60] =	vst v58  }
0x7d: {  	[tilespmem:$0x2790] =	vst v59  }
0x7e: {  	[tilespmem:$0x1B50] =	vst v59  }
0x7f: {  	s3 =	simm.s32 $0x1B40;
	s6 =	simm.s32 $0x1B80;
	[tilespmem:$0x1B70] =	vst v60  }
0x80: {  	[tilespmem:s6], [sflag:$0x3] =	stream.indirect.gather [hbm4b:s10+s29], $0x20, s3, s29, $0xb8;
	[tilespmem:$0x14F00] =	vst v63  }
0x81: {  	s14 =	simm.s32 $0x1B60;
	s15 =	simm.s32 $0x1F80  }
0x82: {  	[tilespmem:s15], [sflag:$0x3] =	stream.indirect.gather [hbm4b:s11+s29], $0x40, s14, s29, $0xb8;
	[tilespmem:$0x14F00] =	vst v63  }
0x83: {  	v3 =	vld [tilespmem:$0x60];
	_ =	sdelay $0x1  }
0x84: {  	v61 =	vld [tilespmem:$0x1A0]  }
0x85: {  	v62 =	vld [tilespmem:$0x70];
	_ =	sdelay $0x1  }
0x86: {  	v63 =	vld [tilespmem:$0x1B0];
	[tilespmem:$0x33E0] =	vst v3  }
0x87: {  	[tilespmem:$0x27A0] =	vst v3  }
0x88: {  	[tilespmem:$0x27C0] =	vst v61  }
0x89: {  	[tilespmem:$0x33F0] =	vst v62  }
0x8a: {  	[tilespmem:$0x27B0] =	vst v62  }
0x8b: {  	s17 =	simm.s32 $0x27A0;
	s26 =	simm.s32 $0x27E0;
	[tilespmem:$0x27D0] =	vst v63  }
0x8c: {  	[tilespmem:s26], [sflag:$0x4] =	stream.indirect.gather [hbm4b:s10+s29], $0x20, s17, s29, $0xb8;
	[tilespmem:$0x14F00] =	vst v63  }
0x8d: {  	s30 =	simm.s32 $0x27C0;
	s31 =	simm.s32 $0x2BE0  }
0x8e: {  	[tilespmem:s31], [sflag:$0x4] =	stream.indirect.gather [hbm4b:s11+s29], $0x40, s30, s29, $0xb8;
	[tilespmem:$0x14F00] =	vst v63  }
.LBB2_4:
0x8f: {  	s30 =	smul.u32 $0x5, s13;
	_ =	sdelay $0x1  }
0x90: {  	s0 =	sadd.s32 $0x4, s30  }
0x91: {  	s2 =	sand.u32 $0xFFFF, s0  }
0x92: {  	s2 =	smul.u32 $0xCCCD, s2;
	_ =	sdelay $0x1  }
0x93: {  	s2 =	sshrl.u32 s2, $0x13  }
0x94: {  	s2 =	smul.u32 $0xA, s2;
	_ =	sdelay $0x1  }
0x95: {  	s0 =	ssub.s32 s0, s2  }
0x96: {  	s0 =	sshll.u32 s0, $0x5  }
0x97: {  	s0 =	sand.u32 $0xFFE0, s0  }
0x98: {  	v3 =	vld [tilespmem:s0+$0x0];
	_ =	sdelay $0x4  }
0x99: {  	[tilespmem:$0x4040] =	vst v3  }
0x9a: {  	[tilespmem:$0x3400] =	vst v3  }
0x9b: {  	v3 =	vld [tilespmem:s0+$0x140];
	_ =	sdelay $0x4  }
0x9c: {  	[tilespmem:$0x3420] =	vst v3  }
0x9d: {  	v3 =	vld [tilespmem:s0+$0x10];
	_ =	sdelay $0x4  }
0x9e: {  	[tilespmem:$0x4050] =	vst v3  }
0x9f: {  	[tilespmem:$0x3410] =	vst v3  }
0xa0: {  	v3 =	vld [tilespmem:s0+$0x150];
	_ =	sdelay $0x4  }
0xa1: {  	s17 =	simm.s32 $0x3400;
	s26 =	simm.s32 $0x3440;
	[tilespmem:$0x3430] =	vst v3  }
0xa2: {  	[tilespmem:s26], [sflag:$0x5] =	stream.indirect.gather [hbm4b:s10+s29], $0x20, s17, s29, $0xb8;
	[tilespmem:$0x14F00] =	vst v63  }
0xa3: {  	s3 =	simm.s32 $0x3420;
	s6 =	simm.s32 $0x3840  }
0xa4: {  	[tilespmem:s6], [sflag:$0x5] =	stream.indirect.gather [hbm4b:s11+s29], $0x40, s3, s29, $0xb8;
	[tilespmem:$0x14F00] =	vst v63  }
0xa5: {  	_ =	swait.ge [sflag:s9], $0x400  }
0xa6: {  	[sflag:s9] =	ssyncset.done $0x0  }
0xa7: {  	[sflag:s9] =	ssyncadd.s32 $0xFFFFFC00  }
0xa8: {  	_ =	swait.ge [sflag:s9], $0x800  }
0xa9: {  	p0 =	seq.s32 s13, $0x0;
	[sflag:s9] =	ssyncset.done $0x0  }
0xaa: {  	s0 =	simm.s32 @!p0 $0x6;
	[sflag:s9] =	ssyncadd.s32 $0xFFFFF800  }
0xab: {  	_ =	swait.ge @!p0 [sflag:s0], $0xA00  }
0xac: {  	[sflag:s0] =	ssyncset.done @!p0 $0x0  }
0xad: {  	[sflag:s0] =	ssyncadd.s32 @!p0 $0xFFFFF600  }
0xae: {  	v3 =	vld [tilespmem:$0xEC0]  }
0xaf: {  	v4 =	vld [tilespmem:$0xED0];
	_ =	sdelay $0x3  }
0xb0: {  	[tilespmem:$0x7260] =	vst v3  }
0xb1: {  	s14 =	simm.s32 $0x2E0;
	[tilespmem:$0x7270] =	vst v4  }
0xb2: {  	s3 =	simm.s32 $0x700;
	v3 =	vld [tilespmem:s14+$0x0]  }
0xb3: {  	v4 =	vld [tilespmem:s3+$0x0];
	_ =	sdelay $0x2  }
0xb4: {  	v5 =	vld [tilespmem:s14+$0x10]  }
0xb5: {  	v6 =	vld [tilespmem:s3+$0x10]  }
0xb6: {  	v7 =	vunpack.i.l.bf16.f32 v3;
	v8 =	vunpack.i.l.bf16.f32 v4  }
0xb7: {  	v7 =	vmul.f32 v8, v7  }
0xb8: {  	v3 =	vunpack.i.u.bf16.f32 v3;
	v4 =	vunpack.i.u.bf16.f32 v4;
	v8 =	vld [tilespmem:s3+$0xFFFFFFC0]  }
0xb9: {  	v3 =	vmul.f32 v4, v3;
	v4 =	vld [tilespmem:s14+$0xFFFFFFE0];
	v7 =	vadd.f32 $0.0e+00, v7  }
0xba: {  	v9 =	vunpack.i.l.bf16.f32 v5;
	v10 =	vunpack.i.l.bf16.f32 v6;
	v5 =	vunpack.i.u.bf16.f32 v5  }
0xbb: {  	v6 =	vunpack.i.u.bf16.f32 v6;
	v3 =	vadd.f32 v7, v3;
	v7 =	vmul.f32 v10, v9  }
0xbc: {  	v5 =	vmul.f32 v6, v5;
	v6 =	vld [tilespmem:s3+$0xFFFFFFD0]  }
0xbd: {  	v9 =	vld [tilespmem:s14+$0xFFFFFFF0];
	v3 =	vadd.f32 v7, v3  }
0xbe: {  	s26 =	simm.s32 $0x780;
	v10 =	vunpack.i.l.bf16.f32 v4;
	v7 =	vunpack.i.l.bf16.f32 v8  }
0xbf: {  	s15 =	simm.s32 $0x320;
	v7 =	vmul.f32 v7, v10;
	v10 =	vld [tilespmem:s26+$0x0];
	v3 =	vadd.f32 v3, v5  }
0xc0: {  	v4 =	vunpack.i.u.bf16.f32 v4;
	v8 =	vunpack.i.u.bf16.f32 v8;
	v5 =	vld [tilespmem:s15+$0x0]  }
0xc1: {  	v4 =	vmul.f32 v8, v4;
	v7 =	vadd.f32 $0.0e+00, v7;
	v11 =	vperm.xlane v3, v1  }
0xc2: {  	v12 =	vunpack.i.l.bf16.f32 v6;
	v8 =	vunpack.i.u.bf16.f32 v9;
	v9 =	vunpack.i.l.bf16.f32 v9  }
0xc3: {  	v4 =	vadd.f32 v7, v4;
	v7 =	vmul.f32 v12, v9;
	v9 =	vld [tilespmem:s26+$0x10];
	v3 =	vadd.f32 v3, v11  }
0xc4: {  	v6 =	vunpack.i.u.bf16.f32 v6;
	v11 =	vld [tilespmem:s15+$0x10]  }
0xc5: {  	v13 =	vld [tilespmem:s26+$0xFFFFFFC0];
	v15 =	vunpack.i.l.bf16.f32 v10;
	v14 =	vunpack.i.l.bf16.f32 v5;
	v12 =	vperm.xlane v3, v2  }
0xc6: {  	v6 =	vmul.f32 v6, v8;
	v8 =	vld [tilespmem:s15+$0xFFFFFFE0];
	v4 =	vadd.f32 v7, v4;
	v7 =	vmul.f32 v15, v14  }
0xc7: {  	v10 =	vunpack.i.u.bf16.f32 v10;
	v5 =	vunpack.i.u.bf16.f32 v5;
	v3 =	vadd.f32 v3, v12  }
0xc8: {  	v5 =	vmul.f32 v10, v5;
	v4 =	vadd.f32 v4, v6;
	v6 =	vadd.f32 $0.0e+00, v7  }
0xc9: {  	v10 =	vunpack.i.l.bf16.f32 v9;
	v7 =	vunpack.i.l.bf16.f32 v11;
	v3 =	vmul.f32 $1.442695020e+00, v3  }
0xca: {  	v14 =	vunpack.i.l.bf16.f32 v13;
	v12 =	vld [tilespmem:s15+$0xFFFFFFF0];
	v5 =	vadd.f32 v6, v5;
	v6 =	vmul.f32 v10, v7  }
0xcb: {  	v9 =	vunpack.i.u.bf16.f32 v9;
	v7 =	vld [tilespmem:s26+$0xFFFFFFD0];
	v10 =	vunpack.i.l.bf16.f32 v8;
	(erf) = vpow2.f32 v3  }
0xcc: {  	v3 =	vunpack.i.u.bf16.f32 v11;
	v5 =	vadd.f32 v6, v5;
	v6 =	vperm.xlane v4, v1  }
0xcd: {  	v3 =	vmul.f32 v9, v3;
	v9 =	vmul.f32 v14, v10  }
0xce: {  	v8 =	vunpack.i.u.bf16.f32 v8;
	v10 =	vunpack.i.u.bf16.f32 v13;
	v4 =	vadd.f32 v4, v6  }
0xcf: {  	v6 =	vmul.f32 v10, v8;
	v3 =	vadd.f32 v5, v3;
	v5 =	vadd.f32 $0.0e+00, v9  }
0xd0: {  	v9 =	vunpack.i.l.bf16.f32 v12;
	v10 =	vunpack.i.l.bf16.f32 v7  }
0xd1: {  	v8 =	vld [tilespmem:s3+$0x20];
	v11 =	vperm.xlane v3, v1;
	v5 =	vadd.f32 v5, v6;
	v6 =	vmul.f32 v10, v9  }
0xd2: {  	s2 =	simm.s32 $0x800;
	v7 =	vunpack.i.u.bf16.f32 v7;
	v13 =	vperm.xlane v4, v2;
	v9 =	vunpack.i.u.bf16.f32 v12  }
0xd3: {  	s17 =	simm.s32 $0x360;
	v3 =	vadd.f32 v3, v11;
	v5 =	vadd.f32 v6, v5;
	v6 =	vmul.f32 v7, v9;
	v9 =	vld [tilespmem:s2+$0x0]  }
0xd4: {  	v4 =	vadd.f32 v4, v13;
	v7 =	vld [tilespmem:s17+$0x0]  }
0xd5: {  	v14 =	vld [tilespmem:s17+$0x10];
	v10 =	vperm.xlane v3, v2;
	v5 =	vadd.f32 v5, v6  }
0xd6: {  	v11 =	vunpack.i.l.bf16.f32 v8;
	v8 =	vunpack.i.u.bf16.f32 v8;
	v4 =	vmul.f32 $1.442695020e+00, v4;
	v12 =	vpop (erf);
	v6 =	vld [tilespmem:s2+$0xFFFFFFC0]  }
0xd7: {  	v13 =	vld [tilespmem:s17+$0xFFFFFFE0];
	v11 =	vmul.f32 v12, v11;
	v3 =	vadd.f32 v3, v10;
	v10 =	vperm.xlane v5, v1  }
0xd8: {  	v8 =	vmul.f32 v12, v8;
	(erf) = vpow2.f32 v4;
	v4 =	vld [tilespmem:s2+$0x10];
	v15 =	vunpack.i.l.bf16.f32 v9  }
0xd9: {  	v3 =	vmul.f32 $1.442695020e+00, v3;
	v5 =	vadd.f32 v5, v10;
	v10 =	vunpack.i.l.bf16.f32 v7  }
0xda: {  	v9 =	vunpack.i.u.bf16.f32 v9;
	v7 =	vunpack.i.u.bf16.f32 v7;
	v10 =	vmul.f32 v15, v10  }
0xdb: {  	v15 =	vunpack.i.l.bf16.f32 v6;
	v7 =	vmul.f32 v9, v7;
	(erf) = vpow2.f32 v3  }
0xdc: {  	v16 =	vld [tilespmem:s17+$0xFFFFFFF0];
	v6 =	vunpack.i.u.bf16.f32 v6;
	v3 =	vunpack.i.l.bf16.f32 v13;
	v10 =	vadd.f32 $0.0e+00, v10  }
0xdd: {  	v9 =	vld [tilespmem:s2+$0xFFFFFFD0];
	v17 =	vunpack.i.l.bf16.f32 v4;
	v3 =	vmul.f32 v15, v3;
	v15 =	vunpack.i.l.bf16.f32 v14  }
0xde: {  	s0 =	simm.s32 $0x40B0;
	v13 =	vunpack.i.u.bf16.f32 v13;
	v7 =	vadd.f32 v10, v7;
	v10 =	vmul.f32 v17, v15  }
0xdf: {  	[tilespmem:s0+$0x0] =	vst v11;
	v4 =	vunpack.i.u.bf16.f32 v4;
	v15 =	vld [tilespmem:s26+$0x20];
	v11 =	vadd.f32 $0.0e+00, v3;
	v3 =	vunpack.i.u.bf16.f32 v14  }
0xe0: {  	[tilespmem:s0+$0x10] =	vst v8;
	v8 =	vperm.xlane v5, v2;
	v4 =	vmul.f32 v4, v3;
	v7 =	vadd.f32 v10, v7  }
0xe1: {  	v6 =	vmul.f32 v6, v13;
	v13 =	vunpack.i.u.bf16.f32 v16;
	v16 =	vunpack.i.l.bf16.f32 v16  }
0xe2: {  	v5 =	vadd.f32 v5, v8;
	v17 =	vunpack.i.l.bf16.f32 v9;
	v7 =	vadd.f32 v7, v4  }
0xe3: {  	v14 =	vld [tilespmem:s3+$0xFFFFFFE0];
	v9 =	vunpack.i.u.bf16.f32 v9;
	v6 =	vadd.f32 v11, v6;
	v11 =	vmul.f32 v17, v16;
	v3 =	vpop (erf)  }
0xe4: {  	v10 =	vld [tilespmem:s3+$0x30];
	v9 =	vmul.f32 v9, v13;
	v16 =	vunpack.i.l.bf16.f32 v15;
	v4 =	vpop (erf);
	v18 =	vperm.xlane v7, v1  }
0xe5: {  	s14 =	simm.s32 $0x3A0;
	v17 =	vld [tilespmem:s26+$0xFFFFFFE0];
	v6 =	vadd.f32 v11, v6;
	v15 =	vunpack.i.u.bf16.f32 v15;
	v16 =	vmul.f32 v4, v16  }
0xe6: {  	s31 =	simm.s32 $0x4150;
	s6 =	simm.s32 $0x880;
	v20 =	vld [tilespmem:s14+$0x0];
	v11 =	vmul.f32 v4, v15;
	v7 =	vadd.f32 v7, v18  }
0xe7: {  	v5 =	vmul.f32 $1.442695020e+00, v5;
	v18 =	vadd.f32 v6, v9;
	[tilespmem:s31+$0x0] =	vst v16;
	v16 =	vld [tilespmem:s6+$0x0]  }
0xe8: {  	v13 =	vunpack.i.l.bf16.f32 v14;
	[tilespmem:s31+$0x10] =	vst v11;
	v11 =	vunpack.i.u.bf16.f32 v14;
	v14 =	vperm.xlane v7, v2  }
0xe9: {  	v21 =	vld [tilespmem:s6+$0xFFFFFFC0];
	(erf) = vpow2.f32 v5;
	v22 =	vperm.xlane v18, v1  }
0xea: {  	v24 =	vld [tilespmem:s6+$0x10];
	v15 =	vunpack.i.u.bf16.f32 v10;
	v8 =	vunpack.i.l.bf16.f32 v17;
	v7 =	vadd.f32 v7, v14  }
0xeb: {  	v5 =	vunpack.i.l.bf16.f32 v10;
	v10 =	vld [tilespmem:s14+$0x10];
	v6 =	vunpack.i.u.bf16.f32 v17;
	v14 =	vadd.f32 v18, v22  }
0xec: {  	v17 =	vld [tilespmem:s14+$0xFFFFFFE0];
	v22 =	vunpack.i.l.bf16.f32 v20;
	v23 =	vunpack.i.l.bf16.f32 v16;
	v7 =	vmul.f32 $1.442695020e+00, v7  }
0xed: {  	v22 =	vmul.f32 v23, v22  }
0xee: {  	v16 =	vunpack.i.u.bf16.f32 v16;
	(erf) = vpow2.f32 v7;
	v7 =	vunpack.i.u.bf16.f32 v20  }
0xef: {  	v19 =	vld [tilespmem:s2+$0xFFFFFFE0];
	v26 =	vunpack.i.l.bf16.f32 v21;
	v22 =	vadd.f32 $0.0e+00, v22;
	v16 =	vmul.f32 v16, v7  }
0xf0: {  	v15 =	vmul.f32 v15, v12;
	v18 =	vmul.f32 v5, v12;
	v62 =	vunpack.i.l.bf16.f32 v10  }
0xf1: {  	v9 =	vld [tilespmem:s26+$0x30];
	v27 =	vunpack.i.l.bf16.f32 v17;
	v16 =	vadd.f32 v22, v16;
	v22 =	vunpack.i.l.bf16.f32 v24  }
0xf2: {  	[tilespmem:s0+$0x40] =	vst v12;
	v12 =	vunpack.i.u.bf16.f32 v17;
	v17 =	vunpack.i.u.bf16.f32 v21;
	v21 =	vmul.f32 v22, v62;
	v22 =	vld [tilespmem:s2+$0x20]  }
0xf3: {  	v11 =	vmul.f32 v3, v11;
	v10 =	vunpack.i.u.bf16.f32 v10;
	v26 =	vmul.f32 v26, v27;
	v20 =	vld [tilespmem:s14+$0xFFFFFFF0]  }
0xf4: {  	v13 =	vmul.f32 v3, v13;
	v5 =	vunpack.i.u.bf16.f32 v19;
	v7 =	vunpack.i.l.bf16.f32 v19;
	v19 =	vld [tilespmem:s6+$0xFFFFFFD0]  }
0xf5: {  	[tilespmem:s0+$0x30] =	vst v15;
	v12 =	vmul.f32 v17, v12;
	v15 =	vadd.f32 $0.0e+00, v26;
	v24 =	vunpack.i.u.bf16.f32 v24  }
0xf6: {  	v23 =	vperm.xlane v14, v2;
	v17 =	vmul.f32 v24, v10;
	v10 =	vpop (erf);
	v16 =	vadd.f32 v21, v16  }
0xf7: {  	[tilespmem:s0+$0xFFFFFFC0] =	vst v11;
	v25 =	vunpack.i.u.bf16.f32 v9;
	v63 =	vadd.f32 v15, v12;
	v12 =	vunpack.i.l.bf16.f32 v22;
	v11 =	vpop (erf)  }
0xf8: {  	[tilespmem:s0+$0xFFFFFFB0] =	vst v13;
	v25 =	vmul.f32 v25, v4;
	v15 =	vadd.f32 v16, v17;
	v16 =	vmul.f32 v11, v12;
	v12 =	vld [tilespmem:s6+$0xFFFFFFE0]  }
0xf9: {  	[tilespmem:s31+$0x40] =	vst v4;
	v13 =	vunpack.i.l.bf16.f32 v20;
	v21 =	vunpack.i.u.bf16.f32 v20;
	v20 =	vunpack.i.l.bf16.f32 v19  }
0xfa: {  	[tilespmem:s0+$0x20] =	vst v18;
	v14 =	vadd.f32 v14, v23;
	v20 =	vmul.f32 v20, v13;
	v13 =	vld [tilespmem:s3+$0xFFFFFFF0]  }
0xfb: {  	s15 =	simm.s32 $0x6;
	[tilespmem:s31+$0x30] =	vst v25;
	v17 =	vunpack.i.u.bf16.f32 v19;
	v22 =	vunpack.i.u.bf16.f32 v22;
	v18 =	vperm.xlane v15, v1  }
0xfc: {  	s17 =	simm.s32 $0x3E0;
	s14 =	simm.s32 $0x880;
	[tilespmem:s0+$0xFFFFFFF0] =	vst v3;
	s3 =	simm.s32 $0x41F0;
	v19 =	vadd.f32 v20, v63;
	v20 =	vmul.f32 v17, v21;
	v17 =	vmul.f32 v11, v22  }
.LBB2_5:
0xfd: {  	v21 =	vld [tilespmem:s17+$0x0];
	v22 =	vunpack.i.u.bf16.f32 v12;
	v15 =	vadd.f32 v15, v18;
	s6 =	sadd.s32 $0x80, s6;
	v14 =	vmul.f32 $1.442695020e+00, v14;
	[tilespmem:s3+$0x0] =	vst v16  }
0xfe: {  	v16 =	vld [tilespmem:s6+$0x0];
	v18 =	vadd.f32 v19, v20;
	[tilespmem:s3+$0x10] =	vst v17;
	v17 =	vmul.f32 v10, v8;
	v8 =	vmovc v7;
	v7 =	vunpack.i.l.bf16.f32 v12  }
0xff: {  	v12 =	vperm.xlane v15, v2;
	v19 =	vld [tilespmem:s2+$0x30];
	[tilespmem:s3+$0x40] =	vst v11;
	(erf) = vpow2.f32 v14;
	v14 =	vunpack.i.u.bf16.f32 v13  }
0x100: {  	s15 =	sadd.s32 $0x2, s15;
	v13 =	vunpack.i.l.bf16.f32 v13;
	v20 =	vld [tilespmem:s6+$0xFFFFFFC0];
	v23 =	vperm.xlane v18, v1;
	[tilespmem:s31+$0xFFFFFFB0] =	vst v17;
	v17 =	vmul.f32 v10, v6;
	v6 =	vmovc v5  }
0x101: {  	v9 =	vunpack.i.l.bf16.f32 v9;
	p1 =	slt.u32 s15, $0x1E;
	v13 =	vmul.f32 v13, v3;
	v5 =	vmovc v22;
	v24 =	vld [tilespmem:s17+$0xFFFFFFE0];
	v12 =	vadd.f32 v15, v12  }
0x102: {  	v25 =	vmul.f32 v14, v3;
	v15 =	vld [tilespmem:s17+$0x10];
	v18 =	vadd.f32 v18, v23;
	[tilespmem:s31+$0xFFFFFFC0] =	vst v17;
	v17 =	vmul.f32 v9, v4  }
0x103: {  	v3 =	vmovc v10;
	v14 =	vunpack.i.l.bf16.f32 v21;
	v4 =	vmovc v11;
	v22 =	vunpack.i.l.bf16.f32 v16;
	v23 =	vld [tilespmem:s6+$0x10];
	v12 =	vmul.f32 $1.442695020e+00, v12;
	[tilespmem:s0+$0xFFFFFFD0] =	vst v13  }
0x104: {  	v11 =	vld [tilespmem:s17+$0xFFFFFFF0];
	v10 =	vmul.f32 v22, v14;
	v14 =	vperm.xlane v18, v2;
	v13 =	vunpack.i.u.bf16.f32 v19;
	[tilespmem:s0+$0xFFFFFFE0] =	vst v25;
	v9 =	vmovc v19;
	s0 =	smov.u32 s31;
	s31 =	smov.u32 s3  }
0x105: {  	v19 =	vunpack.i.l.bf16.f32 v20;
	v22 =	vld [tilespmem:s6+$0xFFFFFFD0];
	(erf) = vpow2.f32 v12;
	v13 =	vmul.f32 v13, v4;
	[tilespmem:s0+$0x20] =	vst v17  }
0x106: {  	v21 =	vunpack.i.u.bf16.f32 v21;
	v16 =	vunpack.i.u.bf16.f32 v16;
	v17 =	vunpack.i.l.bf16.f32 v24;
	v12 =	vld [tilespmem:s6+$0xFFFFFFE0]  }
0x107: {  	v16 =	vmul.f32 v16, v21;
	v17 =	vmul.f32 v19, v17;
	v19 =	vadd.f32 $0.0e+00, v10;
	[tilespmem:s3+$0x30] =	vst v13;
	v13 =	vld [tilespmem:s26+$0xFFFFFFF0];
	s26 =	smov.u32 s2;
	s2 =	smov.u32 s14;
	s14 =	smov.u32 s6  }
0x108: {  	v21 =	vunpack.i.u.bf16.f32 v24;
	v24 =	vunpack.i.l.bf16.f32 v15;
	v25 =	vunpack.i.l.bf16.f32 v23;
	v10 =	vpop (erf);
	[tilespmem:s0+$0xFFFFFFF0] =	vst v3  }
0x109: {  	v20 =	vunpack.i.u.bf16.f32 v20;
	v16 =	vadd.f32 v19, v16;
	v19 =	vmul.f32 v25, v24;
	v24 =	vld [tilespmem:s2+$0x20]  }
0x10a: {  	v15 =	vunpack.i.u.bf16.f32 v15;
	v23 =	vunpack.i.u.bf16.f32 v23;
	v17 =	vadd.f32 $0.0e+00, v17  }
0x10b: {  	v20 =	vmul.f32 v20, v21;
	v15 =	vmul.f32 v23, v15;
	v16 =	vadd.f32 v19, v16  }
.Ltmp1:
0x10c: {  	v21 =	vunpack.i.u.bf16.f32 v11;
	v23 =	vunpack.i.l.bf16.f32 v11;
	v19 =	vunpack.i.l.bf16.f32 v22;
	(pc) =	sbr.rel @p1 .LBB2_5-.Ltmp1, $4  }
0x10d: {  	v17 =	vadd.f32 v17, v20;
	v19 =	vmul.f32 v19, v23;
	v15 =	vadd.f32 v16, v15  }
0x10e: {  	v14 =	vadd.f32 v18, v14;
	v20 =	vunpack.i.u.bf16.f32 v22;
	v16 =	vunpack.i.l.bf16.f32 v24;
	v11 =	vpop (erf)  }
0x10f: {  	v22 =	vunpack.i.u.bf16.f32 v24;
	v18 =	vperm.xlane v15, v1;
	v16 =	vmul.f32 v11, v16  }
0x110: {  	s17 =	sadd.s32 $0x40, s17;
	s3 =	sadd.s32 $0xA0, s3;
	v20 =	vmul.f32 v20, v21;
	v19 =	vadd.f32 v19, v17;
	v17 =	vmul.f32 v11, v22  }
0x111: {  	v15 =	vadd.f32 v15, v18;
	_ =	sdelay $0x1  }
0x112: {  	v18 =	vadd.f32 v19, v20;
	v19 =	vperm.xlane v15, v2;
	_ =	sdelay $0x1  }
0x113: {  	v15 =	vadd.f32 v15, v19  }
0x114: {  	v14 =	vmul.f32 $1.442695020e+00, v14;
	v20 =	vperm.xlane v18, v1  }
0x115: {  	v15 =	vmul.f32 $1.442695020e+00, v15  }
0x116: {  	[tilespmem:s3+$0x0] =	vst v16;
	(erf) = vpow2.f32 v14;
	v18 =	vadd.f32 v18, v20  }
0x117: {  	[tilespmem:s3+$0x10] =	vst v17;
	(erf) = vpow2.f32 v15  }
0x118: {  	v14 =	vperm.xlane v18, v2;
	v15 =	vld [tilespmem:s2+$0x30]  }
0x119: {  	v8 =	vmul.f32 v10, v8  }
0x11a: {  	v16 =	vunpack.i.l.bf16.f32 v13;
	v14 =	vadd.f32 v18, v14  }
0x11b: {  	v6 =	vmul.f32 v10, v6;
	v13 =	vunpack.i.u.bf16.f32 v13;
	v17 =	vld [tilespmem:s14+$0x20];
	[tilespmem:s31+$0xFFFFFFB0] =	vst v8;
	v8 =	vmul.f32 v16, v3  }
0x11c: {  	v3 =	vmul.f32 v13, v3;
	v14 =	vmul.f32 $1.442695020e+00, v14  }
0x11d: {  	v9 =	vunpack.i.l.bf16.f32 v9;
	[tilespmem:s31+$0xFFFFFFC0] =	vst v6;
	v6 =	vunpack.i.u.bf16.f32 v15  }
0x11e: {  	[tilespmem:s0+$0xFFFFFFE0] =	vst v3;
	(erf) = vpow2.f32 v14;
	v3 =	vmul.f32 v6, v11  }
0x11f: {  	v4 =	vmul.f32 v9, v4;
	[tilespmem:s0+$0xFFFFFFD0] =	vst v8;
	v8 =	vpop (erf)  }
0x120: {  	[tilespmem:s3+$0x30] =	vst v3;
	v3 =	vunpack.i.u.bf16.f32 v17;
	v9 =	vpop (erf)  }
0x121: {  	[tilespmem:s31+$0x20] =	vst v4;
	v4 =	vld [tilespmem:s26+$0xFFFFFFF0];
	v6 =	vunpack.i.l.bf16.f32 v17;
	v3 =	vmul.f32 v9, v3  }
0x122: {  	[tilespmem:s31+$0xFFFFFFF0] =	vst v10;
	s26 =	sadd.s32 $0xA0, s3;
	v6 =	vmul.f32 v9, v6  }
0x123: {  	[tilespmem:s26+$0x10] =	vst v3;
	v3 =	vmul.f32 v8, v5  }
0x124: {  	[tilespmem:s26+$0x0] =	vst v6;
	v6 =	vmul.f32 v8, v7  }
0x125: {  	[tilespmem:s3+$0x40] =	vst v11  }
0x126: {  	v5 =	vld [tilespmem:s14+$0x30];
	[tilespmem:s3+$0xFFFFFFB0] =	vst v6;
	v6 =	vunpack.i.l.bf16.f32 v4  }
0x127: {  	v7 =	vunpack.i.l.bf16.f32 v12;
	[tilespmem:s3+$0xFFFFFFC0] =	vst v3;
	v6 =	vmul.f32 v6, v10;
	v3 =	vpop (erf)  }
0x128: {  	v12 =	vunpack.i.u.bf16.f32 v12;
	[tilespmem:s26+$0x40] =	vst v9;
	v7 =	vmul.f32 v3, v7  }
0x129: {  	v4 =	vunpack.i.u.bf16.f32 v4;
	v13 =	vld [tilespmem:s2+$0xFFFFFFF0];
	[tilespmem:s31+$0xFFFFFFD0] =	vst v6;
	v6 =	vmul.f32 v3, v12  }
0x12a: {  	v4 =	vmul.f32 v4, v10;
	[tilespmem:s26+$0xFFFFFFB0] =	vst v7  }
0x12b: {  	v10 =	vunpack.i.u.bf16.f32 v5;
	[tilespmem:s26+$0xFFFFFFC0] =	vst v6  }
0x12c: {  	[tilespmem:s31+$0xFFFFFFE0] =	vst v4;
	v4 =	vmul.f32 v10, v9;
	v6 =	vld [tilespmem:s14+$0xFFFFFFF0]  }
0x12d: {  	[tilespmem:s3+$0xFFFFFFF0] =	vst v8;
	v12 =	vunpack.i.l.bf16.f32 v15  }
0x12e: {  	v7 =	vmul.f32 v12, v11;
	[tilespmem:s26+$0x30] =	vst v4;
	v4 =	vunpack.i.u.bf16.f32 v13  }
0x12f: {  	v5 =	vunpack.i.l.bf16.f32 v5;
	[tilespmem:s26+$0xFFFFFFF0] =	vst v3;
	v4 =	vmul.f32 v4, v8  }
0x130: {  	v5 =	vmul.f32 v5, v9;
	[tilespmem:s3+$0x20] =	vst v7;
	v7 =	vunpack.i.l.bf16.f32 v13  }
0x131: {  	v7 =	vmul.f32 v7, v8;
	[tilespmem:s3+$0xFFFFFFE0] =	vst v4;
	v4 =	vunpack.i.l.bf16.f32 v6  }
0x132: {  	[tilespmem:s26+$0x20] =	vst v5;
	v5 =	vunpack.i.u.bf16.f32 v6;
	v4 =	vmul.f32 v4, v3  }
0x133: {  	p1 =	seq.s32 s13, $0x7C;
	[tilespmem:s3+$0xFFFFFFD0] =	vst v7;
	v3 =	vmul.f32 v5, v3  }
0x134: {  	p3 =	sgt.u32 @!p1 s13, $0x7A;
	[tilespmem:s26+$0xFFFFFFD0] =	vst v4  }
0x135: {  	s0 =	simm.s32 @!p1 $0xB;
	s2 =	simm.s32 $0x7260;
	s3 =	simm.s32 $0x4060;
	[tilespmem:s26+$0xFFFFFFE0] =	vst v3  }
0x136: {  	[spmem:s1] =	stream.indirect.scatter.add.f32 [tilespmem:s3], [sflag:$0x6], $0x50, s2, s29, $0xb8;
	[tilespmem:$0x14F00] =	vst v63  }
0x137: {  	p2 =	por p3, p1;
	_ =	swait.ge @!p1 [sflag:s0], $0xA0  }
0x138: {  	s6 =	simm.s32 @!p2 $0xA0;
	s2 =	sand.u32 @!p2 $0x1, s13;
	[sflag:s0] =	ssyncset.done @!p1 $0x0  }
0x139: {  	p4 =	seq.s32 @!p2 s2, $0x1;
	s2 =	smul.u32 @!p2 $0xA0, s13;
	[sflag:s0] =	ssyncadd.s32 @!p1 $0xFFFFFF60  }
0x13a: {  	s14 =	simm.s32 @!p2 $0x0;
	s3 =	sadd.s32 $0x5, s30;
	_ =	swait.ge @!p1 [sflag:s0], $0xA0  }
0x13b: {  	p3 =	por @!p1 !p4, p3;
	s2 =	sadd.s32 @!p2 s2, s12;
	[sflag:s0] =	ssyncset.done @!p1 $0x0  }
0x13c: {  	p3 =	por !p3, p1;
	[sflag:s0] =	ssyncadd.s32 @!p1 $0xFFFFFF60;
	s0 =	sshrl.u32 @!p2 s2, $0x3  }
0x13d: {  	s15 =	smulhi.u32 @!p1 $0xCCCCCCCD, s3;
	s6 =	simm.s32 @!p3 $0x0;
	s2 =	sadd.s32 @!p2 s4, s0  }
0x13e: {  	[tilespmem:s6], [sflag:$0xB] =	stream.linear.gather @!p2 [hbm4b:s2+s14], $0xA0, $0x38;
	[tilespmem:$0x14F00] =	vst v63  }
0x13f: {  	s2 =	sshrl.u32 @!p1 s15, $0x3  }
0x140: {  	s0 =	sadd.s32 @!p2 s7, s0;
	s6 =	sor.u32 @!p2 $0x140, s6;
	s2 =	smul.u32 @!p1 $0xA, s2  }
0x141: {  	[tilespmem:s6], [sflag:$0xB] =	stream.linear.gather @!p2 [hbm4b:s0+s14], $0xA0, $0x38;
	[tilespmem:$0x14F00] =	vst v63  }
0x142: {  	s0 =	ssub.s32 @!p1 s3, s2  }
0x143: {  	s0 =	sshll.u32 @!p1 s0, $0x5  }
0x144: {  	v3 =	vld @!p1 [tilespmem:s0+$0x0];
	_ =	sdelay $0x4  }
0x145: {  	[tilespmem:$0xEC0] =	vst @!p1 v3  }
0x146: {  	[tilespmem:$0x280] =	vst @!p1 v3  }
0x147: {  	v3 =	vld @!p1 [tilespmem:s0+$0x140];
	_ =	sdelay $0x4  }
0x148: {  	[tilespmem:$0x2A0] =	vst @!p1 v3  }
0x149: {  	v3 =	vld @!p1 [tilespmem:s0+$0x10];
	_ =	sdelay $0x4  }
0x14a: {  	[tilespmem:$0xED0] =	vst @!p1 v3  }
0x14b: {  	[tilespmem:$0x290] =	vst @!p1 v3  }
0x14c: {  	v3 =	vld @!p1 [tilespmem:s0+$0x150];
	_ =	sdelay $0x4  }
0x14d: {  	s2 =	simm.s32 @!p1 $0x280;
	s3 =	simm.s32 @!p1 $0x2C0;
	s0 =	simm.s32 @!p1 $0x20;
	[tilespmem:$0x2B0] =	vst @!p1 v3  }
0x14e: {  	[tilespmem:s3], [sflag:$0x1] =	stream.indirect.gather @!p1 [hbm4b:s10+s0], $0x20, s2, s0, $0xb8;
	[tilespmem:$0x14F00] =	vst v63  }
0x14f: {  	s2 =	simm.s32 @!p1 $0x2A0;
	s3 =	simm.s32 @!p1 $0x6C0  }
0x150: {  	[tilespmem:s3], [sflag:$0x1] =	stream.indirect.gather @!p1 [hbm4b:s11+s0], $0x40, s2, s0, $0xb8;
	[tilespmem:$0x14F00] =	vst v63  }
0x151: {  	_ =	swait.ge [sflag:s16], $0x400  }
0x152: {  	[sflag:s16] =	ssyncset.done $0x0  }
0x153: {  	[sflag:s16] =	ssyncadd.s32 $0xFFFFFC00  }
0x154: {  	_ =	swait.ge [sflag:s16], $0x800  }
0x155: {  	[sflag:s16] =	ssyncset.done $0x0  }
0x156: {  	s0 =	simm.s32 @!p0 $0x7;
	[sflag:s16] =	ssyncadd.s32 $0xFFFFF800  }
0x157: {  	_ =	swait.ge @!p0 [sflag:s0], $0xA00  }
0x158: {  	[sflag:s0] =	ssyncset.done @!p0 $0x0  }
0x159: {  	[sflag:s0] =	ssyncadd.s32 @!p0 $0xFFFFF600  }
0x15a: {  	v3 =	vld [tilespmem:$0x1B20]  }
0x15b: {  	v4 =	vld [tilespmem:$0x1B30];
	_ =	sdelay $0x3  }
0x15c: {  	[tilespmem:$0x7280] =	vst v3  }
0x15d: {  	s6 =	simm.s32 $0xF40;
	[tilespmem:$0x7290] =	vst v4  }
0x15e: {  	s3 =	simm.s32 $0x1360;
	v3 =	vld [tilespmem:s6+$0x0]  }
0x15f: {  	v4 =	vld [tilespmem:s3+$0x0];
	_ =	sdelay $0x2  }
0x160: {  	v5 =	vld [tilespmem:s6+$0x10]  }
0x161: {  	v6 =	vld [tilespmem:s3+$0x10]  }
0x162: {  	v7 =	vunpack.i.l.bf16.f32 v3;
	v8 =	vunpack.i.l.bf16.f32 v4  }
0x163: {  	v7 =	vmul.f32 v8, v7  }
0x164: {  	v3 =	vunpack.i.u.bf16.f32 v3;
	v4 =	vunpack.i.u.bf16.f32 v4;
	v8 =	vld [tilespmem:s3+$0xFFFFFFC0]  }
0x165: {  	v3 =	vmul.f32 v4, v3;
	v4 =	vld [tilespmem:s6+$0xFFFFFFE0];
	v7 =	vadd.f32 $0.0e+00, v7  }
0x166: {  	v9 =	vunpack.i.l.bf16.f32 v5;
	v10 =	vunpack.i.l.bf16.f32 v6;
	v5 =	vunpack.i.u.bf16.f32 v5  }
0x167: {  	v6 =	vunpack.i.u.bf16.f32 v6;
	v3 =	vadd.f32 v7, v3;
	v7 =	vmul.f32 v10, v9  }
0x168: {  	v5 =	vmul.f32 v6, v5;
	v6 =	vld [tilespmem:s3+$0xFFFFFFD0]  }
0x169: {  	v9 =	vld [tilespmem:s6+$0xFFFFFFF0];
	v3 =	vadd.f32 v7, v3  }
0x16a: {  	s26 =	simm.s32 $0x13E0;
	v10 =	vunpack.i.l.bf16.f32 v4;
	v7 =	vunpack.i.l.bf16.f32 v8  }
0x16b: {  	s14 =	simm.s32 $0xF80;
	v7 =	vmul.f32 v7, v10;
	v10 =	vld [tilespmem:s26+$0x0];
	v3 =	vadd.f32 v3, v5  }
0x16c: {  	v4 =	vunpack.i.u.bf16.f32 v4;
	v8 =	vunpack.i.u.bf16.f32 v8;
	v5 =	vld [tilespmem:s14+$0x0]  }
0x16d: {  	v4 =	vmul.f32 v8, v4;
	v7 =	vadd.f32 $0.0e+00, v7;
	v11 =	vperm.xlane v3, v1  }
0x16e: {  	v12 =	vunpack.i.l.bf16.f32 v6;
	v8 =	vunpack.i.u.bf16.f32 v9;
	v9 =	vunpack.i.l.bf16.f32 v9  }
0x16f: {  	v4 =	vadd.f32 v7, v4;
	v7 =	vmul.f32 v12, v9;
	v9 =	vld [tilespmem:s26+$0x10];
	v3 =	vadd.f32 v3, v11  }
0x170: {  	v6 =	vunpack.i.u.bf16.f32 v6;
	v11 =	vld [tilespmem:s14+$0x10]  }
0x171: {  	v13 =	vld [tilespmem:s26+$0xFFFFFFC0];
	v15 =	vunpack.i.l.bf16.f32 v10;
	v14 =	vunpack.i.l.bf16.f32 v5;
	v12 =	vperm.xlane v3, v2  }
0x172: {  	v6 =	vmul.f32 v6, v8;
	v8 =	vld [tilespmem:s14+$0xFFFFFFE0];
	v4 =	vadd.f32 v7, v4;
	v7 =	vmul.f32 v15, v14  }
0x173: {  	v10 =	vunpack.i.u.bf16.f32 v10;
	v5 =	vunpack.i.u.bf16.f32 v5;
	v3 =	vadd.f32 v3, v12  }
0x174: {  	v5 =	vmul.f32 v10, v5;
	v4 =	vadd.f32 v4, v6;
	v6 =	vadd.f32 $0.0e+00, v7  }
0x175: {  	v10 =	vunpack.i.l.bf16.f32 v9;
	v7 =	vunpack.i.l.bf16.f32 v11;
	v3 =	vmul.f32 $1.442695020e+00, v3  }
0x176: {  	v14 =	vunpack.i.l.bf16.f32 v13;
	v12 =	vld [tilespmem:s14+$0xFFFFFFF0];
	v5 =	vadd.f32 v6, v5;
	v6 =	vmul.f32 v10, v7  }
0x177: {  	v9 =	vunpack.i.u.bf16.f32 v9;
	v7 =	vld [tilespmem:s26+$0xFFFFFFD0];
	v10 =	vunpack.i.l.bf16.f32 v8;
	(erf) = vpow2.f32 v3  }
0x178: {  	v3 =	vunpack.i.u.bf16.f32 v11;
	v5 =	vadd.f32 v6, v5;
	v6 =	vperm.xlane v4, v1  }
0x179: {  	v3 =	vmul.f32 v9, v3;
	v9 =	vmul.f32 v14, v10  }
0x17a: {  	v8 =	vunpack.i.u.bf16.f32 v8;
	v10 =	vunpack.i.u.bf16.f32 v13;
	v4 =	vadd.f32 v4, v6  }
0x17b: {  	v6 =	vmul.f32 v10, v8;
	v3 =	vadd.f32 v5, v3;
	v5 =	vadd.f32 $0.0e+00, v9  }
0x17c: {  	v9 =	vunpack.i.l.bf16.f32 v12;
	v10 =	vunpack.i.l.bf16.f32 v7  }
0x17d: {  	v8 =	vld [tilespmem:s3+$0x20];
	v11 =	vperm.xlane v3, v1;
	v5 =	vadd.f32 v5, v6;
	v6 =	vmul.f32 v10, v9  }
0x17e: {  	s2 =	simm.s32 $0x1460;
	v7 =	vunpack.i.u.bf16.f32 v7;
	v13 =	vperm.xlane v4, v2;
	v9 =	vunpack.i.u.bf16.f32 v12  }
0x17f: {  	s15 =	simm.s32 $0xFC0;
	v3 =	vadd.f32 v3, v11;
	v5 =	vadd.f32 v6, v5;
	v6 =	vmul.f32 v7, v9;
	v9 =	vld [tilespmem:s2+$0x0]  }
0x180: {  	v4 =	vadd.f32 v4, v13;
	v7 =	vld [tilespmem:s15+$0x0]  }
0x181: {  	v14 =	vld [tilespmem:s15+$0x10];
	v10 =	vperm.xlane v3, v2;
	v5 =	vadd.f32 v5, v6  }
0x182: {  	v11 =	vunpack.i.l.bf16.f32 v8;
	v8 =	vunpack.i.u.bf16.f32 v8;
	v4 =	vmul.f32 $1.442695020e+00, v4;
	v12 =	vpop (erf);
	v6 =	vld [tilespmem:s2+$0xFFFFFFC0]  }
0x183: {  	v13 =	vld [tilespmem:s15+$0xFFFFFFE0];
	v11 =	vmul.f32 v12, v11;
	v3 =	vadd.f32 v3, v10;
	v10 =	vperm.xlane v5, v1  }
0x184: {  	v8 =	vmul.f32 v12, v8;
	(erf) = vpow2.f32 v4;
	v4 =	vld [tilespmem:s2+$0x10];
	v15 =	vunpack.i.l.bf16.f32 v9  }
0x185: {  	v3 =	vmul.f32 $1.442695020e+00, v3;
	v5 =	vadd.f32 v5, v10;
	v10 =	vunpack.i.l.bf16.f32 v7  }
0x186: {  	v9 =	vunpack.i.u.bf16.f32 v9;
	v7 =	vunpack.i.u.bf16.f32 v7;
	v10 =	vmul.f32 v15, v10  }
0x187: {  	v15 =	vunpack.i.l.bf16.f32 v6;
	v7 =	vmul.f32 v9, v7;
	(erf) = vpow2.f32 v3  }
0x188: {  	v16 =	vld [tilespmem:s15+$0xFFFFFFF0];
	v6 =	vunpack.i.u.bf16.f32 v6;
	v3 =	vunpack.i.l.bf16.f32 v13;
	v10 =	vadd.f32 $0.0e+00, v10  }
0x189: {  	v9 =	vld [tilespmem:s2+$0xFFFFFFD0];
	v17 =	vunpack.i.l.bf16.f32 v4;
	v3 =	vmul.f32 v15, v3;
	v15 =	vunpack.i.l.bf16.f32 v14  }
0x18a: {  	s0 =	simm.s32 $0x4AB0;
	v13 =	vunpack.i.u.bf16.f32 v13;
	v7 =	vadd.f32 v10, v7;
	v10 =	vmul.f32 v17, v15  }
0x18b: {  	[tilespmem:s0+$0x0] =	vst v11;
	v4 =	vunpack.i.u.bf16.f32 v4;
	v15 =	vld [tilespmem:s26+$0x20];
	v11 =	vadd.f32 $0.0e+00, v3;
	v3 =	vunpack.i.u.bf16.f32 v14  }
0x18c: {  	[tilespmem:s0+$0x10] =	vst v8;
	v8 =	vperm.xlane v5, v2;
	v4 =	vmul.f32 v4, v3;
	v7 =	vadd.f32 v10, v7  }
0x18d: {  	v6 =	vmul.f32 v6, v13;
	v13 =	vunpack.i.u.bf16.f32 v16;
	v16 =	vunpack.i.l.bf16.f32 v16  }
0x18e: {  	v5 =	vadd.f32 v5, v8;
	v17 =	vunpack.i.l.bf16.f32 v9;
	v7 =	vadd.f32 v7, v4  }
0x18f: {  	v14 =	vld [tilespmem:s3+$0xFFFFFFE0];
	v9 =	vunpack.i.u.bf16.f32 v9;
	v6 =	vadd.f32 v11, v6;
	v11 =	vmul.f32 v17, v16;
	v3 =	vpop (erf)  }
0x190: {  	v10 =	vld [tilespmem:s3+$0x30];
	v9 =	vmul.f32 v9, v13;
	v16 =	vunpack.i.l.bf16.f32 v15;
	v4 =	vpop (erf);
	v18 =	vperm.xlane v7, v1  }
0x191: {  	s17 =	simm.s32 $0x1000;
	v17 =	vld [tilespmem:s26+$0xFFFFFFE0];
	v6 =	vadd.f32 v11, v6;
	v15 =	vunpack.i.u.bf16.f32 v15;
	v16 =	vmul.f32 v4, v16  }
0x192: {  	s31 =	simm.s32 $0x4B50;
	v20 =	vld [tilespmem:s17+$0x0];
	s6 =	simm.s32 $0x14E0;
	v11 =	vmul.f32 v4, v15;
	v7 =	vadd.f32 v7, v18  }
0x193: {  	v5 =	vmul.f32 $1.442695020e+00, v5;
	v18 =	vadd.f32 v6, v9;
	[tilespmem:s31+$0x0] =	vst v16;
	v16 =	vld [tilespmem:s6+$0x0]  }
0x194: {  	v13 =	vunpack.i.l.bf16.f32 v14;
	[tilespmem:s31+$0x10] =	vst v11;
	v11 =	vunpack.i.u.bf16.f32 v14;
	v14 =	vperm.xlane v7, v2  }
0x195: {  	v21 =	vld [tilespmem:s6+$0xFFFFFFC0];
	(erf) = vpow2.f32 v5;
	v22 =	vperm.xlane v18, v1  }
0x196: {  	v24 =	vld [tilespmem:s6+$0x10];
	v15 =	vunpack.i.u.bf16.f32 v10;
	v8 =	vunpack.i.l.bf16.f32 v17;
	v7 =	vadd.f32 v7, v14  }
0x197: {  	v5 =	vunpack.i.l.bf16.f32 v10;
	v10 =	vld [tilespmem:s17+$0x10];
	v6 =	vunpack.i.u.bf16.f32 v17;
	v14 =	vadd.f32 v18, v22  }
0x198: {  	v17 =	vld [tilespmem:s17+$0xFFFFFFE0];
	v22 =	vunpack.i.l.bf16.f32 v20;
	v23 =	vunpack.i.l.bf16.f32 v16;
	v7 =	vmul.f32 $1.442695020e+00, v7  }
0x199: {  	v22 =	vmul.f32 v23, v22  }
0x19a: {  	v16 =	vunpack.i.u.bf16.f32 v16;
	(erf) = vpow2.f32 v7;
	v7 =	vunpack.i.u.bf16.f32 v20  }
0x19b: {  	v19 =	vld [tilespmem:s2+$0xFFFFFFE0];
	v26 =	vunpack.i.l.bf16.f32 v21;
	v22 =	vadd.f32 $0.0e+00, v22;
	v16 =	vmul.f32 v16, v7  }
0x19c: {  	v15 =	vmul.f32 v15, v12;
	v18 =	vmul.f32 v5, v12;
	v62 =	vunpack.i.l.bf16.f32 v10  }
0x19d: {  	v9 =	vld [tilespmem:s26+$0x30];
	v27 =	vunpack.i.l.bf16.f32 v17;
	v16 =	vadd.f32 v22, v16;
	v22 =	vunpack.i.l.bf16.f32 v24  }
0x19e: {  	[tilespmem:s0+$0x40] =	vst v12;
	v12 =	vunpack.i.u.bf16.f32 v17;
	v17 =	vunpack.i.u.bf16.f32 v21;
	v21 =	vmul.f32 v22, v62;
	v22 =	vld [tilespmem:s2+$0x20]  }
0x19f: {  	v11 =	vmul.f32 v3, v11;
	v10 =	vunpack.i.u.bf16.f32 v10;
	v26 =	vmul.f32 v26, v27;
	v20 =	vld [tilespmem:s17+$0xFFFFFFF0]  }
0x1a0: {  	v13 =	vmul.f32 v3, v13;
	v5 =	vunpack.i.u.bf16.f32 v19;
	v7 =	vunpack.i.l.bf16.f32 v19;
	v19 =	vld [tilespmem:s6+$0xFFFFFFD0]  }
0x1a1: {  	[tilespmem:s0+$0x30] =	vst v15;
	v12 =	vmul.f32 v17, v12;
	v15 =	vadd.f32 $0.0e+00, v26;
	v24 =	vunpack.i.u.bf16.f32 v24  }
0x1a2: {  	v23 =	vperm.xlane v14, v2;
	v17 =	vmul.f32 v24, v10;
	v10 =	vpop (erf);
	v16 =	vadd.f32 v21, v16  }
0x1a3: {  	[tilespmem:s0+$0xFFFFFFC0] =	vst v11;
	v25 =	vunpack.i.u.bf16.f32 v9;
	v63 =	vadd.f32 v15, v12;
	v12 =	vunpack.i.l.bf16.f32 v22;
	v11 =	vpop (erf)  }
0x1a4: {  	[tilespmem:s0+$0xFFFFFFB0] =	vst v13;
	v25 =	vmul.f32 v25, v4;
	v15 =	vadd.f32 v16, v17;
	v16 =	vmul.f32 v11, v12;
	v12 =	vld [tilespmem:s6+$0xFFFFFFE0]  }
0x1a5: {  	[tilespmem:s31+$0x40] =	vst v4;
	v13 =	vunpack.i.l.bf16.f32 v20;
	v21 =	vunpack.i.u.bf16.f32 v20;
	v20 =	vunpack.i.l.bf16.f32 v19  }
0x1a6: {  	[tilespmem:s0+$0x20] =	vst v18;
	v14 =	vadd.f32 v14, v23;
	v20 =	vmul.f32 v20, v13;
	v13 =	vld [tilespmem:s3+$0xFFFFFFF0]  }
0x1a7: {  	s14 =	simm.s32 $0x14E0;
	[tilespmem:s31+$0x30] =	vst v25;
	v17 =	vunpack.i.u.bf16.f32 v19;
	v22 =	vunpack.i.u.bf16.f32 v22;
	v18 =	vperm.xlane v15, v1  }
0x1a8: {  	s15 =	simm.s32 $0x6;
	s17 =	simm.s32 $0x1040;
	[tilespmem:s0+$0xFFFFFFF0] =	vst v3;
	s3 =	simm.s32 $0x4BF0;
	v19 =	vadd.f32 v20, v63;
	v20 =	vmul.f32 v17, v21;
	v17 =	vmul.f32 v11, v22  }
.LBB2_7:
0x1a9: {  	v21 =	vld [tilespmem:s17+$0x0];
	v22 =	vunpack.i.u.bf16.f32 v12;
	v15 =	vadd.f32 v15, v18;
	s6 =	sadd.s32 $0x80, s6;
	v14 =	vmul.f32 $1.442695020e+00, v14;
	[tilespmem:s3+$0x0] =	vst v16  }
0x1aa: {  	v16 =	vld [tilespmem:s6+$0x0];
	v18 =	vadd.f32 v19, v20;
	[tilespmem:s3+$0x10] =	vst v17;
	v17 =	vmul.f32 v10, v8;
	v8 =	vmovc v7;
	v7 =	vunpack.i.l.bf16.f32 v12  }
0x1ab: {  	v12 =	vperm.xlane v15, v2;
	v19 =	vld [tilespmem:s2+$0x30];
	[tilespmem:s3+$0x40] =	vst v11;
	(erf) = vpow2.f32 v14;
	v14 =	vunpack.i.u.bf16.f32 v13  }
0x1ac: {  	s15 =	sadd.s32 $0x2, s15;
	v13 =	vunpack.i.l.bf16.f32 v13;
	v20 =	vld [tilespmem:s6+$0xFFFFFFC0];
	v23 =	vperm.xlane v18, v1;
	[tilespmem:s31+$0xFFFFFFB0] =	vst v17;
	v17 =	vmul.f32 v10, v6;
	v6 =	vmovc v5  }
0x1ad: {  	v9 =	vunpack.i.l.bf16.f32 v9;
	p2 =	slt.u32 s15, $0x1E;
	v13 =	vmul.f32 v13, v3;
	v5 =	vmovc v22;
	v24 =	vld [tilespmem:s17+$0xFFFFFFE0];
	v12 =	vadd.f32 v15, v12  }
0x1ae: {  	v25 =	vmul.f32 v14, v3;
	v15 =	vld [tilespmem:s17+$0x10];
	v18 =	vadd.f32 v18, v23;
	[tilespmem:s31+$0xFFFFFFC0] =	vst v17;
	v17 =	vmul.f32 v9, v4  }
0x1af: {  	v3 =	vmovc v10;
	v14 =	vunpack.i.l.bf16.f32 v21;
	v4 =	vmovc v11;
	v22 =	vunpack.i.l.bf16.f32 v16;
	v23 =	vld [tilespmem:s6+$0x10];
	v12 =	vmul.f32 $1.442695020e+00, v12;
	[tilespmem:s0+$0xFFFFFFD0] =	vst v13  }
0x1b0: {  	v11 =	vld [tilespmem:s17+$0xFFFFFFF0];
	v10 =	vmul.f32 v22, v14;
	v14 =	vperm.xlane v18, v2;
	v13 =	vunpack.i.u.bf16.f32 v19;
	[tilespmem:s0+$0xFFFFFFE0] =	vst v25;
	v9 =	vmovc v19;
	s0 =	smov.u32 s31;
	s31 =	smov.u32 s3  }
0x1b1: {  	v19 =	vunpack.i.l.bf16.f32 v20;
	v22 =	vld [tilespmem:s6+$0xFFFFFFD0];
	(erf) = vpow2.f32 v12;
	v13 =	vmul.f32 v13, v4;
	[tilespmem:s0+$0x20] =	vst v17  }
0x1b2: {  	v21 =	vunpack.i.u.bf16.f32 v21;
	v16 =	vunpack.i.u.bf16.f32 v16;
	v17 =	vunpack.i.l.bf16.f32 v24;
	v12 =	vld [tilespmem:s6+$0xFFFFFFE0]  }
0x1b3: {  	v16 =	vmul.f32 v16, v21;
	v17 =	vmul.f32 v19, v17;
	v19 =	vadd.f32 $0.0e+00, v10;
	[tilespmem:s3+$0x30] =	vst v13;
	v13 =	vld [tilespmem:s26+$0xFFFFFFF0];
	s26 =	smov.u32 s2;
	s2 =	smov.u32 s14;
	s14 =	smov.u32 s6  }
0x1b4: {  	v21 =	vunpack.i.u.bf16.f32 v24;
	v24 =	vunpack.i.l.bf16.f32 v15;
	v25 =	vunpack.i.l.bf16.f32 v23;
	v10 =	vpop (erf);
	[tilespmem:s0+$0xFFFFFFF0] =	vst v3  }
0x1b5: {  	v20 =	vunpack.i.u.bf16.f32 v20;
	v16 =	vadd.f32 v19, v16;
	v19 =	vmul.f32 v25, v24;
	v24 =	vld [tilespmem:s2+$0x20]  }
0x1b6: {  	v15 =	vunpack.i.u.bf16.f32 v15;
	v23 =	vunpack.i.u.bf16.f32 v23;
	v17 =	vadd.f32 $0.0e+00, v17  }
0x1b7: {  	v20 =	vmul.f32 v20, v21;
	v15 =	vmul.f32 v23, v15;
	v16 =	vadd.f32 v19, v16  }
.Ltmp2:
0x1b8: {  	v21 =	vunpack.i.u.bf16.f32 v11;
	v23 =	vunpack.i.l.bf16.f32 v11;
	v19 =	vunpack.i.l.bf16.f32 v22;
	(pc) =	sbr.rel @p2 .LBB2_7-.Ltmp2, $4  }
0x1b9: {  	v17 =	vadd.f32 v17, v20;
	v19 =	vmul.f32 v19, v23;
	v15 =	vadd.f32 v16, v15  }
0x1ba: {  	v14 =	vadd.f32 v18, v14;
	v20 =	vunpack.i.u.bf16.f32 v22;
	v16 =	vunpack.i.l.bf16.f32 v24;
	v11 =	vpop (erf)  }
0x1bb: {  	v22 =	vunpack.i.u.bf16.f32 v24;
	v18 =	vperm.xlane v15, v1;
	v16 =	vmul.f32 v11, v16  }
0x1bc: {  	s17 =	sadd.s32 $0x40, s17;
	s3 =	sadd.s32 $0xA0, s3;
	v20 =	vmul.f32 v20, v21;
	v19 =	vadd.f32 v19, v17;
	v17 =	vmul.f32 v11, v22  }
0x1bd: {  	v15 =	vadd.f32 v15, v18;
	_ =	sdelay $0x1  }
0x1be: {  	v18 =	vadd.f32 v19, v20;
	v19 =	vperm.xlane v15, v2;
	_ =	sdelay $0x1  }
0x1bf: {  	v15 =	vadd.f32 v15, v19  }
0x1c0: {  	v14 =	vmul.f32 $1.442695020e+00, v14;
	v20 =	vperm.xlane v18, v1  }
0x1c1: {  	v15 =	vmul.f32 $1.442695020e+00, v15  }
0x1c2: {  	[tilespmem:s3+$0x0] =	vst v16;
	(erf) = vpow2.f32 v14;
	v18 =	vadd.f32 v18, v20  }
0x1c3: {  	[tilespmem:s3+$0x10] =	vst v17;
	(erf) = vpow2.f32 v15  }
0x1c4: {  	v14 =	vperm.xlane v18, v2;
	v15 =	vld [tilespmem:s2+$0x30]  }
0x1c5: {  	v8 =	vmul.f32 v10, v8  }
0x1c6: {  	v16 =	vunpack.i.l.bf16.f32 v13;
	v14 =	vadd.f32 v18, v14  }
0x1c7: {  	v6 =	vmul.f32 v10, v6;
	v13 =	vunpack.i.u.bf16.f32 v13;
	v17 =	vld [tilespmem:s14+$0x20];
	[tilespmem:s31+$0xFFFFFFB0] =	vst v8;
	v8 =	vmul.f32 v16, v3  }
0x1c8: {  	v3 =	vmul.f32 v13, v3;
	v14 =	vmul.f32 $1.442695020e+00, v14  }
0x1c9: {  	v9 =	vunpack.i.l.bf16.f32 v9;
	[tilespmem:s31+$0xFFFFFFC0] =	vst v6;
	v6 =	vunpack.i.u.bf16.f32 v15  }
0x1ca: {  	[tilespmem:s0+$0xFFFFFFE0] =	vst v3;
	(erf) = vpow2.f32 v14;
	v3 =	vmul.f32 v6, v11  }
0x1cb: {  	v4 =	vmul.f32 v9, v4;
	[tilespmem:s0+$0xFFFFFFD0] =	vst v8;
	v8 =	vpop (erf)  }
0x1cc: {  	[tilespmem:s3+$0x30] =	vst v3;
	v3 =	vunpack.i.u.bf16.f32 v17;
	v9 =	vpop (erf)  }
0x1cd: {  	[tilespmem:s31+$0x20] =	vst v4;
	v4 =	vld [tilespmem:s26+$0xFFFFFFF0];
	v6 =	vunpack.i.l.bf16.f32 v17;
	v3 =	vmul.f32 v9, v3  }
0x1ce: {  	s17 =	sadd.s32 $0xA0, s3;
	[tilespmem:s31+$0xFFFFFFF0] =	vst v10;
	v6 =	vmul.f32 v9, v6  }
0x1cf: {  	[tilespmem:s17+$0x10] =	vst v3;
	v3 =	vmul.f32 v8, v5  }
0x1d0: {  	[tilespmem:s17+$0x0] =	vst v6;
	v6 =	vmul.f32 v8, v7  }
0x1d1: {  	[tilespmem:s3+$0x40] =	vst v11  }
0x1d2: {  	v5 =	vld [tilespmem:s14+$0x30];
	[tilespmem:s3+$0xFFFFFFB0] =	vst v6;
	v6 =	vunpack.i.l.bf16.f32 v4  }
0x1d3: {  	v7 =	vunpack.i.l.bf16.f32 v12;
	[tilespmem:s3+$0xFFFFFFC0] =	vst v3;
	v6 =	vmul.f32 v6, v10;
	v3 =	vpop (erf)  }
0x1d4: {  	v12 =	vunpack.i.u.bf16.f32 v12;
	[tilespmem:s17+$0x40] =	vst v9;
	v7 =	vmul.f32 v3, v7  }
0x1d5: {  	v4 =	vunpack.i.u.bf16.f32 v4;
	v13 =	vld [tilespmem:s2+$0xFFFFFFF0];
	[tilespmem:s31+$0xFFFFFFD0] =	vst v6;
	v6 =	vmul.f32 v3, v12  }
0x1d6: {  	v4 =	vmul.f32 v4, v10;
	[tilespmem:s17+$0xFFFFFFB0] =	vst v7  }
0x1d7: {  	v10 =	vunpack.i.u.bf16.f32 v5;
	[tilespmem:s17+$0xFFFFFFC0] =	vst v6  }
0x1d8: {  	v12 =	vunpack.i.l.bf16.f32 v15;
	[tilespmem:s31+$0xFFFFFFE0] =	vst v4;
	v4 =	vmul.f32 v10, v9;
	v6 =	vld [tilespmem:s14+$0xFFFFFFF0]  }
0x1d9: {  	[tilespmem:s3+$0xFFFFFFF0] =	vst v8;
	v5 =	vunpack.i.l.bf16.f32 v5;
	v7 =	vmul.f32 v12, v11  }
0x1da: {  	v5 =	vmul.f32 v5, v9;
	[tilespmem:s17+$0x30] =	vst v4;
	v4 =	vunpack.i.u.bf16.f32 v13  }
0x1db: {  	[tilespmem:s3+$0x20] =	vst v7;
	v7 =	vunpack.i.l.bf16.f32 v13;
	v4 =	vmul.f32 v4, v8  }
0x1dc: {  	[tilespmem:s17+$0x20] =	vst v5;
	v7 =	vmul.f32 v7, v8  }
0x1dd: {  	s2 =	sadd.s32 @!p1 $0x6, s30;
	[tilespmem:s3+$0xFFFFFFE0] =	vst v4;
	v4 =	vunpack.i.l.bf16.f32 v6  }
0x1de: {  	[tilespmem:s3+$0xFFFFFFD0] =	vst v7;
	s3 =	smulhi.u32 @!p1 $0xCCCCCCCD, s2;
	v5 =	vunpack.i.u.bf16.f32 v6;
	v4 =	vmul.f32 v4, v3  }
0x1df: {  	[tilespmem:s17+$0xFFFFFFF0] =	vst v3;
	v3 =	vmul.f32 v5, v3  }
0x1e0: {  	s3 =	sshrl.u32 @!p1 s3, $0x3;
	[tilespmem:s17+$0xFFFFFFD0] =	vst v4  }
0x1e1: {  	s26 =	simm.s32 $0x7280;
	s0 =	smul.u32 @!p1 $0xA, s3;
	[tilespmem:s17+$0xFFFFFFE0] =	vst v3  }
0x1e2: {  	[spmem:s1] =	stream.indirect.scatter.add.f32 [tilespmem:s18], [sflag:$0x7], $0x50, s26, s29, $0xb8;
	[tilespmem:$0x14F00] =	vst v63  }
0x1e3: {  	s0 =	ssub.s32 @!p1 s2, s0  }
0x1e4: {  	s0 =	sshll.u32 @!p1 s0, $0x5  }
0x1e5: {  	v3 =	vld @!p1 [tilespmem:s0+$0x0];
	_ =	sdelay $0x4  }
0x1e6: {  	[tilespmem:$0x1B20] =	vst @!p1 v3  }
0x1e7: {  	[tilespmem:$0xEE0] =	vst @!p1 v3  }
0x1e8: {  	v3 =	vld @!p1 [tilespmem:s0+$0x140];
	_ =	sdelay $0x4  }
0x1e9: {  	[tilespmem:$0xF00] =	vst @!p1 v3  }
0x1ea: {  	v3 =	vld @!p1 [tilespmem:s0+$0x10];
	_ =	sdelay $0x4  }
0x1eb: {  	[tilespmem:$0x1B30] =	vst @!p1 v3  }
0x1ec: {  	[tilespmem:$0xEF0] =	vst @!p1 v3  }
0x1ed: {  	v3 =	vld @!p1 [tilespmem:s0+$0x150];
	_ =	sdelay $0x4  }
0x1ee: {  	s3 =	simm.s32 @!p1 $0xF20;
	s2 =	simm.s32 @!p1 $0xEE0;
	s0 =	simm.s32 @!p1 $0x20;
	[tilespmem:$0xF10] =	vst @!p1 v3  }
0x1ef: {  	[tilespmem:s3], [sflag:$0x2] =	stream.indirect.gather @!p1 [hbm4b:s10+s0], $0x20, s2, s0, $0xb8;
	[tilespmem:$0x14F00] =	vst v63  }
0x1f0: {  	s2 =	simm.s32 @!p1 $0xF00;
	s3 =	simm.s32 @!p1 $0x1320  }
0x1f1: {  	[tilespmem:s3], [sflag:$0x2] =	stream.indirect.gather @!p1 [hbm4b:s11+s0], $0x40, s2, s0, $0xb8;
	[tilespmem:$0x14F00] =	vst v63  }
0x1f2: {  	_ =	swait.ge [sflag:s19], $0x400  }
0x1f3: {  	[sflag:s19] =	ssyncset.done $0x0  }
0x1f4: {  	[sflag:s19] =	ssyncadd.s32 $0xFFFFFC00  }
0x1f5: {  	_ =	swait.ge [sflag:s19], $0x800  }
0x1f6: {  	[sflag:s19] =	ssyncset.done $0x0  }
0x1f7: {  	s0 =	simm.s32 @!p0 $0x8;
	[sflag:s19] =	ssyncadd.s32 $0xFFFFF800  }
0x1f8: {  	_ =	swait.ge @!p0 [sflag:s0], $0xA00  }
0x1f9: {  	[sflag:s0] =	ssyncset.done @!p0 $0x0  }
0x1fa: {  	[sflag:s0] =	ssyncadd.s32 @!p0 $0xFFFFF600  }
0x1fb: {  	v3 =	vld [tilespmem:$0x2780]  }
0x1fc: {  	v4 =	vld [tilespmem:$0x2790];
	_ =	sdelay $0x3  }
0x1fd: {  	[tilespmem:$0x72A0] =	vst v3  }
0x1fe: {  	s6 =	simm.s32 $0x1BA0;
	[tilespmem:$0x72B0] =	vst v4  }
0x1ff: {  	s3 =	simm.s32 $0x1FC0;
	v3 =	vld [tilespmem:s6+$0x0]  }
0x200: {  	v4 =	vld [tilespmem:s3+$0x0];
	_ =	sdelay $0x2  }
0x201: {  	v5 =	vld [tilespmem:s6+$0x10]  }
0x202: {  	v6 =	vld [tilespmem:s3+$0x10]  }
0x203: {  	v7 =	vunpack.i.l.bf16.f32 v3;
	v8 =	vunpack.i.l.bf16.f32 v4  }
0x204: {  	v7 =	vmul.f32 v8, v7  }
0x205: {  	v3 =	vunpack.i.u.bf16.f32 v3;
	v4 =	vunpack.i.u.bf16.f32 v4;
	v8 =	vld [tilespmem:s3+$0xFFFFFFC0]  }
0x206: {  	v3 =	vmul.f32 v4, v3;
	v4 =	vld [tilespmem:s6+$0xFFFFFFE0];
	v7 =	vadd.f32 $0.0e+00, v7  }
0x207: {  	v9 =	vunpack.i.l.bf16.f32 v5;
	v10 =	vunpack.i.l.bf16.f32 v6;
	v5 =	vunpack.i.u.bf16.f32 v5  }
0x208: {  	v6 =	vunpack.i.u.bf16.f32 v6;
	v3 =	vadd.f32 v7, v3;
	v7 =	vmul.f32 v10, v9  }
0x209: {  	v5 =	vmul.f32 v6, v5;
	v6 =	vld [tilespmem:s3+$0xFFFFFFD0]  }
0x20a: {  	v9 =	vld [tilespmem:s6+$0xFFFFFFF0];
	v3 =	vadd.f32 v7, v3  }
0x20b: {  	s26 =	simm.s32 $0x2040;
	v10 =	vunpack.i.l.bf16.f32 v4;
	v7 =	vunpack.i.l.bf16.f32 v8  }
0x20c: {  	s14 =	simm.s32 $0x1BE0;
	v7 =	vmul.f32 v7, v10;
	v10 =	vld [tilespmem:s26+$0x0];
	v3 =	vadd.f32 v3, v5  }
0x20d: {  	v4 =	vunpack.i.u.bf16.f32 v4;
	v8 =	vunpack.i.u.bf16.f32 v8;
	v5 =	vld [tilespmem:s14+$0x0]  }
0x20e: {  	v4 =	vmul.f32 v8, v4;
	v7 =	vadd.f32 $0.0e+00, v7;
	v11 =	vperm.xlane v3, v1  }
0x20f: {  	v12 =	vunpack.i.l.bf16.f32 v6;
	v8 =	vunpack.i.u.bf16.f32 v9;
	v9 =	vunpack.i.l.bf16.f32 v9  }
0x210: {  	v4 =	vadd.f32 v7, v4;
	v7 =	vmul.f32 v12, v9;
	v9 =	vld [tilespmem:s26+$0x10];
	v3 =	vadd.f32 v3, v11  }
0x211: {  	v6 =	vunpack.i.u.bf16.f32 v6;
	v11 =	vld [tilespmem:s14+$0x10]  }
0x212: {  	v13 =	vld [tilespmem:s26+$0xFFFFFFC0];
	v15 =	vunpack.i.l.bf16.f32 v10;
	v14 =	vunpack.i.l.bf16.f32 v5;
	v12 =	vperm.xlane v3, v2  }
0x213: {  	v6 =	vmul.f32 v6, v8;
	v8 =	vld [tilespmem:s14+$0xFFFFFFE0];
	v4 =	vadd.f32 v7, v4;
	v7 =	vmul.f32 v15, v14  }
0x214: {  	v10 =	vunpack.i.u.bf16.f32 v10;
	v5 =	vunpack.i.u.bf16.f32 v5;
	v3 =	vadd.f32 v3, v12  }
0x215: {  	v5 =	vmul.f32 v10, v5;
	v4 =	vadd.f32 v4, v6;
	v6 =	vadd.f32 $0.0e+00, v7  }
0x216: {  	v10 =	vunpack.i.l.bf16.f32 v9;
	v7 =	vunpack.i.l.bf16.f32 v11;
	v3 =	vmul.f32 $1.442695020e+00, v3  }
0x217: {  	v14 =	vunpack.i.l.bf16.f32 v13;
	v12 =	vld [tilespmem:s14+$0xFFFFFFF0];
	v5 =	vadd.f32 v6, v5;
	v6 =	vmul.f32 v10, v7  }
0x218: {  	v9 =	vunpack.i.u.bf16.f32 v9;
	v7 =	vld [tilespmem:s26+$0xFFFFFFD0];
	v10 =	vunpack.i.l.bf16.f32 v8;
	(erf) = vpow2.f32 v3  }
0x219: {  	v3 =	vunpack.i.u.bf16.f32 v11;
	v5 =	vadd.f32 v6, v5;
	v6 =	vperm.xlane v4, v1  }
0x21a: {  	v3 =	vmul.f32 v9, v3;
	v9 =	vmul.f32 v14, v10  }
0x21b: {  	v8 =	vunpack.i.u.bf16.f32 v8;
	v10 =	vunpack.i.u.bf16.f32 v13;
	v4 =	vadd.f32 v4, v6  }
0x21c: {  	v6 =	vmul.f32 v10, v8;
	v3 =	vadd.f32 v5, v3;
	v5 =	vadd.f32 $0.0e+00, v9  }
0x21d: {  	v9 =	vunpack.i.l.bf16.f32 v12;
	v10 =	vunpack.i.l.bf16.f32 v7  }
0x21e: {  	v8 =	vld [tilespmem:s3+$0x20];
	v11 =	vperm.xlane v3, v1;
	v5 =	vadd.f32 v5, v6;
	v6 =	vmul.f32 v10, v9  }
0x21f: {  	s2 =	simm.s32 $0x20C0;
	v7 =	vunpack.i.u.bf16.f32 v7;
	v13 =	vperm.xlane v4, v2;
	v9 =	vunpack.i.u.bf16.f32 v12  }
0x220: {  	s15 =	simm.s32 $0x1C20;
	v3 =	vadd.f32 v3, v11;
	v5 =	vadd.f32 v6, v5;
	v6 =	vmul.f32 v7, v9;
	v9 =	vld [tilespmem:s2+$0x0]  }
0x221: {  	v4 =	vadd.f32 v4, v13;
	v7 =	vld [tilespmem:s15+$0x0]  }
0x222: {  	v14 =	vld [tilespmem:s15+$0x10];
	v10 =	vperm.xlane v3, v2;
	v5 =	vadd.f32 v5, v6  }
0x223: {  	v11 =	vunpack.i.l.bf16.f32 v8;
	v8 =	vunpack.i.u.bf16.f32 v8;
	v4 =	vmul.f32 $1.442695020e+00, v4;
	v12 =	vpop (erf);
	v6 =	vld [tilespmem:s2+$0xFFFFFFC0]  }
0x224: {  	v13 =	vld [tilespmem:s15+$0xFFFFFFE0];
	v11 =	vmul.f32 v12, v11;
	v3 =	vadd.f32 v3, v10;
	v10 =	vperm.xlane v5, v1  }
0x225: {  	v8 =	vmul.f32 v12, v8;
	(erf) = vpow2.f32 v4;
	v4 =	vld [tilespmem:s2+$0x10];
	v15 =	vunpack.i.l.bf16.f32 v9  }
0x226: {  	v3 =	vmul.f32 $1.442695020e+00, v3;
	v5 =	vadd.f32 v5, v10;
	v10 =	vunpack.i.l.bf16.f32 v7  }
0x227: {  	v9 =	vunpack.i.u.bf16.f32 v9;
	v7 =	vunpack.i.u.bf16.f32 v7;
	v10 =	vmul.f32 v15, v10  }
0x228: {  	v15 =	vunpack.i.l.bf16.f32 v6;
	v7 =	vmul.f32 v9, v7;
	(erf) = vpow2.f32 v3  }
0x229: {  	v16 =	vld [tilespmem:s15+$0xFFFFFFF0];
	v6 =	vunpack.i.u.bf16.f32 v6;
	v3 =	vunpack.i.l.bf16.f32 v13;
	v10 =	vadd.f32 $0.0e+00, v10  }
0x22a: {  	v9 =	vld [tilespmem:s2+$0xFFFFFFD0];
	v17 =	vunpack.i.l.bf16.f32 v4;
	v3 =	vmul.f32 v15, v3;
	v15 =	vunpack.i.l.bf16.f32 v14  }
0x22b: {  	s0 =	simm.s32 $0x54B0;
	v13 =	vunpack.i.u.bf16.f32 v13;
	v7 =	vadd.f32 v10, v7;
	v10 =	vmul.f32 v17, v15  }
0x22c: {  	[tilespmem:s0+$0x0] =	vst v11;
	v4 =	vunpack.i.u.bf16.f32 v4;
	v15 =	vld [tilespmem:s26+$0x20];
	v11 =	vadd.f32 $0.0e+00, v3;
	v3 =	vunpack.i.u.bf16.f32 v14  }
0x22d: {  	[tilespmem:s0+$0x10] =	vst v8;
	v8 =	vperm.xlane v5, v2;
	v4 =	vmul.f32 v4, v3;
	v7 =	vadd.f32 v10, v7  }
0x22e: {  	v6 =	vmul.f32 v6, v13;
	v13 =	vunpack.i.u.bf16.f32 v16;
	v16 =	vunpack.i.l.bf16.f32 v16  }
0x22f: {  	v5 =	vadd.f32 v5, v8;
	v17 =	vunpack.i.l.bf16.f32 v9;
	v7 =	vadd.f32 v7, v4  }
0x230: {  	v14 =	vld [tilespmem:s3+$0xFFFFFFE0];
	v9 =	vunpack.i.u.bf16.f32 v9;
	v6 =	vadd.f32 v11, v6;
	v11 =	vmul.f32 v17, v16;
	v3 =	vpop (erf)  }
0x231: {  	v10 =	vld [tilespmem:s3+$0x30];
	v9 =	vmul.f32 v9, v13;
	v16 =	vunpack.i.l.bf16.f32 v15;
	v4 =	vpop (erf);
	v18 =	vperm.xlane v7, v1  }
0x232: {  	s17 =	simm.s32 $0x1C60;
	v17 =	vld [tilespmem:s26+$0xFFFFFFE0];
	v6 =	vadd.f32 v11, v6;
	v15 =	vunpack.i.u.bf16.f32 v15;
	v16 =	vmul.f32 v4, v16  }
0x233: {  	s31 =	simm.s32 $0x5550;
	v20 =	vld [tilespmem:s17+$0x0];
	s6 =	simm.s32 $0x2140;
	v11 =	vmul.f32 v4, v15;
	v7 =	vadd.f32 v7, v18  }
0x234: {  	v5 =	vmul.f32 $1.442695020e+00, v5;
	v18 =	vadd.f32 v6, v9;
	[tilespmem:s31+$0x0] =	vst v16;
	v16 =	vld [tilespmem:s6+$0x0]  }
0x235: {  	v13 =	vunpack.i.l.bf16.f32 v14;
	[tilespmem:s31+$0x10] =	vst v11;
	v11 =	vunpack.i.u.bf16.f32 v14;
	v14 =	vperm.xlane v7, v2  }
0x236: {  	v21 =	vld [tilespmem:s6+$0xFFFFFFC0];
	(erf) = vpow2.f32 v5;
	v22 =	vperm.xlane v18, v1  }
0x237: {  	v24 =	vld [tilespmem:s6+$0x10];
	v15 =	vunpack.i.u.bf16.f32 v10;
	v8 =	vunpack.i.l.bf16.f32 v17;
	v7 =	vadd.f32 v7, v14  }
0x238: {  	v5 =	vunpack.i.l.bf16.f32 v10;
	v10 =	vld [tilespmem:s17+$0x10];
	v6 =	vunpack.i.u.bf16.f32 v17;
	v14 =	vadd.f32 v18, v22  }
0x239: {  	v17 =	vld [tilespmem:s17+$0xFFFFFFE0];
	v22 =	vunpack.i.l.bf16.f32 v20;
	v23 =	vunpack.i.l.bf16.f32 v16;
	v7 =	vmul.f32 $1.442695020e+00, v7  }
0x23a: {  	v22 =	vmul.f32 v23, v22  }
0x23b: {  	v16 =	vunpack.i.u.bf16.f32 v16;
	(erf) = vpow2.f32 v7;
	v7 =	vunpack.i.u.bf16.f32 v20  }
0x23c: {  	v19 =	vld [tilespmem:s2+$0xFFFFFFE0];
	v26 =	vunpack.i.l.bf16.f32 v21;
	v22 =	vadd.f32 $0.0e+00, v22;
	v16 =	vmul.f32 v16, v7  }
0x23d: {  	v15 =	vmul.f32 v15, v12;
	v18 =	vmul.f32 v5, v12;
	v62 =	vunpack.i.l.bf16.f32 v10  }
0x23e: {  	v9 =	vld [tilespmem:s26+$0x30];
	v27 =	vunpack.i.l.bf16.f32 v17;
	v16 =	vadd.f32 v22, v16;
	v22 =	vunpack.i.l.bf16.f32 v24  }
0x23f: {  	[tilespmem:s0+$0x40] =	vst v12;
	v12 =	vunpack.i.u.bf16.f32 v17;
	v17 =	vunpack.i.u.bf16.f32 v21;
	v21 =	vmul.f32 v22, v62;
	v22 =	vld [tilespmem:s2+$0x20]  }
0x240: {  	v11 =	vmul.f32 v3, v11;
	v10 =	vunpack.i.u.bf16.f32 v10;
	v26 =	vmul.f32 v26, v27;
	v20 =	vld [tilespmem:s17+$0xFFFFFFF0]  }
0x241: {  	v13 =	vmul.f32 v3, v13;
	v5 =	vunpack.i.u.bf16.f32 v19;
	v7 =	vunpack.i.l.bf16.f32 v19;
	v19 =	vld [tilespmem:s6+$0xFFFFFFD0]  }
0x242: {  	[tilespmem:s0+$0x30] =	vst v15;
	v12 =	vmul.f32 v17, v12;
	v15 =	vadd.f32 $0.0e+00, v26;
	v24 =	vunpack.i.u.bf16.f32 v24  }
0x243: {  	v23 =	vperm.xlane v14, v2;
	v17 =	vmul.f32 v24, v10;
	v10 =	vpop (erf);
	v16 =	vadd.f32 v21, v16  }
0x244: {  	[tilespmem:s0+$0xFFFFFFC0] =	vst v11;
	v25 =	vunpack.i.u.bf16.f32 v9;
	v63 =	vadd.f32 v15, v12;
	v12 =	vunpack.i.l.bf16.f32 v22;
	v11 =	vpop (erf)  }
0x245: {  	[tilespmem:s0+$0xFFFFFFB0] =	vst v13;
	v25 =	vmul.f32 v25, v4;
	v15 =	vadd.f32 v16, v17;
	v16 =	vmul.f32 v11, v12;
	v12 =	vld [tilespmem:s6+$0xFFFFFFE0]  }
0x246: {  	[tilespmem:s31+$0x40] =	vst v4;
	v13 =	vunpack.i.l.bf16.f32 v20;
	v21 =	vunpack.i.u.bf16.f32 v20;
	v20 =	vunpack.i.l.bf16.f32 v19  }
0x247: {  	[tilespmem:s0+$0x20] =	vst v18;
	v14 =	vadd.f32 v14, v23;
	v20 =	vmul.f32 v20, v13;
	v13 =	vld [tilespmem:s3+$0xFFFFFFF0]  }
0x248: {  	s14 =	simm.s32 $0x2140;
	[tilespmem:s31+$0x30] =	vst v25;
	v17 =	vunpack.i.u.bf16.f32 v19;
	v22 =	vunpack.i.u.bf16.f32 v22;
	v18 =	vperm.xlane v15, v1  }
0x249: {  	s15 =	simm.s32 $0x6;
	s17 =	simm.s32 $0x1CA0;
	[tilespmem:s0+$0xFFFFFFF0] =	vst v3;
	s3 =	simm.s32 $0x55F0;
	v19 =	vadd.f32 v20, v63;
	v20 =	vmul.f32 v17, v21;
	v17 =	vmul.f32 v11, v22  }
.LBB2_9:
0x24a: {  	v21 =	vld [tilespmem:s17+$0x0];
	v22 =	vunpack.i.u.bf16.f32 v12;
	v15 =	vadd.f32 v15, v18;
	s6 =	sadd.s32 $0x80, s6;
	v14 =	vmul.f32 $1.442695020e+00, v14;
	[tilespmem:s3+$0x0] =	vst v16  }
0x24b: {  	v16 =	vld [tilespmem:s6+$0x0];
	v18 =	vadd.f32 v19, v20;
	[tilespmem:s3+$0x10] =	vst v17;
	v17 =	vmul.f32 v10, v8;
	v8 =	vmovc v7;
	v7 =	vunpack.i.l.bf16.f32 v12  }
0x24c: {  	v12 =	vperm.xlane v15, v2;
	v19 =	vld [tilespmem:s2+$0x30];
	[tilespmem:s3+$0x40] =	vst v11;
	(erf) = vpow2.f32 v14;
	v14 =	vunpack.i.u.bf16.f32 v13  }
0x24d: {  	s15 =	sadd.s32 $0x2, s15;
	v13 =	vunpack.i.l.bf16.f32 v13;
	v20 =	vld [tilespmem:s6+$0xFFFFFFC0];
	v23 =	vperm.xlane v18, v1;
	[tilespmem:s31+$0xFFFFFFB0] =	vst v17;
	v17 =	vmul.f32 v10, v6;
	v6 =	vmovc v5  }
0x24e: {  	v9 =	vunpack.i.l.bf16.f32 v9;
	p2 =	slt.u32 s15, $0x1E;
	v13 =	vmul.f32 v13, v3;
	v5 =	vmovc v22;
	v24 =	vld [tilespmem:s17+$0xFFFFFFE0];
	v12 =	vadd.f32 v15, v12  }
0x24f: {  	v25 =	vmul.f32 v14, v3;
	v15 =	vld [tilespmem:s17+$0x10];
	v18 =	vadd.f32 v18, v23;
	[tilespmem:s31+$0xFFFFFFC0] =	vst v17;
	v17 =	vmul.f32 v9, v4  }
0x250: {  	v3 =	vmovc v10;
	v14 =	vunpack.i.l.bf16.f32 v21;
	v4 =	vmovc v11;
	v22 =	vunpack.i.l.bf16.f32 v16;
	v23 =	vld [tilespmem:s6+$0x10];
	v12 =	vmul.f32 $1.442695020e+00, v12;
	[tilespmem:s0+$0xFFFFFFD0] =	vst v13  }
0x251: {  	v11 =	vld [tilespmem:s17+$0xFFFFFFF0];
	v10 =	vmul.f32 v22, v14;
	v14 =	vperm.xlane v18, v2;
	v13 =	vunpack.i.u.bf16.f32 v19;
	[tilespmem:s0+$0xFFFFFFE0] =	vst v25;
	v9 =	vmovc v19;
	s0 =	smov.u32 s31;
	s31 =	smov.u32 s3  }
0x252: {  	v19 =	vunpack.i.l.bf16.f32 v20;
	v22 =	vld [tilespmem:s6+$0xFFFFFFD0];
	(erf) = vpow2.f32 v12;
	v13 =	vmul.f32 v13, v4;
	[tilespmem:s0+$0x20] =	vst v17  }
0x253: {  	v21 =	vunpack.i.u.bf16.f32 v21;
	v16 =	vunpack.i.u.bf16.f32 v16;
	v17 =	vunpack.i.l.bf16.f32 v24;
	v12 =	vld [tilespmem:s6+$0xFFFFFFE0]  }
0x254: {  	v16 =	vmul.f32 v16, v21;
	v17 =	vmul.f32 v19, v17;
	v19 =	vadd.f32 $0.0e+00, v10;
	[tilespmem:s3+$0x30] =	vst v13;
	v13 =	vld [tilespmem:s26+$0xFFFFFFF0];
	s26 =	smov.u32 s2;
	s2 =	smov.u32 s14;
	s14 =	smov.u32 s6  }
0x255: {  	v21 =	vunpack.i.u.bf16.f32 v24;
	v24 =	vunpack.i.l.bf16.f32 v15;
	v25 =	vunpack.i.l.bf16.f32 v23;
	v10 =	vpop (erf);
	[tilespmem:s0+$0xFFFFFFF0] =	vst v3  }
0x256: {  	v20 =	vunpack.i.u.bf16.f32 v20;
	v16 =	vadd.f32 v19, v16;
	v19 =	vmul.f32 v25, v24;
	v24 =	vld [tilespmem:s2+$0x20]  }
0x257: {  	v15 =	vunpack.i.u.bf16.f32 v15;
	v23 =	vunpack.i.u.bf16.f32 v23;
	v17 =	vadd.f32 $0.0e+00, v17  }
0x258: {  	v20 =	vmul.f32 v20, v21;
	v15 =	vmul.f32 v23, v15;
	v16 =	vadd.f32 v19, v16  }
.Ltmp3:
0x259: {  	v21 =	vunpack.i.u.bf16.f32 v11;
	v23 =	vunpack.i.l.bf16.f32 v11;
	v19 =	vunpack.i.l.bf16.f32 v22;
	(pc) =	sbr.rel @p2 .LBB2_9-.Ltmp3, $4  }
0x25a: {  	v17 =	vadd.f32 v17, v20;
	v19 =	vmul.f32 v19, v23;
	v15 =	vadd.f32 v16, v15  }
0x25b: {  	v14 =	vadd.f32 v18, v14;
	v20 =	vunpack.i.u.bf16.f32 v22;
	v16 =	vunpack.i.l.bf16.f32 v24;
	v11 =	vpop (erf)  }
0x25c: {  	v22 =	vunpack.i.u.bf16.f32 v24;
	v18 =	vperm.xlane v15, v1;
	v16 =	vmul.f32 v11, v16  }
0x25d: {  	s17 =	sadd.s32 $0x40, s17;
	s3 =	sadd.s32 $0xA0, s3;
	v20 =	vmul.f32 v20, v21;
	v19 =	vadd.f32 v19, v17;
	v17 =	vmul.f32 v11, v22  }
0x25e: {  	v15 =	vadd.f32 v15, v18;
	_ =	sdelay $0x1  }
0x25f: {  	v18 =	vadd.f32 v19, v20;
	v19 =	vperm.xlane v15, v2;
	_ =	sdelay $0x1  }
0x260: {  	v15 =	vadd.f32 v15, v19  }
0x261: {  	v14 =	vmul.f32 $1.442695020e+00, v14;
	v20 =	vperm.xlane v18, v1  }
0x262: {  	v15 =	vmul.f32 $1.442695020e+00, v15  }
0x263: {  	[tilespmem:s3+$0x0] =	vst v16;
	(erf) = vpow2.f32 v14;
	v18 =	vadd.f32 v18, v20  }
0x264: {  	[tilespmem:s3+$0x10] =	vst v17;
	(erf) = vpow2.f32 v15  }
0x265: {  	v14 =	vperm.xlane v18, v2;
	v15 =	vld [tilespmem:s2+$0x30]  }
0x266: {  	v8 =	vmul.f32 v10, v8  }
0x267: {  	v16 =	vunpack.i.l.bf16.f32 v13;
	v14 =	vadd.f32 v18, v14  }
0x268: {  	v6 =	vmul.f32 v10, v6;
	v13 =	vunpack.i.u.bf16.f32 v13;
	v17 =	vld [tilespmem:s14+$0x20];
	[tilespmem:s31+$0xFFFFFFB0] =	vst v8;
	v8 =	vmul.f32 v16, v3  }
0x269: {  	v3 =	vmul.f32 v13, v3;
	v14 =	vmul.f32 $1.442695020e+00, v14  }
0x26a: {  	v9 =	vunpack.i.l.bf16.f32 v9;
	[tilespmem:s31+$0xFFFFFFC0] =	vst v6;
	v6 =	vunpack.i.u.bf16.f32 v15  }
0x26b: {  	[tilespmem:s0+$0xFFFFFFE0] =	vst v3;
	(erf) = vpow2.f32 v14;
	v3 =	vmul.f32 v6, v11  }
0x26c: {  	v4 =	vmul.f32 v9, v4;
	[tilespmem:s0+$0xFFFFFFD0] =	vst v8;
	v8 =	vpop (erf)  }
0x26d: {  	[tilespmem:s3+$0x30] =	vst v3;
	v3 =	vunpack.i.u.bf16.f32 v17;
	v9 =	vpop (erf)  }
0x26e: {  	[tilespmem:s31+$0x20] =	vst v4;
	v4 =	vld [tilespmem:s26+$0xFFFFFFF0];
	v6 =	vunpack.i.l.bf16.f32 v17;
	v3 =	vmul.f32 v9, v3  }
0x26f: {  	[tilespmem:s31+$0xFFFFFFF0] =	vst v10;
	s26 =	sadd.s32 $0xA0, s3;
	v6 =	vmul.f32 v9, v6  }
0x270: {  	[tilespmem:s26+$0x10] =	vst v3;
	v3 =	vmul.f32 v8, v5  }
0x271: {  	[tilespmem:s26+$0x0] =	vst v6;
	v6 =	vmul.f32 v8, v7  }
0x272: {  	[tilespmem:s3+$0x40] =	vst v11  }
0x273: {  	v5 =	vld [tilespmem:s14+$0x30];
	[tilespmem:s3+$0xFFFFFFB0] =	vst v6;
	v6 =	vunpack.i.l.bf16.f32 v4  }
0x274: {  	v7 =	vunpack.i.l.bf16.f32 v12;
	[tilespmem:s3+$0xFFFFFFC0] =	vst v3;
	v6 =	vmul.f32 v6, v10;
	v3 =	vpop (erf)  }
0x275: {  	v12 =	vunpack.i.u.bf16.f32 v12;
	[tilespmem:s26+$0x40] =	vst v9;
	v7 =	vmul.f32 v3, v7  }
0x276: {  	v4 =	vunpack.i.u.bf16.f32 v4;
	v13 =	vld [tilespmem:s2+$0xFFFFFFF0];
	[tilespmem:s31+$0xFFFFFFD0] =	vst v6;
	v6 =	vmul.f32 v3, v12  }
0x277: {  	v4 =	vmul.f32 v4, v10;
	[tilespmem:s26+$0xFFFFFFB0] =	vst v7  }
0x278: {  	v10 =	vunpack.i.u.bf16.f32 v5;
	[tilespmem:s26+$0xFFFFFFC0] =	vst v6  }
0x279: {  	v12 =	vunpack.i.l.bf16.f32 v15;
	[tilespmem:s31+$0xFFFFFFE0] =	vst v4;
	v4 =	vmul.f32 v10, v9;
	v6 =	vld [tilespmem:s14+$0xFFFFFFF0]  }
0x27a: {  	[tilespmem:s3+$0xFFFFFFF0] =	vst v8;
	v5 =	vunpack.i.l.bf16.f32 v5;
	v7 =	vmul.f32 v12, v11  }
0x27b: {  	v5 =	vmul.f32 v5, v9;
	[tilespmem:s26+$0x30] =	vst v4;
	v4 =	vunpack.i.u.bf16.f32 v13  }
0x27c: {  	[tilespmem:s3+$0x20] =	vst v7;
	v7 =	vunpack.i.l.bf16.f32 v13;
	v4 =	vmul.f32 v4, v8  }
0x27d: {  	[tilespmem:s26+$0x20] =	vst v5;
	v7 =	vmul.f32 v7, v8  }
0x27e: {  	s2 =	sadd.s32 @!p1 $0x7, s30;
	[tilespmem:s3+$0xFFFFFFE0] =	vst v4;
	v4 =	vunpack.i.l.bf16.f32 v6  }
0x27f: {  	[tilespmem:s3+$0xFFFFFFD0] =	vst v7;
	s3 =	smulhi.u32 @!p1 $0xCCCCCCCD, s2;
	v5 =	vunpack.i.u.bf16.f32 v6;
	v4 =	vmul.f32 v4, v3  }
0x280: {  	[tilespmem:s26+$0xFFFFFFF0] =	vst v3;
	v3 =	vmul.f32 v5, v3  }
0x281: {  	s3 =	sshrl.u32 @!p1 s3, $0x3;
	[tilespmem:s26+$0xFFFFFFD0] =	vst v4  }
0x282: {  	s0 =	smul.u32 @!p1 $0xA, s3;
	[tilespmem:s26+$0xFFFFFFE0] =	vst v3  }
0x283: {  	[spmem:s1] =	stream.indirect.scatter.add.f32 [tilespmem:s21], [sflag:$0x8], $0x50, s20, s29, $0xb8;
	[tilespmem:$0x14F00] =	vst v63  }
0x284: {  	s0 =	ssub.s32 @!p1 s2, s0  }
0x285: {  	s0 =	sshll.u32 @!p1 s0, $0x5  }
0x286: {  	v3 =	vld @!p1 [tilespmem:s0+$0x0];
	_ =	sdelay $0x4  }
0x287: {  	[tilespmem:$0x2780] =	vst @!p1 v3  }
0x288: {  	[tilespmem:$0x1B40] =	vst @!p1 v3  }
0x289: {  	v3 =	vld @!p1 [tilespmem:s0+$0x140];
	_ =	sdelay $0x4  }
0x28a: {  	[tilespmem:$0x1B60] =	vst @!p1 v3  }
0x28b: {  	v3 =	vld @!p1 [tilespmem:s0+$0x10];
	_ =	sdelay $0x4  }
0x28c: {  	[tilespmem:$0x2790] =	vst @!p1 v3  }
0x28d: {  	[tilespmem:$0x1B50] =	vst @!p1 v3  }
0x28e: {  	v3 =	vld @!p1 [tilespmem:s0+$0x150];
	_ =	sdelay $0x4  }
0x28f: {  	s3 =	simm.s32 @!p1 $0x1B80;
	s2 =	simm.s32 @!p1 $0x1B40;
	s0 =	simm.s32 @!p1 $0x20;
	[tilespmem:$0x1B70] =	vst @!p1 v3  }
0x290: {  	[tilespmem:s3], [sflag:$0x3] =	stream.indirect.gather @!p1 [hbm4b:s10+s0], $0x20, s2, s0, $0xb8;
	[tilespmem:$0x14F00] =	vst v63  }
0x291: {  	s2 =	simm.s32 @!p1 $0x1B60;
	s3 =	simm.s32 @!p1 $0x1F80  }
0x292: {  	[tilespmem:s3], [sflag:$0x3] =	stream.indirect.gather @!p1 [hbm4b:s11+s0], $0x40, s2, s0, $0xb8;
	[tilespmem:$0x14F00] =	vst v63  }
0x293: {  	_ =	swait.ge [sflag:s22], $0x400  }
0x294: {  	[sflag:s22] =	ssyncset.done $0x0  }
0x295: {  	[sflag:s22] =	ssyncadd.s32 $0xFFFFFC00  }
0x296: {  	_ =	swait.ge [sflag:s22], $0x800  }
0x297: {  	[sflag:s22] =	ssyncset.done $0x0  }
0x298: {  	s0 =	simm.s32 @!p0 $0x9;
	[sflag:s22] =	ssyncadd.s32 $0xFFFFF800  }
0x299: {  	_ =	swait.ge @!p0 [sflag:s0], $0xA00  }
0x29a: {  	[sflag:s0] =	ssyncset.done @!p0 $0x0  }
0x29b: {  	[sflag:s0] =	ssyncadd.s32 @!p0 $0xFFFFF600  }
0x29c: {  	v3 =	vld [tilespmem:$0x33E0]  }
0x29d: {  	v4 =	vld [tilespmem:$0x33F0];
	_ =	sdelay $0x3  }
0x29e: {  	[tilespmem:$0x72C0] =	vst v3  }
0x29f: {  	s6 =	simm.s32 $0x2800;
	[tilespmem:$0x72D0] =	vst v4  }
0x2a0: {  	s3 =	simm.s32 $0x2C20;
	v3 =	vld [tilespmem:s6+$0x0]  }
0x2a1: {  	v4 =	vld [tilespmem:s3+$0x0];
	_ =	sdelay $0x2  }
0x2a2: {  	v5 =	vld [tilespmem:s6+$0x10]  }
0x2a3: {  	v6 =	vld [tilespmem:s3+$0x10]  }
0x2a4: {  	v7 =	vunpack.i.l.bf16.f32 v3;
	v8 =	vunpack.i.l.bf16.f32 v4  }
0x2a5: {  	v7 =	vmul.f32 v8, v7  }
0x2a6: {  	v3 =	vunpack.i.u.bf16.f32 v3;
	v4 =	vunpack.i.u.bf16.f32 v4;
	v8 =	vld [tilespmem:s3+$0xFFFFFFC0]  }
0x2a7: {  	v3 =	vmul.f32 v4, v3;
	v4 =	vld [tilespmem:s6+$0xFFFFFFE0];
	v7 =	vadd.f32 $0.0e+00, v7  }
0x2a8: {  	v9 =	vunpack.i.l.bf16.f32 v5;
	v10 =	vunpack.i.l.bf16.f32 v6;
	v5 =	vunpack.i.u.bf16.f32 v5  }
0x2a9: {  	v6 =	vunpack.i.u.bf16.f32 v6;
	v3 =	vadd.f32 v7, v3;
	v7 =	vmul.f32 v10, v9  }
0x2aa: {  	v5 =	vmul.f32 v6, v5;
	v6 =	vld [tilespmem:s3+$0xFFFFFFD0]  }
0x2ab: {  	v9 =	vld [tilespmem:s6+$0xFFFFFFF0];
	v3 =	vadd.f32 v7, v3  }
0x2ac: {  	s26 =	simm.s32 $0x2CA0;
	v10 =	vunpack.i.l.bf16.f32 v4;
	v7 =	vunpack.i.l.bf16.f32 v8  }
0x2ad: {  	s14 =	simm.s32 $0x2840;
	v7 =	vmul.f32 v7, v10;
	v10 =	vld [tilespmem:s26+$0x0];
	v3 =	vadd.f32 v3, v5  }
0x2ae: {  	v4 =	vunpack.i.u.bf16.f32 v4;
	v8 =	vunpack.i.u.bf16.f32 v8;
	v5 =	vld [tilespmem:s14+$0x0]  }
0x2af: {  	v4 =	vmul.f32 v8, v4;
	v7 =	vadd.f32 $0.0e+00, v7;
	v11 =	vperm.xlane v3, v1  }
0x2b0: {  	v12 =	vunpack.i.l.bf16.f32 v6;
	v8 =	vunpack.i.u.bf16.f32 v9;
	v9 =	vunpack.i.l.bf16.f32 v9  }
0x2b1: {  	v4 =	vadd.f32 v7, v4;
	v7 =	vmul.f32 v12, v9;
	v9 =	vld [tilespmem:s26+$0x10];
	v3 =	vadd.f32 v3, v11  }
0x2b2: {  	v6 =	vunpack.i.u.bf16.f32 v6;
	v11 =	vld [tilespmem:s14+$0x10]  }
0x2b3: {  	v13 =	vld [tilespmem:s26+$0xFFFFFFC0];
	v15 =	vunpack.i.l.bf16.f32 v10;
	v14 =	vunpack.i.l.bf16.f32 v5;
	v12 =	vperm.xlane v3, v2  }
0x2b4: {  	v6 =	vmul.f32 v6, v8;
	v8 =	vld [tilespmem:s14+$0xFFFFFFE0];
	v4 =	vadd.f32 v7, v4;
	v7 =	vmul.f32 v15, v14  }
0x2b5: {  	v10 =	vunpack.i.u.bf16.f32 v10;
	v5 =	vunpack.i.u.bf16.f32 v5;
	v3 =	vadd.f32 v3, v12  }
0x2b6: {  	v5 =	vmul.f32 v10, v5;
	v4 =	vadd.f32 v4, v6;
	v6 =	vadd.f32 $0.0e+00, v7  }
0x2b7: {  	v10 =	vunpack.i.l.bf16.f32 v9;
	v7 =	vunpack.i.l.bf16.f32 v11;
	v3 =	vmul.f32 $1.442695020e+00, v3  }
0x2b8: {  	v14 =	vunpack.i.l.bf16.f32 v13;
	v12 =	vld [tilespmem:s14+$0xFFFFFFF0];
	v5 =	vadd.f32 v6, v5;
	v6 =	vmul.f32 v10, v7  }
0x2b9: {  	v9 =	vunpack.i.u.bf16.f32 v9;
	v7 =	vld [tilespmem:s26+$0xFFFFFFD0];
	v10 =	vunpack.i.l.bf16.f32 v8;
	(erf) = vpow2.f32 v3  }
0x2ba: {  	v3 =	vunpack.i.u.bf16.f32 v11;
	v5 =	vadd.f32 v6, v5;
	v6 =	vperm.xlane v4, v1  }
0x2bb: {  	v3 =	vmul.f32 v9, v3;
	v9 =	vmul.f32 v14, v10  }
0x2bc: {  	v8 =	vunpack.i.u.bf16.f32 v8;
	v10 =	vunpack.i.u.bf16.f32 v13;
	v4 =	vadd.f32 v4, v6  }
0x2bd: {  	v6 =	vmul.f32 v10, v8;
	v3 =	vadd.f32 v5, v3;
	v5 =	vadd.f32 $0.0e+00, v9  }
0x2be: {  	v9 =	vunpack.i.l.bf16.f32 v12;
	v10 =	vunpack.i.l.bf16.f32 v7  }
0x2bf: {  	v8 =	vld [tilespmem:s3+$0x20];
	v11 =	vperm.xlane v3, v1;
	v5 =	vadd.f32 v5, v6;
	v6 =	vmul.f32 v10, v9  }
0x2c0: {  	s2 =	simm.s32 $0x2D20;
	v7 =	vunpack.i.u.bf16.f32 v7;
	v13 =	vperm.xlane v4, v2;
	v9 =	vunpack.i.u.bf16.f32 v12  }
0x2c1: {  	s15 =	simm.s32 $0x2880;
	v3 =	vadd.f32 v3, v11;
	v5 =	vadd.f32 v6, v5;
	v6 =	vmul.f32 v7, v9;
	v9 =	vld [tilespmem:s2+$0x0]  }
0x2c2: {  	v4 =	vadd.f32 v4, v13;
	v7 =	vld [tilespmem:s15+$0x0]  }
0x2c3: {  	v14 =	vld [tilespmem:s15+$0x10];
	v10 =	vperm.xlane v3, v2;
	v5 =	vadd.f32 v5, v6  }
0x2c4: {  	v11 =	vunpack.i.l.bf16.f32 v8;
	v8 =	vunpack.i.u.bf16.f32 v8;
	v4 =	vmul.f32 $1.442695020e+00, v4;
	v12 =	vpop (erf);
	v6 =	vld [tilespmem:s2+$0xFFFFFFC0]  }
0x2c5: {  	v13 =	vld [tilespmem:s15+$0xFFFFFFE0];
	v11 =	vmul.f32 v12, v11;
	v3 =	vadd.f32 v3, v10;
	v10 =	vperm.xlane v5, v1  }
0x2c6: {  	v8 =	vmul.f32 v12, v8;
	(erf) = vpow2.f32 v4;
	v4 =	vld [tilespmem:s2+$0x10];
	v15 =	vunpack.i.l.bf16.f32 v9  }
0x2c7: {  	v3 =	vmul.f32 $1.442695020e+00, v3;
	v5 =	vadd.f32 v5, v10;
	v10 =	vunpack.i.l.bf16.f32 v7  }
0x2c8: {  	v9 =	vunpack.i.u.bf16.f32 v9;
	v7 =	vunpack.i.u.bf16.f32 v7;
	v10 =	vmul.f32 v15, v10  }
0x2c9: {  	v15 =	vunpack.i.l.bf16.f32 v6;
	v7 =	vmul.f32 v9, v7;
	(erf) = vpow2.f32 v3  }
0x2ca: {  	v16 =	vld [tilespmem:s15+$0xFFFFFFF0];
	v6 =	vunpack.i.u.bf16.f32 v6;
	v3 =	vunpack.i.l.bf16.f32 v13;
	v10 =	vadd.f32 $0.0e+00, v10  }
0x2cb: {  	v9 =	vld [tilespmem:s2+$0xFFFFFFD0];
	v17 =	vunpack.i.l.bf16.f32 v4;
	v3 =	vmul.f32 v15, v3;
	v15 =	vunpack.i.l.bf16.f32 v14  }
0x2cc: {  	s0 =	simm.s32 $0x5EB0;
	v13 =	vunpack.i.u.bf16.f32 v13;
	v7 =	vadd.f32 v10, v7;
	v10 =	vmul.f32 v17, v15  }
0x2cd: {  	[tilespmem:s0+$0x0] =	vst v11;
	v4 =	vunpack.i.u.bf16.f32 v4;
	v15 =	vld [tilespmem:s26+$0x20];
	v11 =	vadd.f32 $0.0e+00, v3;
	v3 =	vunpack.i.u.bf16.f32 v14  }
0x2ce: {  	[tilespmem:s0+$0x10] =	vst v8;
	v8 =	vperm.xlane v5, v2;
	v4 =	vmul.f32 v4, v3;
	v7 =	vadd.f32 v10, v7  }
0x2cf: {  	v6 =	vmul.f32 v6, v13;
	v13 =	vunpack.i.u.bf16.f32 v16;
	v16 =	vunpack.i.l.bf16.f32 v16  }
0x2d0: {  	v5 =	vadd.f32 v5, v8;
	v17 =	vunpack.i.l.bf16.f32 v9;
	v7 =	vadd.f32 v7, v4  }
0x2d1: {  	v14 =	vld [tilespmem:s3+$0xFFFFFFE0];
	v9 =	vunpack.i.u.bf16.f32 v9;
	v6 =	vadd.f32 v11, v6;
	v11 =	vmul.f32 v17, v16;
	v3 =	vpop (erf)  }
0x2d2: {  	v10 =	vld [tilespmem:s3+$0x30];
	v9 =	vmul.f32 v9, v13;
	v16 =	vunpack.i.l.bf16.f32 v15;
	v4 =	vpop (erf);
	v18 =	vperm.xlane v7, v1  }
0x2d3: {  	s17 =	simm.s32 $0x28C0;
	v17 =	vld [tilespmem:s26+$0xFFFFFFE0];
	v6 =	vadd.f32 v11, v6;
	v15 =	vunpack.i.u.bf16.f32 v15;
	v16 =	vmul.f32 v4, v16  }
0x2d4: {  	s31 =	simm.s32 $0x5F50;
	v20 =	vld [tilespmem:s17+$0x0];
	s6 =	simm.s32 $0x2DA0;
	v11 =	vmul.f32 v4, v15;
	v7 =	vadd.f32 v7, v18  }
0x2d5: {  	v5 =	vmul.f32 $1.442695020e+00, v5;
	v18 =	vadd.f32 v6, v9;
	[tilespmem:s31+$0x0] =	vst v16;
	v16 =	vld [tilespmem:s6+$0x0]  }
0x2d6: {  	v13 =	vunpack.i.l.bf16.f32 v14;
	[tilespmem:s31+$0x10] =	vst v11;
	v11 =	vunpack.i.u.bf16.f32 v14;
	v14 =	vperm.xlane v7, v2  }
0x2d7: {  	v21 =	vld [tilespmem:s6+$0xFFFFFFC0];
	(erf) = vpow2.f32 v5;
	v22 =	vperm.xlane v18, v1  }
0x2d8: {  	v24 =	vld [tilespmem:s6+$0x10];
	v15 =	vunpack.i.u.bf16.f32 v10;
	v8 =	vunpack.i.l.bf16.f32 v17;
	v7 =	vadd.f32 v7, v14  }
0x2d9: {  	v5 =	vunpack.i.l.bf16.f32 v10;
	v10 =	vld [tilespmem:s17+$0x10];
	v6 =	vunpack.i.u.bf16.f32 v17;
	v14 =	vadd.f32 v18, v22  }
0x2da: {  	v17 =	vld [tilespmem:s17+$0xFFFFFFE0];
	v22 =	vunpack.i.l.bf16.f32 v20;
	v23 =	vunpack.i.l.bf16.f32 v16;
	v7 =	vmul.f32 $1.442695020e+00, v7  }
0x2db: {  	v22 =	vmul.f32 v23, v22  }
0x2dc: {  	v16 =	vunpack.i.u.bf16.f32 v16;
	(erf) = vpow2.f32 v7;
	v7 =	vunpack.i.u.bf16.f32 v20  }
0x2dd: {  	v19 =	vld [tilespmem:s2+$0xFFFFFFE0];
	v26 =	vunpack.i.l.bf16.f32 v21;
	v22 =	vadd.f32 $0.0e+00, v22;
	v16 =	vmul.f32 v16, v7  }
0x2de: {  	v15 =	vmul.f32 v15, v12;
	v18 =	vmul.f32 v5, v12;
	v62 =	vunpack.i.l.bf16.f32 v10  }
0x2df: {  	v9 =	vld [tilespmem:s26+$0x30];
	v27 =	vunpack.i.l.bf16.f32 v17;
	v16 =	vadd.f32 v22, v16;
	v22 =	vunpack.i.l.bf16.f32 v24  }
0x2e0: {  	[tilespmem:s0+$0x40] =	vst v12;
	v12 =	vunpack.i.u.bf16.f32 v17;
	v17 =	vunpack.i.u.bf16.f32 v21;
	v21 =	vmul.f32 v22, v62;
	v22 =	vld [tilespmem:s2+$0x20]  }
0x2e1: {  	v11 =	vmul.f32 v3, v11;
	v10 =	vunpack.i.u.bf16.f32 v10;
	v26 =	vmul.f32 v26, v27;
	v20 =	vld [tilespmem:s17+$0xFFFFFFF0]  }
0x2e2: {  	v13 =	vmul.f32 v3, v13;
	v5 =	vunpack.i.u.bf16.f32 v19;
	v7 =	vunpack.i.l.bf16.f32 v19;
	v19 =	vld [tilespmem:s6+$0xFFFFFFD0]  }
0x2e3: {  	[tilespmem:s0+$0x30] =	vst v15;
	v12 =	vmul.f32 v17, v12;
	v15 =	vadd.f32 $0.0e+00, v26;
	v24 =	vunpack.i.u.bf16.f32 v24  }
0x2e4: {  	v23 =	vperm.xlane v14, v2;
	v17 =	vmul.f32 v24, v10;
	v10 =	vpop (erf);
	v16 =	vadd.f32 v21, v16  }
0x2e5: {  	[tilespmem:s0+$0xFFFFFFC0] =	vst v11;
	v25 =	vunpack.i.u.bf16.f32 v9;
	v63 =	vadd.f32 v15, v12;
	v12 =	vunpack.i.l.bf16.f32 v22;
	v11 =	vpop (erf)  }
0x2e6: {  	[tilespmem:s0+$0xFFFFFFB0] =	vst v13;
	v25 =	vmul.f32 v25, v4;
	v15 =	vadd.f32 v16, v17;
	v16 =	vmul.f32 v11, v12;
	v12 =	vld [tilespmem:s6+$0xFFFFFFE0]  }
0x2e7: {  	[tilespmem:s31+$0x40] =	vst v4;
	v13 =	vunpack.i.l.bf16.f32 v20;
	v21 =	vunpack.i.u.bf16.f32 v20;
	v20 =	vunpack.i.l.bf16.f32 v19  }
0x2e8: {  	[tilespmem:s0+$0x20] =	vst v18;
	v14 =	vadd.f32 v14, v23;
	v20 =	vmul.f32 v20, v13;
	v13 =	vld [tilespmem:s3+$0xFFFFFFF0]  }
0x2e9: {  	s14 =	simm.s32 $0x2DA0;
	[tilespmem:s31+$0x30] =	vst v25;
	v17 =	vunpack.i.u.bf16.f32 v19;
	v22 =	vunpack.i.u.bf16.f32 v22;
	v18 =	vperm.xlane v15, v1  }
0x2ea: {  	s15 =	simm.s32 $0x6;
	s17 =	simm.s32 $0x2900;
	[tilespmem:s0+$0xFFFFFFF0] =	vst v3;
	s3 =	simm.s32 $0x5FF0;
	v19 =	vadd.f32 v20, v63;
	v20 =	vmul.f32 v17, v21;
	v17 =	vmul.f32 v11, v22  }
.LBB2_11:
0x2eb: {  	v21 =	vld [tilespmem:s17+$0x0];
	v22 =	vunpack.i.u.bf16.f32 v12;
	v15 =	vadd.f32 v15, v18;
	s6 =	sadd.s32 $0x80, s6;
	v14 =	vmul.f32 $1.442695020e+00, v14;
	[tilespmem:s3+$0x0] =	vst v16  }
0x2ec: {  	v16 =	vld [tilespmem:s6+$0x0];
	v18 =	vadd.f32 v19, v20;
	[tilespmem:s3+$0x10] =	vst v17;
	v17 =	vmul.f32 v10, v8;
	v8 =	vmovc v7;
	v7 =	vunpack.i.l.bf16.f32 v12  }
0x2ed: {  	v12 =	vperm.xlane v15, v2;
	v19 =	vld [tilespmem:s2+$0x30];
	[tilespmem:s3+$0x40] =	vst v11;
	(erf) = vpow2.f32 v14;
	v14 =	vunpack.i.u.bf16.f32 v13  }
0x2ee: {  	s15 =	sadd.s32 $0x2, s15;
	v13 =	vunpack.i.l.bf16.f32 v13;
	v20 =	vld [tilespmem:s6+$0xFFFFFFC0];
	v23 =	vperm.xlane v18, v1;
	[tilespmem:s31+$0xFFFFFFB0] =	vst v17;
	v17 =	vmul.f32 v10, v6;
	v6 =	vmovc v5  }
0x2ef: {  	v9 =	vunpack.i.l.bf16.f32 v9;
	p2 =	slt.u32 s15, $0x1E;
	v13 =	vmul.f32 v13, v3;
	v5 =	vmovc v22;
	v24 =	vld [tilespmem:s17+$0xFFFFFFE0];
	v12 =	vadd.f32 v15, v12  }
0x2f0: {  	v25 =	vmul.f32 v14, v3;
	v15 =	vld [tilespmem:s17+$0x10];
	v18 =	vadd.f32 v18, v23;
	[tilespmem:s31+$0xFFFFFFC0] =	vst v17;
	v17 =	vmul.f32 v9, v4  }
0x2f1: {  	v3 =	vmovc v10;
	v14 =	vunpack.i.l.bf16.f32 v21;
	v4 =	vmovc v11;
	v22 =	vunpack.i.l.bf16.f32 v16;
	v23 =	vld [tilespmem:s6+$0x10];
	v12 =	vmul.f32 $1.442695020e+00, v12;
	[tilespmem:s0+$0xFFFFFFD0] =	vst v13  }
0x2f2: {  	v11 =	vld [tilespmem:s17+$0xFFFFFFF0];
	v10 =	vmul.f32 v22, v14;
	v14 =	vperm.xlane v18, v2;
	v13 =	vunpack.i.u.bf16.f32 v19;
	[tilespmem:s0+$0xFFFFFFE0] =	vst v25;
	v9 =	vmovc v19;
	s0 =	smov.u32 s31;
	s31 =	smov.u32 s3  }
0x2f3: {  	v19 =	vunpack.i.l.bf16.f32 v20;
	v22 =	vld [tilespmem:s6+$0xFFFFFFD0];
	(erf) = vpow2.f32 v12;
	v13 =	vmul.f32 v13, v4;
	[tilespmem:s0+$0x20] =	vst v17  }
0x2f4: {  	v21 =	vunpack.i.u.bf16.f32 v21;
	v16 =	vunpack.i.u.bf16.f32 v16;
	v17 =	vunpack.i.l.bf16.f32 v24;
	v12 =	vld [tilespmem:s6+$0xFFFFFFE0]  }
0x2f5: {  	v16 =	vmul.f32 v16, v21;
	v17 =	vmul.f32 v19, v17;
	v19 =	vadd.f32 $0.0e+00, v10;
	[tilespmem:s3+$0x30] =	vst v13;
	v13 =	vld [tilespmem:s26+$0xFFFFFFF0];
	s26 =	smov.u32 s2;
	s2 =	smov.u32 s14;
	s14 =	smov.u32 s6  }
0x2f6: {  	v21 =	vunpack.i.u.bf16.f32 v24;
	v24 =	vunpack.i.l.bf16.f32 v15;
	v25 =	vunpack.i.l.bf16.f32 v23;
	v10 =	vpop (erf);
	[tilespmem:s0+$0xFFFFFFF0] =	vst v3  }
0x2f7: {  	v20 =	vunpack.i.u.bf16.f32 v20;
	v16 =	vadd.f32 v19, v16;
	v19 =	vmul.f32 v25, v24;
	v24 =	vld [tilespmem:s2+$0x20]  }
0x2f8: {  	v15 =	vunpack.i.u.bf16.f32 v15;
	v23 =	vunpack.i.u.bf16.f32 v23;
	v17 =	vadd.f32 $0.0e+00, v17  }
0x2f9: {  	v20 =	vmul.f32 v20, v21;
	v15 =	vmul.f32 v23, v15;
	v16 =	vadd.f32 v19, v16  }
.Ltmp4:
0x2fa: {  	v21 =	vunpack.i.u.bf16.f32 v11;
	v23 =	vunpack.i.l.bf16.f32 v11;
	v19 =	vunpack.i.l.bf16.f32 v22;
	(pc) =	sbr.rel @p2 .LBB2_11-.Ltmp4, $4  }
0x2fb: {  	v17 =	vadd.f32 v17, v20;
	v19 =	vmul.f32 v19, v23;
	v15 =	vadd.f32 v16, v15  }
0x2fc: {  	v14 =	vadd.f32 v18, v14;
	v20 =	vunpack.i.u.bf16.f32 v22;
	v16 =	vunpack.i.l.bf16.f32 v24;
	v11 =	vpop (erf)  }
0x2fd: {  	v22 =	vunpack.i.u.bf16.f32 v24;
	v18 =	vperm.xlane v15, v1;
	v16 =	vmul.f32 v11, v16  }
0x2fe: {  	s17 =	sadd.s32 $0x40, s17;
	s3 =	sadd.s32 $0xA0, s3;
	v20 =	vmul.f32 v20, v21;
	v19 =	vadd.f32 v19, v17;
	v17 =	vmul.f32 v11, v22  }
0x2ff: {  	v15 =	vadd.f32 v15, v18;
	_ =	sdelay $0x1  }
0x300: {  	v18 =	vadd.f32 v19, v20;
	v19 =	vperm.xlane v15, v2;
	_ =	sdelay $0x1  }
0x301: {  	v15 =	vadd.f32 v15, v19  }
0x302: {  	v14 =	vmul.f32 $1.442695020e+00, v14;
	v20 =	vperm.xlane v18, v1  }
0x303: {  	v15 =	vmul.f32 $1.442695020e+00, v15  }
0x304: {  	[tilespmem:s3+$0x0] =	vst v16;
	(erf) = vpow2.f32 v14;
	v18 =	vadd.f32 v18, v20  }
0x305: {  	[tilespmem:s3+$0x10] =	vst v17;
	(erf) = vpow2.f32 v15  }
0x306: {  	v14 =	vperm.xlane v18, v2;
	v15 =	vld [tilespmem:s2+$0x30]  }
0x307: {  	v8 =	vmul.f32 v10, v8  }
0x308: {  	v16 =	vunpack.i.l.bf16.f32 v13;
	v14 =	vadd.f32 v18, v14  }
0x309: {  	v6 =	vmul.f32 v10, v6;
	v13 =	vunpack.i.u.bf16.f32 v13;
	v17 =	vld [tilespmem:s14+$0x20];
	[tilespmem:s31+$0xFFFFFFB0] =	vst v8;
	v8 =	vmul.f32 v16, v3  }
0x30a: {  	v3 =	vmul.f32 v13, v3;
	v14 =	vmul.f32 $1.442695020e+00, v14  }
0x30b: {  	v9 =	vunpack.i.l.bf16.f32 v9;
	[tilespmem:s31+$0xFFFFFFC0] =	vst v6;
	v6 =	vunpack.i.u.bf16.f32 v15  }
0x30c: {  	[tilespmem:s0+$0xFFFFFFE0] =	vst v3;
	(erf) = vpow2.f32 v14;
	v3 =	vmul.f32 v6, v11  }
0x30d: {  	v4 =	vmul.f32 v9, v4;
	[tilespmem:s0+$0xFFFFFFD0] =	vst v8;
	v8 =	vpop (erf)  }
0x30e: {  	[tilespmem:s3+$0x30] =	vst v3;
	v3 =	vunpack.i.u.bf16.f32 v17;
	v9 =	vpop (erf)  }
0x30f: {  	[tilespmem:s31+$0x20] =	vst v4;
	v4 =	vld [tilespmem:s26+$0xFFFFFFF0];
	v6 =	vunpack.i.l.bf16.f32 v17;
	v3 =	vmul.f32 v9, v3  }
0x310: {  	s6 =	sadd.s32 $0xA0, s3;
	[tilespmem:s31+$0xFFFFFFF0] =	vst v10;
	v6 =	vmul.f32 v9, v6  }
0x311: {  	[tilespmem:s6+$0x10] =	vst v3;
	v3 =	vmul.f32 v8, v5  }
0x312: {  	[tilespmem:s6+$0x0] =	vst v6;
	v6 =	vmul.f32 v8, v7  }
0x313: {  	[tilespmem:s3+$0x40] =	vst v11  }
0x314: {  	v5 =	vld [tilespmem:s14+$0x30];
	[tilespmem:s3+$0xFFFFFFB0] =	vst v6;
	v6 =	vunpack.i.l.bf16.f32 v4  }
0x315: {  	v7 =	vunpack.i.l.bf16.f32 v12;
	[tilespmem:s3+$0xFFFFFFC0] =	vst v3;
	v6 =	vmul.f32 v6, v10;
	v3 =	vpop (erf)  }
0x316: {  	v12 =	vunpack.i.u.bf16.f32 v12;
	[tilespmem:s6+$0x40] =	vst v9;
	v7 =	vmul.f32 v3, v7  }
0x317: {  	v4 =	vunpack.i.u.bf16.f32 v4;
	v13 =	vld [tilespmem:s2+$0xFFFFFFF0];
	[tilespmem:s31+$0xFFFFFFD0] =	vst v6;
	v6 =	vmul.f32 v3, v12  }
0x318: {  	v4 =	vmul.f32 v4, v10;
	[tilespmem:s6+$0xFFFFFFB0] =	vst v7  }
0x319: {  	v10 =	vunpack.i.u.bf16.f32 v5;
	[tilespmem:s6+$0xFFFFFFC0] =	vst v6  }
0x31a: {  	v12 =	vunpack.i.l.bf16.f32 v15;
	[tilespmem:s31+$0xFFFFFFE0] =	vst v4;
	v4 =	vmul.f32 v10, v9;
	v6 =	vld [tilespmem:s14+$0xFFFFFFF0]  }
0x31b: {  	[tilespmem:s3+$0xFFFFFFF0] =	vst v8;
	v5 =	vunpack.i.l.bf16.f32 v5;
	v7 =	vmul.f32 v12, v11  }
0x31c: {  	v5 =	vmul.f32 v5, v9;
	[tilespmem:s6+$0x30] =	vst v4;
	v4 =	vunpack.i.u.bf16.f32 v13  }
0x31d: {  	[tilespmem:s3+$0x20] =	vst v7;
	v7 =	vunpack.i.l.bf16.f32 v13;
	v4 =	vmul.f32 v4, v8  }
0x31e: {  	[tilespmem:s6+$0x20] =	vst v5;
	v7 =	vmul.f32 v7, v8  }
0x31f: {  	s2 =	sadd.s32 @!p1 $0x8, s30;
	[tilespmem:s3+$0xFFFFFFE0] =	vst v4;
	v4 =	vunpack.i.l.bf16.f32 v6  }
0x320: {  	[tilespmem:s3+$0xFFFFFFD0] =	vst v7;
	s3 =	smulhi.u32 @!p1 $0xCCCCCCCD, s2;
	v5 =	vunpack.i.u.bf16.f32 v6;
	v4 =	vmul.f32 v4, v3  }
0x321: {  	[tilespmem:s6+$0xFFFFFFF0] =	vst v3;
	v3 =	vmul.f32 v5, v3  }
0x322: {  	s3 =	sshrl.u32 @!p1 s3, $0x3;
	[tilespmem:s6+$0xFFFFFFD0] =	vst v4  }
0x323: {  	s0 =	smul.u32 @!p1 $0xA, s3;
	[tilespmem:s6+$0xFFFFFFE0] =	vst v3  }
0x324: {  	[spmem:s1] =	stream.indirect.scatter.add.f32 [tilespmem:s24], [sflag:$0x9], $0x50, s23, s29, $0xb8;
	[tilespmem:$0x14F00] =	vst v63  }
0x325: {  	s0 =	ssub.s32 @!p1 s2, s0  }
0x326: {  	s0 =	sshll.u32 @!p1 s0, $0x5  }
0x327: {  	v3 =	vld @!p1 [tilespmem:s0+$0x0];
	_ =	sdelay $0x4  }
0x328: {  	[tilespmem:$0x33E0] =	vst @!p1 v3  }
0x329: {  	[tilespmem:$0x27A0] =	vst @!p1 v3  }
0x32a: {  	v3 =	vld @!p1 [tilespmem:s0+$0x140];
	_ =	sdelay $0x4  }
0x32b: {  	[tilespmem:$0x27C0] =	vst @!p1 v3  }
0x32c: {  	v3 =	vld @!p1 [tilespmem:s0+$0x10];
	_ =	sdelay $0x4  }
0x32d: {  	[tilespmem:$0x33F0] =	vst @!p1 v3  }
0x32e: {  	[tilespmem:$0x27B0] =	vst @!p1 v3  }
0x32f: {  	v3 =	vld @!p1 [tilespmem:s0+$0x150];
	_ =	sdelay $0x4  }
0x330: {  	s3 =	simm.s32 @!p1 $0x27E0;
	s2 =	simm.s32 @!p1 $0x27A0;
	s0 =	simm.s32 @!p1 $0x20;
	[tilespmem:$0x27D0] =	vst @!p1 v3  }
0x331: {  	[tilespmem:s3], [sflag:$0x4] =	stream.indirect.gather @!p1 [hbm4b:s10+s0], $0x20, s2, s0, $0xb8;
	[tilespmem:$0x14F00] =	vst v63  }
0x332: {  	s2 =	simm.s32 @!p1 $0x27C0;
	s3 =	simm.s32 @!p1 $0x2BE0  }
0x333: {  	[tilespmem:s3], [sflag:$0x4] =	stream.indirect.gather @!p1 [hbm4b:s11+s0], $0x40, s2, s0, $0xb8;
	[tilespmem:$0x14F00] =	vst v63  }
0x334: {  	_ =	swait.ge [sflag:s25], $0x400  }
0x335: {  	[sflag:s25] =	ssyncset.done $0x0  }
0x336: {  	[sflag:s25] =	ssyncadd.s32 $0xFFFFFC00  }
0x337: {  	_ =	swait.ge [sflag:s25], $0x800  }
0x338: {  	[sflag:s25] =	ssyncset.done $0x0  }
0x339: {  	s0 =	simm.s32 @!p0 $0xA;
	[sflag:s25] =	ssyncadd.s32 $0xFFFFF800  }
0x33a: {  	_ =	swait.ge @!p0 [sflag:s0], $0xA00  }
0x33b: {  	[sflag:s0] =	ssyncset.done @!p0 $0x0  }
0x33c: {  	[sflag:s0] =	ssyncadd.s32 @!p0 $0xFFFFF600  }
0x33d: {  	v3 =	vld [tilespmem:$0x4040]  }
0x33e: {  	v4 =	vld [tilespmem:$0x4050];
	_ =	sdelay $0x3  }
0x33f: {  	[tilespmem:$0x72E0] =	vst v3  }
0x340: {  	s14 =	simm.s32 $0x3460;
	[tilespmem:$0x72F0] =	vst v4  }
0x341: {  	s3 =	simm.s32 $0x3880;
	v3 =	vld [tilespmem:s14+$0x0]  }
0x342: {  	v4 =	vld [tilespmem:s3+$0x0];
	_ =	sdelay $0x2  }
0x343: {  	v5 =	vld [tilespmem:s14+$0x10]  }
0x344: {  	v6 =	vld [tilespmem:s3+$0x10]  }
0x345: {  	v7 =	vunpack.i.l.bf16.f32 v3;
	v8 =	vunpack.i.l.bf16.f32 v4  }
0x346: {  	v7 =	vmul.f32 v8, v7  }
0x347: {  	v3 =	vunpack.i.u.bf16.f32 v3;
	v4 =	vunpack.i.u.bf16.f32 v4;
	v8 =	vld [tilespmem:s3+$0xFFFFFFC0]  }
0x348: {  	v3 =	vmul.f32 v4, v3;
	v4 =	vld [tilespmem:s14+$0xFFFFFFE0];
	v7 =	vadd.f32 $0.0e+00, v7  }
0x349: {  	v9 =	vunpack.i.l.bf16.f32 v5;
	v10 =	vunpack.i.l.bf16.f32 v6;
	v5 =	vunpack.i.u.bf16.f32 v5  }
0x34a: {  	v6 =	vunpack.i.u.bf16.f32 v6;
	v3 =	vadd.f32 v7, v3;
	v7 =	vmul.f32 v10, v9  }
0x34b: {  	v5 =	vmul.f32 v6, v5;
	v6 =	vld [tilespmem:s3+$0xFFFFFFD0]  }
0x34c: {  	v9 =	vld [tilespmem:s14+$0xFFFFFFF0];
	v3 =	vadd.f32 v7, v3  }
0x34d: {  	s26 =	simm.s32 $0x3900;
	v10 =	vunpack.i.l.bf16.f32 v4;
	v7 =	vunpack.i.l.bf16.f32 v8  }
0x34e: {  	s15 =	simm.s32 $0x34A0;
	v7 =	vmul.f32 v7, v10;
	v10 =	vld [tilespmem:s26+$0x0];
	v3 =	vadd.f32 v3, v5  }
0x34f: {  	v4 =	vunpack.i.u.bf16.f32 v4;
	v8 =	vunpack.i.u.bf16.f32 v8;
	v5 =	vld [tilespmem:s15+$0x0]  }
0x350: {  	v4 =	vmul.f32 v8, v4;
	v7 =	vadd.f32 $0.0e+00, v7;
	v11 =	vperm.xlane v3, v1  }
0x351: {  	v12 =	vunpack.i.l.bf16.f32 v6;
	v8 =	vunpack.i.u.bf16.f32 v9;
	v9 =	vunpack.i.l.bf16.f32 v9  }
0x352: {  	v4 =	vadd.f32 v7, v4;
	v7 =	vmul.f32 v12, v9;
	v9 =	vld [tilespmem:s26+$0x10];
	v3 =	vadd.f32 v3, v11  }
0x353: {  	v6 =	vunpack.i.u.bf16.f32 v6;
	v11 =	vld [tilespmem:s15+$0x10]  }
0x354: {  	v13 =	vld [tilespmem:s26+$0xFFFFFFC0];
	v15 =	vunpack.i.l.bf16.f32 v10;
	v14 =	vunpack.i.l.bf16.f32 v5;
	v12 =	vperm.xlane v3, v2  }
0x355: {  	v6 =	vmul.f32 v6, v8;
	v8 =	vld [tilespmem:s15+$0xFFFFFFE0];
	v4 =	vadd.f32 v7, v4;
	v7 =	vmul.f32 v15, v14  }
0x356: {  	v10 =	vunpack.i.u.bf16.f32 v10;
	v5 =	vunpack.i.u.bf16.f32 v5;
	v3 =	vadd.f32 v3, v12  }
0x357: {  	v5 =	vmul.f32 v10, v5;
	v4 =	vadd.f32 v4, v6;
	v6 =	vadd.f32 $0.0e+00, v7  }
0x358: {  	v10 =	vunpack.i.l.bf16.f32 v9;
	v7 =	vunpack.i.l.bf16.f32 v11;
	v3 =	vmul.f32 $1.442695020e+00, v3  }
0x359: {  	v14 =	vunpack.i.l.bf16.f32 v13;
	v12 =	vld [tilespmem:s15+$0xFFFFFFF0];
	v5 =	vadd.f32 v6, v5;
	v6 =	vmul.f32 v10, v7  }
0x35a: {  	v9 =	vunpack.i.u.bf16.f32 v9;
	v7 =	vld [tilespmem:s26+$0xFFFFFFD0];
	v10 =	vunpack.i.l.bf16.f32 v8;
	(erf) = vpow2.f32 v3  }
0x35b: {  	v3 =	vunpack.i.u.bf16.f32 v11;
	v5 =	vadd.f32 v6, v5;
	v6 =	vperm.xlane v4, v1  }
0x35c: {  	v3 =	vmul.f32 v9, v3;
	v9 =	vmul.f32 v14, v10  }
0x35d: {  	v8 =	vunpack.i.u.bf16.f32 v8;
	v10 =	vunpack.i.u.bf16.f32 v13;
	v4 =	vadd.f32 v4, v6  }
0x35e: {  	v6 =	vmul.f32 v10, v8;
	v3 =	vadd.f32 v5, v3;
	v5 =	vadd.f32 $0.0e+00, v9  }
0x35f: {  	v9 =	vunpack.i.l.bf16.f32 v12;
	v10 =	vunpack.i.l.bf16.f32 v7  }
0x360: {  	v8 =	vld [tilespmem:s3+$0x20];
	v11 =	vperm.xlane v3, v1;
	v5 =	vadd.f32 v5, v6;
	v6 =	vmul.f32 v10, v9  }
0x361: {  	s2 =	simm.s32 $0x3980;
	v7 =	vunpack.i.u.bf16.f32 v7;
	v13 =	vperm.xlane v4, v2;
	v9 =	vunpack.i.u.bf16.f32 v12  }
0x362: {  	s17 =	simm.s32 $0x34E0;
	v3 =	vadd.f32 v3, v11;
	v5 =	vadd.f32 v6, v5;
	v6 =	vmul.f32 v7, v9;
	v9 =	vld [tilespmem:s2+$0x0]  }
0x363: {  	v4 =	vadd.f32 v4, v13;
	v7 =	vld [tilespmem:s17+$0x0]  }
0x364: {  	v14 =	vld [tilespmem:s17+$0x10];
	v10 =	vperm.xlane v3, v2;
	v5 =	vadd.f32 v5, v6  }
0x365: {  	v11 =	vunpack.i.l.bf16.f32 v8;
	v8 =	vunpack.i.u.bf16.f32 v8;
	v4 =	vmul.f32 $1.442695020e+00, v4;
	v12 =	vpop (erf);
	v6 =	vld [tilespmem:s2+$0xFFFFFFC0]  }
0x366: {  	v13 =	vld [tilespmem:s17+$0xFFFFFFE0];
	v11 =	vmul.f32 v12, v11;
	v3 =	vadd.f32 v3, v10;
	v10 =	vperm.xlane v5, v1  }
0x367: {  	v8 =	vmul.f32 v12, v8;
	(erf) = vpow2.f32 v4;
	v4 =	vld [tilespmem:s2+$0x10];
	v15 =	vunpack.i.l.bf16.f32 v9  }
0x368: {  	v3 =	vmul.f32 $1.442695020e+00, v3;
	v5 =	vadd.f32 v5, v10;
	v10 =	vunpack.i.l.bf16.f32 v7  }
0x369: {  	v9 =	vunpack.i.u.bf16.f32 v9;
	v7 =	vunpack.i.u.bf16.f32 v7;
	v10 =	vmul.f32 v15, v10  }
0x36a: {  	v15 =	vunpack.i.l.bf16.f32 v6;
	v7 =	vmul.f32 v9, v7;
	(erf) = vpow2.f32 v3  }
0x36b: {  	v16 =	vld [tilespmem:s17+$0xFFFFFFF0];
	v6 =	vunpack.i.u.bf16.f32 v6;
	v3 =	vunpack.i.l.bf16.f32 v13;
	v10 =	vadd.f32 $0.0e+00, v10  }
0x36c: {  	v9 =	vld [tilespmem:s2+$0xFFFFFFD0];
	v17 =	vunpack.i.l.bf16.f32 v4;
	v3 =	vmul.f32 v15, v3;
	v15 =	vunpack.i.l.bf16.f32 v14  }
0x36d: {  	s0 =	simm.s32 $0x68B0;
	v13 =	vunpack.i.u.bf16.f32 v13;
	v7 =	vadd.f32 v10, v7;
	v10 =	vmul.f32 v17, v15  }
0x36e: {  	[tilespmem:s0+$0x0] =	vst v11;
	v4 =	vunpack.i.u.bf16.f32 v4;
	v15 =	vld [tilespmem:s26+$0x20];
	v11 =	vadd.f32 $0.0e+00, v3;
	v3 =	vunpack.i.u.bf16.f32 v14  }
0x36f: {  	[tilespmem:s0+$0x10] =	vst v8;
	v8 =	vperm.xlane v5, v2;
	v4 =	vmul.f32 v4, v3;
	v7 =	vadd.f32 v10, v7  }
0x370: {  	v6 =	vmul.f32 v6, v13;
	v13 =	vunpack.i.u.bf16.f32 v16;
	v16 =	vunpack.i.l.bf16.f32 v16  }
0x371: {  	v5 =	vadd.f32 v5, v8;
	v17 =	vunpack.i.l.bf16.f32 v9;
	v7 =	vadd.f32 v7, v4  }
0x372: {  	v14 =	vld [tilespmem:s3+$0xFFFFFFE0];
	v9 =	vunpack.i.u.bf16.f32 v9;
	v6 =	vadd.f32 v11, v6;
	v11 =	vmul.f32 v17, v16;
	v3 =	vpop (erf)  }
0x373: {  	v10 =	vld [tilespmem:s3+$0x30];
	v9 =	vmul.f32 v9, v13;
	v16 =	vunpack.i.l.bf16.f32 v15;
	v4 =	vpop (erf);
	v18 =	vperm.xlane v7, v1  }
0x374: {  	s31 =	simm.s32 $0x3520;
	v17 =	vld [tilespmem:s26+$0xFFFFFFE0];
	v6 =	vadd.f32 v11, v6;
	v15 =	vunpack.i.u.bf16.f32 v15;
	v16 =	vmul.f32 v4, v16  }
0x375: {  	s30 =	simm.s32 $0x6950;
	s6 =	simm.s32 $0x3A00;
	v20 =	vld [tilespmem:s31+$0x0];
	v11 =	vmul.f32 v4, v15;
	v7 =	vadd.f32 v7, v18  }
0x376: {  	v5 =	vmul.f32 $1.442695020e+00, v5;
	v18 =	vadd.f32 v6, v9;
	[tilespmem:s30+$0x0] =	vst v16;
	v16 =	vld [tilespmem:s6+$0x0]  }
0x377: {  	v13 =	vunpack.i.l.bf16.f32 v14;
	[tilespmem:s30+$0x10] =	vst v11;
	v11 =	vunpack.i.u.bf16.f32 v14;
	v14 =	vperm.xlane v7, v2  }
0x378: {  	v21 =	vld [tilespmem:s6+$0xFFFFFFC0];
	(erf) = vpow2.f32 v5;
	v22 =	vperm.xlane v18, v1  }
0x379: {  	v24 =	vld [tilespmem:s6+$0x10];
	v15 =	vunpack.i.u.bf16.f32 v10;
	v8 =	vunpack.i.l.bf16.f32 v17;
	v7 =	vadd.f32 v7, v14  }
0x37a: {  	v5 =	vunpack.i.l.bf16.f32 v10;
	v10 =	vld [tilespmem:s31+$0x10];
	v6 =	vunpack.i.u.bf16.f32 v17;
	v14 =	vadd.f32 v18, v22  }
0x37b: {  	v17 =	vld [tilespmem:s31+$0xFFFFFFE0];
	v22 =	vunpack.i.l.bf16.f32 v20;
	v23 =	vunpack.i.l.bf16.f32 v16;
	v7 =	vmul.f32 $1.442695020e+00, v7  }
0x37c: {  	v22 =	vmul.f32 v23, v22  }
0x37d: {  	v16 =	vunpack.i.u.bf16.f32 v16;
	(erf) = vpow2.f32 v7;
	v7 =	vunpack.i.u.bf16.f32 v20  }
0x37e: {  	v19 =	vld [tilespmem:s2+$0xFFFFFFE0];
	v26 =	vunpack.i.l.bf16.f32 v21;
	v22 =	vadd.f32 $0.0e+00, v22;
	v16 =	vmul.f32 v16, v7  }
0x37f: {  	v15 =	vmul.f32 v15, v12;
	v18 =	vmul.f32 v5, v12;
	v62 =	vunpack.i.l.bf16.f32 v10  }
0x380: {  	v9 =	vld [tilespmem:s26+$0x30];
	v27 =	vunpack.i.l.bf16.f32 v17;
	v16 =	vadd.f32 v22, v16;
	v22 =	vunpack.i.l.bf16.f32 v24  }
0x381: {  	[tilespmem:s0+$0x40] =	vst v12;
	v12 =	vunpack.i.u.bf16.f32 v17;
	v17 =	vunpack.i.u.bf16.f32 v21;
	v21 =	vmul.f32 v22, v62;
	v22 =	vld [tilespmem:s2+$0x20]  }
0x382: {  	v11 =	vmul.f32 v3, v11;
	v10 =	vunpack.i.u.bf16.f32 v10;
	v26 =	vmul.f32 v26, v27;
	v20 =	vld [tilespmem:s31+$0xFFFFFFF0]  }
0x383: {  	v13 =	vmul.f32 v3, v13;
	v5 =	vunpack.i.u.bf16.f32 v19;
	v7 =	vunpack.i.l.bf16.f32 v19;
	v19 =	vld [tilespmem:s6+$0xFFFFFFD0]  }
0x384: {  	[tilespmem:s0+$0x30] =	vst v15;
	v12 =	vmul.f32 v17, v12;
	v15 =	vadd.f32 $0.0e+00, v26;
	v24 =	vunpack.i.u.bf16.f32 v24  }
0x385: {  	v23 =	vperm.xlane v14, v2;
	v17 =	vmul.f32 v24, v10;
	v10 =	vpop (erf);
	v16 =	vadd.f32 v21, v16  }
0x386: {  	[tilespmem:s0+$0xFFFFFFC0] =	vst v11;
	v25 =	vunpack.i.u.bf16.f32 v9;
	v63 =	vadd.f32 v15, v12;
	v12 =	vunpack.i.l.bf16.f32 v22;
	v11 =	vpop (erf)  }
0x387: {  	[tilespmem:s0+$0xFFFFFFB0] =	vst v13;
	v25 =	vmul.f32 v25, v4;
	v15 =	vadd.f32 v16, v17;
	v16 =	vmul.f32 v11, v12;
	v12 =	vld [tilespmem:s6+$0xFFFFFFE0]  }
0x388: {  	[tilespmem:s30+$0x40] =	vst v4;
	v13 =	vunpack.i.l.bf16.f32 v20;
	v21 =	vunpack.i.u.bf16.f32 v20;
	v20 =	vunpack.i.l.bf16.f32 v19  }
0x389: {  	[tilespmem:s0+$0x20] =	vst v18;
	v14 =	vadd.f32 v14, v23;
	v20 =	vmul.f32 v20, v13;
	v13 =	vld [tilespmem:s3+$0xFFFFFFF0]  }
0x38a: {  	s14 =	simm.s32 $0x3A00;
	[tilespmem:s30+$0x30] =	vst v25;
	v17 =	vunpack.i.u.bf16.f32 v19;
	v22 =	vunpack.i.u.bf16.f32 v22;
	v18 =	vperm.xlane v15, v1  }
0x38b: {  	s15 =	simm.s32 $0x6;
	s17 =	simm.s32 $0x3560;
	[tilespmem:s0+$0xFFFFFFF0] =	vst v3;
	s3 =	simm.s32 $0x69F0;
	v19 =	vadd.f32 v20, v63;
	v20 =	vmul.f32 v17, v21;
	v17 =	vmul.f32 v11, v22  }
.LBB2_13:
0x38c: {  	v21 =	vld [tilespmem:s17+$0x0];
	v22 =	vunpack.i.u.bf16.f32 v12;
	v15 =	vadd.f32 v15, v18;
	s6 =	sadd.s32 $0x80, s6;
	v14 =	vmul.f32 $1.442695020e+00, v14;
	[tilespmem:s3+$0x0] =	vst v16  }
0x38d: {  	v16 =	vld [tilespmem:s6+$0x0];
	v18 =	vadd.f32 v19, v20;
	[tilespmem:s3+$0x10] =	vst v17;
	v17 =	vmul.f32 v10, v8;
	v8 =	vmovc v7;
	v7 =	vunpack.i.l.bf16.f32 v12  }
0x38e: {  	v12 =	vperm.xlane v15, v2;
	v19 =	vld [tilespmem:s2+$0x30];
	[tilespmem:s3+$0x40] =	vst v11;
	(erf) = vpow2.f32 v14;
	v14 =	vunpack.i.u.bf16.f32 v13  }
0x38f: {  	s15 =	sadd.s32 $0x2, s15;
	v13 =	vunpack.i.l.bf16.f32 v13;
	v20 =	vld [tilespmem:s6+$0xFFFFFFC0];
	v23 =	vperm.xlane v18, v1;
	[tilespmem:s30+$0xFFFFFFB0] =	vst v17;
	v17 =	vmul.f32 v10, v6;
	v6 =	vmovc v5  }
0x390: {  	v9 =	vunpack.i.l.bf16.f32 v9;
	p0 =	slt.u32 s15, $0x1E;
	v13 =	vmul.f32 v13, v3;
	v5 =	vmovc v22;
	v24 =	vld [tilespmem:s17+$0xFFFFFFE0];
	v12 =	vadd.f32 v15, v12  }
0x391: {  	v25 =	vmul.f32 v14, v3;
	v15 =	vld [tilespmem:s17+$0x10];
	v18 =	vadd.f32 v18, v23;
	[tilespmem:s30+$0xFFFFFFC0] =	vst v17;
	v17 =	vmul.f32 v9, v4  }
0x392: {  	v3 =	vmovc v10;
	v14 =	vunpack.i.l.bf16.f32 v21;
	v4 =	vmovc v11;
	v22 =	vunpack.i.l.bf16.f32 v16;
	v23 =	vld [tilespmem:s6+$0x10];
	v12 =	vmul.f32 $1.442695020e+00, v12;
	[tilespmem:s0+$0xFFFFFFD0] =	vst v13  }
0x393: {  	v11 =	vld [tilespmem:s17+$0xFFFFFFF0];
	v10 =	vmul.f32 v22, v14;
	v14 =	vperm.xlane v18, v2;
	v13 =	vunpack.i.u.bf16.f32 v19;
	[tilespmem:s0+$0xFFFFFFE0] =	vst v25;
	v9 =	vmovc v19;
	s0 =	smov.u32 s30;
	s30 =	smov.u32 s3  }
0x394: {  	v19 =	vunpack.i.l.bf16.f32 v20;
	v22 =	vld [tilespmem:s6+$0xFFFFFFD0];
	(erf) = vpow2.f32 v12;
	v13 =	vmul.f32 v13, v4;
	[tilespmem:s0+$0x20] =	vst v17  }
0x395: {  	v21 =	vunpack.i.u.bf16.f32 v21;
	v16 =	vunpack.i.u.bf16.f32 v16;
	v17 =	vunpack.i.l.bf16.f32 v24;
	v12 =	vld [tilespmem:s6+$0xFFFFFFE0]  }
0x396: {  	v16 =	vmul.f32 v16, v21;
	v17 =	vmul.f32 v19, v17;
	v19 =	vadd.f32 $0.0e+00, v10;
	[tilespmem:s3+$0x30] =	vst v13;
	v13 =	vld [tilespmem:s26+$0xFFFFFFF0];
	s26 =	smov.u32 s2;
	s2 =	smov.u32 s14;
	s14 =	smov.u32 s6  }
0x397: {  	v21 =	vunpack.i.u.bf16.f32 v24;
	v24 =	vunpack.i.l.bf16.f32 v15;
	v25 =	vunpack.i.l.bf16.f32 v23;
	v10 =	vpop (erf);
	[tilespmem:s0+$0xFFFFFFF0] =	vst v3  }
0x398: {  	v20 =	vunpack.i.u.bf16.f32 v20;
	v16 =	vadd.f32 v19, v16;
	v19 =	vmul.f32 v25, v24;
	v24 =	vld [tilespmem:s2+$0x20]  }
0x399: {  	v15 =	vunpack.i.u.bf16.f32 v15;
	v23 =	vunpack.i.u.bf16.f32 v23;
	v17 =	vadd.f32 $0.0e+00, v17  }
0x39a: {  	v20 =	vmul.f32 v20, v21;
	v15 =	vmul.f32 v23, v15;
	v16 =	vadd.f32 v19, v16  }
.Ltmp5:
0x39b: {  	v21 =	vunpack.i.u.bf16.f32 v11;
	v23 =	vunpack.i.l.bf16.f32 v11;
	v19 =	vunpack.i.l.bf16.f32 v22;
	(pc) =	sbr.rel @p0 .LBB2_13-.Ltmp5, $4  }
0x39c: {  	v17 =	vadd.f32 v17, v20;
	v19 =	vmul.f32 v19, v23;
	v15 =	vadd.f32 v16, v15  }
0x39d: {  	v14 =	vadd.f32 v18, v14;
	v20 =	vunpack.i.u.bf16.f32 v22;
	v16 =	vunpack.i.l.bf16.f32 v24;
	v11 =	vpop (erf)  }
0x39e: {  	v22 =	vunpack.i.u.bf16.f32 v24;
	v18 =	vperm.xlane v15, v1;
	v16 =	vmul.f32 v11, v16  }
0x39f: {  	s17 =	sadd.s32 $0x40, s17;
	s3 =	sadd.s32 $0xA0, s3;
	v20 =	vmul.f32 v20, v21;
	v19 =	vadd.f32 v19, v17;
	v17 =	vmul.f32 v11, v22  }
0x3a0: {  	v15 =	vadd.f32 v15, v18;
	_ =	sdelay $0x1  }
0x3a1: {  	v37 =	vperm.xlane v15, v2  }
0x3a2: {  	v36 =	vadd.f32 v19, v20  }
0x3a3: {  	v15 =	vadd.f32 v15, v37  }
0x3a4: {  	v14 =	vmul.f32 $1.442695020e+00, v14;
	v20 =	vperm.xlane v36, v1  }
0x3a5: {  	v15 =	vmul.f32 $1.442695020e+00, v15  }
0x3a6: {  	[tilespmem:s3+$0x0] =	vst v16;
	(erf) = vpow2.f32 v14;
	v18 =	vadd.f32 v36, v20  }
0x3a7: {  	[tilespmem:s3+$0x10] =	vst v17;
	(erf) = vpow2.f32 v15  }
0x3a8: {  	v39 =	vld [tilespmem:s2+$0x30];
	v38 =	vperm.xlane v18, v2;
	_ =	sdelay $0x1  }
0x3a9: {  	v40 =	vunpack.i.l.bf16.f32 v13;
	v14 =	vadd.f32 v18, v38  }
0x3aa: {  	v8 =	vmul.f32 v10, v8;
	v41 =	vld [tilespmem:s14+$0x20];
	v42 =	vunpack.i.u.bf16.f32 v13;
	v43 =	vmul.f32 v40, v3  }
0x3ab: {  	v3 =	vmul.f32 v42, v3;
	[tilespmem:s3+$0x40] =	vst v11;
	v14 =	vmul.f32 $1.442695020e+00, v14  }
0x3ac: {  	v6 =	vmul.f32 v10, v6;
	[tilespmem:s30+$0xFFFFFFB0] =	vst v8;
	v44 =	vunpack.i.u.bf16.f32 v39  }
0x3ad: {  	[tilespmem:s0+$0xFFFFFFE0] =	vst v3;
	v3 =	vmul.f32 v44, v11;
	(erf) = vpow2.f32 v14  }
0x3ae: {  	v9 =	vunpack.i.l.bf16.f32 v9;
	[tilespmem:s30+$0xFFFFFFC0] =	vst v6;
	v45 =	vpop (erf)  }
0x3af: {  	v4 =	vmul.f32 v9, v4;
	v46 =	vld [tilespmem:s26+$0xFFFFFFF0];
	[tilespmem:s3+$0x30] =	vst v3;
	v3 =	vunpack.i.u.bf16.f32 v41;
	v48 =	vpop (erf)  }
0x3b0: {  	[tilespmem:s0+$0xFFFFFFD0] =	vst v43;
	v3 =	vmul.f32 v48, v3  }
0x3b1: {  	s31 =	sadd.s32 $0xA0, s3;
	[tilespmem:s30+$0x20] =	vst v4;
	v56 =	vunpack.i.l.bf16.f32 v39  }
0x3b2: {  	v47 =	vunpack.i.l.bf16.f32 v41;
	v57 =	vmul.f32 v56, v11;
	[tilespmem:s31+$0x10] =	vst v3;
	v3 =	vmul.f32 v45, v5  }
0x3b3: {  	[tilespmem:s30+$0xFFFFFFF0] =	vst v10;
	v6 =	vmul.f32 v48, v47  }
0x3b4: {  	v4 =	vunpack.i.u.bf16.f32 v46;
	[tilespmem:s3+$0x20] =	vst v57  }
0x3b5: {  	v4 =	vmul.f32 v4, v10;
	[tilespmem:s31+$0x0] =	vst v6  }
0x3b6: {  	v52 =	vunpack.i.l.bf16.f32 v12;
	v49 =	vmul.f32 v45, v7;
	[tilespmem:s3+$0xFFFFFFC0] =	vst v3;
	v3 =	vpop (erf)  }
0x3b7: {  	v53 =	vunpack.i.u.bf16.f32 v12;
	[tilespmem:s30+$0xFFFFFFE0] =	vst v4;
	v50 =	vld [tilespmem:s14+$0x30];
	v7 =	vmul.f32 v3, v52  }
0x3b8: {  	v51 =	vunpack.i.l.bf16.f32 v46;
	[tilespmem:s3+$0xFFFFFFB0] =	vst v49;
	v55 =	vmul.f32 v3, v53  }
0x3b9: {  	v6 =	vmul.f32 v51, v10;
	v54 =	vld [tilespmem:s2+$0xFFFFFFF0];
	[tilespmem:s31+$0xFFFFFFB0] =	vst v7  }
0x3ba: {  	[tilespmem:s31+$0xFFFFFFC0] =	vst v55  }
0x3bb: {  	[tilespmem:s30+$0xFFFFFFD0] =	vst v6;
	v6 =	vld [tilespmem:s14+$0xFFFFFFF0]  }
0x3bc: {  	[tilespmem:s31+$0x40] =	vst v48;
	v58 =	vunpack.i.u.bf16.f32 v50  }
0x3bd: {  	[tilespmem:s3+$0xFFFFFFF0] =	vst v45;
	v5 =	vunpack.i.l.bf16.f32 v50;
	v59 =	vmul.f32 v58, v48  }
0x3be: {  	v5 =	vmul.f32 v5, v48;
	v61 =	vunpack.i.u.bf16.f32 v54;
	[tilespmem:s31+$0xFFFFFFF0] =	vst v3  }
0x3bf: {  	s13 =	sadd.s32 $0x1, s13;
	v60 =	vunpack.i.l.bf16.f32 v54;
	[tilespmem:s31+$0x30] =	vst v59;
	v4 =	vmul.f32 v61, v45  }
0x3c0: {  	p0 =	sne.s32 s13, $0x7D;
	v7 =	vmul.f32 v60, v45;
	[tilespmem:s31+$0x20] =	vst v5;
	v62 =	vunpack.i.l.bf16.f32 v6  }
.Ltmp6:
0x3c1: {  	[tilespmem:s3+$0xFFFFFFE0] =	vst v4;
	v63 =	vunpack.i.u.bf16.f32 v6;
	v4 =	vmul.f32 v62, v3;
	(pc) =	sbr.rel @p0 .LBB2_4-.Ltmp6, $4  }
0x3c2: {  	[tilespmem:s3+$0xFFFFFFD0] =	vst v7;
	v3 =	vmul.f32 v63, v3  }
0x3c3: {  	[tilespmem:s31+$0xFFFFFFD0] =	vst v4  }
0x3c4: {  	[tilespmem:s31+$0xFFFFFFE0] =	vst v3  }
0x3c5: {  	[spmem:s1] =	stream.indirect.scatter.add.f32 [tilespmem:s5], [sflag:$0xA], $0x50, s8, s29, $0xb8;
	[tilespmem:$0x14F00] =	vst v63  }
0x3c6: {  	s0 =	simm.s32 $0x6  }
0x3c7: {  	_ =	swait.ge [sflag:s0], $0xA00  }
0x3c8: {  	[sflag:s0] =	ssyncset.done $0x0  }
0x3c9: {  	s14 =	simm.s32 $0x7;
	[sflag:s0] =	ssyncadd.s32 $0xFFFFF600  }
0x3ca: {  	_ =	swait.ge [sflag:s14], $0xA00  }
0x3cb: {  	[sflag:s14] =	ssyncset.done $0x0  }
0x3cc: {  	s15 =	simm.s32 $0x8;
	[sflag:s14] =	ssyncadd.s32 $0xFFFFF600  }
0x3cd: {  	_ =	swait.ge [sflag:s15], $0xA00  }
0x3ce: {  	[sflag:s15] =	ssyncset.done $0x0  }
0x3cf: {  	s17 =	simm.s32 $0x9;
	[sflag:s15] =	ssyncadd.s32 $0xFFFFF600  }
0x3d0: {  	_ =	swait.ge [sflag:s17], $0xA00  }
0x3d1: {  	[sflag:s17] =	ssyncset.done $0x0  }
0x3d2: {  	s26 =	simm.s32 $0xA;
	[sflag:s17] =	ssyncadd.s32 $0xFFFFF600  }
0x3d3: {  	_ =	swait.ge [sflag:s26], $0xA00  }
0x3d4: {  	[sflag:s26] =	ssyncset.done $0x0  }
0x3d5: {  	[sflag:s26] =	ssyncadd.s32 $0xFFFFF600  }
0x3d6: {  	s30 =	stileid.u32;
	[bflag:$0x0] =	sbarrier.arrive $0xFFFF  }
0x3d7: {  	s0 =	sshll.u32 s30, $0x6;
	s2 =	rddreg [dreg:$0x13]  }
0x3d8: {  	s0 =	sor.u32 $0x1C0C, s0;
	s3 =	rddreg [dreg:$0x15]  }
0x3d9: {  	[hbm:s2], [sflag:s0] =	dma.local [spmem:s3], $0x1900  }
0x3da: {  	_ =	swait.ge [sflag:s28], $0x1900  }
0x3db: {  	s13 =	rddreg [dreg:$0x4]  }
0x3dc: {  	s31 =	rddreg [dreg:$0xa];
	s13 =	sadd.s32 $0x1, s13  }
0x3dd: {  	p0 =	sne.s32 s13, s31  }
.Ltmp7:
0x3de: {  	_ = 	snop;
	(pc) =	sbr.rel @p0 .LBB2_1-.Ltmp7, $3  }
0x3df: {  	_ =	sdelay $0x1  }
0x3e0: {  	[sflag:s28] =	ssyncset.done $0x0  }
0x3e1: {  	[sflag:s28] =	ssyncadd.s32 $0xFFFFE700  }
0x3e2: {  	_ =	sfence.sel $0x180000  }
0x3e3: {  	[bflag:$0x0] =	sbarrier.arrive $0xFFFF  }
0x3e4: {  	_ =	strace $0x90000047  }
0x3e5: {  	s0 =	stileid.u32;
	[bflag:$0x2] =	sbarrier.arrive $0xFFFF  }
0x3e6: {  	p0 =	sne.s32 s0, $0x0;
	s0 =	rddreg [dreg:$0x3]  }
0x3e7: {  	s0 =	sadd.s32 @!p0 $0x100000, s0  }
0x3e8: {  	[sflag:s0] =	ssyncadd.tile.s32 @!p0 $0x1;
	_ =	shalt  }
.Lfunc_end2:
_tile_overlayer_lowered:
.L_overlay_start_2:
0x3e9: {  	(tag) =	ssettag $0x2  }
0x3ea: {  	s0 =	rddreg [dreg:$0x0];
	s2 =	stileid.u32  }
0x3eb: {  	s1 =	rddreg [dreg:$0x1];
	p0 =	sne.s32 s2, $0x0  }
0x3ec: {  	s3 =	rddreg [dreg:$0x2];
	[bflag:$0x3] =	sbarrier.arrive $0xFFFF;
	s2 =	simm.s32 @!p0 $0x1C0C  }
0x3ed: {  	[timem:s3], [sflag:s2] =	dma.local @!p0 [hbm:s0], s1  }
0x3ee: {  	s0 =	simm.s32 @!p0 $0xC  }
0x3ef: {  	_ =	swait.ge @!p0 [sflag:s0], s1  }
0x3f0: {  	s1 =	ssub.s32 @!p0 $0x0, s1;
	[sflag:s0] =	ssyncset.done @!p0 $0x0  }
0x3f1: {  	[sflag:s0] =	ssyncadd.s32 @!p0 s1  }
0x3f2: {  	[bflag:$0x3] =	sbarrier.arrive $0xFFFF  }
0x3f3: {  	_ =	shalt  }

</sc_bundles>
